<compile_context>
chip_gen: v7x
topology: tpu7x:2x2x1
jax: 0.10.2.dev20260603
libtpu: 0.0.44.dev20260713+nightly
codegen_flags: <defaults>
</compile_context>

<pallas_src>
import functools

import jax
import jax.numpy as jnp
from jax import lax
from jax.experimental import pallas as pl
from jax.experimental.pallas import tpu as pltpu
from jax.experimental.pallas import tpu_sc as plsc

N = 10000
E = 320000
D_IN = 128
D_H = 16

NC = 2
NS = 16
NW = NC * NS
CHUNK = 128
CPT = 80
E_PAD = NW * CPT * CHUNK
NROWS = E_PAD // CHUNK
N_PAD = 10240
SLICE = N_PAD // NS
PAD_ROWS = 240
GRP = 8
NGRP = CPT // GRP
NP8 = N_PAD // 8
PSL = NP8 // NS
ROWS1 = 256
GRID1 = NP8 // ROWS1
ROWS_TC = 256
GRID_TC = NP8 // ROWS_TC
NOUT8 = N // 8

_mesh = plsc.VectorSubcoreMesh(core_axis_name="c", subcore_axis_name="s")

EROWS = E // CHUNK
TAIL = NW * CPT - EROWS
MAIN_LAST = CPT - TAIL


def _load_idx(ei3, padm, which, tid, idx_v):
    row0 = tid * CPT

    @pl.when(tid < NW - 1)
    def _():
        pltpu.sync_copy(ei3.at[which, pl.ds(row0, CPT)], idx_v)

    @pl.when(tid == NW - 1)
    def _():
        pltpu.sync_copy(ei3.at[which, pl.ds((NW - 1) * CPT, MAIN_LAST)],
                        idx_v.at[pl.ds(0, MAIN_LAST)])
        pltpu.sync_copy(padm, idx_v.at[pl.ds(MAIN_LAST, TAIL)])


@functools.partial(
    pl.kernel,
    out_type=jax.ShapeDtypeStruct((NC * NP8 * 128,), jnp.float32),
    mesh=_mesh,
    compiler_params=pltpu.CompilerParams(use_tc_tiling_on_sc=False),
    scratch_types=[
        pltpu.VMEM((CPT, CHUNK), jnp.int32),
        pltpu.VMEM((CHUNK,), jnp.float32),
        pltpu.VMEM((SLICE,), jnp.float32),
        pltpu.VMEM((SLICE * 16,), jnp.float32),
        pltpu.VMEM_SHARED((N_PAD,), jnp.float32),
        pltpu.SemaphoreType.DMA,
    ],
)
def _sc_degree(ei3, padm, out_hbm, dst_v, ones_v, stage, packed, acc, ssem):
    c = lax.axis_index("c")
    s = lax.axis_index("s")
    tid = c * NS + s
    _load_idx(ei3, padm, 1, tid, dst_v)

    def _fill(i, _):
        ones_v[pl.ds(i * 16, 16)] = jnp.ones((16,), jnp.float32)
        return 0

    lax.fori_loop(0, CHUNK // 16, _fill, 0)

    def _zero(i, _):
        stage[pl.ds(i * 16, 16)] = jnp.zeros((16,), jnp.float32)
        return 0

    lax.fori_loop(0, SLICE // 16, _zero, 0)
    pltpu.sync_copy(stage, acc.at[pl.ds(s * SLICE, SLICE)])
    plsc.subcore_barrier()

    def _group(gi, _):
        for b in range(8):
            pltpu.async_copy(ones_v, acc.at[dst_v.at[gi * 8 + b]], ssem,
                             add=True)
        for b in range(8):
            pltpu.make_async_copy(ones_v, acc.at[dst_v.at[gi * 8 + b]],
                                  ssem).wait()
        return 0

    lax.fori_loop(0, CPT // 8, _group, 0)
    plsc.subcore_barrier()
    pltpu.sync_copy(acc.at[pl.ds(s * SLICE, SLICE)], stage)

    def _expand(k, _):
        v = stage[pl.ds(k * 16, 16)]
        for l in range(16):
            bcast = v.at[jnp.full((16,), l, jnp.int32)].get(
                mode="promise_in_bounds")
            packed[pl.ds((k * 16 + l) * 16, 16)] = bcast
        return 0

    lax.fori_loop(0, SLICE // 16, _expand, 0)
    pltpu.sync_copy(packed,
                    out_hbm.at[pl.ds((c * N_PAD + s * SLICE) * 16, SLICE * 16)])


@functools.partial(
    pl.kernel,
    out_type=jax.ShapeDtypeStruct((NC * N_PAD, D_H), jnp.float32),
    mesh=_mesh,
    compiler_params=pltpu.CompilerParams(use_tc_tiling_on_sc=False),
    scratch_types=[
        pltpu.VMEM((CPT, CHUNK), jnp.int32),
        pltpu.VMEM((CPT, CHUNK), jnp.int32),
        [pltpu.VMEM((CHUNK, D_H), jnp.float32) for _ in range(2 * GRP)],
        pltpu.VMEM((SLICE, D_H), jnp.float32),
        pltpu.VMEM_SHARED((N_PAD, D_H), jnp.float32),
        pltpu.VMEM_SHARED((N_PAD, D_H), jnp.float32),
        [pltpu.SemaphoreType.DMA for _ in range(4)],
    ],
)
def _sc_propagate(g_hbm, ei3, padm, out_hbm, src_v, dst_v, bufs, stage, acc,
                  g_sh, sems):
    c = lax.axis_index("c")
    s = lax.axis_index("s")
    tid = c * NS + s
    _load_idx(ei3, padm, 0, tid, src_v)
    _load_idx(ei3, padm, 1, tid, dst_v)
    pltpu.sync_copy(g_hbm.at[pl.ds(s * SLICE, SLICE)],
                    g_sh.at[pl.ds(s * SLICE, SLICE)])

    def _zero(i, _):
        stage[i, :] = jnp.zeros((16,), jnp.float32)
        return 0

    lax.fori_loop(0, SLICE, _zero, 0)
    pltpu.sync_copy(stage, acc.at[pl.ds(s * SLICE, SLICE)])
    plsc.subcore_barrier()

    gsem = [sems[0], sems[1]]
    ssem = [sems[2], sems[3]]

    def _gather(j, buf, sem):
        pltpu.async_copy(g_sh.at[src_v.at[j]], buf, sem)

    def _gwait(j, buf, sem):
        pltpu.make_async_copy(g_sh.at[src_v.at[j]], buf, sem).wait()

    for b in range(GRP):
        _gather(b, bufs[b], gsem[0])
        _gather(GRP + b, bufs[GRP + b], gsem[1])

    def _group(m, _):
        for p in range(2):
            g0 = 2 * m + p
            sbufs = bufs[p * GRP:(p + 1) * GRP]
            for b in range(GRP):
                _gwait(g0 * GRP + b, sbufs[b], gsem[p])
            for b in range(GRP):
                pltpu.async_copy(sbufs[b], acc.at[dst_v.at[g0 * GRP + b]],
                                 ssem[p], add=True)
            for b in range(GRP):
                pltpu.make_async_copy(sbufs[b],
                                      acc.at[dst_v.at[g0 * GRP + b]],
                                      ssem[p]).wait()

            @pl.when(g0 + 2 < NGRP)
            def _():
                for b in range(GRP):
                    _gather((g0 + 2) * GRP + b, sbufs[b], gsem[p])

        return 0

    lax.fori_loop(0, NGRP // 2, _group, 0)
    plsc.subcore_barrier()
    pltpu.sync_copy(acc.at[pl.ds(s * SLICE, SLICE)], stage)
    pltpu.sync_copy(stage, out_hbm.at[pl.ds(c * N_PAD + s * SLICE, SLICE)])


def _tc_layer1(x_p, degp, w1w, mask_big, ssum, b1b):
    def body(x_ref, d_ref, w_ref, m_ref, s_ref, b_ref, g_ref, dinv_ref):
        deg = d_ref[0] + d_ref[1]
        dinv = jnp.where(deg > 0.0, lax.rsqrt(deg), 0.0)
        hw = jnp.dot(x_ref[...], w_ref[...], preferred_element_type=jnp.float32)
        hp = jnp.dot(s_ref[...], hw * m_ref[...],
                     preferred_element_type=jnp.float32)
        g_ref[...] = dinv * (hp + b_ref[...])
        dinv_ref[...] = dinv

    return pl.pallas_call(
        body,
        grid=(GRID1,),
        in_specs=[
            pl.BlockSpec((8 * ROWS1, D_IN), lambda i: (i, 0)),
            pl.BlockSpec((NC, ROWS1, 128), lambda i: (0, i, 0)),
            pl.BlockSpec((D_IN, 128), lambda i: (0, 0)),
            pl.BlockSpec((8 * ROWS1, 128), lambda i: (0, 0)),
            pl.BlockSpec((ROWS1, 8 * ROWS1), lambda i: (0, 0)),
            pl.BlockSpec((1, 128), lambda i: (0, 0)),
        ],
        out_specs=[
            pl.BlockSpec((ROWS1, 128), lambda i: (i, 0)),
            pl.BlockSpec((ROWS1, 128), lambda i: (i, 0)),
        ],
        out_shape=[
            jax.ShapeDtypeStruct((NP8, 128), jnp.float32),
            jax.ShapeDtypeStruct((NP8, 128), jnp.float32),
        ],
    )(x_p, degp, w1w, mask_big, ssum, b1b)


def _tc_layer2(sp, dinvp, w2b, b2b):
    def body(s_ref, dinv_ref, w_ref, b_ref, g_ref):
        a = jax.nn.sigmoid(dinv_ref[...] * (s_ref[0] + s_ref[1]))
        h = jnp.dot(a, w_ref[...], preferred_element_type=jnp.float32)
        g_ref[...] = dinv_ref[...] * (h + b_ref[...])

    return pl.pallas_call(
        body,
        grid=(GRID_TC,),
        in_specs=[
            pl.BlockSpec((NC, ROWS_TC, 128), lambda i: (0, i, 0)),
            pl.BlockSpec((ROWS_TC, 128), lambda i: (i, 0)),
            pl.BlockSpec((128, 128), lambda i: (0, 0)),
            pl.BlockSpec((1, 128), lambda i: (0, 0)),
        ],
        out_specs=pl.BlockSpec((ROWS_TC, 128), lambda i: (i, 0)),
        out_shape=jax.ShapeDtypeStruct((NP8, 128), jnp.float32),
    )(sp, dinvp, w2b, b2b)


def _tc_out(sp, dinvp):
    def body(s_ref, dinv_ref, o_ref):
        o_ref[...] = jax.nn.sigmoid(dinv_ref[...] * (s_ref[0] + s_ref[1]))

    return pl.pallas_call(
        body,
        grid=(GRID_TC,),
        in_specs=[
            pl.BlockSpec((NC, ROWS_TC, 128), lambda i: (0, i, 0)),
            pl.BlockSpec((ROWS_TC, 128), lambda i: (i, 0)),
        ],
        out_specs=pl.BlockSpec((ROWS_TC, 128), lambda i: (i, 0)),
        out_shape=jax.ShapeDtypeStruct((NP8, 128), jnp.float32),
    )(sp, dinvp)


def kernel(x, edge_index, W1, b1, W2, b2):
    ei3 = edge_index.reshape(2, EROWS, CHUNK)
    padm = (N + (jnp.arange(E_PAD - E, dtype=jnp.int32) % PAD_ROWS)).reshape(
        TAIL, CHUNK)
    x_p = jnp.pad(x, ((0, N_PAD - N), (0, 0)))
    w1w = jnp.tile(W1.T, (1, 8))
    col = lax.broadcasted_iota(jnp.int32, (8 * ROWS1, 128), 1)
    row = lax.broadcasted_iota(jnp.int32, (8 * ROWS1, 128), 0)
    mask_big = (col // 16 == row % 8).astype(jnp.float32)
    sr = lax.broadcasted_iota(jnp.int32, (ROWS1, 8 * ROWS1), 0)
    sc = lax.broadcasted_iota(jnp.int32, (ROWS1, 8 * ROWS1), 1)
    ssum = (sc // 8 == sr).astype(jnp.float32)
    bc = lax.broadcasted_iota(jnp.int32, (128, 128), 1)
    br = lax.broadcasted_iota(jnp.int32, (128, 128), 0)
    w2b = jnp.tile(W2.T, (8, 8)) * (bc // 16 == br // 16).astype(jnp.float32)
    b1b = jnp.tile(b1, 8)[None, :]
    b2b = jnp.tile(b2, 8)[None, :]

    degp = _sc_degree(ei3, padm).reshape(NC, NP8, 128)
    g1p, dinvp = _tc_layer1(x_p, degp, w1w, mask_big, ssum, b1b)
    s1p = _sc_propagate(g1p.reshape(N_PAD, D_H), ei3, padm).reshape(
        NC, NP8, 128)
    g2p = _tc_layer2(s1p, dinvp, w2b, b2b)
    s2p = _sc_propagate(g2p.reshape(N_PAD, D_H), ei3, padm).reshape(
        NC, NP8, 128)
    outp = _tc_out(s2p, dinvp)
    return outp[:NOUT8].reshape(N, D_H)

# --- scband reference (transcript-rebuilt; emitter-appended) ---
"""Pipeline reference for scband-gcn-81750407512548 (READ-ONLY COPY).

The authoritative reference and input builder live on the scoring server;
editing this copy changes nothing except your own understanding.
"""

import jax, jax.numpy as jnp
import numpy as np

N = 10000
E = 320000
D_IN = 128
D_H = 16
D_OUT = 16


def setup_inputs(seed: int = 0) -> dict:
    key = jax.random.key(seed)
    k1, k2, k3, k4, k5, k6 = jax.random.split(key, 6)
    x = jax.random.normal(k1, (N, D_IN), dtype=jnp.float32)
    edge_index = jax.random.randint(k2, (2, E), 0, N, dtype=jnp.int32)
    # learned params: two GraphConvolution layers, each with a Linear (W, b)
    W1 = jax.random.normal(k3, (D_H, D_IN), dtype=jnp.float32) * (1.0 / np.sqrt(D_IN))
    b1 = jax.random.normal(k4, (D_H,), dtype=jnp.float32) * 0.01
    W2 = jax.random.normal(k5, (D_OUT, D_H), dtype=jnp.float32) * (1.0 / np.sqrt(D_H))
    b2 = jax.random.normal(k6, (D_OUT,), dtype=jnp.float32) * 0.01
    return {"x": x, "edge_index": edge_index, "W1": W1, "b1": b1, "W2": W2, "b2": b2}


def _gcn_layer(x, edge_index, W, b):
    # x = self.linear(x)
    h = x @ W.T + b
    src = edge_index[0]
    dst = edge_index[1]
    n = x.shape[0]
    # deg = degree(target, num_nodes)
    deg = jax.ops.segment_sum(jnp.ones(edge_index.shape[1], dtype=h.dtype), dst, num_segments=n)
    deg_inv_sqrt = jnp.where(deg > 0, deg ** -0.5, 0.0)
    norm = deg_inv_sqrt[src] * deg_inv_sqrt[dst]
    # message: norm.view(-1,1) * x_j, aggregated with 'add' at target nodes
    msg = norm[:, None] * h[src]
    out = jax.ops.segment_sum(msg, dst, num_segments=n)
    return out


def reference(x, edge_index, W1, b1, W2, b2):
    h = _gcn_layer(x, edge_index, W1, b1)
    h = jax.nn.sigmoid(h)
    out = _gcn_layer(h, edge_index, W2, b2)
    return jax.nn.sigmoid(out)

if __name__ == "__main__":
    import jax
    _d = setup_inputs()
    print(jax.jit(kernel)(*tuple(_d.values())))

</pallas_src>

<mosaic_0001>
#map = affine_map<(d0, d1) -> (0, 0)>
#map1 = affine_map<(d0, d1) -> (0, 0, 0)>
module attributes {stable_mosaic.version = 14 : i64} {
  func.func @_sc_propagate(%arg0: i32, %arg1: i32, %arg2: memref<10240x16xf32, #tpu.memory_space<hbm>>, %arg3: memref<2x2500x128xi32, #tpu.memory_space<hbm>>, %arg4: memref<60x128xi32, #tpu.memory_space<hbm>>, %arg5: memref<20480x16xf32, #tpu.memory_space<hbm>>, %arg6: memref<80x128xi32, #tpu.memory_space<vmem>>, %arg7: memref<80x128xi32, #tpu.memory_space<vmem>>, %arg8: memref<128x16xf32, #tpu.memory_space<vmem>>, %arg9: memref<128x16xf32, #tpu.memory_space<vmem>>, %arg10: memref<128x16xf32, #tpu.memory_space<vmem>>, %arg11: memref<128x16xf32, #tpu.memory_space<vmem>>, %arg12: memref<128x16xf32, #tpu.memory_space<vmem>>, %arg13: memref<128x16xf32, #tpu.memory_space<vmem>>, %arg14: memref<128x16xf32, #tpu.memory_space<vmem>>, %arg15: memref<128x16xf32, #tpu.memory_space<vmem>>, %arg16: memref<128x16xf32, #tpu.memory_space<vmem>>, %arg17: memref<128x16xf32, #tpu.memory_space<vmem>>, %arg18: memref<128x16xf32, #tpu.memory_space<vmem>>, %arg19: memref<128x16xf32, #tpu.memory_space<vmem>>, %arg20: memref<128x16xf32, #tpu.memory_space<vmem>>, %arg21: memref<128x16xf32, #tpu.memory_space<vmem>>, %arg22: memref<128x16xf32, #tpu.memory_space<vmem>>, %arg23: memref<128x16xf32, #tpu.memory_space<vmem>>, %arg24: memref<640x16xf32, #tpu.memory_space<vmem>>, %arg25: memref<10240x16xf32, #tpu.memory_space<vmem_shared>>, %arg26: memref<10240x16xf32, #tpu.memory_space<vmem_shared>>, %arg27: memref<!tpu.dma_semaphore, #tpu.memory_space<semaphore_mem>>, %arg28: memref<!tpu.dma_semaphore, #tpu.memory_space<semaphore_mem>>, %arg29: memref<!tpu.dma_semaphore, #tpu.memory_space<semaphore_mem>>, %arg30: memref<!tpu.dma_semaphore, #tpu.memory_space<semaphore_mem>>) attributes {dimension_semantics = [#tpu.dimension_semantics<core_parallel>, #tpu.dimension_semantics<subcore_parallel>], iteration_bounds = array<i64: 2, 16>, scalar_prefetch = 0 : i64, scratch_operands = 25 : i64, tpu.core_type = #tpu.core_type<sc_vector_subcore>, window_params = [{transform_indices = #map}, {transform_indices = #map1}, {transform_indices = #map}, {transform_indices = #map}]} {
    %mul3A = arith.constant 16 : i32
    %mul3A_0 = arith.muli %arg0, %mul3A : i32
    %add3A = arith.addi %mul3A_0, %arg1 : i32
    %mul3A_1 = arith.constant 80 : i32
    %mul3A_2 = arith.muli %add3A, %mul3A_1 : i32
    %lt3A = arith.constant 31 : i32
    %lt3A_3 = arith.cmpi slt, %add3A, %lt3A : i32
    %convert_element_type3A = arith.extui %lt3A_3 : i1 to i32
    %cond3A = arith.constant 0 : i32
    %cond3A_4 = arith.cmpi ne, %convert_element_type3A, %cond3A : i32
    scf.if %cond3A_4 {
      %run_scoped3A = arith.constant 0 : i32
      "tpu.region"() ({
        %run_scoped3A_159 = tpu.sem_alloc : memref<!tpu.dma_semaphore, #tpu.memory_space<semaphore_mem>>
        %dma_start3A_160 = arith.constant 0 : i32
        %dma_start3A_161 = tpu.memref_slice %arg3[%run_scoped3A, %mul3A_2, %dma_start3A_160] : memref<2x2500x128xi32, #tpu.memory_space<hbm>> -> memref<1x80x128xi32, #tpu.memory_space<hbm>>
        %dma_start3A_162 = tpu.memref_squeeze %dma_start3A_161 : memref<1x80x128xi32, #tpu.memory_space<hbm>> -> memref<80x128xi32, #tpu.memory_space<hbm>>
        %dma_start3A_163 = arith.constant 0 : i32
        %dma_start3A_164 = tpu.memref_slice %arg3[%run_scoped3A, %mul3A_2, %dma_start3A_163] : memref<2x2500x128xi32, #tpu.memory_space<hbm>> -> memref<1x80x128xi32, #tpu.memory_space<hbm>>
        %dma_start3A_165 = tpu.memref_squeeze %dma_start3A_164 : memref<1x80x128xi32, #tpu.memory_space<hbm>> -> memref<80x128xi32, #tpu.memory_space<hbm>>
        tpu.enqueue_dma source(%dma_start3A_165 : memref<80x128xi32, #tpu.memory_space<hbm>>) target(%arg6 : memref<80x128xi32, #tpu.memory_space<vmem>>) target_semaphore(%run_scoped3A_159 : memref<!tpu.dma_semaphore, #tpu.memory_space<semaphore_mem>>)
        %dma_wait3A = arith.constant 0 : i32
        %dma_wait3A_166 = tpu.memref_slice %arg3[%run_scoped3A, %mul3A_2, %dma_wait3A] : memref<2x2500x128xi32, #tpu.memory_space<hbm>> -> memref<1x80x128xi32, #tpu.memory_space<hbm>>
        %dma_wait3A_167 = tpu.memref_squeeze %dma_wait3A_166 : memref<1x80x128xi32, #tpu.memory_space<hbm>> -> memref<80x128xi32, #tpu.memory_space<hbm>>
        %dma_wait3A_168 = arith.constant 0 : i32
        %dma_wait3A_169 = tpu.memref_slice %arg3[%run_scoped3A, %mul3A_2, %dma_wait3A_168] : memref<2x2500x128xi32, #tpu.memory_space<hbm>> -> memref<1x80x128xi32, #tpu.memory_space<hbm>>
        %dma_wait3A_170 = tpu.memref_squeeze %dma_wait3A_169 : memref<1x80x128xi32, #tpu.memory_space<hbm>> -> memref<80x128xi32, #tpu.memory_space<hbm>>
        tpu.wait_dma2 semaphore(%run_scoped3A_159 : memref<!tpu.dma_semaphore, #tpu.memory_space<semaphore_mem>>) src(%dma_wait3A_170 : memref<80x128xi32, #tpu.memory_space<hbm>>) dst(%arg6 : memref<80x128xi32, #tpu.memory_space<vmem>>)
        tpu.yield
      }) : () -> ()
    } else {
    }
    %eq3A = arith.constant 31 : i32
    %eq3A_5 = arith.cmpi eq, %add3A, %eq3A : i32
    %convert_element_type3A_6 = arith.extui %eq3A_5 : i1 to i32
    %cond3A_7 = arith.constant 0 : i32
    %cond3A_8 = arith.cmpi ne, %convert_element_type3A_6, %cond3A_7 : i32
    scf.if %cond3A_8 {
      %run_scoped3A = arith.constant 0 : i32
      "tpu.region"() ({
        %run_scoped3A_159 = tpu.sem_alloc : memref<!tpu.dma_semaphore, #tpu.memory_space<semaphore_mem>>
        %dma_start3A_160 = arith.constant 0 : i32
        %dma_start3A_161 = arith.constant 0 : i32
        %dma_start3A_162 = tpu.memref_slice %arg6[%dma_start3A_160, %dma_start3A_161] : memref<80x128xi32, #tpu.memory_space<vmem>> -> memref<20x128xi32, #tpu.memory_space<vmem>>
        %dma_start3A_163 = arith.constant 2480 : i32
        %dma_start3A_164 = arith.constant 0 : i32
        %dma_start3A_165 = tpu.memref_slice %arg3[%run_scoped3A, %dma_start3A_163, %dma_start3A_164] : memref<2x2500x128xi32, #tpu.memory_space<hbm>> -> memref<1x20x128xi32, #tpu.memory_space<hbm>>
        %dma_start3A_166 = tpu.memref_squeeze %dma_start3A_165 : memref<1x20x128xi32, #tpu.memory_space<hbm>> -> memref<20x128xi32, #tpu.memory_space<hbm>>
        %dma_start3A_167 = arith.constant 0 : i32
        %dma_start3A_168 = arith.constant 0 : i32
        %dma_start3A_169 = tpu.memref_slice %arg6[%dma_start3A_167, %dma_start3A_168] : memref<80x128xi32, #tpu.memory_space<vmem>> -> memref<20x128xi32, #tpu.memory_space<vmem>>
        %dma_start3A_170 = arith.constant 2480 : i32
        %dma_start3A_171 = arith.constant 0 : i32
        %dma_start3A_172 = tpu.memref_slice %arg3[%run_scoped3A, %dma_start3A_170, %dma_start3A_171] : memref<2x2500x128xi32, #tpu.memory_space<hbm>> -> memref<1x20x128xi32, #tpu.memory_space<hbm>>
        %dma_start3A_173 = tpu.memref_squeeze %dma_start3A_172 : memref<1x20x128xi32, #tpu.memory_space<hbm>> -> memref<20x128xi32, #tpu.memory_space<hbm>>
        tpu.enqueue_dma source(%dma_start3A_173 : memref<20x128xi32, #tpu.memory_space<hbm>>) target(%dma_start3A_169 : memref<20x128xi32, #tpu.memory_space<vmem>>) target_semaphore(%run_scoped3A_159 : memref<!tpu.dma_semaphore, #tpu.memory_space<semaphore_mem>>)
        %dma_wait3A = arith.constant 0 : i32
        %dma_wait3A_174 = arith.constant 0 : i32
        %dma_wait3A_175 = tpu.memref_slice %arg6[%dma_wait3A, %dma_wait3A_174] : memref<80x128xi32, #tpu.memory_space<vmem>> -> memref<20x128xi32, #tpu.memory_space<vmem>>
        %dma_wait3A_176 = arith.constant 2480 : i32
        %dma_wait3A_177 = arith.constant 0 : i32
        %dma_wait3A_178 = tpu.memref_slice %arg3[%run_scoped3A, %dma_wait3A_176, %dma_wait3A_177] : memref<2x2500x128xi32, #tpu.memory_space<hbm>> -> memref<1x20x128xi32, #tpu.memory_space<hbm>>
        %dma_wait3A_179 = tpu.memref_squeeze %dma_wait3A_178 : memref<1x20x128xi32, #tpu.memory_space<hbm>> -> memref<20x128xi32, #tpu.memory_space<hbm>>
        %dma_wait3A_180 = arith.constant 0 : i32
        %dma_wait3A_181 = arith.constant 0 : i32
        %dma_wait3A_182 = tpu.memref_slice %arg6[%dma_wait3A_180, %dma_wait3A_181] : memref<80x128xi32, #tpu.memory_space<vmem>> -> memref<20x128xi32, #tpu.memory_space<vmem>>
        %dma_wait3A_183 = arith.constant 2480 : i32
        %dma_wait3A_184 = arith.constant 0 : i32
        %dma_wait3A_185 = tpu.memref_slice %arg3[%run_scoped3A, %dma_wait3A_183, %dma_wait3A_184] : memref<2x2500x128xi32, #tpu.memory_space<hbm>> -> memref<1x20x128xi32, #tpu.memory_space<hbm>>
        %dma_wait3A_186 = tpu.memref_squeeze %dma_wait3A_185 : memref<1x20x128xi32, #tpu.memory_space<hbm>> -> memref<20x128xi32, #tpu.memory_space<hbm>>
        tpu.wait_dma2 semaphore(%run_scoped3A_159 : memref<!tpu.dma_semaphore, #tpu.memory_space<semaphore_mem>>) src(%dma_wait3A_186 : memref<20x128xi32, #tpu.memory_space<hbm>>) dst(%dma_wait3A_182 : memref<20x128xi32, #tpu.memory_space<vmem>>)
        tpu.yield
      }) : () -> ()
      "tpu.region"() ({
        %run_scoped3A_159 = tpu.sem_alloc : memref<!tpu.dma_semaphore, #tpu.memory_space<semaphore_mem>>
        %dma_start3A_160 = arith.constant 20 : i32
        %dma_start3A_161 = arith.constant 0 : i32
        %dma_start3A_162 = tpu.memref_slice %arg6[%dma_start3A_160, %dma_start3A_161] : memref<80x128xi32, #tpu.memory_space<vmem>> -> memref<60x128xi32, #tpu.memory_space<vmem>>
        %dma_start3A_163 = arith.constant 20 : i32
        %dma_start3A_164 = arith.constant 0 : i32
        %dma_start3A_165 = tpu.memref_slice %arg6[%dma_start3A_163, %dma_start3A_164] : memref<80x128xi32, #tpu.memory_space<vmem>> -> memref<60x128xi32, #tpu.memory_space<vmem>>
        tpu.enqueue_dma source(%arg4 : memref<60x128xi32, #tpu.memory_space<hbm>>) target(%dma_start3A_165 : memref<60x128xi32, #tpu.memory_space<vmem>>) target_semaphore(%run_scoped3A_159 : memref<!tpu.dma_semaphore, #tpu.memory_space<semaphore_mem>>)
        %dma_wait3A = arith.constant 20 : i32
        %dma_wait3A_166 = arith.constant 0 : i32
        %dma_wait3A_167 = tpu.memref_slice %arg6[%dma_wait3A, %dma_wait3A_166] : memref<80x128xi32, #tpu.memory_space<vmem>> -> memref<60x128xi32, #tpu.memory_space<vmem>>
        %dma_wait3A_168 = arith.constant 20 : i32
        %dma_wait3A_169 = arith.constant 0 : i32
        %dma_wait3A_170 = tpu.memref_slice %arg6[%dma_wait3A_168, %dma_wait3A_169] : memref<80x128xi32, #tpu.memory_space<vmem>> -> memref<60x128xi32, #tpu.memory_space<vmem>>
        tpu.wait_dma2 semaphore(%run_scoped3A_159 : memref<!tpu.dma_semaphore, #tpu.memory_space<semaphore_mem>>) src(%arg4 : memref<60x128xi32, #tpu.memory_space<hbm>>) dst(%dma_wait3A_170 : memref<60x128xi32, #tpu.memory_space<vmem>>)
        tpu.yield
      }) : () -> ()
    } else {
    }
    %mul3A_9 = arith.constant 80 : i32
    %mul3A_10 = arith.muli %add3A, %mul3A_9 : i32
    %lt3A_11 = arith.constant 31 : i32
    %lt3A_12 = arith.cmpi slt, %add3A, %lt3A_11 : i32
    %convert_element_type3A_13 = arith.extui %lt3A_12 : i1 to i32
    %cond3A_14 = arith.constant 0 : i32
    %cond3A_15 = arith.cmpi ne, %convert_element_type3A_13, %cond3A_14 : i32
    scf.if %cond3A_15 {
      %run_scoped3A = arith.constant 1 : i32
      "tpu.region"() ({
        %run_scoped3A_159 = tpu.sem_alloc : memref<!tpu.dma_semaphore, #tpu.memory_space<semaphore_mem>>
        %dma_start3A_160 = arith.constant 0 : i32
        %dma_start3A_161 = tpu.memref_slice %arg3[%run_scoped3A, %mul3A_10, %dma_start3A_160] : memref<2x2500x128xi32, #tpu.memory_space<hbm>> -> memref<1x80x128xi32, #tpu.memory_space<hbm>>
        %dma_start3A_162 = tpu.memref_squeeze %dma_start3A_161 : memref<1x80x128xi32, #tpu.memory_space<hbm>> -> memref<80x128xi32, #tpu.memory_space<hbm>>
        %dma_start3A_163 = arith.constant 0 : i32
        %dma_start3A_164 = tpu.memref_slice %arg3[%run_scoped3A, %mul3A_10, %dma_start3A_163] : memref<2x2500x128xi32, #tpu.memory_space<hbm>> -> memref<1x80x128xi32, #tpu.memory_space<hbm>>
        %dma_start3A_165 = tpu.memref_squeeze %dma_start3A_164 : memref<1x80x128xi32, #tpu.memory_space<hbm>> -> memref<80x128xi32, #tpu.memory_space<hbm>>
        tpu.enqueue_dma source(%dma_start3A_165 : memref<80x128xi32, #tpu.memory_space<hbm>>) target(%arg7 : memref<80x128xi32, #tpu.memory_space<vmem>>) target_semaphore(%run_scoped3A_159 : memref<!tpu.dma_semaphore, #tpu.memory_space<semaphore_mem>>)
        %dma_wait3A = arith.constant 0 : i32
        %dma_wait3A_166 = tpu.memref_slice %arg3[%run_scoped3A, %mul3A_10, %dma_wait3A] : memref<2x2500x128xi32, #tpu.memory_space<hbm>> -> memref<1x80x128xi32, #tpu.memory_space<hbm>>
        %dma_wait3A_167 = tpu.memref_squeeze %dma_wait3A_166 : memref<1x80x128xi32, #tpu.memory_space<hbm>> -> memref<80x128xi32, #tpu.memory_space<hbm>>
        %dma_wait3A_168 = arith.constant 0 : i32
        %dma_wait3A_169 = tpu.memref_slice %arg3[%run_scoped3A, %mul3A_10, %dma_wait3A_168] : memref<2x2500x128xi32, #tpu.memory_space<hbm>> -> memref<1x80x128xi32, #tpu.memory_space<hbm>>
        %dma_wait3A_170 = tpu.memref_squeeze %dma_wait3A_169 : memref<1x80x128xi32, #tpu.memory_space<hbm>> -> memref<80x128xi32, #tpu.memory_space<hbm>>
        tpu.wait_dma2 semaphore(%run_scoped3A_159 : memref<!tpu.dma_semaphore, #tpu.memory_space<semaphore_mem>>) src(%dma_wait3A_170 : memref<80x128xi32, #tpu.memory_space<hbm>>) dst(%arg7 : memref<80x128xi32, #tpu.memory_space<vmem>>)
        tpu.yield
      }) : () -> ()
    } else {
    }
    %eq3A_16 = arith.constant 31 : i32
    %eq3A_17 = arith.cmpi eq, %add3A, %eq3A_16 : i32
    %convert_element_type3A_18 = arith.extui %eq3A_17 : i1 to i32
    %cond3A_19 = arith.constant 0 : i32
    %cond3A_20 = arith.cmpi ne, %convert_element_type3A_18, %cond3A_19 : i32
    scf.if %cond3A_20 {
      %run_scoped3A = arith.constant 1 : i32
      "tpu.region"() ({
        %run_scoped3A_159 = tpu.sem_alloc : memref<!tpu.dma_semaphore, #tpu.memory_space<semaphore_mem>>
        %dma_start3A_160 = arith.constant 0 : i32
        %dma_start3A_161 = arith.constant 0 : i32
        %dma_start3A_162 = tpu.memref_slice %arg7[%dma_start3A_160, %dma_start3A_161] : memref<80x128xi32, #tpu.memory_space<vmem>> -> memref<20x128xi32, #tpu.memory_space<vmem>>
        %dma_start3A_163 = arith.constant 2480 : i32
        %dma_start3A_164 = arith.constant 0 : i32
        %dma_start3A_165 = tpu.memref_slice %arg3[%run_scoped3A, %dma_start3A_163, %dma_start3A_164] : memref<2x2500x128xi32, #tpu.memory_space<hbm>> -> memref<1x20x128xi32, #tpu.memory_space<hbm>>
        %dma_start3A_166 = tpu.memref_squeeze %dma_start3A_165 : memref<1x20x128xi32, #tpu.memory_space<hbm>> -> memref<20x128xi32, #tpu.memory_space<hbm>>
        %dma_start3A_167 = arith.constant 0 : i32
        %dma_start3A_168 = arith.constant 0 : i32
        %dma_start3A_169 = tpu.memref_slice %arg7[%dma_start3A_167, %dma_start3A_168] : memref<80x128xi32, #tpu.memory_space<vmem>> -> memref<20x128xi32, #tpu.memory_space<vmem>>
        %dma_start3A_170 = arith.constant 2480 : i32
        %dma_start3A_171 = arith.constant 0 : i32
        %dma_start3A_172 = tpu.memref_slice %arg3[%run_scoped3A, %dma_start3A_170, %dma_start3A_171] : memref<2x2500x128xi32, #tpu.memory_space<hbm>> -> memref<1x20x128xi32, #tpu.memory_space<hbm>>
        %dma_start3A_173 = tpu.memref_squeeze %dma_start3A_172 : memref<1x20x128xi32, #tpu.memory_space<hbm>> -> memref<20x128xi32, #tpu.memory_space<hbm>>
        tpu.enqueue_dma source(%dma_start3A_173 : memref<20x128xi32, #tpu.memory_space<hbm>>) target(%dma_start3A_169 : memref<20x128xi32, #tpu.memory_space<vmem>>) target_semaphore(%run_scoped3A_159 : memref<!tpu.dma_semaphore, #tpu.memory_space<semaphore_mem>>)
        %dma_wait3A = arith.constant 0 : i32
        %dma_wait3A_174 = arith.constant 0 : i32
        %dma_wait3A_175 = tpu.memref_slice %arg7[%dma_wait3A, %dma_wait3A_174] : memref<80x128xi32, #tpu.memory_space<vmem>> -> memref<20x128xi32, #tpu.memory_space<vmem>>
        %dma_wait3A_176 = arith.constant 2480 : i32
        %dma_wait3A_177 = arith.constant 0 : i32
        %dma_wait3A_178 = tpu.memref_slice %arg3[%run_scoped3A, %dma_wait3A_176, %dma_wait3A_177] : memref<2x2500x128xi32, #tpu.memory_space<hbm>> -> memref<1x20x128xi32, #tpu.memory_space<hbm>>
        %dma_wait3A_179 = tpu.memref_squeeze %dma_wait3A_178 : memref<1x20x128xi32, #tpu.memory_space<hbm>> -> memref<20x128xi32, #tpu.memory_space<hbm>>
        %dma_wait3A_180 = arith.constant 0 : i32
        %dma_wait3A_181 = arith.constant 0 : i32
        %dma_wait3A_182 = tpu.memref_slice %arg7[%dma_wait3A_180, %dma_wait3A_181] : memref<80x128xi32, #tpu.memory_space<vmem>> -> memref<20x128xi32, #tpu.memory_space<vmem>>
        %dma_wait3A_183 = arith.constant 2480 : i32
        %dma_wait3A_184 = arith.constant 0 : i32
        %dma_wait3A_185 = tpu.memref_slice %arg3[%run_scoped3A, %dma_wait3A_183, %dma_wait3A_184] : memref<2x2500x128xi32, #tpu.memory_space<hbm>> -> memref<1x20x128xi32, #tpu.memory_space<hbm>>
        %dma_wait3A_186 = tpu.memref_squeeze %dma_wait3A_185 : memref<1x20x128xi32, #tpu.memory_space<hbm>> -> memref<20x128xi32, #tpu.memory_space<hbm>>
        tpu.wait_dma2 semaphore(%run_scoped3A_159 : memref<!tpu.dma_semaphore, #tpu.memory_space<semaphore_mem>>) src(%dma_wait3A_186 : memref<20x128xi32, #tpu.memory_space<hbm>>) dst(%dma_wait3A_182 : memref<20x128xi32, #tpu.memory_space<vmem>>)
        tpu.yield
      }) : () -> ()
      "tpu.region"() ({
        %run_scoped3A_159 = tpu.sem_alloc : memref<!tpu.dma_semaphore, #tpu.memory_space<semaphore_mem>>
        %dma_start3A_160 = arith.constant 20 : i32
        %dma_start3A_161 = arith.constant 0 : i32
        %dma_start3A_162 = tpu.memref_slice %arg7[%dma_start3A_160, %dma_start3A_161] : memref<80x128xi32, #tpu.memory_space<vmem>> -> memref<60x128xi32, #tpu.memory_space<vmem>>
        %dma_start3A_163 = arith.constant 20 : i32
        %dma_start3A_164 = arith.constant 0 : i32
        %dma_start3A_165 = tpu.memref_slice %arg7[%dma_start3A_163, %dma_start3A_164] : memref<80x128xi32, #tpu.memory_space<vmem>> -> memref<60x128xi32, #tpu.memory_space<vmem>>
        tpu.enqueue_dma source(%arg4 : memref<60x128xi32, #tpu.memory_space<hbm>>) target(%dma_start3A_165 : memref<60x128xi32, #tpu.memory_space<vmem>>) target_semaphore(%run_scoped3A_159 : memref<!tpu.dma_semaphore, #tpu.memory_space<semaphore_mem>>)
        %dma_wait3A = arith.constant 20 : i32
        %dma_wait3A_166 = arith.constant 0 : i32
        %dma_wait3A_167 = tpu.memref_slice %arg7[%dma_wait3A, %dma_wait3A_166] : memref<80x128xi32, #tpu.memory_space<vmem>> -> memref<60x128xi32, #tpu.memory_space<vmem>>
        %dma_wait3A_168 = arith.constant 20 : i32
        %dma_wait3A_169 = arith.constant 0 : i32
        %dma_wait3A_170 = tpu.memref_slice %arg7[%dma_wait3A_168, %dma_wait3A_169] : memref<80x128xi32, #tpu.memory_space<vmem>> -> memref<60x128xi32, #tpu.memory_space<vmem>>
        tpu.wait_dma2 semaphore(%run_scoped3A_159 : memref<!tpu.dma_semaphore, #tpu.memory_space<semaphore_mem>>) src(%arg4 : memref<60x128xi32, #tpu.memory_space<hbm>>) dst(%dma_wait3A_170 : memref<60x128xi32, #tpu.memory_space<vmem>>)
        tpu.yield
      }) : () -> ()
    } else {
    }
    %mul3A_21 = arith.constant 640 : i32
    %mul3A_22 = arith.muli %arg1, %mul3A_21 : i32
    %mul3A_23 = arith.constant 640 : i32
    %mul3A_24 = arith.muli %arg1, %mul3A_23 : i32
    "tpu.region"() ({
      %run_scoped3A = tpu.sem_alloc : memref<!tpu.dma_semaphore, #tpu.memory_space<semaphore_mem>>
      %dma_start3A_159 = arith.constant 0 : i32
      %dma_start3A_160 = tpu.memref_slice %arg26[%mul3A_24, %dma_start3A_159] : memref<10240x16xf32, #tpu.memory_space<vmem_shared>> -> memref<640x16xf32, #tpu.memory_space<vmem_shared>>
      %dma_start3A_161 = arith.constant 0 : i32
      %dma_start3A_162 = tpu.memref_slice %arg2[%mul3A_22, %dma_start3A_161] : memref<10240x16xf32, #tpu.memory_space<hbm>> -> memref<640x16xf32, #tpu.memory_space<hbm>>
      tpu.enqueue_dma source(%dma_start3A_162 : memref<640x16xf32, #tpu.memory_space<hbm>>) target(%dma_start3A_160 : memref<640x16xf32, #tpu.memory_space<vmem_shared>>) target_semaphore(%run_scoped3A : memref<!tpu.dma_semaphore, #tpu.memory_space<semaphore_mem>>)
      %dma_wait3A = arith.constant 0 : i32
      %dma_wait3A_163 = tpu.memref_slice %arg26[%mul3A_24, %dma_wait3A] : memref<10240x16xf32, #tpu.memory_space<vmem_shared>> -> memref<640x16xf32, #tpu.memory_space<vmem_shared>>
      %dma_wait3A_164 = arith.constant 0 : i32
      %dma_wait3A_165 = tpu.memref_slice %arg2[%mul3A_22, %dma_wait3A_164] : memref<10240x16xf32, #tpu.memory_space<hbm>> -> memref<640x16xf32, #tpu.memory_space<hbm>>
      tpu.wait_dma2 semaphore(%run_scoped3A : memref<!tpu.dma_semaphore, #tpu.memory_space<semaphore_mem>>) src(%dma_wait3A_165 : memref<640x16xf32, #tpu.memory_space<hbm>>) dst(%dma_wait3A_163 : memref<640x16xf32, #tpu.memory_space<vmem_shared>>)
      tpu.yield
    }) : () -> ()
    %scan3A = arith.constant 0 : i32
    %scan3A_25 = arith.constant 0 : i32
    %scan3A_26 = arith.constant 640 : i32
    %scan3A_27 = arith.addi %scan3A_25, %scan3A_26 : i32
    %scan3A_28 = arith.constant 1 : i32
    %scan3A_29 = scf.for %scan3A_159 = %scan3A_25 to %scan3A_27 step %scan3A_28 iter_args(%scan3A_160 = %scan3A) -> (i32)  : i32 {
      %broadcast_in_dim3A = arith.constant 0.000000e+00 : f32
      %broadcast_in_dim3A_161 = vector.broadcast %broadcast_in_dim3A : f32 to vector<16xf32>
      %swap3A = arith.index_cast %scan3A_159 : i32 to index
      %swap3A_162 = arith.constant 0 : index
      %swap3A_163 = tpu.vector_load %arg24[%swap3A, %swap3A_162] {strides = array<i32>} : memref<640x16xf32, #tpu.memory_space<vmem>>, vector<1x16xf32>,
      %swap3A_164 = vector.shape_cast %swap3A_163 : vector<1x16xf32> to vector<16xf32>
      %swap3A_165 = vector.shape_cast %broadcast_in_dim3A_161 : vector<16xf32> to vector<1x16xf32>
      tpu.vector_store %arg24[%swap3A, %swap3A_162], %swap3A_165 {strides = array<i32>} : memref<640x16xf32, #tpu.memory_space<vmem>>, vector<1x16xf32>,
      %scan3A_166 = arith.constant 0 : i32
      scf.yield %scan3A_166 : i32
    }
    %scan3A_30 = arith.constant 640 : i32
    %mul3A_31 = arith.constant 640 : i32
    %mul3A_32 = arith.muli %arg1, %mul3A_31 : i32
    "tpu.region"() ({
      %run_scoped3A = tpu.sem_alloc : memref<!tpu.dma_semaphore, #tpu.memory_space<semaphore_mem>>
      %dma_start3A_159 = arith.constant 0 : i32
      %dma_start3A_160 = tpu.memref_slice %arg25[%mul3A_32, %dma_start3A_159] : memref<10240x16xf32, #tpu.memory_space<vmem_shared>> -> memref<640x16xf32, #tpu.memory_space<vmem_shared>>
      %dma_start3A_161 = arith.constant 0 : i32
      %dma_start3A_162 = tpu.memref_slice %arg25[%mul3A_32, %dma_start3A_161] : memref<10240x16xf32, #tpu.memory_space<vmem_shared>> -> memref<640x16xf32, #tpu.memory_space<vmem_shared>>
      tpu.enqueue_dma source(%arg24 : memref<640x16xf32, #tpu.memory_space<vmem>>) target(%dma_start3A_162 : memref<640x16xf32, #tpu.memory_space<vmem_shared>>) target_semaphore(%run_scoped3A : memref<!tpu.dma_semaphore, #tpu.memory_space<semaphore_mem>>)
      %dma_wait3A = arith.constant 0 : i32
      %dma_wait3A_163 = tpu.memref_slice %arg25[%mul3A_32, %dma_wait3A] : memref<10240x16xf32, #tpu.memory_space<vmem_shared>> -> memref<640x16xf32, #tpu.memory_space<vmem_shared>>
      %dma_wait3A_164 = arith.constant 0 : i32
      %dma_wait3A_165 = tpu.memref_slice %arg25[%mul3A_32, %dma_wait3A_164] : memref<10240x16xf32, #tpu.memory_space<vmem_shared>> -> memref<640x16xf32, #tpu.memory_space<vmem_shared>>
      tpu.wait_dma2 semaphore(%run_scoped3A : memref<!tpu.dma_semaphore, #tpu.memory_space<semaphore_mem>>) src(%arg24 : memref<640x16xf32, #tpu.memory_space<vmem>>) dst(%dma_wait3A_165 : memref<640x16xf32, #tpu.memory_space<vmem_shared>>)
      tpu.yield
    }) : () -> ()
    %barrier3A = arith.constant 0 : index
    tpu.barrier barrier_id(%barrier3A)
    %dma_start3A = arith.constant 0 : i32
    %dma_start3A_33 = arith.constant 0 : i32
    %dma_start3A_34 = tpu.memref_slice %arg6[%dma_start3A, %dma_start3A_33] : memref<80x128xi32, #tpu.memory_space<vmem>> -> memref<1x128xi32, #tpu.memory_space<vmem>>
    %dma_start3A_35 = tpu.memref_squeeze %dma_start3A_34 : memref<1x128xi32, #tpu.memory_space<vmem>> -> memref<128xi32, #tpu.memory_space<vmem>>
    %dma_start3A_36 = arith.constant 0 : i32
    %dma_start3A_37 = arith.constant 0 : i32
    %dma_start3A_38 = tpu.memref_slice %arg26[%dma_start3A_36, %dma_start3A_37] : memref<10240x16xf32, #tpu.memory_space<vmem_shared>> -> memref<10240x16xf32, #tpu.memory_space<vmem_shared>>
    tpu.enqueue_indirect_dma source(%dma_start3A_38 : memref<10240x16xf32, #tpu.memory_space<vmem_shared>>) target(%arg8 : memref<128x16xf32, #tpu.memory_space<vmem>>) offsets(%dma_start3A_35 : memref<128xi32, #tpu.memory_space<vmem>>) semaphore(%arg27 : memref<!tpu.dma_semaphore, #tpu.memory_space<semaphore_mem>>)
    %dma_start3A_39 = arith.constant 8 : i32
    %dma_start3A_40 = arith.constant 0 : i32
    %dma_start3A_41 = tpu.memref_slice %arg6[%dma_start3A_39, %dma_start3A_40] : memref<80x128xi32, #tpu.memory_space<vmem>> -> memref<1x128xi32, #tpu.memory_space<vmem>>
    %dma_start3A_42 = tpu.memref_squeeze %dma_start3A_41 : memref<1x128xi32, #tpu.memory_space<vmem>> -> memref<128xi32, #tpu.memory_space<vmem>>
    %dma_start3A_43 = arith.constant 0 : i32
    %dma_start3A_44 = arith.constant 0 : i32
    %dma_start3A_45 = tpu.memref_slice %arg26[%dma_start3A_43, %dma_start3A_44] : memref<10240x16xf32, #tpu.memory_space<vmem_shared>> -> memref<10240x16xf32, #tpu.memory_space<vmem_shared>>
    tpu.enqueue_indirect_dma source(%dma_start3A_45 : memref<10240x16xf32, #tpu.memory_space<vmem_shared>>) target(%arg16 : memref<128x16xf32, #tpu.memory_space<vmem>>) offsets(%dma_start3A_42 : memref<128xi32, #tpu.memory_space<vmem>>) semaphore(%arg28 : memref<!tpu.dma_semaphore, #tpu.memory_space<semaphore_mem>>)
    %dma_start3A_46 = arith.constant 1 : i32
    %dma_start3A_47 = arith.constant 0 : i32
    %dma_start3A_48 = tpu.memref_slice %arg6[%dma_start3A_46, %dma_start3A_47] : memref<80x128xi32, #tpu.memory_space<vmem>> -> memref<1x128xi32, #tpu.memory_space<vmem>>
    %dma_start3A_49 = tpu.memref_squeeze %dma_start3A_48 : memref<1x128xi32, #tpu.memory_space<vmem>> -> memref<128xi32, #tpu.memory_space<vmem>>
    %dma_start3A_50 = arith.constant 0 : i32
    %dma_start3A_51 = arith.constant 0 : i32
    %dma_start3A_52 = tpu.memref_slice %arg26[%dma_start3A_50, %dma_start3A_51] : memref<10240x16xf32, #tpu.memory_space<vmem_shared>> -> memref<10240x16xf32, #tpu.memory_space<vmem_shared>>
    tpu.enqueue_indirect_dma source(%dma_start3A_52 : memref<10240x16xf32, #tpu.memory_space<vmem_shared>>) target(%arg9 : memref<128x16xf32, #tpu.memory_space<vmem>>) offsets(%dma_start3A_49 : memref<128xi32, #tpu.memory_space<vmem>>) semaphore(%arg27 : memref<!tpu.dma_semaphore, #tpu.memory_space<semaphore_mem>>)
    %dma_start3A_53 = arith.constant 9 : i32
    %dma_start3A_54 = arith.constant 0 : i32
    %dma_start3A_55 = tpu.memref_slice %arg6[%dma_start3A_53, %dma_start3A_54] : memref<80x128xi32, #tpu.memory_space<vmem>> -> memref<1x128xi32, #tpu.memory_space<vmem>>
    %dma_start3A_56 = tpu.memref_squeeze %dma_start3A_55 : memref<1x128xi32, #tpu.memory_space<vmem>> -> memref<128xi32, #tpu.memory_space<vmem>>
    %dma_start3A_57 = arith.constant 0 : i32
    %dma_start3A_58 = arith.constant 0 : i32
    %dma_start3A_59 = tpu.memref_slice %arg26[%dma_start3A_57, %dma_start3A_58] : memref<10240x16xf32, #tpu.memory_space<vmem_shared>> -> memref<10240x16xf32, #tpu.memory_space<vmem_shared>>
    tpu.enqueue_indirect_dma source(%dma_start3A_59 : memref<10240x16xf32, #tpu.memory_space<vmem_shared>>) target(%arg17 : memref<128x16xf32, #tpu.memory_space<vmem>>) offsets(%dma_start3A_56 : memref<128xi32, #tpu.memory_space<vmem>>) semaphore(%arg28 : memref<!tpu.dma_semaphore, #tpu.memory_space<semaphore_mem>>)
    %dma_start3A_60 = arith.constant 2 : i32
    %dma_start3A_61 = arith.constant 0 : i32
    %dma_start3A_62 = tpu.memref_slice %arg6[%dma_start3A_60, %dma_start3A_61] : memref<80x128xi32, #tpu.memory_space<vmem>> -> memref<1x128xi32, #tpu.memory_space<vmem>>
    %dma_start3A_63 = tpu.memref_squeeze %dma_start3A_62 : memref<1x128xi32, #tpu.memory_space<vmem>> -> memref<128xi32, #tpu.memory_space<vmem>>
    %dma_start3A_64 = arith.constant 0 : i32
    %dma_start3A_65 = arith.constant 0 : i32
    %dma_start3A_66 = tpu.memref_slice %arg26[%dma_start3A_64, %dma_start3A_65] : memref<10240x16xf32, #tpu.memory_space<vmem_shared>> -> memref<10240x16xf32, #tpu.memory_space<vmem_shared>>
    tpu.enqueue_indirect_dma source(%dma_start3A_66 : memref<10240x16xf32, #tpu.memory_space<vmem_shared>>) target(%arg10 : memref<128x16xf32, #tpu.memory_space<vmem>>) offsets(%dma_start3A_63 : memref<128xi32, #tpu.memory_space<vmem>>) semaphore(%arg27 : memref<!tpu.dma_semaphore, #tpu.memory_space<semaphore_mem>>)
    %dma_start3A_67 = arith.constant 10 : i32
    %dma_start3A_68 = arith.constant 0 : i32
    %dma_start3A_69 = tpu.memref_slice %arg6[%dma_start3A_67, %dma_start3A_68] : memref<80x128xi32, #tpu.memory_space<vmem>> -> memref<1x128xi32, #tpu.memory_space<vmem>>
    %dma_start3A_70 = tpu.memref_squeeze %dma_start3A_69 : memref<1x128xi32, #tpu.memory_space<vmem>> -> memref<128xi32, #tpu.memory_space<vmem>>
    %dma_start3A_71 = arith.constant 0 : i32
    %dma_start3A_72 = arith.constant 0 : i32
    %dma_start3A_73 = tpu.memref_slice %arg26[%dma_start3A_71, %dma_start3A_72] : memref<10240x16xf32, #tpu.memory_space<vmem_shared>> -> memref<10240x16xf32, #tpu.memory_space<vmem_shared>>
    tpu.enqueue_indirect_dma source(%dma_start3A_73 : memref<10240x16xf32, #tpu.memory_space<vmem_shared>>) target(%arg18 : memref<128x16xf32, #tpu.memory_space<vmem>>) offsets(%dma_start3A_70 : memref<128xi32, #tpu.memory_space<vmem>>) semaphore(%arg28 : memref<!tpu.dma_semaphore, #tpu.memory_space<semaphore_mem>>)
    %dma_start3A_74 = arith.constant 3 : i32
    %dma_start3A_75 = arith.constant 0 : i32
    %dma_start3A_76 = tpu.memref_slice %arg6[%dma_start3A_74, %dma_start3A_75] : memref<80x128xi32, #tpu.memory_space<vmem>> -> memref<1x128xi32, #tpu.memory_space<vmem>>
    %dma_start3A_77 = tpu.memref_squeeze %dma_start3A_76 : memref<1x128xi32, #tpu.memory_space<vmem>> -> memref<128xi32, #tpu.memory_space<vmem>>
    %dma_start3A_78 = arith.constant 0 : i32
    %dma_start3A_79 = arith.constant 0 : i32
    %dma_start3A_80 = tpu.memref_slice %arg26[%dma_start3A_78, %dma_start3A_79] : memref<10240x16xf32, #tpu.memory_space<vmem_shared>> -> memref<10240x16xf32, #tpu.memory_space<vmem_shared>>
    tpu.enqueue_indirect_dma source(%dma_start3A_80 : memref<10240x16xf32, #tpu.memory_space<vmem_shared>>) target(%arg11 : memref<128x16xf32, #tpu.memory_space<vmem>>) offsets(%dma_start3A_77 : memref<128xi32, #tpu.memory_space<vmem>>) semaphore(%arg27 : memref<!tpu.dma_semaphore, #tpu.memory_space<semaphore_mem>>)
    %dma_start3A_81 = arith.constant 11 : i32
    %dma_start3A_82 = arith.constant 0 : i32
    %dma_start3A_83 = tpu.memref_slice %arg6[%dma_start3A_81, %dma_start3A_82] : memref<80x128xi32, #tpu.memory_space<vmem>> -> memref<1x128xi32, #tpu.memory_space<vmem>>
    %dma_start3A_84 = tpu.memref_squeeze %dma_start3A_83 : memref<1x128xi32, #tpu.memory_space<vmem>> -> memref<128xi32, #tpu.memory_space<vmem>>
    %dma_start3A_85 = arith.constant 0 : i32
    %dma_start3A_86 = arith.constant 0 : i32
    %dma_start3A_87 = tpu.memref_slice %arg26[%dma_start3A_85, %dma_start3A_86] : memref<10240x16xf32, #tpu.memory_space<vmem_shared>> -> memref<10240x16xf32, #tpu.memory_space<vmem_shared>>
    tpu.enqueue_indirect_dma source(%dma_start3A_87 : memref<10240x16xf32, #tpu.memory_space<vmem_shared>>) target(%arg19 : memref<128x16xf32, #tpu.memory_space<vmem>>) offsets(%dma_start3A_84 : memref<128xi32, #tpu.memory_space<vmem>>) semaphore(%arg28 : memref<!tpu.dma_semaphore, #tpu.memory_space<semaphore_mem>>)
    %dma_start3A_88 = arith.constant 4 : i32
    %dma_start3A_89 = arith.constant 0 : i32
    %dma_start3A_90 = tpu.memref_slice %arg6[%dma_start3A_88, %dma_start3A_89] : memref<80x128xi32, #tpu.memory_space<vmem>> -> memref<1x128xi32, #tpu.memory_space<vmem>>
    %dma_start3A_91 = tpu.memref_squeeze %dma_start3A_90 : memref<1x128xi32, #tpu.memory_space<vmem>> -> memref<128xi32, #tpu.memory_space<vmem>>
    %dma_start3A_92 = arith.constant 0 : i32
    %dma_start3A_93 = arith.constant 0 : i32
    %dma_start3A_94 = tpu.memref_slice %arg26[%dma_start3A_92, %dma_start3A_93] : memref<10240x16xf32, #tpu.memory_space<vmem_shared>> -> memref<10240x16xf32, #tpu.memory_space<vmem_shared>>
    tpu.enqueue_indirect_dma source(%dma_start3A_94 : memref<10240x16xf32, #tpu.memory_space<vmem_shared>>) target(%arg12 : memref<128x16xf32, #tpu.memory_space<vmem>>) offsets(%dma_start3A_91 : memref<128xi32, #tpu.memory_space<vmem>>) semaphore(%arg27 : memref<!tpu.dma_semaphore, #tpu.memory_space<semaphore_mem>>)
    %dma_start3A_95 = arith.constant 12 : i32
    %dma_start3A_96 = arith.constant 0 : i32
    %dma_start3A_97 = tpu.memref_slice %arg6[%dma_start3A_95, %dma_start3A_96] : memref<80x128xi32, #tpu.memory_space<vmem>> -> memref<1x128xi32, #tpu.memory_space<vmem>>
    %dma_start3A_98 = tpu.memref_squeeze %dma_start3A_97 : memref<1x128xi32, #tpu.memory_space<vmem>> -> memref<128xi32, #tpu.memory_space<vmem>>
    %dma_start3A_99 = arith.constant 0 : i32
    %dma_start3A_100 = arith.constant 0 : i32
    %dma_start3A_101 = tpu.memref_slice %arg26[%dma_start3A_99, %dma_start3A_100] : memref<10240x16xf32, #tpu.memory_space<vmem_shared>> -> memref<10240x16xf32, #tpu.memory_space<vmem_shared>>
    tpu.enqueue_indirect_dma source(%dma_start3A_101 : memref<10240x16xf32, #tpu.memory_space<vmem_shared>>) target(%arg20 : memref<128x16xf32, #tpu.memory_space<vmem>>) offsets(%dma_start3A_98 : memref<128xi32, #tpu.memory_space<vmem>>) semaphore(%arg28 : memref<!tpu.dma_semaphore, #tpu.memory_space<semaphore_mem>>)
    %dma_start3A_102 = arith.constant 5 : i32
    %dma_start3A_103 = arith.constant 0 : i32
    %dma_start3A_104 = tpu.memref_slice %arg6[%dma_start3A_102, %dma_start3A_103] : memref<80x128xi32, #tpu.memory_space<vmem>> -> memref<1x128xi32, #tpu.memory_space<vmem>>
    %dma_start3A_105 = tpu.memref_squeeze %dma_start3A_104 : memref<1x128xi32, #tpu.memory_space<vmem>> -> memref<128xi32, #tpu.memory_space<vmem>>
    %dma_start3A_106 = arith.constant 0 : i32
    %dma_start3A_107 = arith.constant 0 : i32
    %dma_start3A_108 = tpu.memref_slice %arg26[%dma_start3A_106, %dma_start3A_107] : memref<10240x16xf32, #tpu.memory_space<vmem_shared>> -> memref<10240x16xf32, #tpu.memory_space<vmem_shared>>
    tpu.enqueue_indirect_dma source(%dma_start3A_108 : memref<10240x16xf32, #tpu.memory_space<vmem_shared>>) target(%arg13 : memref<128x16xf32, #tpu.memory_space<vmem>>) offsets(%dma_start3A_105 : memref<128xi32, #tpu.memory_space<vmem>>) semaphore(%arg27 : memref<!tpu.dma_semaphore, #tpu.memory_space<semaphore_mem>>)
    %dma_start3A_109 = arith.constant 13 : i32
    %dma_start3A_110 = arith.constant 0 : i32
    %dma_start3A_111 = tpu.memref_slice %arg6[%dma_start3A_109, %dma_start3A_110] : memref<80x128xi32, #tpu.memory_space<vmem>> -> memref<1x128xi32, #tpu.memory_space<vmem>>
    %dma_start3A_112 = tpu.memref_squeeze %dma_start3A_111 : memref<1x128xi32, #tpu.memory_space<vmem>> -> memref<128xi32, #tpu.memory_space<vmem>>
    %dma_start3A_113 = arith.constant 0 : i32
    %dma_start3A_114 = arith.constant 0 : i32
    %dma_start3A_115 = tpu.memref_slice %arg26[%dma_start3A_113, %dma_start3A_114] : memref<10240x16xf32, #tpu.memory_space<vmem_shared>> -> memref<10240x16xf32, #tpu.memory_space<vmem_shared>>
    tpu.enqueue_indirect_dma source(%dma_start3A_115 : memref<10240x16xf32, #tpu.memory_space<vmem_shared>>) target(%arg21 : memref<128x16xf32, #tpu.memory_space<vmem>>) offsets(%dma_start3A_112 : memref<128xi32, #tpu.memory_space<vmem>>) semaphore(%arg28 : memref<!tpu.dma_semaphore, #tpu.memory_space<semaphore_mem>>)
    %dma_start3A_116 = arith.constant 6 : i32
    %dma_start3A_117 = arith.constant 0 : i32
    %dma_start3A_118 = tpu.memref_slice %arg6[%dma_start3A_116, %dma_start3A_117] : memref<80x128xi32, #tpu.memory_space<vmem>> -> memref<1x128xi32, #tpu.memory_space<vmem>>
    %dma_start3A_119 = tpu.memref_squeeze %dma_start3A_118 : memref<1x128xi32, #tpu.memory_space<vmem>> -> memref<128xi32, #tpu.memory_space<vmem>>
    %dma_start3A_120 = arith.constant 0 : i32
    %dma_start3A_121 = arith.constant 0 : i32
    %dma_start3A_122 = tpu.memref_slice %arg26[%dma_start3A_120, %dma_start3A_121] : memref<10240x16xf32, #tpu.memory_space<vmem_shared>> -> memref<10240x16xf32, #tpu.memory_space<vmem_shared>>
    tpu.enqueue_indirect_dma source(%dma_start3A_122 : memref<10240x16xf32, #tpu.memory_space<vmem_shared>>) target(%arg14 : memref<128x16xf32, #tpu.memory_space<vmem>>) offsets(%dma_start3A_119 : memref<128xi32, #tpu.memory_space<vmem>>) semaphore(%arg27 : memref<!tpu.dma_semaphore, #tpu.memory_space<semaphore_mem>>)
    %dma_start3A_123 = arith.constant 14 : i32
    %dma_start3A_124 = arith.constant 0 : i32
    %dma_start3A_125 = tpu.memref_slice %arg6[%dma_start3A_123, %dma_start3A_124] : memref<80x128xi32, #tpu.memory_space<vmem>> -> memref<1x128xi32, #tpu.memory_space<vmem>>
    %dma_start3A_126 = tpu.memref_squeeze %dma_start3A_125 : memref<1x128xi32, #tpu.memory_space<vmem>> -> memref<128xi32, #tpu.memory_space<vmem>>
    %dma_start3A_127 = arith.constant 0 : i32
    %dma_start3A_128 = arith.constant 0 : i32
    %dma_start3A_129 = tpu.memref_slice %arg26[%dma_start3A_127, %dma_start3A_128] : memref<10240x16xf32, #tpu.memory_space<vmem_shared>> -> memref<10240x16xf32, #tpu.memory_space<vmem_shared>>
    tpu.enqueue_indirect_dma source(%dma_start3A_129 : memref<10240x16xf32, #tpu.memory_space<vmem_shared>>) target(%arg22 : memref<128x16xf32, #tpu.memory_space<vmem>>) offsets(%dma_start3A_126 : memref<128xi32, #tpu.memory_space<vmem>>) semaphore(%arg28 : memref<!tpu.dma_semaphore, #tpu.memory_space<semaphore_mem>>)
    %dma_start3A_130 = arith.constant 7 : i32
    %dma_start3A_131 = arith.constant 0 : i32
    %dma_start3A_132 = tpu.memref_slice %arg6[%dma_start3A_130, %dma_start3A_131] : memref<80x128xi32, #tpu.memory_space<vmem>> -> memref<1x128xi32, #tpu.memory_space<vmem>>
    %dma_start3A_133 = tpu.memref_squeeze %dma_start3A_132 : memref<1x128xi32, #tpu.memory_space<vmem>> -> memref<128xi32, #tpu.memory_space<vmem>>
    %dma_start3A_134 = arith.constant 0 : i32
    %dma_start3A_135 = arith.constant 0 : i32
    %dma_start3A_136 = tpu.memref_slice %arg26[%dma_start3A_134, %dma_start3A_135] : memref<10240x16xf32, #tpu.memory_space<vmem_shared>> -> memref<10240x16xf32, #tpu.memory_space<vmem_shared>>
    tpu.enqueue_indirect_dma source(%dma_start3A_136 : memref<10240x16xf32, #tpu.memory_space<vmem_shared>>) target(%arg15 : memref<128x16xf32, #tpu.memory_space<vmem>>) offsets(%dma_start3A_133 : memref<128xi32, #tpu.memory_space<vmem>>) semaphore(%arg27 : memref<!tpu.dma_semaphore, #tpu.memory_space<semaphore_mem>>)
    %dma_start3A_137 = arith.constant 15 : i32
    %dma_start3A_138 = arith.constant 0 : i32
    %dma_start3A_139 = tpu.memref_slice %arg6[%dma_start3A_137, %dma_start3A_138] : memref<80x128xi32, #tpu.memory_space<vmem>> -> memref<1x128xi32, #tpu.memory_space<vmem>>
    %dma_start3A_140 = tpu.memref_squeeze %dma_start3A_139 : memref<1x128xi32, #tpu.memory_space<vmem>> -> memref<128xi32, #tpu.memory_space<vmem>>
    %dma_start3A_141 = arith.constant 0 : i32
    %dma_start3A_142 = arith.constant 0 : i32
    %dma_start3A_143 = tpu.memref_slice %arg26[%dma_start3A_141, %dma_start3A_142] : memref<10240x16xf32, #tpu.memory_space<vmem_shared>> -> memref<10240x16xf32, #tpu.memory_space<vmem_shared>>
    tpu.enqueue_indirect_dma source(%dma_start3A_143 : memref<10240x16xf32, #tpu.memory_space<vmem_shared>>) target(%arg23 : memref<128x16xf32, #tpu.memory_space<vmem>>) offsets(%dma_start3A_140 : memref<128xi32, #tpu.memory_space<vmem>>) semaphore(%arg28 : memref<!tpu.dma_semaphore, #tpu.memory_space<semaphore_mem>>)
    %scan3A_144 = arith.constant 0 : i32
    %scan3A_145 = arith.constant 0 : i32
    %scan3A_146 = arith.constant 5 : i32
    %scan3A_147 = arith.addi %scan3A_145, %scan3A_146 : i32
    %scan3A_148 = arith.constant 1 : i32
    %scan3A_149 = scf.for %scan3A_159 = %scan3A_145 to %scan3A_147 step %scan3A_148 iter_args(%scan3A_160 = %scan3A_144) -> (i32)  : i32 {
      %mul3A_161 = arith.constant 2 : i32
      %mul3A_162 = arith.muli %mul3A_161, %scan3A_159 : i32
      %add3A_163 = arith.constant 0 : i32
      %add3A_164 = arith.addi %mul3A_162, %add3A_163 : i32
      %mul3A_165 = arith.constant 8 : i32
      %mul3A_166 = arith.muli %add3A_164, %mul3A_165 : i32
      %add3A_167 = arith.constant 0 : i32
      %add3A_168 = arith.addi %mul3A_166, %add3A_167 : i32
      %dma_wait3A = arith.constant 0 : i32
      %dma_wait3A_169 = tpu.memref_slice %arg6[%add3A_168, %dma_wait3A] : memref<80x128xi32, #tpu.memory_space<vmem>> -> memref<1x128xi32, #tpu.memory_space<vmem>>
      %dma_wait3A_170 = tpu.memref_squeeze %dma_wait3A_169 : memref<1x128xi32, #tpu.memory_space<vmem>> -> memref<128xi32, #tpu.memory_space<vmem>>
      %dma_wait3A_171 = arith.constant 0 : i32
      %dma_wait3A_172 = arith.constant 0 : i32
      %dma_wait3A_173 = tpu.memref_slice %arg26[%dma_wait3A_171, %dma_wait3A_172] : memref<10240x16xf32, #tpu.memory_space<vmem_shared>> -> memref<10240x16xf32, #tpu.memory_space<vmem_shared>>
      tpu.wait_indirect_dma semaphore(%arg27 : memref<!tpu.dma_semaphore, #tpu.memory_space<semaphore_mem>>) src(%dma_wait3A_173 : memref<10240x16xf32, #tpu.memory_space<vmem_shared>>) dst(%arg8 : memref<128x16xf32, #tpu.memory_space<vmem>>)
      %mul3A_174 = arith.constant 8 : i32
      %mul3A_175 = arith.muli %add3A_164, %mul3A_174 : i32
      %add3A_176 = arith.constant 1 : i32
      %add3A_177 = arith.addi %mul3A_175, %add3A_176 : i32
      %dma_wait3A_178 = arith.constant 0 : i32
      %dma_wait3A_179 = tpu.memref_slice %arg6[%add3A_177, %dma_wait3A_178] : memref<80x128xi32, #tpu.memory_space<vmem>> -> memref<1x128xi32, #tpu.memory_space<vmem>>
      %dma_wait3A_180 = tpu.memref_squeeze %dma_wait3A_179 : memref<1x128xi32, #tpu.memory_space<vmem>> -> memref<128xi32, #tpu.memory_space<vmem>>
      %dma_wait3A_181 = arith.constant 0 : i32
      %dma_wait3A_182 = arith.constant 0 : i32
      %dma_wait3A_183 = tpu.memref_slice %arg26[%dma_wait3A_181, %dma_wait3A_182] : memref<10240x16xf32, #tpu.memory_space<vmem_shared>> -> memref<10240x16xf32, #tpu.memory_space<vmem_shared>>
      tpu.wait_indirect_dma semaphore(%arg27 : memref<!tpu.dma_semaphore, #tpu.memory_space<semaphore_mem>>) src(%dma_wait3A_183 : memref<10240x16xf32, #tpu.memory_space<vmem_shared>>) dst(%arg9 : memref<128x16xf32, #tpu.memory_space<vmem>>)
      %mul3A_184 = arith.constant 8 : i32
      %mul3A_185 = arith.muli %add3A_164, %mul3A_184 : i32
      %add3A_186 = arith.constant 2 : i32
      %add3A_187 = arith.addi %mul3A_185, %add3A_186 : i32
      %dma_wait3A_188 = arith.constant 0 : i32
      %dma_wait3A_189 = tpu.memref_slice %arg6[%add3A_187, %dma_wait3A_188] : memref<80x128xi32, #tpu.memory_space<vmem>> -> memref<1x128xi32, #tpu.memory_space<vmem>>
      %dma_wait3A_190 = tpu.memref_squeeze %dma_wait3A_189 : memref<1x128xi32, #tpu.memory_space<vmem>> -> memref<128xi32, #tpu.memory_space<vmem>>
      %dma_wait3A_191 = arith.constant 0 : i32
      %dma_wait3A_192 = arith.constant 0 : i32
      %dma_wait3A_193 = tpu.memref_slice %arg26[%dma_wait3A_191, %dma_wait3A_192] : memref<10240x16xf32, #tpu.memory_space<vmem_shared>> -> memref<10240x16xf32, #tpu.memory_space<vmem_shared>>
      tpu.wait_indirect_dma semaphore(%arg27 : memref<!tpu.dma_semaphore, #tpu.memory_space<semaphore_mem>>) src(%dma_wait3A_193 : memref<10240x16xf32, #tpu.memory_space<vmem_shared>>) dst(%arg10 : memref<128x16xf32, #tpu.memory_space<vmem>>)
      %mul3A_194 = arith.constant 8 : i32
      %mul3A_195 = arith.muli %add3A_164, %mul3A_194 : i32
      %add3A_196 = arith.constant 3 : i32
      %add3A_197 = arith.addi %mul3A_195, %add3A_196 : i32
      %dma_wait3A_198 = arith.constant 0 : i32
      %dma_wait3A_199 = tpu.memref_slice %arg6[%add3A_197, %dma_wait3A_198] : memref<80x128xi32, #tpu.memory_space<vmem>> -> memref<1x128xi32, #tpu.memory_space<vmem>>
      %dma_wait3A_200 = tpu.memref_squeeze %dma_wait3A_199 : memref<1x128xi32, #tpu.memory_space<vmem>> -> memref<128xi32, #tpu.memory_space<vmem>>
      %dma_wait3A_201 = arith.constant 0 : i32
      %dma_wait3A_202 = arith.constant 0 : i32
      %dma_wait3A_203 = tpu.memref_slice %arg26[%dma_wait3A_201, %dma_wait3A_202] : memref<10240x16xf32, #tpu.memory_space<vmem_shared>> -> memref<10240x16xf32, #tpu.memory_space<vmem_shared>>
      tpu.wait_indirect_dma semaphore(%arg27 : memref<!tpu.dma_semaphore, #tpu.memory_space<semaphore_mem>>) src(%dma_wait3A_203 : memref<10240x16xf32, #tpu.memory_space<vmem_shared>>) dst(%arg11 : memref<128x16xf32, #tpu.memory_space<vmem>>)
      %mul3A_204 = arith.constant 8 : i32
      %mul3A_205 = arith.muli %add3A_164, %mul3A_204 : i32
      %add3A_206 = arith.constant 4 : i32
      %add3A_207 = arith.addi %mul3A_205, %add3A_206 : i32
      %dma_wait3A_208 = arith.constant 0 : i32
      %dma_wait3A_209 = tpu.memref_slice %arg6[%add3A_207, %dma_wait3A_208] : memref<80x128xi32, #tpu.memory_space<vmem>> -> memref<1x128xi32, #tpu.memory_space<vmem>>
      %dma_wait3A_210 = tpu.memref_squeeze %dma_wait3A_209 : memref<1x128xi32, #tpu.memory_space<vmem>> -> memref<128xi32, #tpu.memory_space<vmem>>
      %dma_wait3A_211 = arith.constant 0 : i32
      %dma_wait3A_212 = arith.constant 0 : i32
      %dma_wait3A_213 = tpu.memref_slice %arg26[%dma_wait3A_211, %dma_wait3A_212] : memref<10240x16xf32, #tpu.memory_space<vmem_shared>> -> memref<10240x16xf32, #tpu.memory_space<vmem_shared>>
      tpu.wait_indirect_dma semaphore(%arg27 : memref<!tpu.dma_semaphore, #tpu.memory_space<semaphore_mem>>) src(%dma_wait3A_213 : memref<10240x16xf32, #tpu.memory_space<vmem_shared>>) dst(%arg12 : memref<128x16xf32, #tpu.memory_space<vmem>>)
      %mul3A_214 = arith.constant 8 : i32
      %mul3A_215 = arith.muli %add3A_164, %mul3A_214 : i32
      %add3A_216 = arith.constant 5 : i32
      %add3A_217 = arith.addi %mul3A_215, %add3A_216 : i32
      %dma_wait3A_218 = arith.constant 0 : i32
      %dma_wait3A_219 = tpu.memref_slice %arg6[%add3A_217, %dma_wait3A_218] : memref<80x128xi32, #tpu.memory_space<vmem>> -> memref<1x128xi32, #tpu.memory_space<vmem>>
      %dma_wait3A_220 = tpu.memref_squeeze %dma_wait3A_219 : memref<1x128xi32, #tpu.memory_space<vmem>> -> memref<128xi32, #tpu.memory_space<vmem>>
      %dma_wait3A_221 = arith.constant 0 : i32
      %dma_wait3A_222 = arith.constant 0 : i32
      %dma_wait3A_223 = tpu.memref_slice %arg26[%dma_wait3A_221, %dma_wait3A_222] : memref<10240x16xf32, #tpu.memory_space<vmem_shared>> -> memref<10240x16xf32, #tpu.memory_space<vmem_shared>>
      tpu.wait_indirect_dma semaphore(%arg27 : memref<!tpu.dma_semaphore, #tpu.memory_space<semaphore_mem>>) src(%dma_wait3A_223 : memref<10240x16xf32, #tpu.memory_space<vmem_shared>>) dst(%arg13 : memref<128x16xf32, #tpu.memory_space<vmem>>)
      %mul3A_224 = arith.constant 8 : i32
      %mul3A_225 = arith.muli %add3A_164, %mul3A_224 : i32
      %add3A_226 = arith.constant 6 : i32
      %add3A_227 = arith.addi %mul3A_225, %add3A_226 : i32
      %dma_wait3A_228 = arith.constant 0 : i32
      %dma_wait3A_229 = tpu.memref_slice %arg6[%add3A_227, %dma_wait3A_228] : memref<80x128xi32, #tpu.memory_space<vmem>> -> memref<1x128xi32, #tpu.memory_space<vmem>>
      %dma_wait3A_230 = tpu.memref_squeeze %dma_wait3A_229 : memref<1x128xi32, #tpu.memory_space<vmem>> -> memref<128xi32, #tpu.memory_space<vmem>>
      %dma_wait3A_231 = arith.constant 0 : i32
      %dma_wait3A_232 = arith.constant 0 : i32
      %dma_wait3A_233 = tpu.memref_slice %arg26[%dma_wait3A_231, %dma_wait3A_232] : memref<10240x16xf32, #tpu.memory_space<vmem_shared>> -> memref<10240x16xf32, #tpu.memory_space<vmem_shared>>
      tpu.wait_indirect_dma semaphore(%arg27 : memref<!tpu.dma_semaphore, #tpu.memory_space<semaphore_mem>>) src(%dma_wait3A_233 : memref<10240x16xf32, #tpu.memory_space<vmem_shared>>) dst(%arg14 : memref<128x16xf32, #tpu.memory_space<vmem>>)
      %mul3A_234 = arith.constant 8 : i32
      %mul3A_235 = arith.muli %add3A_164, %mul3A_234 : i32
      %add3A_236 = arith.constant 7 : i32
      %add3A_237 = arith.addi %mul3A_235, %add3A_236 : i32
      %dma_wait3A_238 = arith.constant 0 : i32
      %dma_wait3A_239 = tpu.memref_slice %arg6[%add3A_237, %dma_wait3A_238] : memref<80x128xi32, #tpu.memory_space<vmem>> -> memref<1x128xi32, #tpu.memory_space<vmem>>
      %dma_wait3A_240 = tpu.memref_squeeze %dma_wait3A_239 : memref<1x128xi32, #tpu.memory_space<vmem>> -> memref<128xi32, #tpu.memory_space<vmem>>
      %dma_wait3A_241 = arith.constant 0 : i32
      %dma_wait3A_242 = arith.constant 0 : i32
      %dma_wait3A_243 = tpu.memref_slice %arg26[%dma_wait3A_241, %dma_wait3A_242] : memref<10240x16xf32, #tpu.memory_space<vmem_shared>> -> memref<10240x16xf32, #tpu.memory_space<vmem_shared>>
      tpu.wait_indirect_dma semaphore(%arg27 : memref<!tpu.dma_semaphore, #tpu.memory_space<semaphore_mem>>) src(%dma_wait3A_243 : memref<10240x16xf32, #tpu.memory_space<vmem_shared>>) dst(%arg15 : memref<128x16xf32, #tpu.memory_space<vmem>>)
      %mul3A_244 = arith.constant 8 : i32
      %mul3A_245 = arith.muli %add3A_164, %mul3A_244 : i32
      %add3A_246 = arith.constant 0 : i32
      %add3A_247 = arith.addi %mul3A_245, %add3A_246 : i32
      %dma_start3A_248 = arith.constant 0 : i32
      %dma_start3A_249 = tpu.memref_slice %arg7[%add3A_247, %dma_start3A_248] : memref<80x128xi32, #tpu.memory_space<vmem>> -> memref<1x128xi32, #tpu.memory_space<vmem>>
      %dma_start3A_250 = tpu.memref_squeeze %dma_start3A_249 : memref<1x128xi32, #tpu.memory_space<vmem>> -> memref<128xi32, #tpu.memory_space<vmem>>
      %dma_start3A_251 = arith.constant 0 : i32
      %dma_start3A_252 = arith.constant 0 : i32
      %dma_start3A_253 = tpu.memref_slice %arg25[%dma_start3A_251, %dma_start3A_252] : memref<10240x16xf32, #tpu.memory_space<vmem_shared>> -> memref<10240x16xf32, #tpu.memory_space<vmem_shared>>
      tpu.enqueue_indirect_dma source(%arg8 : memref<128x16xf32, #tpu.memory_space<vmem>>) target(%dma_start3A_253 : memref<10240x16xf32, #tpu.memory_space<vmem_shared>>) offsets(%dma_start3A_250 : memref<128xi32, #tpu.memory_space<vmem>>) semaphore(%arg29 : memref<!tpu.dma_semaphore, #tpu.memory_space<semaphore_mem>>) {add = true}
      %mul3A_254 = arith.constant 8 : i32
      %mul3A_255 = arith.muli %add3A_164, %mul3A_254 : i32
      %add3A_256 = arith.constant 1 : i32
      %add3A_257 = arith.addi %mul3A_255, %add3A_256 : i32
      %dma_start3A_258 = arith.constant 0 : i32
      %dma_start3A_259 = tpu.memref_slice %arg7[%add3A_257, %dma_start3A_258] : memref<80x128xi32, #tpu.memory_space<vmem>> -> memref<1x128xi32, #tpu.memory_space<vmem>>
      %dma_start3A_260 = tpu.memref_squeeze %dma_start3A_259 : memref<1x128xi32, #tpu.memory_space<vmem>> -> memref<128xi32, #tpu.memory_space<vmem>>
      %dma_start3A_261 = arith.constant 0 : i32
      %dma_start3A_262 = arith.constant 0 : i32
      %dma_start3A_263 = tpu.memref_slice %arg25[%dma_start3A_261, %dma_start3A_262] : memref<10240x16xf32, #tpu.memory_space<vmem_shared>> -> memref<10240x16xf32, #tpu.memory_space<vmem_shared>>
      tpu.enqueue_indirect_dma source(%arg9 : memref<128x16xf32, #tpu.memory_space<vmem>>) target(%dma_start3A_263 : memref<10240x16xf32, #tpu.memory_space<vmem_shared>>) offsets(%dma_start3A_260 : memref<128xi32, #tpu.memory_space<vmem>>) semaphore(%arg29 : memref<!tpu.dma_semaphore, #tpu.memory_space<semaphore_mem>>) {add = true}
      %mul3A_264 = arith.constant 8 : i32
      %mul3A_265 = arith.muli %add3A_164, %mul3A_264 : i32
      %add3A_266 = arith.constant 2 : i32
      %add3A_267 = arith.addi %mul3A_265, %add3A_266 : i32
      %dma_start3A_268 = arith.constant 0 : i32
      %dma_start3A_269 = tpu.memref_slice %arg7[%add3A_267, %dma_start3A_268] : memref<80x128xi32, #tpu.memory_space<vmem>> -> memref<1x128xi32, #tpu.memory_space<vmem>>
      %dma_start3A_270 = tpu.memref_squeeze %dma_start3A_269 : memref<1x128xi32, #tpu.memory_space<vmem>> -> memref<128xi32, #tpu.memory_space<vmem>>
      %dma_start3A_271 = arith.constant 0 : i32
      %dma_start3A_272 = arith.constant 0 : i32
      %dma_start3A_273 = tpu.memref_slice %arg25[%dma_start3A_271, %dma_start3A_272] : memref<10240x16xf32, #tpu.memory_space<vmem_shared>> -> memref<10240x16xf32, #tpu.memory_space<vmem_shared>>
      tpu.enqueue_indirect_dma source(%arg10 : memref<128x16xf32, #tpu.memory_space<vmem>>) target(%dma_start3A_273 : memref<10240x16xf32, #tpu.memory_space<vmem_shared>>) offsets(%dma_start3A_270 : memref<128xi32, #tpu.memory_space<vmem>>) semaphore(%arg29 : memref<!tpu.dma_semaphore, #tpu.memory_space<semaphore_mem>>) {add = true}
      %mul3A_274 = arith.constant 8 : i32
      %mul3A_275 = arith.muli %add3A_164, %mul3A_274 : i32
      %add3A_276 = arith.constant 3 : i32
      %add3A_277 = arith.addi %mul3A_275, %add3A_276 : i32
      %dma_start3A_278 = arith.constant 0 : i32
      %dma_start3A_279 = tpu.memref_slice %arg7[%add3A_277, %dma_start3A_278] : memref<80x128xi32, #tpu.memory_space<vmem>> -> memref<1x128xi32, #tpu.memory_space<vmem>>
      %dma_start3A_280 = tpu.memref_squeeze %dma_start3A_279 : memref<1x128xi32, #tpu.memory_space<vmem>> -> memref<128xi32, #tpu.memory_space<vmem>>
      %dma_start3A_281 = arith.constant 0 : i32
      %dma_start3A_282 = arith.constant 0 : i32
      %dma_start3A_283 = tpu.memref_slice %arg25[%dma_start3A_281, %dma_start3A_282] : memref<10240x16xf32, #tpu.memory_space<vmem_shared>> -> memref<10240x16xf32, #tpu.memory_space<vmem_shared>>
      tpu.enqueue_indirect_dma source(%arg11 : memref<128x16xf32, #tpu.memory_space<vmem>>) target(%dma_start3A_283 : memref<10240x16xf32, #tpu.memory_space<vmem_shared>>) offsets(%dma_start3A_280 : memref<128xi32, #tpu.memory_space<vmem>>) semaphore(%arg29 : memref<!tpu.dma_semaphore, #tpu.memory_space<semaphore_mem>>) {add = true}
      %mul3A_284 = arith.constant 8 : i32
      %mul3A_285 = arith.muli %add3A_164, %mul3A_284 : i32
      %add3A_286 = arith.constant 4 : i32
      %add3A_287 = arith.addi %mul3A_285, %add3A_286 : i32
      %dma_start3A_288 = arith.constant 0 : i32
      %dma_start3A_289 = tpu.memref_slice %arg7[%add3A_287, %dma_start3A_288] : memref<80x128xi32, #tpu.memory_space<vmem>> -> memref<1x128xi32, #tpu.memory_space<vmem>>
      %dma_start3A_290 = tpu.memref_squeeze %dma_start3A_289 : memref<1x128xi32, #tpu.memory_space<vmem>> -> memref<128xi32, #tpu.memory_space<vmem>>
      %dma_start3A_291 = arith.constant 0 : i32
      %dma_start3A_292 = arith.constant 0 : i32
      %dma_start3A_293 = tpu.memref_slice %arg25[%dma_start3A_291, %dma_start3A_292] : memref<10240x16xf32, #tpu.memory_space<vmem_shared>> -> memref<10240x16xf32, #tpu.memory_space<vmem_shared>>
      tpu.enqueue_indirect_dma source(%arg12 : memref<128x16xf32, #tpu.memory_space<vmem>>) target(%dma_start3A_293 : memref<10240x16xf32, #tpu.memory_space<vmem_shared>>) offsets(%dma_start3A_290 : memref<128xi32, #tpu.memory_space<vmem>>) semaphore(%arg29 : memref<!tpu.dma_semaphore, #tpu.memory_space<semaphore_mem>>) {add = true}
      %mul3A_294 = arith.constant 8 : i32
      %mul3A_295 = arith.muli %add3A_164, %mul3A_294 : i32
      %add3A_296 = arith.constant 5 : i32
      %add3A_297 = arith.addi %mul3A_295, %add3A_296 : i32
      %dma_start3A_298 = arith.constant 0 : i32
      %dma_start3A_299 = tpu.memref_slice %arg7[%add3A_297, %dma_start3A_298] : memref<80x128xi32, #tpu.memory_space<vmem>> -> memref<1x128xi32, #tpu.memory_space<vmem>>
      %dma_start3A_300 = tpu.memref_squeeze %dma_start3A_299 : memref<1x128xi32, #tpu.memory_space<vmem>> -> memref<128xi32, #tpu.memory_space<vmem>>
      %dma_start3A_301 = arith.constant 0 : i32
      %dma_start3A_302 = arith.constant 0 : i32
      %dma_start3A_303 = tpu.memref_slice %arg25[%dma_start3A_301, %dma_start3A_302] : memref<10240x16xf32, #tpu.memory_space<vmem_shared>> -> memref<10240x16xf32, #tpu.memory_space<vmem_shared>>
      tpu.enqueue_indirect_dma source(%arg13 : memref<128x16xf32, #tpu.memory_space<vmem>>) target(%dma_start3A_303 : memref<10240x16xf32, #tpu.memory_space<vmem_shared>>) offsets(%dma_start3A_300 : memref<128xi32, #tpu.memory_space<vmem>>) semaphore(%arg29 : memref<!tpu.dma_semaphore, #tpu.memory_space<semaphore_mem>>) {add = true}
      %mul3A_304 = arith.constant 8 : i32
      %mul3A_305 = arith.muli %add3A_164, %mul3A_304 : i32
      %add3A_306 = arith.constant 6 : i32
      %add3A_307 = arith.addi %mul3A_305, %add3A_306 : i32
      %dma_start3A_308 = arith.constant 0 : i32
      %dma_start3A_309 = tpu.memref_slice %arg7[%add3A_307, %dma_start3A_308] : memref<80x128xi32, #tpu.memory_space<vmem>> -> memref<1x128xi32, #tpu.memory_space<vmem>>
      %dma_start3A_310 = tpu.memref_squeeze %dma_start3A_309 : memref<1x128xi32, #tpu.memory_space<vmem>> -> memref<128xi32, #tpu.memory_space<vmem>>
      %dma_start3A_311 = arith.constant 0 : i32
      %dma_start3A_312 = arith.constant 0 : i32
      %dma_start3A_313 = tpu.memref_slice %arg25[%dma_start3A_311, %dma_start3A_312] : memref<10240x16xf32, #tpu.memory_space<vmem_shared>> -> memref<10240x16xf32, #tpu.memory_space<vmem_shared>>
      tpu.enqueue_indirect_dma source(%arg14 : memref<128x16xf32, #tpu.memory_space<vmem>>) target(%dma_start3A_313 : memref<10240x16xf32, #tpu.memory_space<vmem_shared>>) offsets(%dma_start3A_310 : memref<128xi32, #tpu.memory_space<vmem>>) semaphore(%arg29 : memref<!tpu.dma_semaphore, #tpu.memory_space<semaphore_mem>>) {add = true}
      %mul3A_314 = arith.constant 8 : i32
      %mul3A_315 = arith.muli %add3A_164, %mul3A_314 : i32
      %add3A_316 = arith.constant 7 : i32
      %add3A_317 = arith.addi %mul3A_315, %add3A_316 : i32
      %dma_start3A_318 = arith.constant 0 : i32
      %dma_start3A_319 = tpu.memref_slice %arg7[%add3A_317, %dma_start3A_318] : memref<80x128xi32, #tpu.memory_space<vmem>> -> memref<1x128xi32, #tpu.memory_space<vmem>>
      %dma_start3A_320 = tpu.memref_squeeze %dma_start3A_319 : memref<1x128xi32, #tpu.memory_space<vmem>> -> memref<128xi32, #tpu.memory_space<vmem>>
      %dma_start3A_321 = arith.constant 0 : i32
      %dma_start3A_322 = arith.constant 0 : i32
      %dma_start3A_323 = tpu.memref_slice %arg25[%dma_start3A_321, %dma_start3A_322] : memref<10240x16xf32, #tpu.memory_space<vmem_shared>> -> memref<10240x16xf32, #tpu.memory_space<vmem_shared>>
      tpu.enqueue_indirect_dma source(%arg15 : memref<128x16xf32, #tpu.memory_space<vmem>>) target(%dma_start3A_323 : memref<10240x16xf32, #tpu.memory_space<vmem_shared>>) offsets(%dma_start3A_320 : memref<128xi32, #tpu.memory_space<vmem>>) semaphore(%arg29 : memref<!tpu.dma_semaphore, #tpu.memory_space<semaphore_mem>>) {add = true}
      %mul3A_324 = arith.constant 8 : i32
      %mul3A_325 = arith.muli %add3A_164, %mul3A_324 : i32
      %add3A_326 = arith.constant 0 : i32
      %add3A_327 = arith.addi %mul3A_325, %add3A_326 : i32
      %dma_wait3A_328 = arith.constant 0 : i32
      %dma_wait3A_329 = tpu.memref_slice %arg7[%add3A_327, %dma_wait3A_328] : memref<80x128xi32, #tpu.memory_space<vmem>> -> memref<1x128xi32, #tpu.memory_space<vmem>>
      %dma_wait3A_330 = tpu.memref_squeeze %dma_wait3A_329 : memref<1x128xi32, #tpu.memory_space<vmem>> -> memref<128xi32, #tpu.memory_space<vmem>>
      %dma_wait3A_331 = arith.constant 0 : i32
      %dma_wait3A_332 = arith.constant 0 : i32
      %dma_wait3A_333 = tpu.memref_slice %arg25[%dma_wait3A_331, %dma_wait3A_332] : memref<10240x16xf32, #tpu.memory_space<vmem_shared>> -> memref<10240x16xf32, #tpu.memory_space<vmem_shared>>
      tpu.wait_indirect_dma semaphore(%arg29 : memref<!tpu.dma_semaphore, #tpu.memory_space<semaphore_mem>>) src(%arg8 : memref<128x16xf32, #tpu.memory_space<vmem>>) dst(%dma_wait3A_333 : memref<10240x16xf32, #tpu.memory_space<vmem_shared>>)
      %mul3A_334 = arith.constant 8 : i32
      %mul3A_335 = arith.muli %add3A_164, %mul3A_334 : i32
      %add3A_336 = arith.constant 1 : i32
      %add3A_337 = arith.addi %mul3A_335, %add3A_336 : i32
      %dma_wait3A_338 = arith.constant 0 : i32
      %dma_wait3A_339 = tpu.memref_slice %arg7[%add3A_337, %dma_wait3A_338] : memref<80x128xi32, #tpu.memory_space<vmem>> -> memref<1x128xi32, #tpu.memory_space<vmem>>
      %dma_wait3A_340 = tpu.memref_squeeze %dma_wait3A_339 : memref<1x128xi32, #tpu.memory_space<vmem>> -> memref<128xi32, #tpu.memory_space<vmem>>
      %dma_wait3A_341 = arith.constant 0 : i32
      %dma_wait3A_342 = arith.constant 0 : i32
      %dma_wait3A_343 = tpu.memref_slice %arg25[%dma_wait3A_341, %dma_wait3A_342] : memref<10240x16xf32, #tpu.memory_space<vmem_shared>> -> memref<10240x16xf32, #tpu.memory_space<vmem_shared>>
      tpu.wait_indirect_dma semaphore(%arg29 : memref<!tpu.dma_semaphore, #tpu.memory_space<semaphore_mem>>) src(%arg9 : memref<128x16xf32, #tpu.memory_space<vmem>>) dst(%dma_wait3A_343 : memref<10240x16xf32, #tpu.memory_space<vmem_shared>>)
      %mul3A_344 = arith.constant 8 : i32
      %mul3A_345 = arith.muli %add3A_164, %mul3A_344 : i32
      %add3A_346 = arith.constant 2 : i32
      %add3A_347 = arith.addi %mul3A_345, %add3A_346 : i32
      %dma_wait3A_348 = arith.constant 0 : i32
      %dma_wait3A_349 = tpu.memref_slice %arg7[%add3A_347, %dma_wait3A_348] : memref<80x128xi32, #tpu.memory_space<vmem>> -> memref<1x128xi32, #tpu.memory_space<vmem>>
      %dma_wait3A_350 = tpu.memref_squeeze %dma_wait3A_349 : memref<1x128xi32, #tpu.memory_space<vmem>> -> memref<128xi32, #tpu.memory_space<vmem>>
      %dma_wait3A_351 = arith.constant 0 : i32
      %dma_wait3A_352 = arith.constant 0 : i32
      %dma_wait3A_353 = tpu.memref_slice %arg25[%dma_wait3A_351, %dma_wait3A_352] : memref<10240x16xf32, #tpu.memory_space<vmem_shared>> -> memref<10240x16xf32, #tpu.memory_space<vmem_shared>>
      tpu.wait_indirect_dma semaphore(%arg29 : memref<!tpu.dma_semaphore, #tpu.memory_space<semaphore_mem>>) src(%arg10 : memref<128x16xf32, #tpu.memory_space<vmem>>) dst(%dma_wait3A_353 : memref<10240x16xf32, #tpu.memory_space<vmem_shared>>)
      %mul3A_354 = arith.constant 8 : i32
      %mul3A_355 = arith.muli %add3A_164, %mul3A_354 : i32
      %add3A_356 = arith.constant 3 : i32
      %add3A_357 = arith.addi %mul3A_355, %add3A_356 : i32
      %dma_wait3A_358 = arith.constant 0 : i32
      %dma_wait3A_359 = tpu.memref_slice %arg7[%add3A_357, %dma_wait3A_358] : memref<80x128xi32, #tpu.memory_space<vmem>> -> memref<1x128xi32, #tpu.memory_space<vmem>>
      %dma_wait3A_360 = tpu.memref_squeeze %dma_wait3A_359 : memref<1x128xi32, #tpu.memory_space<vmem>> -> memref<128xi32, #tpu.memory_space<vmem>>
      %dma_wait3A_361 = arith.constant 0 : i32
      %dma_wait3A_362 = arith.constant 0 : i32
      %dma_wait3A_363 = tpu.memref_slice %arg25[%dma_wait3A_361, %dma_wait3A_362] : memref<10240x16xf32, #tpu.memory_space<vmem_shared>> -> memref<10240x16xf32, #tpu.memory_space<vmem_shared>>
      tpu.wait_indirect_dma semaphore(%arg29 : memref<!tpu.dma_semaphore, #tpu.memory_space<semaphore_mem>>) src(%arg11 : memref<128x16xf32, #tpu.memory_space<vmem>>) dst(%dma_wait3A_363 : memref<10240x16xf32, #tpu.memory_space<vmem_shared>>)
      %mul3A_364 = arith.constant 8 : i32
      %mul3A_365 = arith.muli %add3A_164, %mul3A_364 : i32
      %add3A_366 = arith.constant 4 : i32
      %add3A_367 = arith.addi %mul3A_365, %add3A_366 : i32
      %dma_wait3A_368 = arith.constant 0 : i32
      %dma_wait3A_369 = tpu.memref_slice %arg7[%add3A_367, %dma_wait3A_368] : memref<80x128xi32, #tpu.memory_space<vmem>> -> memref<1x128xi32, #tpu.memory_space<vmem>>
      %dma_wait3A_370 = tpu.memref_squeeze %dma_wait3A_369 : memref<1x128xi32, #tpu.memory_space<vmem>> -> memref<128xi32, #tpu.memory_space<vmem>>
      %dma_wait3A_371 = arith.constant 0 : i32
      %dma_wait3A_372 = arith.constant 0 : i32
      %dma_wait3A_373 = tpu.memref_slice %arg25[%dma_wait3A_371, %dma_wait3A_372] : memref<10240x16xf32, #tpu.memory_space<vmem_shared>> -> memref<10240x16xf32, #tpu.memory_space<vmem_shared>>
      tpu.wait_indirect_dma semaphore(%arg29 : memref<!tpu.dma_semaphore, #tpu.memory_space<semaphore_mem>>) src(%arg12 : memref<128x16xf32, #tpu.memory_space<vmem>>) dst(%dma_wait3A_373 : memref<10240x16xf32, #tpu.memory_space<vmem_shared>>)
      %mul3A_374 = arith.constant 8 : i32
      %mul3A_375 = arith.muli %add3A_164, %mul3A_374 : i32
      %add3A_376 = arith.constant 5 : i32
      %add3A_377 = arith.addi %mul3A_375, %add3A_376 : i32
      %dma_wait3A_378 = arith.constant 0 : i32
      %dma_wait3A_379 = tpu.memref_slice %arg7[%add3A_377, %dma_wait3A_378] : memref<80x128xi32, #tpu.memory_space<vmem>> -> memref<1x128xi32, #tpu.memory_space<vmem>>
      %dma_wait3A_380 = tpu.memref_squeeze %dma_wait3A_379 : memref<1x128xi32, #tpu.memory_space<vmem>> -> memref<128xi32, #tpu.memory_space<vmem>>
      %dma_wait3A_381 = arith.constant 0 : i32
      %dma_wait3A_382 = arith.constant 0 : i32
      %dma_wait3A_383 = tpu.memref_slice %arg25[%dma_wait3A_381, %dma_wait3A_382] : memref<10240x16xf32, #tpu.memory_space<vmem_shared>> -> memref<10240x16xf32, #tpu.memory_space<vmem_shared>>
      tpu.wait_indirect_dma semaphore(%arg29 : memref<!tpu.dma_semaphore, #tpu.memory_space<semaphore_mem>>) src(%arg13 : memref<128x16xf32, #tpu.memory_space<vmem>>) dst(%dma_wait3A_383 : memref<10240x16xf32, #tpu.memory_space<vmem_shared>>)
      %mul3A_384 = arith.constant 8 : i32
      %mul3A_385 = arith.muli %add3A_164, %mul3A_384 : i32
      %add3A_386 = arith.constant 6 : i32
      %add3A_387 = arith.addi %mul3A_385, %add3A_386 : i32
      %dma_wait3A_388 = arith.constant 0 : i32
      %dma_wait3A_389 = tpu.memref_slice %arg7[%add3A_387, %dma_wait3A_388] : memref<80x128xi32, #tpu.memory_space<vmem>> -> memref<1x128xi32, #tpu.memory_space<vmem>>
      %dma_wait3A_390 = tpu.memref_squeeze %dma_wait3A_389 : memref<1x128xi32, #tpu.memory_space<vmem>> -> memref<128xi32, #tpu.memory_space<vmem>>
      %dma_wait3A_391 = arith.constant 0 : i32
      %dma_wait3A_392 = arith.constant 0 : i32
      %dma_wait3A_393 = tpu.memref_slice %arg25[%dma_wait3A_391, %dma_wait3A_392] : memref<10240x16xf32, #tpu.memory_space<vmem_shared>> -> memref<10240x16xf32, #tpu.memory_space<vmem_shared>>
      tpu.wait_indirect_dma semaphore(%arg29 : memref<!tpu.dma_semaphore, #tpu.memory_space<semaphore_mem>>) src(%arg14 : memref<128x16xf32, #tpu.memory_space<vmem>>) dst(%dma_wait3A_393 : memref<10240x16xf32, #tpu.memory_space<vmem_shared>>)
      %mul3A_394 = arith.constant 8 : i32
      %mul3A_395 = arith.muli %add3A_164, %mul3A_394 : i32
      %add3A_396 = arith.constant 7 : i32
      %add3A_397 = arith.addi %mul3A_395, %add3A_396 : i32
      %dma_wait3A_398 = arith.constant 0 : i32
      %dma_wait3A_399 = tpu.memref_slice %arg7[%add3A_397, %dma_wait3A_398] : memref<80x128xi32, #tpu.memory_space<vmem>> -> memref<1x128xi32, #tpu.memory_space<vmem>>
      %dma_wait3A_400 = tpu.memref_squeeze %dma_wait3A_399 : memref<1x128xi32, #tpu.memory_space<vmem>> -> memref<128xi32, #tpu.memory_space<vmem>>
      %dma_wait3A_401 = arith.constant 0 : i32
      %dma_wait3A_402 = arith.constant 0 : i32
      %dma_wait3A_403 = tpu.memref_slice %arg25[%dma_wait3A_401, %dma_wait3A_402] : memref<10240x16xf32, #tpu.memory_space<vmem_shared>> -> memref<10240x16xf32, #tpu.memory_space<vmem_shared>>
      tpu.wait_indirect_dma semaphore(%arg29 : memref<!tpu.dma_semaphore, #tpu.memory_space<semaphore_mem>>) src(%arg15 : memref<128x16xf32, #tpu.memory_space<vmem>>) dst(%dma_wait3A_403 : memref<10240x16xf32, #tpu.memory_space<vmem_shared>>)
      %add3A_404 = arith.constant 2 : i32
      %add3A_405 = arith.addi %add3A_164, %add3A_404 : i32
      %lt3A_406 = arith.constant 10 : i32
      %lt3A_407 = arith.cmpi slt, %add3A_405, %lt3A_406 : i32
      %convert_element_type3A_408 = arith.extui %lt3A_407 : i1 to i32
      %cond3A_409 = arith.constant 0 : i32
      %cond3A_410 = arith.cmpi ne, %convert_element_type3A_408, %cond3A_409 : i32
      scf.if %cond3A_410 {
        %add3A_663 = arith.constant 2 : i32
        %add3A_664 = arith.addi %add3A_164, %add3A_663 : i32
        %mul3A_665 = arith.constant 8 : i32
        %mul3A_666 = arith.muli %add3A_664, %mul3A_665 : i32
        %add3A_667 = arith.constant 0 : i32
        %add3A_668 = arith.addi %mul3A_666, %add3A_667 : i32
        %dma_start3A_669 = arith.constant 0 : i32
        %dma_start3A_670 = tpu.memref_slice %arg6[%add3A_668, %dma_start3A_669] : memref<80x128xi32, #tpu.memory_space<vmem>> -> memref<1x128xi32, #tpu.memory_space<vmem>>
        %dma_start3A_671 = tpu.memref_squeeze %dma_start3A_670 : memref<1x128xi32, #tpu.memory_space<vmem>> -> memref<128xi32, #tpu.memory_space<vmem>>
        %dma_start3A_672 = arith.constant 0 : i32
        %dma_start3A_673 = arith.constant 0 : i32
        %dma_start3A_674 = tpu.memref_slice %arg26[%dma_start3A_672, %dma_start3A_673] : memref<10240x16xf32, #tpu.memory_space<vmem_shared>> -> memref<10240x16xf32, #tpu.memory_space<vmem_shared>>
        tpu.enqueue_indirect_dma source(%dma_start3A_674 : memref<10240x16xf32, #tpu.memory_space<vmem_shared>>) target(%arg8 : memref<128x16xf32, #tpu.memory_space<vmem>>) offsets(%dma_start3A_671 : memref<128xi32, #tpu.memory_space<vmem>>) semaphore(%arg27 : memref<!tpu.dma_semaphore, #tpu.memory_space<semaphore_mem>>)
        %add3A_675 = arith.constant 2 : i32
        %add3A_676 = arith.addi %add3A_164, %add3A_675 : i32
        %mul3A_677 = arith.constant 8 : i32
        %mul3A_678 = arith.muli %add3A_676, %mul3A_677 : i32
        %add3A_679 = arith.constant 1 : i32
        %add3A_680 = arith.addi %mul3A_678, %add3A_679 : i32
        %dma_start3A_681 = arith.constant 0 : i32
        %dma_start3A_682 = tpu.memref_slice %arg6[%add3A_680, %dma_start3A_681] : memref<80x128xi32, #tpu.memory_space<vmem>> -> memref<1x128xi32, #tpu.memory_space<vmem>>
        %dma_start3A_683 = tpu.memref_squeeze %dma_start3A_682 : memref<1x128xi32, #tpu.memory_space<vmem>> -> memref<128xi32, #tpu.memory_space<vmem>>
        %dma_start3A_684 = arith.constant 0 : i32
        %dma_start3A_685 = arith.constant 0 : i32
        %dma_start3A_686 = tpu.memref_slice %arg26[%dma_start3A_684, %dma_start3A_685] : memref<10240x16xf32, #tpu.memory_space<vmem_shared>> -> memref<10240x16xf32, #tpu.memory_space<vmem_shared>>
        tpu.enqueue_indirect_dma source(%dma_start3A_686 : memref<10240x16xf32, #tpu.memory_space<vmem_shared>>) target(%arg9 : memref<128x16xf32, #tpu.memory_space<vmem>>) offsets(%dma_start3A_683 : memref<128xi32, #tpu.memory_space<vmem>>) semaphore(%arg27 : memref<!tpu.dma_semaphore, #tpu.memory_space<semaphore_mem>>)
        %add3A_687 = arith.constant 2 : i32
        %add3A_688 = arith.addi %add3A_164, %add3A_687 : i32
        %mul3A_689 = arith.constant 8 : i32
        %mul3A_690 = arith.muli %add3A_688, %mul3A_689 : i32
        %add3A_691 = arith.constant 2 : i32
        %add3A_692 = arith.addi %mul3A_690, %add3A_691 : i32
        %dma_start3A_693 = arith.constant 0 : i32
        %dma_start3A_694 = tpu.memref_slice %arg6[%add3A_692, %dma_start3A_693] : memref<80x128xi32, #tpu.memory_space<vmem>> -> memref<1x128xi32, #tpu.memory_space<vmem>>
        %dma_start3A_695 = tpu.memref_squeeze %dma_start3A_694 : memref<1x128xi32, #tpu.memory_space<vmem>> -> memref<128xi32, #tpu.memory_space<vmem>>
        %dma_start3A_696 = arith.constant 0 : i32
        %dma_start3A_697 = arith.constant 0 : i32
        %dma_start3A_698 = tpu.memref_slice %arg26[%dma_start3A_696, %dma_start3A_697] : memref<10240x16xf32, #tpu.memory_space<vmem_shared>> -> memref<10240x16xf32, #tpu.memory_space<vmem_shared>>
        tpu.enqueue_indirect_dma source(%dma_start3A_698 : memref<10240x16xf32, #tpu.memory_space<vmem_shared>>) target(%arg10 : memref<128x16xf32, #tpu.memory_space<vmem>>) offsets(%dma_start3A_695 : memref<128xi32, #tpu.memory_space<vmem>>) semaphore(%arg27 : memref<!tpu.dma_semaphore, #tpu.memory_space<semaphore_mem>>)
        %add3A_699 = arith.constant 2 : i32
        %add3A_700 = arith.addi %add3A_164, %add3A_699 : i32
        %mul3A_701 = arith.constant 8 : i32
        %mul3A_702 = arith.muli %add3A_700, %mul3A_701 : i32
        %add3A_703 = arith.constant 3 : i32
        %add3A_704 = arith.addi %mul3A_702, %add3A_703 : i32
        %dma_start3A_705 = arith.constant 0 : i32
        %dma_start3A_706 = tpu.memref_slice %arg6[%add3A_704, %dma_start3A_705] : memref<80x128xi32, #tpu.memory_space<vmem>> -> memref<1x128xi32, #tpu.memory_space<vmem>>
        %dma_start3A_707 = tpu.memref_squeeze %dma_start3A_706 : memref<1x128xi32, #tpu.memory_space<vmem>> -> memref<128xi32, #tpu.memory_space<vmem>>
        %dma_start3A_708 = arith.constant 0 : i32
        %dma_start3A_709 = arith.constant 0 : i32
        %dma_start3A_710 = tpu.memref_slice %arg26[%dma_start3A_708, %dma_start3A_709] : memref<10240x16xf32, #tpu.memory_space<vmem_shared>> -> memref<10240x16xf32, #tpu.memory_space<vmem_shared>>
        tpu.enqueue_indirect_dma source(%dma_start3A_710 : memref<10240x16xf32, #tpu.memory_space<vmem_shared>>) target(%arg11 : memref<128x16xf32, #tpu.memory_space<vmem>>) offsets(%dma_start3A_707 : memref<128xi32, #tpu.memory_space<vmem>>) semaphore(%arg27 : memref<!tpu.dma_semaphore, #tpu.memory_space<semaphore_mem>>)
        %add3A_711 = arith.constant 2 : i32
        %add3A_712 = arith.addi %add3A_164, %add3A_711 : i32
        %mul3A_713 = arith.constant 8 : i32
        %mul3A_714 = arith.muli %add3A_712, %mul3A_713 : i32
        %add3A_715 = arith.constant 4 : i32
        %add3A_716 = arith.addi %mul3A_714, %add3A_715 : i32
        %dma_start3A_717 = arith.constant 0 : i32
        %dma_start3A_718 = tpu.memref_slice %arg6[%add3A_716, %dma_start3A_717] : memref<80x128xi32, #tpu.memory_space<vmem>> -> memref<1x128xi32, #tpu.memory_space<vmem>>
        %dma_start3A_719 = tpu.memref_squeeze %dma_start3A_718 : memref<1x128xi32, #tpu.memory_space<vmem>> -> memref<128xi32, #tpu.memory_space<vmem>>
        %dma_start3A_720 = arith.constant 0 : i32
        %dma_start3A_721 = arith.constant 0 : i32
        %dma_start3A_722 = tpu.memref_slice %arg26[%dma_start3A_720, %dma_start3A_721] : memref<10240x16xf32, #tpu.memory_space<vmem_shared>> -> memref<10240x16xf32, #tpu.memory_space<vmem_shared>>
        tpu.enqueue_indirect_dma source(%dma_start3A_722 : memref<10240x16xf32, #tpu.memory_space<vmem_shared>>) target(%arg12 : memref<128x16xf32, #tpu.memory_space<vmem>>) offsets(%dma_start3A_719 : memref<128xi32, #tpu.memory_space<vmem>>) semaphore(%arg27 : memref<!tpu.dma_semaphore, #tpu.memory_space<semaphore_mem>>)
        %add3A_723 = arith.constant 2 : i32
        %add3A_724 = arith.addi %add3A_164, %add3A_723 : i32
        %mul3A_725 = arith.constant 8 : i32
        %mul3A_726 = arith.muli %add3A_724, %mul3A_725 : i32
        %add3A_727 = arith.constant 5 : i32
        %add3A_728 = arith.addi %mul3A_726, %add3A_727 : i32
        %dma_start3A_729 = arith.constant 0 : i32
        %dma_start3A_730 = tpu.memref_slice %arg6[%add3A_728, %dma_start3A_729] : memref<80x128xi32, #tpu.memory_space<vmem>> -> memref<1x128xi32, #tpu.memory_space<vmem>>
        %dma_start3A_731 = tpu.memref_squeeze %dma_start3A_730 : memref<1x128xi32, #tpu.memory_space<vmem>> -> memref<128xi32, #tpu.memory_space<vmem>>
        %dma_start3A_732 = arith.constant 0 : i32
        %dma_start3A_733 = arith.constant 0 : i32
        %dma_start3A_734 = tpu.memref_slice %arg26[%dma_start3A_732, %dma_start3A_733] : memref<10240x16xf32, #tpu.memory_space<vmem_shared>> -> memref<10240x16xf32, #tpu.memory_space<vmem_shared>>
        tpu.enqueue_indirect_dma source(%dma_start3A_734 : memref<10240x16xf32, #tpu.memory_space<vmem_shared>>) target(%arg13 : memref<128x16xf32, #tpu.memory_space<vmem>>) offsets(%dma_start3A_731 : memref<128xi32, #tpu.memory_space<vmem>>) semaphore(%arg27 : memref<!tpu.dma_semaphore, #tpu.memory_space<semaphore_mem>>)
        %add3A_735 = arith.constant 2 : i32
        %add3A_736 = arith.addi %add3A_164, %add3A_735 : i32
        %mul3A_737 = arith.constant 8 : i32
        %mul3A_738 = arith.muli %add3A_736, %mul3A_737 : i32
        %add3A_739 = arith.constant 6 : i32
        %add3A_740 = arith.addi %mul3A_738, %add3A_739 : i32
        %dma_start3A_741 = arith.constant 0 : i32
        %dma_start3A_742 = tpu.memref_slice %arg6[%add3A_740, %dma_start3A_741] : memref<80x128xi32, #tpu.memory_space<vmem>> -> memref<1x128xi32, #tpu.memory_space<vmem>>
        %dma_start3A_743 = tpu.memref_squeeze %dma_start3A_742 : memref<1x128xi32, #tpu.memory_space<vmem>> -> memref<128xi32, #tpu.memory_space<vmem>>
        %dma_start3A_744 = arith.constant 0 : i32
        %dma_start3A_745 = arith.constant 0 : i32
        %dma_start3A_746 = tpu.memref_slice %arg26[%dma_start3A_744, %dma_start3A_745] : memref<10240x16xf32, #tpu.memory_space<vmem_shared>> -> memref<10240x16xf32, #tpu.memory_space<vmem_shared>>
        tpu.enqueue_indirect_dma source(%dma_start3A_746 : memref<10240x16xf32, #tpu.memory_space<vmem_shared>>) target(%arg14 : memref<128x16xf32, #tpu.memory_space<vmem>>) offsets(%dma_start3A_743 : memref<128xi32, #tpu.memory_space<vmem>>) semaphore(%arg27 : memref<!tpu.dma_semaphore, #tpu.memory_space<semaphore_mem>>)
        %add3A_747 = arith.constant 2 : i32
        %add3A_748 = arith.addi %add3A_164, %add3A_747 : i32
        %mul3A_749 = arith.constant 8 : i32
        %mul3A_750 = arith.muli %add3A_748, %mul3A_749 : i32
        %add3A_751 = arith.constant 7 : i32
        %add3A_752 = arith.addi %mul3A_750, %add3A_751 : i32
        %dma_start3A_753 = arith.constant 0 : i32
        %dma_start3A_754 = tpu.memref_slice %arg6[%add3A_752, %dma_start3A_753] : memref<80x128xi32, #tpu.memory_space<vmem>> -> memref<1x128xi32, #tpu.memory_space<vmem>>
        %dma_start3A_755 = tpu.memref_squeeze %dma_start3A_754 : memref<1x128xi32, #tpu.memory_space<vmem>> -> memref<128xi32, #tpu.memory_space<vmem>>
        %dma_start3A_756 = arith.constant 0 : i32
        %dma_start3A_757 = arith.constant 0 : i32
        %dma_start3A_758 = tpu.memref_slice %arg26[%dma_start3A_756, %dma_start3A_757] : memref<10240x16xf32, #tpu.memory_space<vmem_shared>> -> memref<10240x16xf32, #tpu.memory_space<vmem_shared>>
        tpu.enqueue_indirect_dma source(%dma_start3A_758 : memref<10240x16xf32, #tpu.memory_space<vmem_shared>>) target(%arg15 : memref<128x16xf32, #tpu.memory_space<vmem>>) offsets(%dma_start3A_755 : memref<128xi32, #tpu.memory_space<vmem>>) semaphore(%arg27 : memref<!tpu.dma_semaphore, #tpu.memory_space<semaphore_mem>>)
      } else {
      }
      %mul3A_411 = arith.constant 2 : i32
      %mul3A_412 = arith.muli %mul3A_411, %scan3A_159 : i32
      %add3A_413 = arith.constant 1 : i32
      %add3A_414 = arith.addi %mul3A_412, %add3A_413 : i32
      %mul3A_415 = arith.constant 8 : i32
      %mul3A_416 = arith.muli %add3A_414, %mul3A_415 : i32
      %add3A_417 = arith.constant 0 : i32
      %add3A_418 = arith.addi %mul3A_416, %add3A_417 : i32
      %dma_wait3A_419 = arith.constant 0 : i32
      %dma_wait3A_420 = tpu.memref_slice %arg6[%add3A_418, %dma_wait3A_419] : memref<80x128xi32, #tpu.memory_space<vmem>> -> memref<1x128xi32, #tpu.memory_space<vmem>>
      %dma_wait3A_421 = tpu.memref_squeeze %dma_wait3A_420 : memref<1x128xi32, #tpu.memory_space<vmem>> -> memref<128xi32, #tpu.memory_space<vmem>>
      %dma_wait3A_422 = arith.constant 0 : i32
      %dma_wait3A_423 = arith.constant 0 : i32
      %dma_wait3A_424 = tpu.memref_slice %arg26[%dma_wait3A_422, %dma_wait3A_423] : memref<10240x16xf32, #tpu.memory_space<vmem_shared>> -> memref<10240x16xf32, #tpu.memory_space<vmem_shared>>
      tpu.wait_indirect_dma semaphore(%arg28 : memref<!tpu.dma_semaphore, #tpu.memory_space<semaphore_mem>>) src(%dma_wait3A_424 : memref<10240x16xf32, #tpu.memory_space<vmem_shared>>) dst(%arg16 : memref<128x16xf32, #tpu.memory_space<vmem>>)
      %mul3A_425 = arith.constant 8 : i32
      %mul3A_426 = arith.muli %add3A_414, %mul3A_425 : i32
      %add3A_427 = arith.constant 1 : i32
      %add3A_428 = arith.addi %mul3A_426, %add3A_427 : i32
      %dma_wait3A_429 = arith.constant 0 : i32
      %dma_wait3A_430 = tpu.memref_slice %arg6[%add3A_428, %dma_wait3A_429] : memref<80x128xi32, #tpu.memory_space<vmem>> -> memref<1x128xi32, #tpu.memory_space<vmem>>
      %dma_wait3A_431 = tpu.memref_squeeze %dma_wait3A_430 : memref<1x128xi32, #tpu.memory_space<vmem>> -> memref<128xi32, #tpu.memory_space<vmem>>
      %dma_wait3A_432 = arith.constant 0 : i32
      %dma_wait3A_433 = arith.constant 0 : i32
      %dma_wait3A_434 = tpu.memref_slice %arg26[%dma_wait3A_432, %dma_wait3A_433] : memref<10240x16xf32, #tpu.memory_space<vmem_shared>> -> memref<10240x16xf32, #tpu.memory_space<vmem_shared>>
      tpu.wait_indirect_dma semaphore(%arg28 : memref<!tpu.dma_semaphore, #tpu.memory_space<semaphore_mem>>) src(%dma_wait3A_434 : memref<10240x16xf32, #tpu.memory_space<vmem_shared>>) dst(%arg17 : memref<128x16xf32, #tpu.memory_space<vmem>>)
      %mul3A_435 = arith.constant 8 : i32
      %mul3A_436 = arith.muli %add3A_414, %mul3A_435 : i32
      %add3A_437 = arith.constant 2 : i32
      %add3A_438 = arith.addi %mul3A_436, %add3A_437 : i32
      %dma_wait3A_439 = arith.constant 0 : i32
      %dma_wait3A_440 = tpu.memref_slice %arg6[%add3A_438, %dma_wait3A_439] : memref<80x128xi32, #tpu.memory_space<vmem>> -> memref<1x128xi32, #tpu.memory_space<vmem>>
      %dma_wait3A_441 = tpu.memref_squeeze %dma_wait3A_440 : memref<1x128xi32, #tpu.memory_space<vmem>> -> memref<128xi32, #tpu.memory_space<vmem>>
      %dma_wait3A_442 = arith.constant 0 : i32
      %dma_wait3A_443 = arith.constant 0 : i32
      %dma_wait3A_444 = tpu.memref_slice %arg26[%dma_wait3A_442, %dma_wait3A_443] : memref<10240x16xf32, #tpu.memory_space<vmem_shared>> -> memref<10240x16xf32, #tpu.memory_space<vmem_shared>>
      tpu.wait_indirect_dma semaphore(%arg28 : memref<!tpu.dma_semaphore, #tpu.memory_space<semaphore_mem>>) src(%dma_wait3A_444 : memref<10240x16xf32, #tpu.memory_space<vmem_shared>>) dst(%arg18 : memref<128x16xf32, #tpu.memory_space<vmem>>)
      %mul3A_445 = arith.constant 8 : i32
      %mul3A_446 = arith.muli %add3A_414, %mul3A_445 : i32
      %add3A_447 = arith.constant 3 : i32
      %add3A_448 = arith.addi %mul3A_446, %add3A_447 : i32
      %dma_wait3A_449 = arith.constant 0 : i32
      %dma_wait3A_450 = tpu.memref_slice %arg6[%add3A_448, %dma_wait3A_449] : memref<80x128xi32, #tpu.memory_space<vmem>> -> memref<1x128xi32, #tpu.memory_space<vmem>>
      %dma_wait3A_451 = tpu.memref_squeeze %dma_wait3A_450 : memref<1x128xi32, #tpu.memory_space<vmem>> -> memref<128xi32, #tpu.memory_space<vmem>>
      %dma_wait3A_452 = arith.constant 0 : i32
      %dma_wait3A_453 = arith.constant 0 : i32
      %dma_wait3A_454 = tpu.memref_slice %arg26[%dma_wait3A_452, %dma_wait3A_453] : memref<10240x16xf32, #tpu.memory_space<vmem_shared>> -> memref<10240x16xf32, #tpu.memory_space<vmem_shared>>
      tpu.wait_indirect_dma semaphore(%arg28 : memref<!tpu.dma_semaphore, #tpu.memory_space<semaphore_mem>>) src(%dma_wait3A_454 : memref<10240x16xf32, #tpu.memory_space<vmem_shared>>) dst(%arg19 : memref<128x16xf32, #tpu.memory_space<vmem>>)
      %mul3A_455 = arith.constant 8 : i32
      %mul3A_456 = arith.muli %add3A_414, %mul3A_455 : i32
      %add3A_457 = arith.constant 4 : i32
      %add3A_458 = arith.addi %mul3A_456, %add3A_457 : i32
      %dma_wait3A_459 = arith.constant 0 : i32
      %dma_wait3A_460 = tpu.memref_slice %arg6[%add3A_458, %dma_wait3A_459] : memref<80x128xi32, #tpu.memory_space<vmem>> -> memref<1x128xi32, #tpu.memory_space<vmem>>
      %dma_wait3A_461 = tpu.memref_squeeze %dma_wait3A_460 : memref<1x128xi32, #tpu.memory_space<vmem>> -> memref<128xi32, #tpu.memory_space<vmem>>
      %dma_wait3A_462 = arith.constant 0 : i32
      %dma_wait3A_463 = arith.constant 0 : i32
      %dma_wait3A_464 = tpu.memref_slice %arg26[%dma_wait3A_462, %dma_wait3A_463] : memref<10240x16xf32, #tpu.memory_space<vmem_shared>> -> memref<10240x16xf32, #tpu.memory_space<vmem_shared>>
      tpu.wait_indirect_dma semaphore(%arg28 : memref<!tpu.dma_semaphore, #tpu.memory_space<semaphore_mem>>) src(%dma_wait3A_464 : memref<10240x16xf32, #tpu.memory_space<vmem_shared>>) dst(%arg20 : memref<128x16xf32, #tpu.memory_space<vmem>>)
      %mul3A_465 = arith.constant 8 : i32
      %mul3A_466 = arith.muli %add3A_414, %mul3A_465 : i32
      %add3A_467 = arith.constant 5 : i32
      %add3A_468 = arith.addi %mul3A_466, %add3A_467 : i32
      %dma_wait3A_469 = arith.constant 0 : i32
      %dma_wait3A_470 = tpu.memref_slice %arg6[%add3A_468, %dma_wait3A_469] : memref<80x128xi32, #tpu.memory_space<vmem>> -> memref<1x128xi32, #tpu.memory_space<vmem>>
      %dma_wait3A_471 = tpu.memref_squeeze %dma_wait3A_470 : memref<1x128xi32, #tpu.memory_space<vmem>> -> memref<128xi32, #tpu.memory_space<vmem>>
      %dma_wait3A_472 = arith.constant 0 : i32
      %dma_wait3A_473 = arith.constant 0 : i32
      %dma_wait3A_474 = tpu.memref_slice %arg26[%dma_wait3A_472, %dma_wait3A_473] : memref<10240x16xf32, #tpu.memory_space<vmem_shared>> -> memref<10240x16xf32, #tpu.memory_space<vmem_shared>>
      tpu.wait_indirect_dma semaphore(%arg28 : memref<!tpu.dma_semaphore, #tpu.memory_space<semaphore_mem>>) src(%dma_wait3A_474 : memref<10240x16xf32, #tpu.memory_space<vmem_shared>>) dst(%arg21 : memref<128x16xf32, #tpu.memory_space<vmem>>)
      %mul3A_475 = arith.constant 8 : i32
      %mul3A_476 = arith.muli %add3A_414, %mul3A_475 : i32
      %add3A_477 = arith.constant 6 : i32
      %add3A_478 = arith.addi %mul3A_476, %add3A_477 : i32
      %dma_wait3A_479 = arith.constant 0 : i32
      %dma_wait3A_480 = tpu.memref_slice %arg6[%add3A_478, %dma_wait3A_479] : memref<80x128xi32, #tpu.memory_space<vmem>> -> memref<1x128xi32, #tpu.memory_space<vmem>>
      %dma_wait3A_481 = tpu.memref_squeeze %dma_wait3A_480 : memref<1x128xi32, #tpu.memory_space<vmem>> -> memref<128xi32, #tpu.memory_space<vmem>>
      %dma_wait3A_482 = arith.constant 0 : i32
      %dma_wait3A_483 = arith.constant 0 : i32
      %dma_wait3A_484 = tpu.memref_slice %arg26[%dma_wait3A_482, %dma_wait3A_483] : memref<10240x16xf32, #tpu.memory_space<vmem_shared>> -> memref<10240x16xf32, #tpu.memory_space<vmem_shared>>
      tpu.wait_indirect_dma semaphore(%arg28 : memref<!tpu.dma_semaphore, #tpu.memory_space<semaphore_mem>>) src(%dma_wait3A_484 : memref<10240x16xf32, #tpu.memory_space<vmem_shared>>) dst(%arg22 : memref<128x16xf32, #tpu.memory_space<vmem>>)
      %mul3A_485 = arith.constant 8 : i32
      %mul3A_486 = arith.muli %add3A_414, %mul3A_485 : i32
      %add3A_487 = arith.constant 7 : i32
      %add3A_488 = arith.addi %mul3A_486, %add3A_487 : i32
      %dma_wait3A_489 = arith.constant 0 : i32
      %dma_wait3A_490 = tpu.memref_slice %arg6[%add3A_488, %dma_wait3A_489] : memref<80x128xi32, #tpu.memory_space<vmem>> -> memref<1x128xi32, #tpu.memory_space<vmem>>
      %dma_wait3A_491 = tpu.memref_squeeze %dma_wait3A_490 : memref<1x128xi32, #tpu.memory_space<vmem>> -> memref<128xi32, #tpu.memory_space<vmem>>
      %dma_wait3A_492 = arith.constant 0 : i32
      %dma_wait3A_493 = arith.constant 0 : i32
      %dma_wait3A_494 = tpu.memref_slice %arg26[%dma_wait3A_492, %dma_wait3A_493] : memref<10240x16xf32, #tpu.memory_space<vmem_shared>> -> memref<10240x16xf32, #tpu.memory_space<vmem_shared>>
      tpu.wait_indirect_dma semaphore(%arg28 : memref<!tpu.dma_semaphore, #tpu.memory_space<semaphore_mem>>) src(%dma_wait3A_494 : memref<10240x16xf32, #tpu.memory_space<vmem_shared>>) dst(%arg23 : memref<128x16xf32, #tpu.memory_space<vmem>>)
      %mul3A_495 = arith.constant 8 : i32
      %mul3A_496 = arith.muli %add3A_414, %mul3A_495 : i32
      %add3A_497 = arith.constant 0 : i32
      %add3A_498 = arith.addi %mul3A_496, %add3A_497 : i32
      %dma_start3A_499 = arith.constant 0 : i32
      %dma_start3A_500 = tpu.memref_slice %arg7[%add3A_498, %dma_start3A_499] : memref<80x128xi32, #tpu.memory_space<vmem>> -> memref<1x128xi32, #tpu.memory_space<vmem>>
      %dma_start3A_501 = tpu.memref_squeeze %dma_start3A_500 : memref<1x128xi32, #tpu.memory_space<vmem>> -> memref<128xi32, #tpu.memory_space<vmem>>
      %dma_start3A_502 = arith.constant 0 : i32
      %dma_start3A_503 = arith.constant 0 : i32
      %dma_start3A_504 = tpu.memref_slice %arg25[%dma_start3A_502, %dma_start3A_503] : memref<10240x16xf32, #tpu.memory_space<vmem_shared>> -> memref<10240x16xf32, #tpu.memory_space<vmem_shared>>
      tpu.enqueue_indirect_dma source(%arg16 : memref<128x16xf32, #tpu.memory_space<vmem>>) target(%dma_start3A_504 : memref<10240x16xf32, #tpu.memory_space<vmem_shared>>) offsets(%dma_start3A_501 : memref<128xi32, #tpu.memory_space<vmem>>) semaphore(%arg30 : memref<!tpu.dma_semaphore, #tpu.memory_space<semaphore_mem>>) {add = true}
      %mul3A_505 = arith.constant 8 : i32
      %mul3A_506 = arith.muli %add3A_414, %mul3A_505 : i32
      %add3A_507 = arith.constant 1 : i32
      %add3A_508 = arith.addi %mul3A_506, %add3A_507 : i32
      %dma_start3A_509 = arith.constant 0 : i32
      %dma_start3A_510 = tpu.memref_slice %arg7[%add3A_508, %dma_start3A_509] : memref<80x128xi32, #tpu.memory_space<vmem>> -> memref<1x128xi32, #tpu.memory_space<vmem>>
      %dma_start3A_511 = tpu.memref_squeeze %dma_start3A_510 : memref<1x128xi32, #tpu.memory_space<vmem>> -> memref<128xi32, #tpu.memory_space<vmem>>
      %dma_start3A_512 = arith.constant 0 : i32
      %dma_start3A_513 = arith.constant 0 : i32
      %dma_start3A_514 = tpu.memref_slice %arg25[%dma_start3A_512, %dma_start3A_513] : memref<10240x16xf32, #tpu.memory_space<vmem_shared>> -> memref<10240x16xf32, #tpu.memory_space<vmem_shared>>
      tpu.enqueue_indirect_dma source(%arg17 : memref<128x16xf32, #tpu.memory_space<vmem>>) target(%dma_start3A_514 : memref<10240x16xf32, #tpu.memory_space<vmem_shared>>) offsets(%dma_start3A_511 : memref<128xi32, #tpu.memory_space<vmem>>) semaphore(%arg30 : memref<!tpu.dma_semaphore, #tpu.memory_space<semaphore_mem>>) {add = true}
      %mul3A_515 = arith.constant 8 : i32
      %mul3A_516 = arith.muli %add3A_414, %mul3A_515 : i32
      %add3A_517 = arith.constant 2 : i32
      %add3A_518 = arith.addi %mul3A_516, %add3A_517 : i32
      %dma_start3A_519 = arith.constant 0 : i32
      %dma_start3A_520 = tpu.memref_slice %arg7[%add3A_518, %dma_start3A_519] : memref<80x128xi32, #tpu.memory_space<vmem>> -> memref<1x128xi32, #tpu.memory_space<vmem>>
      %dma_start3A_521 = tpu.memref_squeeze %dma_start3A_520 : memref<1x128xi32, #tpu.memory_space<vmem>> -> memref<128xi32, #tpu.memory_space<vmem>>
      %dma_start3A_522 = arith.constant 0 : i32
      %dma_start3A_523 = arith.constant 0 : i32
      %dma_start3A_524 = tpu.memref_slice %arg25[%dma_start3A_522, %dma_start3A_523] : memref<10240x16xf32, #tpu.memory_space<vmem_shared>> -> memref<10240x16xf32, #tpu.memory_space<vmem_shared>>
      tpu.enqueue_indirect_dma source(%arg18 : memref<128x16xf32, #tpu.memory_space<vmem>>) target(%dma_start3A_524 : memref<10240x16xf32, #tpu.memory_space<vmem_shared>>) offsets(%dma_start3A_521 : memref<128xi32, #tpu.memory_space<vmem>>) semaphore(%arg30 : memref<!tpu.dma_semaphore, #tpu.memory_space<semaphore_mem>>) {add = true}
      %mul3A_525 = arith.constant 8 : i32
      %mul3A_526 = arith.muli %add3A_414, %mul3A_525 : i32
      %add3A_527 = arith.constant 3 : i32
      %add3A_528 = arith.addi %mul3A_526, %add3A_527 : i32
      %dma_start3A_529 = arith.constant 0 : i32
      %dma_start3A_530 = tpu.memref_slice %arg7[%add3A_528, %dma_start3A_529] : memref<80x128xi32, #tpu.memory_space<vmem>> -> memref<1x128xi32, #tpu.memory_space<vmem>>
      %dma_start3A_531 = tpu.memref_squeeze %dma_start3A_530 : memref<1x128xi32, #tpu.memory_space<vmem>> -> memref<128xi32, #tpu.memory_space<vmem>>
      %dma_start3A_532 = arith.constant 0 : i32
      %dma_start3A_533 = arith.constant 0 : i32
      %dma_start3A_534 = tpu.memref_slice %arg25[%dma_start3A_532, %dma_start3A_533] : memref<10240x16xf32, #tpu.memory_space<vmem_shared>> -> memref<10240x16xf32, #tpu.memory_space<vmem_shared>>
      tpu.enqueue_indirect_dma source(%arg19 : memref<128x16xf32, #tpu.memory_space<vmem>>) target(%dma_start3A_534 : memref<10240x16xf32, #tpu.memory_space<vmem_shared>>) offsets(%dma_start3A_531 : memref<128xi32, #tpu.memory_space<vmem>>) semaphore(%arg30 : memref<!tpu.dma_semaphore, #tpu.memory_space<semaphore_mem>>) {add = true}
      %mul3A_535 = arith.constant 8 : i32
      %mul3A_536 = arith.muli %add3A_414, %mul3A_535 : i32
      %add3A_537 = arith.constant 4 : i32
      %add3A_538 = arith.addi %mul3A_536, %add3A_537 : i32
      %dma_start3A_539 = arith.constant 0 : i32
      %dma_start3A_540 = tpu.memref_slice %arg7[%add3A_538, %dma_start3A_539] : memref<80x128xi32, #tpu.memory_space<vmem>> -> memref<1x128xi32, #tpu.memory_space<vmem>>
      %dma_start3A_541 = tpu.memref_squeeze %dma_start3A_540 : memref<1x128xi32, #tpu.memory_space<vmem>> -> memref<128xi32, #tpu.memory_space<vmem>>
      %dma_start3A_542 = arith.constant 0 : i32
      %dma_start3A_543 = arith.constant 0 : i32
      %dma_start3A_544 = tpu.memref_slice %arg25[%dma_start3A_542, %dma_start3A_543] : memref<10240x16xf32, #tpu.memory_space<vmem_shared>> -> memref<10240x16xf32, #tpu.memory_space<vmem_shared>>
      tpu.enqueue_indirect_dma source(%arg20 : memref<128x16xf32, #tpu.memory_space<vmem>>) target(%dma_start3A_544 : memref<10240x16xf32, #tpu.memory_space<vmem_shared>>) offsets(%dma_start3A_541 : memref<128xi32, #tpu.memory_space<vmem>>) semaphore(%arg30 : memref<!tpu.dma_semaphore, #tpu.memory_space<semaphore_mem>>) {add = true}
      %mul3A_545 = arith.constant 8 : i32
      %mul3A_546 = arith.muli %add3A_414, %mul3A_545 : i32
      %add3A_547 = arith.constant 5 : i32
      %add3A_548 = arith.addi %mul3A_546, %add3A_547 : i32
      %dma_start3A_549 = arith.constant 0 : i32
      %dma_start3A_550 = tpu.memref_slice %arg7[%add3A_548, %dma_start3A_549] : memref<80x128xi32, #tpu.memory_space<vmem>> -> memref<1x128xi32, #tpu.memory_space<vmem>>
      %dma_start3A_551 = tpu.memref_squeeze %dma_start3A_550 : memref<1x128xi32, #tpu.memory_space<vmem>> -> memref<128xi32, #tpu.memory_space<vmem>>
      %dma_start3A_552 = arith.constant 0 : i32
      %dma_start3A_553 = arith.constant 0 : i32
      %dma_start3A_554 = tpu.memref_slice %arg25[%dma_start3A_552, %dma_start3A_553] : memref<10240x16xf32, #tpu.memory_space<vmem_shared>> -> memref<10240x16xf32, #tpu.memory_space<vmem_shared>>
      tpu.enqueue_indirect_dma source(%arg21 : memref<128x16xf32, #tpu.memory_space<vmem>>) target(%dma_start3A_554 : memref<10240x16xf32, #tpu.memory_space<vmem_shared>>) offsets(%dma_start3A_551 : memref<128xi32, #tpu.memory_space<vmem>>) semaphore(%arg30 : memref<!tpu.dma_semaphore, #tpu.memory_space<semaphore_mem>>) {add = true}
      %mul3A_555 = arith.constant 8 : i32
      %mul3A_556 = arith.muli %add3A_414, %mul3A_555 : i32
      %add3A_557 = arith.constant 6 : i32
      %add3A_558 = arith.addi %mul3A_556, %add3A_557 : i32
      %dma_start3A_559 = arith.constant 0 : i32
      %dma_start3A_560 = tpu.memref_slice %arg7[%add3A_558, %dma_start3A_559] : memref<80x128xi32, #tpu.memory_space<vmem>> -> memref<1x128xi32, #tpu.memory_space<vmem>>
      %dma_start3A_561 = tpu.memref_squeeze %dma_start3A_560 : memref<1x128xi32, #tpu.memory_space<vmem>> -> memref<128xi32, #tpu.memory_space<vmem>>
      %dma_start3A_562 = arith.constant 0 : i32
      %dma_start3A_563 = arith.constant 0 : i32
      %dma_start3A_564 = tpu.memref_slice %arg25[%dma_start3A_562, %dma_start3A_563] : memref<10240x16xf32, #tpu.memory_space<vmem_shared>> -> memref<10240x16xf32, #tpu.memory_space<vmem_shared>>
      tpu.enqueue_indirect_dma source(%arg22 : memref<128x16xf32, #tpu.memory_space<vmem>>) target(%dma_start3A_564 : memref<10240x16xf32, #tpu.memory_space<vmem_shared>>) offsets(%dma_start3A_561 : memref<128xi32, #tpu.memory_space<vmem>>) semaphore(%arg30 : memref<!tpu.dma_semaphore, #tpu.memory_space<semaphore_mem>>) {add = true}
      %mul3A_565 = arith.constant 8 : i32
      %mul3A_566 = arith.muli %add3A_414, %mul3A_565 : i32
      %add3A_567 = arith.constant 7 : i32
      %add3A_568 = arith.addi %mul3A_566, %add3A_567 : i32
      %dma_start3A_569 = arith.constant 0 : i32
      %dma_start3A_570 = tpu.memref_slice %arg7[%add3A_568, %dma_start3A_569] : memref<80x128xi32, #tpu.memory_space<vmem>> -> memref<1x128xi32, #tpu.memory_space<vmem>>
      %dma_start3A_571 = tpu.memref_squeeze %dma_start3A_570 : memref<1x128xi32, #tpu.memory_space<vmem>> -> memref<128xi32, #tpu.memory_space<vmem>>
      %dma_start3A_572 = arith.constant 0 : i32
      %dma_start3A_573 = arith.constant 0 : i32
      %dma_start3A_574 = tpu.memref_slice %arg25[%dma_start3A_572, %dma_start3A_573] : memref<10240x16xf32, #tpu.memory_space<vmem_shared>> -> memref<10240x16xf32, #tpu.memory_space<vmem_shared>>
      tpu.enqueue_indirect_dma source(%arg23 : memref<128x16xf32, #tpu.memory_space<vmem>>) target(%dma_start3A_574 : memref<10240x16xf32, #tpu.memory_space<vmem_shared>>) offsets(%dma_start3A_571 : memref<128xi32, #tpu.memory_space<vmem>>) semaphore(%arg30 : memref<!tpu.dma_semaphore, #tpu.memory_space<semaphore_mem>>) {add = true}
      %mul3A_575 = arith.constant 8 : i32
      %mul3A_576 = arith.muli %add3A_414, %mul3A_575 : i32
      %add3A_577 = arith.constant 0 : i32
      %add3A_578 = arith.addi %mul3A_576, %add3A_577 : i32
      %dma_wait3A_579 = arith.constant 0 : i32
      %dma_wait3A_580 = tpu.memref_slice %arg7[%add3A_578, %dma_wait3A_579] : memref<80x128xi32, #tpu.memory_space<vmem>> -> memref<1x128xi32, #tpu.memory_space<vmem>>
      %dma_wait3A_581 = tpu.memref_squeeze %dma_wait3A_580 : memref<1x128xi32, #tpu.memory_space<vmem>> -> memref<128xi32, #tpu.memory_space<vmem>>
      %dma_wait3A_582 = arith.constant 0 : i32
      %dma_wait3A_583 = arith.constant 0 : i32
      %dma_wait3A_584 = tpu.memref_slice %arg25[%dma_wait3A_582, %dma_wait3A_583] : memref<10240x16xf32, #tpu.memory_space<vmem_shared>> -> memref<10240x16xf32, #tpu.memory_space<vmem_shared>>
      tpu.wait_indirect_dma semaphore(%arg30 : memref<!tpu.dma_semaphore, #tpu.memory_space<semaphore_mem>>) src(%arg16 : memref<128x16xf32, #tpu.memory_space<vmem>>) dst(%dma_wait3A_584 : memref<10240x16xf32, #tpu.memory_space<vmem_shared>>)
      %mul3A_585 = arith.constant 8 : i32
      %mul3A_586 = arith.muli %add3A_414, %mul3A_585 : i32
      %add3A_587 = arith.constant 1 : i32
      %add3A_588 = arith.addi %mul3A_586, %add3A_587 : i32
      %dma_wait3A_589 = arith.constant 0 : i32
      %dma_wait3A_590 = tpu.memref_slice %arg7[%add3A_588, %dma_wait3A_589] : memref<80x128xi32, #tpu.memory_space<vmem>> -> memref<1x128xi32, #tpu.memory_space<vmem>>
      %dma_wait3A_591 = tpu.memref_squeeze %dma_wait3A_590 : memref<1x128xi32, #tpu.memory_space<vmem>> -> memref<128xi32, #tpu.memory_space<vmem>>
      %dma_wait3A_592 = arith.constant 0 : i32
      %dma_wait3A_593 = arith.constant 0 : i32
      %dma_wait3A_594 = tpu.memref_slice %arg25[%dma_wait3A_592, %dma_wait3A_593] : memref<10240x16xf32, #tpu.memory_space<vmem_shared>> -> memref<10240x16xf32, #tpu.memory_space<vmem_shared>>
      tpu.wait_indirect_dma semaphore(%arg30 : memref<!tpu.dma_semaphore, #tpu.memory_space<semaphore_mem>>) src(%arg17 : memref<128x16xf32, #tpu.memory_space<vmem>>) dst(%dma_wait3A_594 : memref<10240x16xf32, #tpu.memory_space<vmem_shared>>)
      %mul3A_595 = arith.constant 8 : i32
      %mul3A_596 = arith.muli %add3A_414, %mul3A_595 : i32
      %add3A_597 = arith.constant 2 : i32
      %add3A_598 = arith.addi %mul3A_596, %add3A_597 : i32
      %dma_wait3A_599 = arith.constant 0 : i32
      %dma_wait3A_600 = tpu.memref_slice %arg7[%add3A_598, %dma_wait3A_599] : memref<80x128xi32, #tpu.memory_space<vmem>> -> memref<1x128xi32, #tpu.memory_space<vmem>>
      %dma_wait3A_601 = tpu.memref_squeeze %dma_wait3A_600 : memref<1x128xi32, #tpu.memory_space<vmem>> -> memref<128xi32, #tpu.memory_space<vmem>>
      %dma_wait3A_602 = arith.constant 0 : i32
      %dma_wait3A_603 = arith.constant 0 : i32
      %dma_wait3A_604 = tpu.memref_slice %arg25[%dma_wait3A_602, %dma_wait3A_603] : memref<10240x16xf32, #tpu.memory_space<vmem_shared>> -> memref<10240x16xf32, #tpu.memory_space<vmem_shared>>
      tpu.wait_indirect_dma semaphore(%arg30 : memref<!tpu.dma_semaphore, #tpu.memory_space<semaphore_mem>>) src(%arg18 : memref<128x16xf32, #tpu.memory_space<vmem>>) dst(%dma_wait3A_604 : memref<10240x16xf32, #tpu.memory_space<vmem_shared>>)
      %mul3A_605 = arith.constant 8 : i32
      %mul3A_606 = arith.muli %add3A_414, %mul3A_605 : i32
      %add3A_607 = arith.constant 3 : i32
      %add3A_608 = arith.addi %mul3A_606, %add3A_607 : i32
      %dma_wait3A_609 = arith.constant 0 : i32
      %dma_wait3A_610 = tpu.memref_slice %arg7[%add3A_608, %dma_wait3A_609] : memref<80x128xi32, #tpu.memory_space<vmem>> -> memref<1x128xi32, #tpu.memory_space<vmem>>
      %dma_wait3A_611 = tpu.memref_squeeze %dma_wait3A_610 : memref<1x128xi32, #tpu.memory_space<vmem>> -> memref<128xi32, #tpu.memory_space<vmem>>
      %dma_wait3A_612 = arith.constant 0 : i32
      %dma_wait3A_613 = arith.constant 0 : i32
      %dma_wait3A_614 = tpu.memref_slice %arg25[%dma_wait3A_612, %dma_wait3A_613] : memref<10240x16xf32, #tpu.memory_space<vmem_shared>> -> memref<10240x16xf32, #tpu.memory_space<vmem_shared>>
      tpu.wait_indirect_dma semaphore(%arg30 : memref<!tpu.dma_semaphore, #tpu.memory_space<semaphore_mem>>) src(%arg19 : memref<128x16xf32, #tpu.memory_space<vmem>>) dst(%dma_wait3A_614 : memref<10240x16xf32, #tpu.memory_space<vmem_shared>>)
      %mul3A_615 = arith.constant 8 : i32
      %mul3A_616 = arith.muli %add3A_414, %mul3A_615 : i32
      %add3A_617 = arith.constant 4 : i32
      %add3A_618 = arith.addi %mul3A_616, %add3A_617 : i32
      %dma_wait3A_619 = arith.constant 0 : i32
      %dma_wait3A_620 = tpu.memref_slice %arg7[%add3A_618, %dma_wait3A_619] : memref<80x128xi32, #tpu.memory_space<vmem>> -> memref<1x128xi32, #tpu.memory_space<vmem>>
      %dma_wait3A_621 = tpu.memref_squeeze %dma_wait3A_620 : memref<1x128xi32, #tpu.memory_space<vmem>> -> memref<128xi32, #tpu.memory_space<vmem>>
      %dma_wait3A_622 = arith.constant 0 : i32
      %dma_wait3A_623 = arith.constant 0 : i32
      %dma_wait3A_624 = tpu.memref_slice %arg25[%dma_wait3A_622, %dma_wait3A_623] : memref<10240x16xf32, #tpu.memory_space<vmem_shared>> -> memref<10240x16xf32, #tpu.memory_space<vmem_shared>>
      tpu.wait_indirect_dma semaphore(%arg30 : memref<!tpu.dma_semaphore, #tpu.memory_space<semaphore_mem>>) src(%arg20 : memref<128x16xf32, #tpu.memory_space<vmem>>) dst(%dma_wait3A_624 : memref<10240x16xf32, #tpu.memory_space<vmem_shared>>)
      %mul3A_625 = arith.constant 8 : i32
      %mul3A_626 = arith.muli %add3A_414, %mul3A_625 : i32
      %add3A_627 = arith.constant 5 : i32
      %add3A_628 = arith.addi %mul3A_626, %add3A_627 : i32
      %dma_wait3A_629 = arith.constant 0 : i32
      %dma_wait3A_630 = tpu.memref_slice %arg7[%add3A_628, %dma_wait3A_629] : memref<80x128xi32, #tpu.memory_space<vmem>> -> memref<1x128xi32, #tpu.memory_space<vmem>>
      %dma_wait3A_631 = tpu.memref_squeeze %dma_wait3A_630 : memref<1x128xi32, #tpu.memory_space<vmem>> -> memref<128xi32, #tpu.memory_space<vmem>>
      %dma_wait3A_632 = arith.constant 0 : i32
      %dma_wait3A_633 = arith.constant 0 : i32
      %dma_wait3A_634 = tpu.memref_slice %arg25[%dma_wait3A_632, %dma_wait3A_633] : memref<10240x16xf32, #tpu.memory_space<vmem_shared>> -> memref<10240x16xf32, #tpu.memory_space<vmem_shared>>
      tpu.wait_indirect_dma semaphore(%arg30 : memref<!tpu.dma_semaphore, #tpu.memory_space<semaphore_mem>>) src(%arg21 : memref<128x16xf32, #tpu.memory_space<vmem>>) dst(%dma_wait3A_634 : memref<10240x16xf32, #tpu.memory_space<vmem_shared>>)
      %mul3A_635 = arith.constant 8 : i32
      %mul3A_636 = arith.muli %add3A_414, %mul3A_635 : i32
      %add3A_637 = arith.constant 6 : i32
      %add3A_638 = arith.addi %mul3A_636, %add3A_637 : i32
      %dma_wait3A_639 = arith.constant 0 : i32
      %dma_wait3A_640 = tpu.memref_slice %arg7[%add3A_638, %dma_wait3A_639] : memref<80x128xi32, #tpu.memory_space<vmem>> -> memref<1x128xi32, #tpu.memory_space<vmem>>
      %dma_wait3A_641 = tpu.memref_squeeze %dma_wait3A_640 : memref<1x128xi32, #tpu.memory_space<vmem>> -> memref<128xi32, #tpu.memory_space<vmem>>
      %dma_wait3A_642 = arith.constant 0 : i32
      %dma_wait3A_643 = arith.constant 0 : i32
      %dma_wait3A_644 = tpu.memref_slice %arg25[%dma_wait3A_642, %dma_wait3A_643] : memref<10240x16xf32, #tpu.memory_space<vmem_shared>> -> memref<10240x16xf32, #tpu.memory_space<vmem_shared>>
      tpu.wait_indirect_dma semaphore(%arg30 : memref<!tpu.dma_semaphore, #tpu.memory_space<semaphore_mem>>) src(%arg22 : memref<128x16xf32, #tpu.memory_space<vmem>>) dst(%dma_wait3A_644 : memref<10240x16xf32, #tpu.memory_space<vmem_shared>>)
      %mul3A_645 = arith.constant 8 : i32
      %mul3A_646 = arith.muli %add3A_414, %mul3A_645 : i32
      %add3A_647 = arith.constant 7 : i32
      %add3A_648 = arith.addi %mul3A_646, %add3A_647 : i32
      %dma_wait3A_649 = arith.constant 0 : i32
      %dma_wait3A_650 = tpu.memref_slice %arg7[%add3A_648, %dma_wait3A_649] : memref<80x128xi32, #tpu.memory_space<vmem>> -> memref<1x128xi32, #tpu.memory_space<vmem>>
      %dma_wait3A_651 = tpu.memref_squeeze %dma_wait3A_650 : memref<1x128xi32, #tpu.memory_space<vmem>> -> memref<128xi32, #tpu.memory_space<vmem>>
      %dma_wait3A_652 = arith.constant 0 : i32
      %dma_wait3A_653 = arith.constant 0 : i32
      %dma_wait3A_654 = tpu.memref_slice %arg25[%dma_wait3A_652, %dma_wait3A_653] : memref<10240x16xf32, #tpu.memory_space<vmem_shared>> -> memref<10240x16xf32, #tpu.memory_space<vmem_shared>>
      tpu.wait_indirect_dma semaphore(%arg30 : memref<!tpu.dma_semaphore, #tpu.memory_space<semaphore_mem>>) src(%arg23 : memref<128x16xf32, #tpu.memory_space<vmem>>) dst(%dma_wait3A_654 : memref<10240x16xf32, #tpu.memory_space<vmem_shared>>)
      %add3A_655 = arith.constant 2 : i32
      %add3A_656 = arith.addi %add3A_414, %add3A_655 : i32
      %lt3A_657 = arith.constant 10 : i32
      %lt3A_658 = arith.cmpi slt, %add3A_656, %lt3A_657 : i32
      %convert_element_type3A_659 = arith.extui %lt3A_658 : i1 to i32
      %cond3A_660 = arith.constant 0 : i32
      %cond3A_661 = arith.cmpi ne, %convert_element_type3A_659, %cond3A_660 : i32
      scf.if %cond3A_661 {
        %add3A_663 = arith.constant 2 : i32
        %add3A_664 = arith.addi %add3A_414, %add3A_663 : i32
        %mul3A_665 = arith.constant 8 : i32
        %mul3A_666 = arith.muli %add3A_664, %mul3A_665 : i32
        %add3A_667 = arith.constant 0 : i32
        %add3A_668 = arith.addi %mul3A_666, %add3A_667 : i32
        %dma_start3A_669 = arith.constant 0 : i32
        %dma_start3A_670 = tpu.memref_slice %arg6[%add3A_668, %dma_start3A_669] : memref<80x128xi32, #tpu.memory_space<vmem>> -> memref<1x128xi32, #tpu.memory_space<vmem>>
        %dma_start3A_671 = tpu.memref_squeeze %dma_start3A_670 : memref<1x128xi32, #tpu.memory_space<vmem>> -> memref<128xi32, #tpu.memory_space<vmem>>
        %dma_start3A_672 = arith.constant 0 : i32
        %dma_start3A_673 = arith.constant 0 : i32
        %dma_start3A_674 = tpu.memref_slice %arg26[%dma_start3A_672, %dma_start3A_673] : memref<10240x16xf32, #tpu.memory_space<vmem_shared>> -> memref<10240x16xf32, #tpu.memory_space<vmem_shared>>
        tpu.enqueue_indirect_dma source(%dma_start3A_674 : memref<10240x16xf32, #tpu.memory_space<vmem_shared>>) target(%arg16 : memref<128x16xf32, #tpu.memory_space<vmem>>) offsets(%dma_start3A_671 : memref<128xi32, #tpu.memory_space<vmem>>) semaphore(%arg28 : memref<!tpu.dma_semaphore, #tpu.memory_space<semaphore_mem>>)
        %add3A_675 = arith.constant 2 : i32
        %add3A_676 = arith.addi %add3A_414, %add3A_675 : i32
        %mul3A_677 = arith.constant 8 : i32
        %mul3A_678 = arith.muli %add3A_676, %mul3A_677 : i32
        %add3A_679 = arith.constant 1 : i32
        %add3A_680 = arith.addi %mul3A_678, %add3A_679 : i32
        %dma_start3A_681 = arith.constant 0 : i32
        %dma_start3A_682 = tpu.memref_slice %arg6[%add3A_680, %dma_start3A_681] : memref<80x128xi32, #tpu.memory_space<vmem>> -> memref<1x128xi32, #tpu.memory_space<vmem>>
        %dma_start3A_683 = tpu.memref_squeeze %dma_start3A_682 : memref<1x128xi32, #tpu.memory_space<vmem>> -> memref<128xi32, #tpu.memory_space<vmem>>
        %dma_start3A_684 = arith.constant 0 : i32
        %dma_start3A_685 = arith.constant 0 : i32
        %dma_start3A_686 = tpu.memref_slice %arg26[%dma_start3A_684, %dma_start3A_685] : memref<10240x16xf32, #tpu.memory_space<vmem_shared>> -> memref<10240x16xf32, #tpu.memory_space<vmem_shared>>
        tpu.enqueue_indirect_dma source(%dma_start3A_686 : memref<10240x16xf32, #tpu.memory_space<vmem_shared>>) target(%arg17 : memref<128x16xf32, #tpu.memory_space<vmem>>) offsets(%dma_start3A_683 : memref<128xi32, #tpu.memory_space<vmem>>) semaphore(%arg28 : memref<!tpu.dma_semaphore, #tpu.memory_space<semaphore_mem>>)
        %add3A_687 = arith.constant 2 : i32
        %add3A_688 = arith.addi %add3A_414, %add3A_687 : i32
        %mul3A_689 = arith.constant 8 : i32
        %mul3A_690 = arith.muli %add3A_688, %mul3A_689 : i32
        %add3A_691 = arith.constant 2 : i32
        %add3A_692 = arith.addi %mul3A_690, %add3A_691 : i32
        %dma_start3A_693 = arith.constant 0 : i32
        %dma_start3A_694 = tpu.memref_slice %arg6[%add3A_692, %dma_start3A_693] : memref<80x128xi32, #tpu.memory_space<vmem>> -> memref<1x128xi32, #tpu.memory_space<vmem>>
        %dma_start3A_695 = tpu.memref_squeeze %dma_start3A_694 : memref<1x128xi32, #tpu.memory_space<vmem>> -> memref<128xi32, #tpu.memory_space<vmem>>
        %dma_start3A_696 = arith.constant 0 : i32
        %dma_start3A_697 = arith.constant 0 : i32
        %dma_start3A_698 = tpu.memref_slice %arg26[%dma_start3A_696, %dma_start3A_697] : memref<10240x16xf32, #tpu.memory_space<vmem_shared>> -> memref<10240x16xf32, #tpu.memory_space<vmem_shared>>
        tpu.enqueue_indirect_dma source(%dma_start3A_698 : memref<10240x16xf32, #tpu.memory_space<vmem_shared>>) target(%arg18 : memref<128x16xf32, #tpu.memory_space<vmem>>) offsets(%dma_start3A_695 : memref<128xi32, #tpu.memory_space<vmem>>) semaphore(%arg28 : memref<!tpu.dma_semaphore, #tpu.memory_space<semaphore_mem>>)
        %add3A_699 = arith.constant 2 : i32
        %add3A_700 = arith.addi %add3A_414, %add3A_699 : i32
        %mul3A_701 = arith.constant 8 : i32
        %mul3A_702 = arith.muli %add3A_700, %mul3A_701 : i32
        %add3A_703 = arith.constant 3 : i32
        %add3A_704 = arith.addi %mul3A_702, %add3A_703 : i32
        %dma_start3A_705 = arith.constant 0 : i32
        %dma_start3A_706 = tpu.memref_slice %arg6[%add3A_704, %dma_start3A_705] : memref<80x128xi32, #tpu.memory_space<vmem>> -> memref<1x128xi32, #tpu.memory_space<vmem>>
        %dma_start3A_707 = tpu.memref_squeeze %dma_start3A_706 : memref<1x128xi32, #tpu.memory_space<vmem>> -> memref<128xi32, #tpu.memory_space<vmem>>
        %dma_start3A_708 = arith.constant 0 : i32
        %dma_start3A_709 = arith.constant 0 : i32
        %dma_start3A_710 = tpu.memref_slice %arg26[%dma_start3A_708, %dma_start3A_709] : memref<10240x16xf32, #tpu.memory_space<vmem_shared>> -> memref<10240x16xf32, #tpu.memory_space<vmem_shared>>
        tpu.enqueue_indirect_dma source(%dma_start3A_710 : memref<10240x16xf32, #tpu.memory_space<vmem_shared>>) target(%arg19 : memref<128x16xf32, #tpu.memory_space<vmem>>) offsets(%dma_start3A_707 : memref<128xi32, #tpu.memory_space<vmem>>) semaphore(%arg28 : memref<!tpu.dma_semaphore, #tpu.memory_space<semaphore_mem>>)
        %add3A_711 = arith.constant 2 : i32
        %add3A_712 = arith.addi %add3A_414, %add3A_711 : i32
        %mul3A_713 = arith.constant 8 : i32
        %mul3A_714 = arith.muli %add3A_712, %mul3A_713 : i32
        %add3A_715 = arith.constant 4 : i32
        %add3A_716 = arith.addi %mul3A_714, %add3A_715 : i32
        %dma_start3A_717 = arith.constant 0 : i32
        %dma_start3A_718 = tpu.memref_slice %arg6[%add3A_716, %dma_start3A_717] : memref<80x128xi32, #tpu.memory_space<vmem>> -> memref<1x128xi32, #tpu.memory_space<vmem>>
        %dma_start3A_719 = tpu.memref_squeeze %dma_start3A_718 : memref<1x128xi32, #tpu.memory_space<vmem>> -> memref<128xi32, #tpu.memory_space<vmem>>
        %dma_start3A_720 = arith.constant 0 : i32
        %dma_start3A_721 = arith.constant 0 : i32
        %dma_start3A_722 = tpu.memref_slice %arg26[%dma_start3A_720, %dma_start3A_721] : memref<10240x16xf32, #tpu.memory_space<vmem_shared>> -> memref<10240x16xf32, #tpu.memory_space<vmem_shared>>
        tpu.enqueue_indirect_dma source(%dma_start3A_722 : memref<10240x16xf32, #tpu.memory_space<vmem_shared>>) target(%arg20 : memref<128x16xf32, #tpu.memory_space<vmem>>) offsets(%dma_start3A_719 : memref<128xi32, #tpu.memory_space<vmem>>) semaphore(%arg28 : memref<!tpu.dma_semaphore, #tpu.memory_space<semaphore_mem>>)
        %add3A_723 = arith.constant 2 : i32
        %add3A_724 = arith.addi %add3A_414, %add3A_723 : i32
        %mul3A_725 = arith.constant 8 : i32
        %mul3A_726 = arith.muli %add3A_724, %mul3A_725 : i32
        %add3A_727 = arith.constant 5 : i32
        %add3A_728 = arith.addi %mul3A_726, %add3A_727 : i32
        %dma_start3A_729 = arith.constant 0 : i32
        %dma_start3A_730 = tpu.memref_slice %arg6[%add3A_728, %dma_start3A_729] : memref<80x128xi32, #tpu.memory_space<vmem>> -> memref<1x128xi32, #tpu.memory_space<vmem>>
        %dma_start3A_731 = tpu.memref_squeeze %dma_start3A_730 : memref<1x128xi32, #tpu.memory_space<vmem>> -> memref<128xi32, #tpu.memory_space<vmem>>
        %dma_start3A_732 = arith.constant 0 : i32
        %dma_start3A_733 = arith.constant 0 : i32
        %dma_start3A_734 = tpu.memref_slice %arg26[%dma_start3A_732, %dma_start3A_733] : memref<10240x16xf32, #tpu.memory_space<vmem_shared>> -> memref<10240x16xf32, #tpu.memory_space<vmem_shared>>
        tpu.enqueue_indirect_dma source(%dma_start3A_734 : memref<10240x16xf32, #tpu.memory_space<vmem_shared>>) target(%arg21 : memref<128x16xf32, #tpu.memory_space<vmem>>) offsets(%dma_start3A_731 : memref<128xi32, #tpu.memory_space<vmem>>) semaphore(%arg28 : memref<!tpu.dma_semaphore, #tpu.memory_space<semaphore_mem>>)
        %add3A_735 = arith.constant 2 : i32
        %add3A_736 = arith.addi %add3A_414, %add3A_735 : i32
        %mul3A_737 = arith.constant 8 : i32
        %mul3A_738 = arith.muli %add3A_736, %mul3A_737 : i32
        %add3A_739 = arith.constant 6 : i32
        %add3A_740 = arith.addi %mul3A_738, %add3A_739 : i32
        %dma_start3A_741 = arith.constant 0 : i32
        %dma_start3A_742 = tpu.memref_slice %arg6[%add3A_740, %dma_start3A_741] : memref<80x128xi32, #tpu.memory_space<vmem>> -> memref<1x128xi32, #tpu.memory_space<vmem>>
        %dma_start3A_743 = tpu.memref_squeeze %dma_start3A_742 : memref<1x128xi32, #tpu.memory_space<vmem>> -> memref<128xi32, #tpu.memory_space<vmem>>
        %dma_start3A_744 = arith.constant 0 : i32
        %dma_start3A_745 = arith.constant 0 : i32
        %dma_start3A_746 = tpu.memref_slice %arg26[%dma_start3A_744, %dma_start3A_745] : memref<10240x16xf32, #tpu.memory_space<vmem_shared>> -> memref<10240x16xf32, #tpu.memory_space<vmem_shared>>
        tpu.enqueue_indirect_dma source(%dma_start3A_746 : memref<10240x16xf32, #tpu.memory_space<vmem_shared>>) target(%arg22 : memref<128x16xf32, #tpu.memory_space<vmem>>) offsets(%dma_start3A_743 : memref<128xi32, #tpu.memory_space<vmem>>) semaphore(%arg28 : memref<!tpu.dma_semaphore, #tpu.memory_space<semaphore_mem>>)
        %add3A_747 = arith.constant 2 : i32
        %add3A_748 = arith.addi %add3A_414, %add3A_747 : i32
        %mul3A_749 = arith.constant 8 : i32
        %mul3A_750 = arith.muli %add3A_748, %mul3A_749 : i32
        %add3A_751 = arith.constant 7 : i32
        %add3A_752 = arith.addi %mul3A_750, %add3A_751 : i32
        %dma_start3A_753 = arith.constant 0 : i32
        %dma_start3A_754 = tpu.memref_slice %arg6[%add3A_752, %dma_start3A_753] : memref<80x128xi32, #tpu.memory_space<vmem>> -> memref<1x128xi32, #tpu.memory_space<vmem>>
        %dma_start3A_755 = tpu.memref_squeeze %dma_start3A_754 : memref<1x128xi32, #tpu.memory_space<vmem>> -> memref<128xi32, #tpu.memory_space<vmem>>
        %dma_start3A_756 = arith.constant 0 : i32
        %dma_start3A_757 = arith.constant 0 : i32
        %dma_start3A_758 = tpu.memref_slice %arg26[%dma_start3A_756, %dma_start3A_757] : memref<10240x16xf32, #tpu.memory_space<vmem_shared>> -> memref<10240x16xf32, #tpu.memory_space<vmem_shared>>
        tpu.enqueue_indirect_dma source(%dma_start3A_758 : memref<10240x16xf32, #tpu.memory_space<vmem_shared>>) target(%arg23 : memref<128x16xf32, #tpu.memory_space<vmem>>) offsets(%dma_start3A_755 : memref<128xi32, #tpu.memory_space<vmem>>) semaphore(%arg28 : memref<!tpu.dma_semaphore, #tpu.memory_space<semaphore_mem>>)
      } else {
      }
      %scan3A_662 = arith.constant 0 : i32
      scf.yield %scan3A_662 : i32
    }
    %scan3A_150 = arith.constant 5 : i32
    %barrier3A_151 = arith.constant 0 : index
    tpu.barrier barrier_id(%barrier3A_151)
    %mul3A_152 = arith.constant 640 : i32
    %mul3A_153 = arith.muli %arg1, %mul3A_152 : i32
    "tpu.region"() ({
      %run_scoped3A = tpu.sem_alloc : memref<!tpu.dma_semaphore, #tpu.memory_space<semaphore_mem>>
      %dma_start3A_159 = arith.constant 0 : i32
      %dma_start3A_160 = tpu.memref_slice %arg25[%mul3A_153, %dma_start3A_159] : memref<10240x16xf32, #tpu.memory_space<vmem_shared>> -> memref<640x16xf32, #tpu.memory_space<vmem_shared>>
      %dma_start3A_161 = arith.constant 0 : i32
      %dma_start3A_162 = tpu.memref_slice %arg25[%mul3A_153, %dma_start3A_161] : memref<10240x16xf32, #tpu.memory_space<vmem_shared>> -> memref<640x16xf32, #tpu.memory_space<vmem_shared>>
      tpu.enqueue_dma source(%dma_start3A_162 : memref<640x16xf32, #tpu.memory_space<vmem_shared>>) target(%arg24 : memref<640x16xf32, #tpu.memory_space<vmem>>) target_semaphore(%run_scoped3A : memref<!tpu.dma_semaphore, #tpu.memory_space<semaphore_mem>>)
      %dma_wait3A = arith.constant 0 : i32
      %dma_wait3A_163 = tpu.memref_slice %arg25[%mul3A_153, %dma_wait3A] : memref<10240x16xf32, #tpu.memory_space<vmem_shared>> -> memref<640x16xf32, #tpu.memory_space<vmem_shared>>
      %dma_wait3A_164 = arith.constant 0 : i32
      %dma_wait3A_165 = tpu.memref_slice %arg25[%mul3A_153, %dma_wait3A_164] : memref<10240x16xf32, #tpu.memory_space<vmem_shared>> -> memref<640x16xf32, #tpu.memory_space<vmem_shared>>
      tpu.wait_dma2 semaphore(%run_scoped3A : memref<!tpu.dma_semaphore, #tpu.memory_space<semaphore_mem>>) src(%dma_wait3A_165 : memref<640x16xf32, #tpu.memory_space<vmem_shared>>) dst(%arg24 : memref<640x16xf32, #tpu.memory_space<vmem>>)
      tpu.yield
    }) : () -> ()
    %mul3A_154 = arith.constant 10240 : i32
    %mul3A_155 = arith.muli %arg0, %mul3A_154 : i32
    %mul3A_156 = arith.constant 640 : i32
    %mul3A_157 = arith.muli %arg1, %mul3A_156 : i32
    %add3A_158 = arith.addi %mul3A_155, %mul3A_157 : i32
    "tpu.region"() ({
      %run_scoped3A = tpu.sem_alloc : memref<!tpu.dma_semaphore, #tpu.memory_space<semaphore_mem>>
      %dma_start3A_159 = arith.constant 0 : i32
      %dma_start3A_160 = tpu.memref_slice %arg5[%add3A_158, %dma_start3A_159] : memref<20480x16xf32, #tpu.memory_space<hbm>> -> memref<640x16xf32, #tpu.memory_space<hbm>>
      %dma_start3A_161 = arith.constant 0 : i32
      %dma_start3A_162 = tpu.memref_slice %arg5[%add3A_158, %dma_start3A_161] : memref<20480x16xf32, #tpu.memory_space<hbm>> -> memref<640x16xf32, #tpu.memory_space<hbm>>
      tpu.enqueue_dma source(%arg24 : memref<640x16xf32, #tpu.memory_space<vmem>>) target(%dma_start3A_162 : memref<640x16xf32, #tpu.memory_space<hbm>>) target_semaphore(%run_scoped3A : memref<!tpu.dma_semaphore, #tpu.memory_space<semaphore_mem>>)
      %dma_wait3A = arith.constant 0 : i32
      %dma_wait3A_163 = tpu.memref_slice %arg5[%add3A_158, %dma_wait3A] : memref<20480x16xf32, #tpu.memory_space<hbm>> -> memref<640x16xf32, #tpu.memory_space<hbm>>
      %dma_wait3A_164 = arith.constant 0 : i32
      %dma_wait3A_165 = tpu.memref_slice %arg5[%add3A_158, %dma_wait3A_164] : memref<20480x16xf32, #tpu.memory_space<hbm>> -> memref<640x16xf32, #tpu.memory_space<hbm>>
      tpu.wait_dma2 semaphore(%run_scoped3A : memref<!tpu.dma_semaphore, #tpu.memory_space<semaphore_mem>>) src(%arg24 : memref<640x16xf32, #tpu.memory_space<vmem>>) dst(%dma_wait3A_165 : memref<640x16xf32, #tpu.memory_space<hbm>>)
      tpu.yield
    }) : () -> ()
    return
  }
}

#map = affine_map<(d0, d1) -> (0, 0)>
#map1 = affine_map<(d0, d1) -> (0, 0, 0)>
module attributes {stable_mosaic.version = 14 : i64} {
  func.func @_sc_propagate(%arg0: i32, %arg1: i32, %arg2: memref<10240x16xf32, #tpu.memory_space<hbm>>, %arg3: memref<2x2500x128xi32, #tpu.memory_space<hbm>>, %arg4: memref<60x128xi32, #tpu.memory_space<hbm>>, %arg5: memref<20480x16xf32, #tpu.memory_space<hbm>>, %arg6: memref<80x128xi32, #tpu.memory_space<vmem>>, %arg7: memref<80x128xi32, #tpu.memory_space<vmem>>, %arg8: memref<128x16xf32, #tpu.memory_space<vmem>>, %arg9: memref<128x16xf32, #tpu.memory_space<vmem>>, %arg10: memref<128x16xf32, #tpu.memory_space<vmem>>, %arg11: memref<128x16xf32, #tpu.memory_space<vmem>>, %arg12: memref<128x16xf32, #tpu.memory_space<vmem>>, %arg13: memref<128x16xf32, #tpu.memory_space<vmem>>, %arg14: memref<128x16xf32, #tpu.memory_space<vmem>>, %arg15: memref<128x16xf32, #tpu.memory_space<vmem>>, %arg16: memref<128x16xf32, #tpu.memory_space<vmem>>, %arg17: memref<128x16xf32, #tpu.memory_space<vmem>>, %arg18: memref<128x16xf32, #tpu.memory_space<vmem>>, %arg19: memref<128x16xf32, #tpu.memory_space<vmem>>, %arg20: memref<128x16xf32, #tpu.memory_space<vmem>>, %arg21: memref<128x16xf32, #tpu.memory_space<vmem>>, %arg22: memref<128x16xf32, #tpu.memory_space<vmem>>, %arg23: memref<128x16xf32, #tpu.memory_space<vmem>>, %arg24: memref<640x16xf32, #tpu.memory_space<vmem>>, %arg25: memref<10240x16xf32, #tpu.memory_space<vmem_shared>>, %arg26: memref<10240x16xf32, #tpu.memory_space<vmem_shared>>, %arg27: memref<!tpu.dma_semaphore, #tpu.memory_space<semaphore_mem>>, %arg28: memref<!tpu.dma_semaphore, #tpu.memory_space<semaphore_mem>>, %arg29: memref<!tpu.dma_semaphore, #tpu.memory_space<semaphore_mem>>, %arg30: memref<!tpu.dma_semaphore, #tpu.memory_space<semaphore_mem>>) attributes {dimension_semantics = [#tpu.dimension_semantics<core_parallel>, #tpu.dimension_semantics<subcore_parallel>], iteration_bounds = array<i64: 2, 16>, scalar_prefetch = 0 : i64, scratch_operands = 25 : i64, tpu.core_type = #tpu.core_type<sc_vector_subcore>, window_params = [{transform_indices = #map}, {transform_indices = #map1}, {transform_indices = #map}, {transform_indices = #map}]} {
    %mul3A = arith.constant 16 : i32
    %mul3A_0 = arith.muli %arg0, %mul3A : i32
    %add3A = arith.addi %mul3A_0, %arg1 : i32
    %mul3A_1 = arith.constant 80 : i32
    %mul3A_2 = arith.muli %add3A, %mul3A_1 : i32
    %lt3A = arith.constant 31 : i32
    %lt3A_3 = arith.cmpi slt, %add3A, %lt3A : i32
    %convert_element_type3A = arith.extui %lt3A_3 : i1 to i32
    %cond3A = arith.constant 0 : i32
    %cond3A_4 = arith.cmpi ne, %convert_element_type3A, %cond3A : i32
    scf.if %cond3A_4 {
      %run_scoped3A = arith.constant 0 : i32
      "tpu.region"() ({
        %run_scoped3A_159 = tpu.sem_alloc : memref<!tpu.dma_semaphore, #tpu.memory_space<semaphore_mem>>
        %dma_start3A_160 = arith.constant 0 : i32
        %dma_start3A_161 = tpu.memref_slice %arg3[%run_scoped3A, %mul3A_2, %dma_start3A_160] : memref<2x2500x128xi32, #tpu.memory_space<hbm>> -> memref<1x80x128xi32, #tpu.memory_space<hbm>>
        %dma_start3A_162 = tpu.memref_squeeze %dma_start3A_161 : memref<1x80x128xi32, #tpu.memory_space<hbm>> -> memref<80x128xi32, #tpu.memory_space<hbm>>
        %dma_start3A_163 = arith.constant 0 : i32
        %dma_start3A_164 = tpu.memref_slice %arg3[%run_scoped3A, %mul3A_2, %dma_start3A_163] : memref<2x2500x128xi32, #tpu.memory_space<hbm>> -> memref<1x80x128xi32, #tpu.memory_space<hbm>>
        %dma_start3A_165 = tpu.memref_squeeze %dma_start3A_164 : memref<1x80x128xi32, #tpu.memory_space<hbm>> -> memref<80x128xi32, #tpu.memory_space<hbm>>
        tpu.enqueue_dma source(%dma_start3A_165 : memref<80x128xi32, #tpu.memory_space<hbm>>) target(%arg6 : memref<80x128xi32, #tpu.memory_space<vmem>>) target_semaphore(%run_scoped3A_159 : memref<!tpu.dma_semaphore, #tpu.memory_space<semaphore_mem>>)
        %dma_wait3A = arith.constant 0 : i32
        %dma_wait3A_166 = tpu.memref_slice %arg3[%run_scoped3A, %mul3A_2, %dma_wait3A] : memref<2x2500x128xi32, #tpu.memory_space<hbm>> -> memref<1x80x128xi32, #tpu.memory_space<hbm>>
        %dma_wait3A_167 = tpu.memref_squeeze %dma_wait3A_166 : memref<1x80x128xi32, #tpu.memory_space<hbm>> -> memref<80x128xi32, #tpu.memory_space<hbm>>
        %dma_wait3A_168 = arith.constant 0 : i32
        %dma_wait3A_169 = tpu.memref_slice %arg3[%run_scoped3A, %mul3A_2, %dma_wait3A_168] : memref<2x2500x128xi32, #tpu.memory_space<hbm>> -> memref<1x80x128xi32, #tpu.memory_space<hbm>>
        %dma_wait3A_170 = tpu.memref_squeeze %dma_wait3A_169 : memref<1x80x128xi32, #tpu.memory_space<hbm>> -> memref<80x128xi32, #tpu.memory_space<hbm>>
        tpu.wait_dma2 semaphore(%run_scoped3A_159 : memref<!tpu.dma_semaphore, #tpu.memory_space<semaphore_mem>>) src(%dma_wait3A_170 : memref<80x128xi32, #tpu.memory_space<hbm>>) dst(%arg6 : memref<80x128xi32, #tpu.memory_space<vmem>>)
        tpu.yield
      }) : () -> ()
    } else {
    }
    %eq3A = arith.constant 31 : i32
    %eq3A_5 = arith.cmpi eq, %add3A, %eq3A : i32
    %convert_element_type3A_6 = arith.extui %eq3A_5 : i1 to i32
    %cond3A_7 = arith.constant 0 : i32
    %cond3A_8 = arith.cmpi ne, %convert_element_type3A_6, %cond3A_7 : i32
    scf.if %cond3A_8 {
      %run_scoped3A = arith.constant 0 : i32
      "tpu.region"() ({
        %run_scoped3A_159 = tpu.sem_alloc : memref<!tpu.dma_semaphore, #tpu.memory_space<semaphore_mem>>
        %dma_start3A_160 = arith.constant 0 : i32
        %dma_start3A_161 = arith.constant 0 : i32
        %dma_start3A_162 = tpu.memref_slice %arg6[%dma_start3A_160, %dma_start3A_161] : memref<80x128xi32, #tpu.memory_space<vmem>> -> memref<20x128xi32, #tpu.memory_space<vmem>>
        %dma_start3A_163 = arith.constant 2480 : i32
        %dma_start3A_164 = arith.constant 0 : i32
        %dma_start3A_165 = tpu.memref_slice %arg3[%run_scoped3A, %dma_start3A_163, %dma_start3A_164] : memref<2x2500x128xi32, #tpu.memory_space<hbm>> -> memref<1x20x128xi32, #tpu.memory_space<hbm>>
        %dma_start3A_166 = tpu.memref_squeeze %dma_start3A_165 : memref<1x20x128xi32, #tpu.memory_space<hbm>> -> memref<20x128xi32, #tpu.memory_space<hbm>>
        %dma_start3A_167 = arith.constant 0 : i32
        %dma_start3A_168 = arith.constant 0 : i32
        %dma_start3A_169 = tpu.memref_slice %arg6[%dma_start3A_167, %dma_start3A_168] : memref<80x128xi32, #tpu.memory_space<vmem>> -> memref<20x128xi32, #tpu.memory_space<vmem>>
        %dma_start3A_170 = arith.constant 2480 : i32
        %dma_start3A_171 = arith.constant 0 : i32
        %dma_start3A_172 = tpu.memref_slice %arg3[%run_scoped3A, %dma_start3A_170, %dma_start3A_171] : memref<2x2500x128xi32, #tpu.memory_space<hbm>> -> memref<1x20x128xi32, #tpu.memory_space<hbm>>
        %dma_start3A_173 = tpu.memref_squeeze %dma_start3A_172 : memref<1x20x128xi32, #tpu.memory_space<hbm>> -> memref<20x128xi32, #tpu.memory_space<hbm>>
        tpu.enqueue_dma source(%dma_start3A_173 : memref<20x128xi32, #tpu.memory_space<hbm>>) target(%dma_start3A_169 : memref<20x128xi32, #tpu.memory_space<vmem>>) target_semaphore(%run_scoped3A_159 : memref<!tpu.dma_semaphore, #tpu.memory_space<semaphore_mem>>)
        %dma_wait3A = arith.constant 0 : i32
        %dma_wait3A_174 = arith.constant 0 : i32
        %dma_wait3A_175 = tpu.memref_slice %arg6[%dma_wait3A, %dma_wait3A_174] : memref<80x128xi32, #tpu.memory_space<vmem>> -> memref<20x128xi32, #tpu.memory_space<vmem>>
        %dma_wait3A_176 = arith.constant 2480 : i32
        %dma_wait3A_177 = arith.constant 0 : i32
        %dma_wait3A_178 = tpu.memref_slice %arg3[%run_scoped3A, %dma_wait3A_176, %dma_wait3A_177] : memref<2x2500x128xi32, #tpu.memory_space<hbm>> -> memref<1x20x128xi32, #tpu.memory_space<hbm>>
        %dma_wait3A_179 = tpu.memref_squeeze %dma_wait3A_178 : memref<1x20x128xi32, #tpu.memory_space<hbm>> -> memref<20x128xi32, #tpu.memory_space<hbm>>
        %dma_wait3A_180 = arith.constant 0 : i32
        %dma_wait3A_181 = arith.constant 0 : i32
        %dma_wait3A_182 = tpu.memref_slice %arg6[%dma_wait3A_180, %dma_wait3A_181] : memref<80x128xi32, #tpu.memory_space<vmem>> -> memref<20x128xi32, #tpu.memory_space<vmem>>
        %dma_wait3A_183 = arith.constant 2480 : i32
        %dma_wait3A_184 = arith.constant 0 : i32
        %dma_wait3A_185 = tpu.memref_slice %arg3[%run_scoped3A, %dma_wait3A_183, %dma_wait3A_184] : memref<2x2500x128xi32, #tpu.memory_space<hbm>> -> memref<1x20x128xi32, #tpu.memory_space<hbm>>
        %dma_wait3A_186 = tpu.memref_squeeze %dma_wait3A_185 : memref<1x20x128xi32, #tpu.memory_space<hbm>> -> memref<20x128xi32, #tpu.memory_space<hbm>>
        tpu.wait_dma2 semaphore(%run_scoped3A_159 : memref<!tpu.dma_semaphore, #tpu.memory_space<semaphore_mem>>) src(%dma_wait3A_186 : memref<20x128xi32, #tpu.memory_space<hbm>>) dst(%dma_wait3A_182 : memref<20x128xi32, #tpu.memory_space<vmem>>)
        tpu.yield
      }) : () -> ()
      "tpu.region"() ({
        %run_scoped3A_159 = tpu.sem_alloc : memref<!tpu.dma_semaphore, #tpu.memory_space<semaphore_mem>>
        %dma_start3A_160 = arith.constant 20 : i32
        %dma_start3A_161 = arith.constant 0 : i32
        %dma_start3A_162 = tpu.memref_slice %arg6[%dma_start3A_160, %dma_start3A_161] : memref<80x128xi32, #tpu.memory_space<vmem>> -> memref<60x128xi32, #tpu.memory_space<vmem>>
        %dma_start3A_163 = arith.constant 20 : i32
        %dma_start3A_164 = arith.constant 0 : i32
        %dma_start3A_165 = tpu.memref_slice %arg6[%dma_start3A_163, %dma_start3A_164] : memref<80x128xi32, #tpu.memory_space<vmem>> -> memref<60x128xi32, #tpu.memory_space<vmem>>
        tpu.enqueue_dma source(%arg4 : memref<60x128xi32, #tpu.memory_space<hbm>>) target(%dma_start3A_165 : memref<60x128xi32, #tpu.memory_space<vmem>>) target_semaphore(%run_scoped3A_159 : memref<!tpu.dma_semaphore, #tpu.memory_space<semaphore_mem>>)
        %dma_wait3A = arith.constant 20 : i32
        %dma_wait3A_166 = arith.constant 0 : i32
        %dma_wait3A_167 = tpu.memref_slice %arg6[%dma_wait3A, %dma_wait3A_166] : memref<80x128xi32, #tpu.memory_space<vmem>> -> memref<60x128xi32, #tpu.memory_space<vmem>>
        %dma_wait3A_168 = arith.constant 20 : i32
        %dma_wait3A_169 = arith.constant 0 : i32
        %dma_wait3A_170 = tpu.memref_slice %arg6[%dma_wait3A_168, %dma_wait3A_169] : memref<80x128xi32, #tpu.memory_space<vmem>> -> memref<60x128xi32, #tpu.memory_space<vmem>>
        tpu.wait_dma2 semaphore(%run_scoped3A_159 : memref<!tpu.dma_semaphore, #tpu.memory_space<semaphore_mem>>) src(%arg4 : memref<60x128xi32, #tpu.memory_space<hbm>>) dst(%dma_wait3A_170 : memref<60x128xi32, #tpu.memory_space<vmem>>)
        tpu.yield
      }) : () -> ()
    } else {
    }
    %mul3A_9 = arith.constant 80 : i32
    %mul3A_10 = arith.muli %add3A, %mul3A_9 : i32
    %lt3A_11 = arith.constant 31 : i32
    %lt3A_12 = arith.cmpi slt, %add3A, %lt3A_11 : i32
    %convert_element_type3A_13 = arith.extui %lt3A_12 : i1 to i32
    %cond3A_14 = arith.constant 0 : i32
    %cond3A_15 = arith.cmpi ne, %convert_element_type3A_13, %cond3A_14 : i32
    scf.if %cond3A_15 {
      %run_scoped3A = arith.constant 1 : i32
      "tpu.region"() ({
        %run_scoped3A_159 = tpu.sem_alloc : memref<!tpu.dma_semaphore, #tpu.memory_space<semaphore_mem>>
        %dma_start3A_160 = arith.constant 0 : i32
        %dma_start3A_161 = tpu.memref_slice %arg3[%run_scoped3A, %mul3A_10, %dma_start3A_160] : memref<2x2500x128xi32, #tpu.memory_space<hbm>> -> memref<1x80x128xi32, #tpu.memory_space<hbm>>
        %dma_start3A_162 = tpu.memref_squeeze %dma_start3A_161 : memref<1x80x128xi32, #tpu.memory_space<hbm>> -> memref<80x128xi32, #tpu.memory_space<hbm>>
        %dma_start3A_163 = arith.constant 0 : i32
        %dma_start3A_164 = tpu.memref_slice %arg3[%run_scoped3A, %mul3A_10, %dma_start3A_163] : memref<2x2500x128xi32, #tpu.memory_space<hbm>> -> memref<1x80x128xi32, #tpu.memory_space<hbm>>
        %dma_start3A_165 = tpu.memref_squeeze %dma_start3A_164 : memref<1x80x128xi32, #tpu.memory_space<hbm>> -> memref<80x128xi32, #tpu.memory_space<hbm>>
        tpu.enqueue_dma source(%dma_start3A_165 : memref<80x128xi32, #tpu.memory_space<hbm>>) target(%arg7 : memref<80x128xi32, #tpu.memory_space<vmem>>) target_semaphore(%run_scoped3A_159 : memref<!tpu.dma_semaphore, #tpu.memory_space<semaphore_mem>>)
        %dma_wait3A = arith.constant 0 : i32
        %dma_wait3A_166 = tpu.memref_slice %arg3[%run_scoped3A, %mul3A_10, %dma_wait3A] : memref<2x2500x128xi32, #tpu.memory_space<hbm>> -> memref<1x80x128xi32, #tpu.memory_space<hbm>>
        %dma_wait3A_167 = tpu.memref_squeeze %dma_wait3A_166 : memref<1x80x128xi32, #tpu.memory_space<hbm>> -> memref<80x128xi32, #tpu.memory_space<hbm>>
        %dma_wait3A_168 = arith.constant 0 : i32
        %dma_wait3A_169 = tpu.memref_slice %arg3[%run_scoped3A, %mul3A_10, %dma_wait3A_168] : memref<2x2500x128xi32, #tpu.memory_space<hbm>> -> memref<1x80x128xi32, #tpu.memory_space<hbm>>
        %dma_wait3A_170 = tpu.memref_squeeze %dma_wait3A_169 : memref<1x80x128xi32, #tpu.memory_space<hbm>> -> memref<80x128xi32, #tpu.memory_space<hbm>>
        tpu.wait_dma2 semaphore(%run_scoped3A_159 : memref<!tpu.dma_semaphore, #tpu.memory_space<semaphore_mem>>) src(%dma_wait3A_170 : memref<80x128xi32, #tpu.memory_space<hbm>>) dst(%arg7 : memref<80x128xi32, #tpu.memory_space<vmem>>)
        tpu.yield
      }) : () -> ()
    } else {
    }
    %eq3A_16 = arith.constant 31 : i32
    %eq3A_17 = arith.cmpi eq, %add3A, %eq3A_16 : i32
    %convert_element_type3A_18 = arith.extui %eq3A_17 : i1 to i32
    %cond3A_19 = arith.constant 0 : i32
    %cond3A_20 = arith.cmpi ne, %convert_element_type3A_18, %cond3A_19 : i32
    scf.if %cond3A_20 {
      %run_scoped3A = arith.constant 1 : i32
      "tpu.region"() ({
        %run_scoped3A_159 = tpu.sem_alloc : memref<!tpu.dma_semaphore, #tpu.memory_space<semaphore_mem>>
        %dma_start3A_160 = arith.constant 0 : i32
        %dma_start3A_161 = arith.constant 0 : i32
        %dma_start3A_162 = tpu.memref_slice %arg7[%dma_start3A_160, %dma_start3A_161] : memref<80x128xi32, #tpu.memory_space<vmem>> -> memref<20x128xi32, #tpu.memory_space<vmem>>
        %dma_start3A_163 = arith.constant 2480 : i32
        %dma_start3A_164 = arith.constant 0 : i32
        %dma_start3A_165 = tpu.memref_slice %arg3[%run_scoped3A, %dma_start3A_163, %dma_start3A_164] : memref<2x2500x128xi32, #tpu.memory_space<hbm>> -> memref<1x20x128xi32, #tpu.memory_space<hbm>>
        %dma_start3A_166 = tpu.memref_squeeze %dma_start3A_165 : memref<1x20x128xi32, #tpu.memory_space<hbm>> -> memref<20x128xi32, #tpu.memory_space<hbm>>
        %dma_start3A_167 = arith.constant 0 : i32
        %dma_start3A_168 = arith.constant 0 : i32
        %dma_start3A_169 = tpu.memref_slice %arg7[%dma_start3A_167, %dma_start3A_168] : memref<80x128xi32, #tpu.memory_space<vmem>> -> memref<20x128xi32, #tpu.memory_space<vmem>>
        %dma_start3A_170 = arith.constant 2480 : i32
        %dma_start3A_171 = arith.constant 0 : i32
        %dma_start3A_172 = tpu.memref_slice %arg3[%run_scoped3A, %dma_start3A_170, %dma_start3A_171] : memref<2x2500x128xi32, #tpu.memory_space<hbm>> -> memref<1x20x128xi32, #tpu.memory_space<hbm>>
        %dma_start3A_173 = tpu.memref_squeeze %dma_start3A_172 : memref<1x20x128xi32, #tpu.memory_space<hbm>> -> memref<20x128xi32, #tpu.memory_space<hbm>>
        tpu.enqueue_dma source(%dma_start3A_173 : memref<20x128xi32, #tpu.memory_space<hbm>>) target(%dma_start3A_169 : memref<20x128xi32, #tpu.memory_space<vmem>>) target_semaphore(%run_scoped3A_159 : memref<!tpu.dma_semaphore, #tpu.memory_space<semaphore_mem>>)
        %dma_wait3A = arith.constant 0 : i32
        %dma_wait3A_174 = arith.constant 0 : i32
        %dma_wait3A_175 = tpu.memref_slice %arg7[%dma_wait3A, %dma_wait3A_174] : memref<80x128xi32, #tpu.memory_space<vmem>> -> memref<20x128xi32, #tpu.memory_space<vmem>>
        %dma_wait3A_176 = arith.constant 2480 : i32
        %dma_wait3A_177 = arith.constant 0 : i32
        %dma_wait3A_178 = tpu.memref_slice %arg3[%run_scoped3A, %dma_wait3A_176, %dma_wait3A_177] : memref<2x2500x128xi32, #tpu.memory_space<hbm>> -> memref<1x20x128xi32, #tpu.memory_space<hbm>>
        %dma_wait3A_179 = tpu.memref_squeeze %dma_wait3A_178 : memref<1x20x128xi32, #tpu.memory_space<hbm>> -> memref<20x128xi32, #tpu.memory_space<hbm>>
        %dma_wait3A_180 = arith.constant 0 : i32
        %dma_wait3A_181 = arith.constant 0 : i32
        %dma_wait3A_182 = tpu.memref_slice %arg7[%dma_wait3A_180, %dma_wait3A_181] : memref<80x128xi32, #tpu.memory_space<vmem>> -> memref<20x128xi32, #tpu.memory_space<vmem>>
        %dma_wait3A_183 = arith.constant 2480 : i32
        %dma_wait3A_184 = arith.constant 0 : i32
        %dma_wait3A_185 = tpu.memref_slice %arg3[%run_scoped3A, %dma_wait3A_183, %dma_wait3A_184] : memref<2x2500x128xi32, #tpu.memory_space<hbm>> -> memref<1x20x128xi32, #tpu.memory_space<hbm>>
        %dma_wait3A_186 = tpu.memref_squeeze %dma_wait3A_185 : memref<1x20x128xi32, #tpu.memory_space<hbm>> -> memref<20x128xi32, #tpu.memory_space<hbm>>
        tpu.wait_dma2 semaphore(%run_scoped3A_159 : memref<!tpu.dma_semaphore, #tpu.memory_space<semaphore_mem>>) src(%dma_wait3A_186 : memref<20x128xi32, #tpu.memory_space<hbm>>) dst(%dma_wait3A_182 : memref<20x128xi32, #tpu.memory_space<vmem>>)
        tpu.yield
      }) : () -> ()
      "tpu.region"() ({
        %run_scoped3A_159 = tpu.sem_alloc : memref<!tpu.dma_semaphore, #tpu.memory_space<semaphore_mem>>
        %dma_start3A_160 = arith.constant 20 : i32
        %dma_start3A_161 = arith.constant 0 : i32
        %dma_start3A_162 = tpu.memref_slice %arg7[%dma_start3A_160, %dma_start3A_161] : memref<80x128xi32, #tpu.memory_space<vmem>> -> memref<60x128xi32, #tpu.memory_space<vmem>>
        %dma_start3A_163 = arith.constant 20 : i32
        %dma_start3A_164 = arith.constant 0 : i32
        %dma_start3A_165 = tpu.memref_slice %arg7[%dma_start3A_163, %dma_start3A_164] : memref<80x128xi32, #tpu.memory_space<vmem>> -> memref<60x128xi32, #tpu.memory_space<vmem>>
        tpu.enqueue_dma source(%arg4 : memref<60x128xi32, #tpu.memory_space<hbm>>) target(%dma_start3A_165 : memref<60x128xi32, #tpu.memory_space<vmem>>) target_semaphore(%run_scoped3A_159 : memref<!tpu.dma_semaphore, #tpu.memory_space<semaphore_mem>>)
        %dma_wait3A = arith.constant 20 : i32
        %dma_wait3A_166 = arith.constant 0 : i32
        %dma_wait3A_167 = tpu.memref_slice %arg7[%dma_wait3A, %dma_wait3A_166] : memref<80x128xi32, #tpu.memory_space<vmem>> -> memref<60x128xi32, #tpu.memory_space<vmem>>
        %dma_wait3A_168 = arith.constant 20 : i32
        %dma_wait3A_169 = arith.constant 0 : i32
        %dma_wait3A_170 = tpu.memref_slice %arg7[%dma_wait3A_168, %dma_wait3A_169] : memref<80x128xi32, #tpu.memory_space<vmem>> -> memref<60x128xi32, #tpu.memory_space<vmem>>
        tpu.wait_dma2 semaphore(%run_scoped3A_159 : memref<!tpu.dma_semaphore, #tpu.memory_space<semaphore_mem>>) src(%arg4 : memref<60x128xi32, #tpu.memory_space<hbm>>) dst(%dma_wait3A_170 : memref<60x128xi32, #tpu.memory_space<vmem>>)
        tpu.yield
      }) : () -> ()
    } else {
    }
    %mul3A_21 = arith.constant 640 : i32
    %mul3A_22 = arith.muli %arg1, %mul3A_21 : i32
    %mul3A_23 = arith.constant 640 : i32
    %mul3A_24 = arith.muli %arg1, %mul3A_23 : i32
    "tpu.region"() ({
      %run_scoped3A = tpu.sem_alloc : memref<!tpu.dma_semaphore, #tpu.memory_space<semaphore_mem>>
      %dma_start3A_159 = arith.constant 0 : i32
      %dma_start3A_160 = tpu.memref_slice %arg26[%mul3A_24, %dma_start3A_159] : memref<10240x16xf32, #tpu.memory_space<vmem_shared>> -> memref<640x16xf32, #tpu.memory_space<vmem_shared>>
      %dma_start3A_161 = arith.constant 0 : i32
      %dma_start3A_162 = tpu.memref_slice %arg2[%mul3A_22, %dma_start3A_161] : memref<10240x16xf32, #tpu.memory_space<hbm>> -> memref<640x16xf32, #tpu.memory_space<hbm>>
      tpu.enqueue_dma source(%dma_start3A_162 : memref<640x16xf32, #tpu.memory_space<hbm>>) target(%dma_start3A_160 : memref<640x16xf32, #tpu.memory_space<vmem_shared>>) target_semaphore(%run_scoped3A : memref<!tpu.dma_semaphore, #tpu.memory_space<semaphore_mem>>)
      %dma_wait3A = arith.constant 0 : i32
      %dma_wait3A_163 = tpu.memref_slice %arg26[%mul3A_24, %dma_wait3A] : memref<10240x16xf32, #tpu.memory_space<vmem_shared>> -> memref<640x16xf32, #tpu.memory_space<vmem_shared>>
      %dma_wait3A_164 = arith.constant 0 : i32
      %dma_wait3A_165 = tpu.memref_slice %arg2[%mul3A_22, %dma_wait3A_164] : memref<10240x16xf32, #tpu.memory_space<hbm>> -> memref<640x16xf32, #tpu.memory_space<hbm>>
      tpu.wait_dma2 semaphore(%run_scoped3A : memref<!tpu.dma_semaphore, #tpu.memory_space<semaphore_mem>>) src(%dma_wait3A_165 : memref<640x16xf32, #tpu.memory_space<hbm>>) dst(%dma_wait3A_163 : memref<640x16xf32, #tpu.memory_space<vmem_shared>>)
      tpu.yield
    }) : () -> ()
    %scan3A = arith.constant 0 : i32
    %scan3A_25 = arith.constant 0 : i32
    %scan3A_26 = arith.constant 640 : i32
    %scan3A_27 = arith.addi %scan3A_25, %scan3A_26 : i32
    %scan3A_28 = arith.constant 1 : i32
    %scan3A_29 = scf.for %scan3A_159 = %scan3A_25 to %scan3A_27 step %scan3A_28 iter_args(%scan3A_160 = %scan3A) -> (i32)  : i32 {
      %broadcast_in_dim3A = arith.constant 0.000000e+00 : f32
      %broadcast_in_dim3A_161 = vector.broadcast %broadcast_in_dim3A : f32 to vector<16xf32>
      %swap3A = arith.index_cast %scan3A_159 : i32 to index
      %swap3A_162 = arith.constant 0 : index
      %swap3A_163 = tpu.vector_load %arg24[%swap3A, %swap3A_162] {strides = array<i32>} : memref<640x16xf32, #tpu.memory_space<vmem>>, vector<1x16xf32>,
      %swap3A_164 = vector.shape_cast %swap3A_163 : vector<1x16xf32> to vector<16xf32>
      %swap3A_165 = vector.shape_cast %broadcast_in_dim3A_161 : vector<16xf32> to vector<1x16xf32>
      tpu.vector_store %arg24[%swap3A, %swap3A_162], %swap3A_165 {strides = array<i32>} : memref<640x16xf32, #tpu.memory_space<vmem>>, vector<1x16xf32>,
      %scan3A_166 = arith.constant 0 : i32
      scf.yield %scan3A_166 : i32
    }
    %scan3A_30 = arith.constant 640 : i32
    %mul3A_31 = arith.constant 640 : i32
    %mul3A_32 = arith.muli %arg1, %mul3A_31 : i32
    "tpu.region"() ({
      %run_scoped3A = tpu.sem_alloc : memref<!tpu.dma_semaphore, #tpu.memory_space<semaphore_mem>>
      %dma_start3A_159 = arith.constant 0 : i32
      %dma_start3A_160 = tpu.memref_slice %arg25[%mul3A_32, %dma_start3A_159] : memref<10240x16xf32, #tpu.memory_space<vmem_shared>> -> memref<640x16xf32, #tpu.memory_space<vmem_shared>>
      %dma_start3A_161 = arith.constant 0 : i32
      %dma_start3A_162 = tpu.memref_slice %arg25[%mul3A_32, %dma_start3A_161] : memref<10240x16xf32, #tpu.memory_space<vmem_shared>> -> memref<640x16xf32, #tpu.memory_space<vmem_shared>>
      tpu.enqueue_dma source(%arg24 : memref<640x16xf32, #tpu.memory_space<vmem>>) target(%dma_start3A_162 : memref<640x16xf32, #tpu.memory_space<vmem_shared>>) target_semaphore(%run_scoped3A : memref<!tpu.dma_semaphore, #tpu.memory_space<semaphore_mem>>)
      %dma_wait3A = arith.constant 0 : i32
      %dma_wait3A_163 = tpu.memref_slice %arg25[%mul3A_32, %dma_wait3A] : memref<10240x16xf32, #tpu.memory_space<vmem_shared>> -> memref<640x16xf32, #tpu.memory_space<vmem_shared>>
      %dma_wait3A_164 = arith.constant 0 : i32
      %dma_wait3A_165 = tpu.memref_slice %arg25[%mul3A_32, %dma_wait3A_164] : memref<10240x16xf32, #tpu.memory_space<vmem_shared>> -> memref<640x16xf32, #tpu.memory_space<vmem_shared>>
      tpu.wait_dma2 semaphore(%run_scoped3A : memref<!tpu.dma_semaphore, #tpu.memory_space<semaphore_mem>>) src(%arg24 : memref<640x16xf32, #tpu.memory_space<vmem>>) dst(%dma_wait3A_165 : memref<640x16xf32, #tpu.memory_space<vmem_shared>>)
      tpu.yield
    }) : () -> ()
    %barrier3A = arith.constant 0 : index
    tpu.barrier barrier_id(%barrier3A)
    %dma_start3A = arith.constant 0 : i32
    %dma_start3A_33 = arith.constant 0 : i32
    %dma_start3A_34 = tpu.memref_slice %arg6[%dma_start3A, %dma_start3A_33] : memref<80x128xi32, #tpu.memory_space<vmem>> -> memref<1x128xi32, #tpu.memory_space<vmem>>
    %dma_start3A_35 = tpu.memref_squeeze %dma_start3A_34 : memref<1x128xi32, #tpu.memory_space<vmem>> -> memref<128xi32, #tpu.memory_space<vmem>>
    %dma_start3A_36 = arith.constant 0 : i32
    %dma_start3A_37 = arith.constant 0 : i32
    %dma_start3A_38 = tpu.memref_slice %arg26[%dma_start3A_36, %dma_start3A_37] : memref<10240x16xf32, #tpu.memory_space<vmem_shared>> -> memref<10240x16xf32, #tpu.memory_space<vmem_shared>>
    tpu.enqueue_indirect_dma source(%dma_start3A_38 : memref<10240x16xf32, #tpu.memory_space<vmem_shared>>) target(%arg8 : memref<128x16xf32, #tpu.memory_space<vmem>>) offsets(%dma_start3A_35 : memref<128xi32, #tpu.memory_space<vmem>>) semaphore(%arg27 : memref<!tpu.dma_semaphore, #tpu.memory_space<semaphore_mem>>)
    %dma_start3A_39 = arith.constant 8 : i32
    %dma_start3A_40 = arith.constant 0 : i32
    %dma_start3A_41 = tpu.memref_slice %arg6[%dma_start3A_39, %dma_start3A_40] : memref<80x128xi32, #tpu.memory_space<vmem>> -> memref<1x128xi32, #tpu.memory_space<vmem>>
    %dma_start3A_42 = tpu.memref_squeeze %dma_start3A_41 : memref<1x128xi32, #tpu.memory_space<vmem>> -> memref<128xi32, #tpu.memory_space<vmem>>
    %dma_start3A_43 = arith.constant 0 : i32
    %dma_start3A_44 = arith.constant 0 : i32
    %dma_start3A_45 = tpu.memref_slice %arg26[%dma_start3A_43, %dma_start3A_44] : memref<10240x16xf32, #tpu.memory_space<vmem_shared>> -> memref<10240x16xf32, #tpu.memory_space<vmem_shared>>
    tpu.enqueue_indirect_dma source(%dma_start3A_45 : memref<10240x16xf32, #tpu.memory_space<vmem_shared>>) target(%arg16 : memref<128x16xf32, #tpu.memory_space<vmem>>) offsets(%dma_start3A_42 : memref<128xi32, #tpu.memory_space<vmem>>) semaphore(%arg28 : memref<!tpu.dma_semaphore, #tpu.memory_space<semaphore_mem>>)
    %dma_start3A_46 = arith.constant 1 : i32
    %dma_start3A_47 = arith.constant 0 : i32
    %dma_start3A_48 = tpu.memref_slice %arg6[%dma_start3A_46, %dma_start3A_47] : memref<80x128xi32, #tpu.memory_space<vmem>> -> memref<1x128xi32, #tpu.memory_space<vmem>>
    %dma_start3A_49 = tpu.memref_squeeze %dma_start3A_48 : memref<1x128xi32, #tpu.memory_space<vmem>> -> memref<128xi32, #tpu.memory_space<vmem>>
    %dma_start3A_50 = arith.constant 0 : i32
    %dma_start3A_51 = arith.constant 0 : i32
    %dma_start3A_52 = tpu.memref_slice %arg26[%dma_start3A_50, %dma_start3A_51] : memref<10240x16xf32, #tpu.memory_space<vmem_shared>> -> memref<10240x16xf32, #tpu.memory_space<vmem_shared>>
    tpu.enqueue_indirect_dma source(%dma_start3A_52 : memref<10240x16xf32, #tpu.memory_space<vmem_shared>>) target(%arg9 : memref<128x16xf32, #tpu.memory_space<vmem>>) offsets(%dma_start3A_49 : memref<128xi32, #tpu.memory_space<vmem>>) semaphore(%arg27 : memref<!tpu.dma_semaphore, #tpu.memory_space<semaphore_mem>>)
    %dma_start3A_53 = arith.constant 9 : i32
    %dma_start3A_54 = arith.constant 0 : i32
    %dma_start3A_55 = tpu.memref_slice %arg6[%dma_start3A_53, %dma_start3A_54] : memref<80x128xi32, #tpu.memory_space<vmem>> -> memref<1x128xi32, #tpu.memory_space<vmem>>
    %dma_start3A_56 = tpu.memref_squeeze %dma_start3A_55 : memref<1x128xi32, #tpu.memory_space<vmem>> -> memref<128xi32, #tpu.memory_space<vmem>>
    %dma_start3A_57 = arith.constant 0 : i32
    %dma_start3A_58 = arith.constant 0 : i32
    %dma_start3A_59 = tpu.memref_slice %arg26[%dma_start3A_57, %dma_start3A_58] : memref<10240x16xf32, #tpu.memory_space<vmem_shared>> -> memref<10240x16xf32, #tpu.memory_space<vmem_shared>>
    tpu.enqueue_indirect_dma source(%dma_start3A_59 : memref<10240x16xf32, #tpu.memory_space<vmem_shared>>) target(%arg17 : memref<128x16xf32, #tpu.memory_space<vmem>>) offsets(%dma_start3A_56 : memref<128xi32, #tpu.memory_space<vmem>>) semaphore(%arg28 : memref<!tpu.dma_semaphore, #tpu.memory_space<semaphore_mem>>)
    %dma_start3A_60 = arith.constant 2 : i32
    %dma_start3A_61 = arith.constant 0 : i32
    %dma_start3A_62 = tpu.memref_slice %arg6[%dma_start3A_60, %dma_start3A_61] : memref<80x128xi32, #tpu.memory_space<vmem>> -> memref<1x128xi32, #tpu.memory_space<vmem>>
    %dma_start3A_63 = tpu.memref_squeeze %dma_start3A_62 : memref<1x128xi32, #tpu.memory_space<vmem>> -> memref<128xi32, #tpu.memory_space<vmem>>
    %dma_start3A_64 = arith.constant 0 : i32
    %dma_start3A_65 = arith.constant 0 : i32
    %dma_start3A_66 = tpu.memref_slice %arg26[%dma_start3A_64, %dma_start3A_65] : memref<10240x16xf32, #tpu.memory_space<vmem_shared>> -> memref<10240x16xf32, #tpu.memory_space<vmem_shared>>
    tpu.enqueue_indirect_dma source(%dma_start3A_66 : memref<10240x16xf32, #tpu.memory_space<vmem_shared>>) target(%arg10 : memref<128x16xf32, #tpu.memory_space<vmem>>) offsets(%dma_start3A_63 : memref<128xi32, #tpu.memory_space<vmem>>) semaphore(%arg27 : memref<!tpu.dma_semaphore, #tpu.memory_space<semaphore_mem>>)
    %dma_start3A_67 = arith.constant 10 : i32
    %dma_start3A_68 = arith.constant 0 : i32
    %dma_start3A_69 = tpu.memref_slice %arg6[%dma_start3A_67, %dma_start3A_68] : memref<80x128xi32, #tpu.memory_space<vmem>> -> memref<1x128xi32, #tpu.memory_space<vmem>>
    %dma_start3A_70 = tpu.memref_squeeze %dma_start3A_69 : memref<1x128xi32, #tpu.memory_space<vmem>> -> memref<128xi32, #tpu.memory_space<vmem>>
    %dma_start3A_71 = arith.constant 0 : i32
    %dma_start3A_72 = arith.constant 0 : i32
    %dma_start3A_73 = tpu.memref_slice %arg26[%dma_start3A_71, %dma_start3A_72] : memref<10240x16xf32, #tpu.memory_space<vmem_shared>> -> memref<10240x16xf32, #tpu.memory_space<vmem_shared>>
    tpu.enqueue_indirect_dma source(%dma_start3A_73 : memref<10240x16xf32, #tpu.memory_space<vmem_shared>>) target(%arg18 : memref<128x16xf32, #tpu.memory_space<vmem>>) offsets(%dma_start3A_70 : memref<128xi32, #tpu.memory_space<vmem>>) semaphore(%arg28 : memref<!tpu.dma_semaphore, #tpu.memory_space<semaphore_mem>>)
    %dma_start3A_74 = arith.constant 3 : i32
    %dma_start3A_75 = arith.constant 0 : i32
    %dma_start3A_76 = tpu.memref_slice %arg6[%dma_start3A_74, %dma_start3A_75] : memref<80x128xi32, #tpu.memory_space<vmem>> -> memref<1x128xi32, #tpu.memory_space<vmem>>
    %dma_start3A_77 = tpu.memref_squeeze %dma_start3A_76 : memref<1x128xi32, #tpu.memory_space<vmem>> -> memref<128xi32, #tpu.memory_space<vmem>>
    %dma_start3A_78 = arith.constant 0 : i32
    %dma_start3A_79 = arith.constant 0 : i32
    %dma_start3A_80 = tpu.memref_slice %arg26[%dma_start3A_78, %dma_start3A_79] : memref<10240x16xf32, #tpu.memory_space<vmem_shared>> -> memref<10240x16xf32, #tpu.memory_space<vmem_shared>>
    tpu.enqueue_indirect_dma source(%dma_start3A_80 : memref<10240x16xf32, #tpu.memory_space<vmem_shared>>) target(%arg11 : memref<128x16xf32, #tpu.memory_space<vmem>>) offsets(%dma_start3A_77 : memref<128xi32, #tpu.memory_space<vmem>>) semaphore(%arg27 : memref<!tpu.dma_semaphore, #tpu.memory_space<semaphore_mem>>)
    %dma_start3A_81 = arith.constant 11 : i32
    %dma_start3A_82 = arith.constant 0 : i32
    %dma_start3A_83 = tpu.memref_slice %arg6[%dma_start3A_81, %dma_start3A_82] : memref<80x128xi32, #tpu.memory_space<vmem>> -> memref<1x128xi32, #tpu.memory_space<vmem>>
    %dma_start3A_84 = tpu.memref_squeeze %dma_start3A_83 : memref<1x128xi32, #tpu.memory_space<vmem>> -> memref<128xi32, #tpu.memory_space<vmem>>
    %dma_start3A_85 = arith.constant 0 : i32
    %dma_start3A_86 = arith.constant 0 : i32
    %dma_start3A_87 = tpu.memref_slice %arg26[%dma_start3A_85, %dma_start3A_86] : memref<10240x16xf32, #tpu.memory_space<vmem_shared>> -> memref<10240x16xf32, #tpu.memory_space<vmem_shared>>
    tpu.enqueue_indirect_dma source(%dma_start3A_87 : memref<10240x16xf32, #tpu.memory_space<vmem_shared>>) target(%arg19 : memref<128x16xf32, #tpu.memory_space<vmem>>) offsets(%dma_start3A_84 : memref<128xi32, #tpu.memory_space<vmem>>) semaphore(%arg28 : memref<!tpu.dma_semaphore, #tpu.memory_space<semaphore_mem>>)
    %dma_start3A_88 = arith.constant 4 : i32
    %dma_start3A_89 = arith.constant 0 : i32
    %dma_start3A_90 = tpu.memref_slice %arg6[%dma_start3A_88, %dma_start3A_89] : memref<80x128xi32, #tpu.memory_space<vmem>> -> memref<1x128xi32, #tpu.memory_space<vmem>>
    %dma_start3A_91 = tpu.memref_squeeze %dma_start3A_90 : memref<1x128xi32, #tpu.memory_space<vmem>> -> memref<128xi32, #tpu.memory_space<vmem>>
    %dma_start3A_92 = arith.constant 0 : i32
    %dma_start3A_93 = arith.constant 0 : i32
    %dma_start3A_94 = tpu.memref_slice %arg26[%dma_start3A_92, %dma_start3A_93] : memref<10240x16xf32, #tpu.memory_space<vmem_shared>> -> memref<10240x16xf32, #tpu.memory_space<vmem_shared>>
    tpu.enqueue_indirect_dma source(%dma_start3A_94 : memref<10240x16xf32, #tpu.memory_space<vmem_shared>>) target(%arg12 : memref<128x16xf32, #tpu.memory_space<vmem>>) offsets(%dma_start3A_91 : memref<128xi32, #tpu.memory_space<vmem>>) semaphore(%arg27 : memref<!tpu.dma_semaphore, #tpu.memory_space<semaphore_mem>>)
    %dma_start3A_95 = arith.constant 12 : i32
    %dma_start3A_96 = arith.constant 0 : i32
    %dma_start3A_97 = tpu.memref_slice %arg6[%dma_start3A_95, %dma_start3A_96] : memref<80x128xi32, #tpu.memory_space<vmem>> -> memref<1x128xi32, #tpu.memory_space<vmem>>
    %dma_start3A_98 = tpu.memref_squeeze %dma_start3A_97 : memref<1x128xi32, #tpu.memory_space<vmem>> -> memref<128xi32, #tpu.memory_space<vmem>>
    %dma_start3A_99 = arith.constant 0 : i32
    %dma_start3A_100 = arith.constant 0 : i32
    %dma_start3A_101 = tpu.memref_slice %arg26[%dma_start3A_99, %dma_start3A_100] : memref<10240x16xf32, #tpu.memory_space<vmem_shared>> -> memref<10240x16xf32, #tpu.memory_space<vmem_shared>>
    tpu.enqueue_indirect_dma source(%dma_start3A_101 : memref<10240x16xf32, #tpu.memory_space<vmem_shared>>) target(%arg20 : memref<128x16xf32, #tpu.memory_space<vmem>>) offsets(%dma_start3A_98 : memref<128xi32, #tpu.memory_space<vmem>>) semaphore(%arg28 : memref<!tpu.dma_semaphore, #tpu.memory_space<semaphore_mem>>)
    %dma_start3A_102 = arith.constant 5 : i32
    %dma_start3A_103 = arith.constant 0 : i32
    %dma_start3A_104 = tpu.memref_slice %arg6[%dma_start3A_102, %dma_start3A_103] : memref<80x128xi32, #tpu.memory_space<vmem>> -> memref<1x128xi32, #tpu.memory_space<vmem>>
    %dma_start3A_105 = tpu.memref_squeeze %dma_start3A_104 : memref<1x128xi32, #tpu.memory_space<vmem>> -> memref<128xi32, #tpu.memory_space<vmem>>
    %dma_start3A_106 = arith.constant 0 : i32
    %dma_start3A_107 = arith.constant 0 : i32
    %dma_start3A_108 = tpu.memref_slice %arg26[%dma_start3A_106, %dma_start3A_107] : memref<10240x16xf32, #tpu.memory_space<vmem_shared>> -> memref<10240x16xf32, #tpu.memory_space<vmem_shared>>
    tpu.enqueue_indirect_dma source(%dma_start3A_108 : memref<10240x16xf32, #tpu.memory_space<vmem_shared>>) target(%arg13 : memref<128x16xf32, #tpu.memory_space<vmem>>) offsets(%dma_start3A_105 : memref<128xi32, #tpu.memory_space<vmem>>) semaphore(%arg27 : memref<!tpu.dma_semaphore, #tpu.memory_space<semaphore_mem>>)
    %dma_start3A_109 = arith.constant 13 : i32
    %dma_start3A_110 = arith.constant 0 : i32
    %dma_start3A_111 = tpu.memref_slice %arg6[%dma_start3A_109, %dma_start3A_110] : memref<80x128xi32, #tpu.memory_space<vmem>> -> memref<1x128xi32, #tpu.memory_space<vmem>>
    %dma_start3A_112 = tpu.memref_squeeze %dma_start3A_111 : memref<1x128xi32, #tpu.memory_space<vmem>> -> memref<128xi32, #tpu.memory_space<vmem>>
    %dma_start3A_113 = arith.constant 0 : i32
    %dma_start3A_114 = arith.constant 0 : i32
    %dma_start3A_115 = tpu.memref_slice %arg26[%dma_start3A_113, %dma_start3A_114] : memref<10240x16xf32, #tpu.memory_space<vmem_shared>> -> memref<10240x16xf32, #tpu.memory_space<vmem_shared>>
    tpu.enqueue_indirect_dma source(%dma_start3A_115 : memref<10240x16xf32, #tpu.memory_space<vmem_shared>>) target(%arg21 : memref<128x16xf32, #tpu.memory_space<vmem>>) offsets(%dma_start3A_112 : memref<128xi32, #tpu.memory_space<vmem>>) semaphore(%arg28 : memref<!tpu.dma_semaphore, #tpu.memory_space<semaphore_mem>>)
    %dma_start3A_116 = arith.constant 6 : i32
    %dma_start3A_117 = arith.constant 0 : i32
    %dma_start3A_118 = tpu.memref_slice %arg6[%dma_start3A_116, %dma_start3A_117] : memref<80x128xi32, #tpu.memory_space<vmem>> -> memref<1x128xi32, #tpu.memory_space<vmem>>
    %dma_start3A_119 = tpu.memref_squeeze %dma_start3A_118 : memref<1x128xi32, #tpu.memory_space<vmem>> -> memref<128xi32, #tpu.memory_space<vmem>>
    %dma_start3A_120 = arith.constant 0 : i32
    %dma_start3A_121 = arith.constant 0 : i32
    %dma_start3A_122 = tpu.memref_slice %arg26[%dma_start3A_120, %dma_start3A_121] : memref<10240x16xf32, #tpu.memory_space<vmem_shared>> -> memref<10240x16xf32, #tpu.memory_space<vmem_shared>>
    tpu.enqueue_indirect_dma source(%dma_start3A_122 : memref<10240x16xf32, #tpu.memory_space<vmem_shared>>) target(%arg14 : memref<128x16xf32, #tpu.memory_space<vmem>>) offsets(%dma_start3A_119 : memref<128xi32, #tpu.memory_space<vmem>>) semaphore(%arg27 : memref<!tpu.dma_semaphore, #tpu.memory_space<semaphore_mem>>)
    %dma_start3A_123 = arith.constant 14 : i32
    %dma_start3A_124 = arith.constant 0 : i32
    %dma_start3A_125 = tpu.memref_slice %arg6[%dma_start3A_123, %dma_start3A_124] : memref<80x128xi32, #tpu.memory_space<vmem>> -> memref<1x128xi32, #tpu.memory_space<vmem>>
    %dma_start3A_126 = tpu.memref_squeeze %dma_start3A_125 : memref<1x128xi32, #tpu.memory_space<vmem>> -> memref<128xi32, #tpu.memory_space<vmem>>
    %dma_start3A_127 = arith.constant 0 : i32
    %dma_start3A_128 = arith.constant 0 : i32
    %dma_start3A_129 = tpu.memref_slice %arg26[%dma_start3A_127, %dma_start3A_128] : memref<10240x16xf32, #tpu.memory_space<vmem_shared>> -> memref<10240x16xf32, #tpu.memory_space<vmem_shared>>
    tpu.enqueue_indirect_dma source(%dma_start3A_129 : memref<10240x16xf32, #tpu.memory_space<vmem_shared>>) target(%arg22 : memref<128x16xf32, #tpu.memory_space<vmem>>) offsets(%dma_start3A_126 : memref<128xi32, #tpu.memory_space<vmem>>) semaphore(%arg28 : memref<!tpu.dma_semaphore, #tpu.memory_space<semaphore_mem>>)
    %dma_start3A_130 = arith.constant 7 : i32
    %dma_start3A_131 = arith.constant 0 : i32
    %dma_start3A_132 = tpu.memref_slice %arg6[%dma_start3A_130, %dma_start3A_131] : memref<80x128xi32, #tpu.memory_space<vmem>> -> memref<1x128xi32, #tpu.memory_space<vmem>>
    %dma_start3A_133 = tpu.memref_squeeze %dma_start3A_132 : memref<1x128xi32, #tpu.memory_space<vmem>> -> memref<128xi32, #tpu.memory_space<vmem>>
    %dma_start3A_134 = arith.constant 0 : i32
    %dma_start3A_135 = arith.constant 0 : i32
    %dma_start3A_136 = tpu.memref_slice %arg26[%dma_start3A_134, %dma_start3A_135] : memref<10240x16xf32, #tpu.memory_space<vmem_shared>> -> memref<10240x16xf32, #tpu.memory_space<vmem_shared>>
    tpu.enqueue_indirect_dma source(%dma_start3A_136 : memref<10240x16xf32, #tpu.memory_space<vmem_shared>>) target(%arg15 : memref<128x16xf32, #tpu.memory_space<vmem>>) offsets(%dma_start3A_133 : memref<128xi32, #tpu.memory_space<vmem>>) semaphore(%arg27 : memref<!tpu.dma_semaphore, #tpu.memory_space<semaphore_mem>>)
    %dma_start3A_137 = arith.constant 15 : i32
    %dma_start3A_138 = arith.constant 0 : i32
    %dma_start3A_139 = tpu.memref_slice %arg6[%dma_start3A_137, %dma_start3A_138] : memref<80x128xi32, #tpu.memory_space<vmem>> -> memref<1x128xi32, #tpu.memory_space<vmem>>
    %dma_start3A_140 = tpu.memref_squeeze %dma_start3A_139 : memref<1x128xi32, #tpu.memory_space<vmem>> -> memref<128xi32, #tpu.memory_space<vmem>>
    %dma_start3A_141 = arith.constant 0 : i32
    %dma_start3A_142 = arith.constant 0 : i32
    %dma_start3A_143 = tpu.memref_slice %arg26[%dma_start3A_141, %dma_start3A_142] : memref<10240x16xf32, #tpu.memory_space<vmem_shared>> -> memref<10240x16xf32, #tpu.memory_space<vmem_shared>>
    tpu.enqueue_indirect_dma source(%dma_start3A_143 : memref<10240x16xf32, #tpu.memory_space<vmem_shared>>) target(%arg23 : memref<128x16xf32, #tpu.memory_space<vmem>>) offsets(%dma_start3A_140 : memref<128xi32, #tpu.memory_space<vmem>>) semaphore(%arg28 : memref<!tpu.dma_semaphore, #tpu.memory_space<semaphore_mem>>)
    %scan3A_144 = arith.constant 0 : i32
    %scan3A_145 = arith.constant 0 : i32
    %scan3A_146 = arith.constant 5 : i32
    %scan3A_147 = arith.addi %scan3A_145, %scan3A_146 : i32
    %scan3A_148 = arith.constant 1 : i32
    %scan3A_149 = scf.for %scan3A_159 = %scan3A_145 to %scan3A_147 step %scan3A_148 iter_args(%scan3A_160 = %scan3A_144) -> (i32)  : i32 {
      %mul3A_161 = arith.constant 2 : i32
      %mul3A_162 = arith.muli %mul3A_161, %scan3A_159 : i32
      %add3A_163 = arith.constant 0 : i32
      %add3A_164 = arith.addi %mul3A_162, %add3A_163 : i32
      %mul3A_165 = arith.constant 8 : i32
      %mul3A_166 = arith.muli %add3A_164, %mul3A_165 : i32
      %add3A_167 = arith.constant 0 : i32
      %add3A_168 = arith.addi %mul3A_166, %add3A_167 : i32
      %dma_wait3A = arith.constant 0 : i32
      %dma_wait3A_169 = tpu.memref_slice %arg6[%add3A_168, %dma_wait3A] : memref<80x128xi32, #tpu.memory_space<vmem>> -> memref<1x128xi32, #tpu.memory_space<vmem>>
      %dma_wait3A_170 = tpu.memref_squeeze %dma_wait3A_169 : memref<1x128xi32, #tpu.memory_space<vmem>> -> memref<128xi32, #tpu.memory_space<vmem>>
      %dma_wait3A_171 = arith.constant 0 : i32
      %dma_wait3A_172 = arith.constant 0 : i32
      %dma_wait3A_173 = tpu.memref_slice %arg26[%dma_wait3A_171, %dma_wait3A_172] : memref<10240x16xf32, #tpu.memory_space<vmem_shared>> -> memref<10240x16xf32, #tpu.memory_space<vmem_shared>>
      tpu.wait_indirect_dma semaphore(%arg27 : memref<!tpu.dma_semaphore, #tpu.memory_space<semaphore_mem>>) src(%dma_wait3A_173 : memref<10240x16xf32, #tpu.memory_space<vmem_shared>>) dst(%arg8 : memref<128x16xf32, #tpu.memory_space<vmem>>)
      %mul3A_174 = arith.constant 8 : i32
      %mul3A_175 = arith.muli %add3A_164, %mul3A_174 : i32
      %add3A_176 = arith.constant 1 : i32
      %add3A_177 = arith.addi %mul3A_175, %add3A_176 : i32
      %dma_wait3A_178 = arith.constant 0 : i32
      %dma_wait3A_179 = tpu.memref_slice %arg6[%add3A_177, %dma_wait3A_178] : memref<80x128xi32, #tpu.memory_space<vmem>> -> memref<1x128xi32, #tpu.memory_space<vmem>>
      %dma_wait3A_180 = tpu.memref_squeeze %dma_wait3A_179 : memref<1x128xi32, #tpu.memory_space<vmem>> -> memref<128xi32, #tpu.memory_space<vmem>>
      %dma_wait3A_181 = arith.constant 0 : i32
      %dma_wait3A_182 = arith.constant 0 : i32
      %dma_wait3A_183 = tpu.memref_slice %arg26[%dma_wait3A_181, %dma_wait3A_182] : memref<10240x16xf32, #tpu.memory_space<vmem_shared>> -> memref<10240x16xf32, #tpu.memory_space<vmem_shared>>
      tpu.wait_indirect_dma semaphore(%arg27 : memref<!tpu.dma_semaphore, #tpu.memory_space<semaphore_mem>>) src(%dma_wait3A_183 : memref<10240x16xf32, #tpu.memory_space<vmem_shared>>) dst(%arg9 : memref<128x16xf32, #tpu.memory_space<vmem>>)
      %mul3A_184 = arith.constant 8 : i32
      %mul3A_185 = arith.muli %add3A_164, %mul3A_184 : i32
      %add3A_186 = arith.constant 2 : i32
      %add3A_187 = arith.addi %mul3A_185, %add3A_186 : i32
      %dma_wait3A_188 = arith.constant 0 : i32
      %dma_wait3A_189 = tpu.memref_slice %arg6[%add3A_187, %dma_wait3A_188] : memref<80x128xi32, #tpu.memory_space<vmem>> -> memref<1x128xi32, #tpu.memory_space<vmem>>
      %dma_wait3A_190 = tpu.memref_squeeze %dma_wait3A_189 : memref<1x128xi32, #tpu.memory_space<vmem>> -> memref<128xi32, #tpu.memory_space<vmem>>
      %dma_wait3A_191 = arith.constant 0 : i32
      %dma_wait3A_192 = arith.constant 0 : i32
      %dma_wait3A_193 = tpu.memref_slice %arg26[%dma_wait3A_191, %dma_wait3A_192] : memref<10240x16xf32, #tpu.memory_space<vmem_shared>> -> memref<10240x16xf32, #tpu.memory_space<vmem_shared>>
      tpu.wait_indirect_dma semaphore(%arg27 : memref<!tpu.dma_semaphore, #tpu.memory_space<semaphore_mem>>) src(%dma_wait3A_193 : memref<10240x16xf32, #tpu.memory_space<vmem_shared>>) dst(%arg10 : memref<128x16xf32, #tpu.memory_space<vmem>>)
      %mul3A_194 = arith.constant 8 : i32
      %mul3A_195 = arith.muli %add3A_164, %mul3A_194 : i32
      %add3A_196 = arith.constant 3 : i32
      %add3A_197 = arith.addi %mul3A_195, %add3A_196 : i32
      %dma_wait3A_198 = arith.constant 0 : i32
      %dma_wait3A_199 = tpu.memref_slice %arg6[%add3A_197, %dma_wait3A_198] : memref<80x128xi32, #tpu.memory_space<vmem>> -> memref<1x128xi32, #tpu.memory_space<vmem>>
      %dma_wait3A_200 = tpu.memref_squeeze %dma_wait3A_199 : memref<1x128xi32, #tpu.memory_space<vmem>> -> memref<128xi32, #tpu.memory_space<vmem>>
      %dma_wait3A_201 = arith.constant 0 : i32
      %dma_wait3A_202 = arith.constant 0 : i32
      %dma_wait3A_203 = tpu.memref_slice %arg26[%dma_wait3A_201, %dma_wait3A_202] : memref<10240x16xf32, #tpu.memory_space<vmem_shared>> -> memref<10240x16xf32, #tpu.memory_space<vmem_shared>>
      tpu.wait_indirect_dma semaphore(%arg27 : memref<!tpu.dma_semaphore, #tpu.memory_space<semaphore_mem>>) src(%dma_wait3A_203 : memref<10240x16xf32, #tpu.memory_space<vmem_shared>>) dst(%arg11 : memref<128x16xf32, #tpu.memory_space<vmem>>)
      %mul3A_204 = arith.constant 8 : i32
      %mul3A_205 = arith.muli %add3A_164, %mul3A_204 : i32
      %add3A_206 = arith.constant 4 : i32
      %add3A_207 = arith.addi %mul3A_205, %add3A_206 : i32
      %dma_wait3A_208 = arith.constant 0 : i32
      %dma_wait3A_209 = tpu.memref_slice %arg6[%add3A_207, %dma_wait3A_208] : memref<80x128xi32, #tpu.memory_space<vmem>> -> memref<1x128xi32, #tpu.memory_space<vmem>>
      %dma_wait3A_210 = tpu.memref_squeeze %dma_wait3A_209 : memref<1x128xi32, #tpu.memory_space<vmem>> -> memref<128xi32, #tpu.memory_space<vmem>>
      %dma_wait3A_211 = arith.constant 0 : i32
      %dma_wait3A_212 = arith.constant 0 : i32
      %dma_wait3A_213 = tpu.memref_slice %arg26[%dma_wait3A_211, %dma_wait3A_212] : memref<10240x16xf32, #tpu.memory_space<vmem_shared>> -> memref<10240x16xf32, #tpu.memory_space<vmem_shared>>
      tpu.wait_indirect_dma semaphore(%arg27 : memref<!tpu.dma_semaphore, #tpu.memory_space<semaphore_mem>>) src(%dma_wait3A_213 : memref<10240x16xf32, #tpu.memory_space<vmem_shared>>) dst(%arg12 : memref<128x16xf32, #tpu.memory_space<vmem>>)
      %mul3A_214 = arith.constant 8 : i32
      %mul3A_215 = arith.muli %add3A_164, %mul3A_214 : i32
      %add3A_216 = arith.constant 5 : i32
      %add3A_217 = arith.addi %mul3A_215, %add3A_216 : i32
      %dma_wait3A_218 = arith.constant 0 : i32
      %dma_wait3A_219 = tpu.memref_slice %arg6[%add3A_217, %dma_wait3A_218] : memref<80x128xi32, #tpu.memory_space<vmem>> -> memref<1x128xi32, #tpu.memory_space<vmem>>
      %dma_wait3A_220 = tpu.memref_squeeze %dma_wait3A_219 : memref<1x128xi32, #tpu.memory_space<vmem>> -> memref<128xi32, #tpu.memory_space<vmem>>
      %dma_wait3A_221 = arith.constant 0 : i32
      %dma_wait3A_222 = arith.constant 0 : i32
      %dma_wait3A_223 = tpu.memref_slice %arg26[%dma_wait3A_221, %dma_wait3A_222] : memref<10240x16xf32, #tpu.memory_space<vmem_shared>> -> memref<10240x16xf32, #tpu.memory_space<vmem_shared>>
      tpu.wait_indirect_dma semaphore(%arg27 : memref<!tpu.dma_semaphore, #tpu.memory_space<semaphore_mem>>) src(%dma_wait3A_223 : memref<10240x16xf32, #tpu.memory_space<vmem_shared>>) dst(%arg13 : memref<128x16xf32, #tpu.memory_space<vmem>>)
      %mul3A_224 = arith.constant 8 : i32
      %mul3A_225 = arith.muli %add3A_164, %mul3A_224 : i32
      %add3A_226 = arith.constant 6 : i32
      %add3A_227 = arith.addi %mul3A_225, %add3A_226 : i32
      %dma_wait3A_228 = arith.constant 0 : i32
      %dma_wait3A_229 = tpu.memref_slice %arg6[%add3A_227, %dma_wait3A_228] : memref<80x128xi32, #tpu.memory_space<vmem>> -> memref<1x128xi32, #tpu.memory_space<vmem>>
      %dma_wait3A_230 = tpu.memref_squeeze %dma_wait3A_229 : memref<1x128xi32, #tpu.memory_space<vmem>> -> memref<128xi32, #tpu.memory_space<vmem>>
      %dma_wait3A_231 = arith.constant 0 : i32
      %dma_wait3A_232 = arith.constant 0 : i32
      %dma_wait3A_233 = tpu.memref_slice %arg26[%dma_wait3A_231, %dma_wait3A_232] : memref<10240x16xf32, #tpu.memory_space<vmem_shared>> -> memref<10240x16xf32, #tpu.memory_space<vmem_shared>>
      tpu.wait_indirect_dma semaphore(%arg27 : memref<!tpu.dma_semaphore, #tpu.memory_space<semaphore_mem>>) src(%dma_wait3A_233 : memref<10240x16xf32, #tpu.memory_space<vmem_shared>>) dst(%arg14 : memref<128x16xf32, #tpu.memory_space<vmem>>)
      %mul3A_234 = arith.constant 8 : i32
      %mul3A_235 = arith.muli %add3A_164, %mul3A_234 : i32
      %add3A_236 = arith.constant 7 : i32
      %add3A_237 = arith.addi %mul3A_235, %add3A_236 : i32
      %dma_wait3A_238 = arith.constant 0 : i32
      %dma_wait3A_239 = tpu.memref_slice %arg6[%add3A_237, %dma_wait3A_238] : memref<80x128xi32, #tpu.memory_space<vmem>> -> memref<1x128xi32, #tpu.memory_space<vmem>>
      %dma_wait3A_240 = tpu.memref_squeeze %dma_wait3A_239 : memref<1x128xi32, #tpu.memory_space<vmem>> -> memref<128xi32, #tpu.memory_space<vmem>>
      %dma_wait3A_241 = arith.constant 0 : i32
      %dma_wait3A_242 = arith.constant 0 : i32
      %dma_wait3A_243 = tpu.memref_slice %arg26[%dma_wait3A_241, %dma_wait3A_242] : memref<10240x16xf32, #tpu.memory_space<vmem_shared>> -> memref<10240x16xf32, #tpu.memory_space<vmem_shared>>
      tpu.wait_indirect_dma semaphore(%arg27 : memref<!tpu.dma_semaphore, #tpu.memory_space<semaphore_mem>>) src(%dma_wait3A_243 : memref<10240x16xf32, #tpu.memory_space<vmem_shared>>) dst(%arg15 : memref<128x16xf32, #tpu.memory_space<vmem>>)
      %mul3A_244 = arith.constant 8 : i32
      %mul3A_245 = arith.muli %add3A_164, %mul3A_244 : i32
      %add3A_246 = arith.constant 0 : i32
      %add3A_247 = arith.addi %mul3A_245, %add3A_246 : i32
      %dma_start3A_248 = arith.constant 0 : i32
      %dma_start3A_249 = tpu.memref_slice %arg7[%add3A_247, %dma_start3A_248] : memref<80x128xi32, #tpu.memory_space<vmem>> -> memref<1x128xi32, #tpu.memory_space<vmem>>
      %dma_start3A_250 = tpu.memref_squeeze %dma_start3A_249 : memref<1x128xi32, #tpu.memory_space<vmem>> -> memref<128xi32, #tpu.memory_space<vmem>>
      %dma_start3A_251 = arith.constant 0 : i32
      %dma_start3A_252 = arith.constant 0 : i32
      %dma_start3A_253 = tpu.memref_slice %arg25[%dma_start3A_251, %dma_start3A_252] : memref<10240x16xf32, #tpu.memory_space<vmem_shared>> -> memref<10240x16xf32, #tpu.memory_space<vmem_shared>>
      tpu.enqueue_indirect_dma source(%arg8 : memref<128x16xf32, #tpu.memory_space<vmem>>) target(%dma_start3A_253 : memref<10240x16xf32, #tpu.memory_space<vmem_shared>>) offsets(%dma_start3A_250 : memref<128xi32, #tpu.memory_space<vmem>>) semaphore(%arg29 : memref<!tpu.dma_semaphore, #tpu.memory_space<semaphore_mem>>) {add = true}
      %mul3A_254 = arith.constant 8 : i32
      %mul3A_255 = arith.muli %add3A_164, %mul3A_254 : i32
      %add3A_256 = arith.constant 1 : i32
      %add3A_257 = arith.addi %mul3A_255, %add3A_256 : i32
      %dma_start3A_258 = arith.constant 0 : i32
      %dma_start3A_259 = tpu.memref_slice %arg7[%add3A_257, %dma_start3A_258] : memref<80x128xi32, #tpu.memory_space<vmem>> -> memref<1x128xi32, #tpu.memory_space<vmem>>
      %dma_start3A_260 = tpu.memref_squeeze %dma_start3A_259 : memref<1x128xi32, #tpu.memory_space<vmem>> -> memref<128xi32, #tpu.memory_space<vmem>>
      %dma_start3A_261 = arith.constant 0 : i32
      %dma_start3A_262 = arith.constant 0 : i32
      %dma_start3A_263 = tpu.memref_slice %arg25[%dma_start3A_261, %dma_start3A_262] : memref<10240x16xf32, #tpu.memory_space<vmem_shared>> -> memref<10240x16xf32, #tpu.memory_space<vmem_shared>>
      tpu.enqueue_indirect_dma source(%arg9 : memref<128x16xf32, #tpu.memory_space<vmem>>) target(%dma_start3A_263 : memref<10240x16xf32, #tpu.memory_space<vmem_shared>>) offsets(%dma_start3A_260 : memref<128xi32, #tpu.memory_space<vmem>>) semaphore(%arg29 : memref<!tpu.dma_semaphore, #tpu.memory_space<semaphore_mem>>) {add = true}
      %mul3A_264 = arith.constant 8 : i32
      %mul3A_265 = arith.muli %add3A_164, %mul3A_264 : i32
      %add3A_266 = arith.constant 2 : i32
      %add3A_267 = arith.addi %mul3A_265, %add3A_266 : i32
      %dma_start3A_268 = arith.constant 0 : i32
      %dma_start3A_269 = tpu.memref_slice %arg7[%add3A_267, %dma_start3A_268] : memref<80x128xi32, #tpu.memory_space<vmem>> -> memref<1x128xi32, #tpu.memory_space<vmem>>
      %dma_start3A_270 = tpu.memref_squeeze %dma_start3A_269 : memref<1x128xi32, #tpu.memory_space<vmem>> -> memref<128xi32, #tpu.memory_space<vmem>>
      %dma_start3A_271 = arith.constant 0 : i32
      %dma_start3A_272 = arith.constant 0 : i32
      %dma_start3A_273 = tpu.memref_slice %arg25[%dma_start3A_271, %dma_start3A_272] : memref<10240x16xf32, #tpu.memory_space<vmem_shared>> -> memref<10240x16xf32, #tpu.memory_space<vmem_shared>>
      tpu.enqueue_indirect_dma source(%arg10 : memref<128x16xf32, #tpu.memory_space<vmem>>) target(%dma_start3A_273 : memref<10240x16xf32, #tpu.memory_space<vmem_shared>>) offsets(%dma_start3A_270 : memref<128xi32, #tpu.memory_space<vmem>>) semaphore(%arg29 : memref<!tpu.dma_semaphore, #tpu.memory_space<semaphore_mem>>) {add = true}
      %mul3A_274 = arith.constant 8 : i32
      %mul3A_275 = arith.muli %add3A_164, %mul3A_274 : i32
      %add3A_276 = arith.constant 3 : i32
      %add3A_277 = arith.addi %mul3A_275, %add3A_276 : i32
      %dma_start3A_278 = arith.constant 0 : i32
      %dma_start3A_279 = tpu.memref_slice %arg7[%add3A_277, %dma_start3A_278] : memref<80x128xi32, #tpu.memory_space<vmem>> -> memref<1x128xi32, #tpu.memory_space<vmem>>
      %dma_start3A_280 = tpu.memref_squeeze %dma_start3A_279 : memref<1x128xi32, #tpu.memory_space<vmem>> -> memref<128xi32, #tpu.memory_space<vmem>>
      %dma_start3A_281 = arith.constant 0 : i32
      %dma_start3A_282 = arith.constant 0 : i32
      %dma_start3A_283 = tpu.memref_slice %arg25[%dma_start3A_281, %dma_start3A_282] : memref<10240x16xf32, #tpu.memory_space<vmem_shared>> -> memref<10240x16xf32, #tpu.memory_space<vmem_shared>>
      tpu.enqueue_indirect_dma source(%arg11 : memref<128x16xf32, #tpu.memory_space<vmem>>) target(%dma_start3A_283 : memref<10240x16xf32, #tpu.memory_space<vmem_shared>>) offsets(%dma_start3A_280 : memref<128xi32, #tpu.memory_space<vmem>>) semaphore(%arg29 : memref<!tpu.dma_semaphore, #tpu.memory_space<semaphore_mem>>) {add = true}
      %mul3A_284 = arith.constant 8 : i32
      %mul3A_285 = arith.muli %add3A_164, %mul3A_284 : i32
      %add3A_286 = arith.constant 4 : i32
      %add3A_287 = arith.addi %mul3A_285, %add3A_286 : i32
      %dma_start3A_288 = arith.constant 0 : i32
      %dma_start3A_289 = tpu.memref_slice %arg7[%add3A_287, %dma_start3A_288] : memref<80x128xi32, #tpu.memory_space<vmem>> -> memref<1x128xi32, #tpu.memory_space<vmem>>
      %dma_start3A_290 = tpu.memref_squeeze %dma_start3A_289 : memref<1x128xi32, #tpu.memory_space<vmem>> -> memref<128xi32, #tpu.memory_space<vmem>>
      %dma_start3A_291 = arith.constant 0 : i32
      %dma_start3A_292 = arith.constant 0 : i32
      %dma_start3A_293 = tpu.memref_slice %arg25[%dma_start3A_291, %dma_start3A_292] : memref<10240x16xf32, #tpu.memory_space<vmem_shared>> -> memref<10240x16xf32, #tpu.memory_space<vmem_shared>>
      tpu.enqueue_indirect_dma source(%arg12 : memref<128x16xf32, #tpu.memory_space<vmem>>) target(%dma_start3A_293 : memref<10240x16xf32, #tpu.memory_space<vmem_shared>>) offsets(%dma_start3A_290 : memref<128xi32, #tpu.memory_space<vmem>>) semaphore(%arg29 : memref<!tpu.dma_semaphore, #tpu.memory_space<semaphore_mem>>) {add = true}
      %mul3A_294 = arith.constant 8 : i32
      %mul3A_295 = arith.muli %add3A_164, %mul3A_294 : i32
      %add3A_296 = arith.constant 5 : i32
      %add3A_297 = arith.addi %mul3A_295, %add3A_296 : i32
      %dma_start3A_298 = arith.constant 0 : i32
      %dma_start3A_299 = tpu.memref_slice %arg7[%add3A_297, %dma_start3A_298] : memref<80x128xi32, #tpu.memory_space<vmem>> -> memref<1x128xi32, #tpu.memory_space<vmem>>
      %dma_start3A_300 = tpu.memref_squeeze %dma_start3A_299 : memref<1x128xi32, #tpu.memory_space<vmem>> -> memref<128xi32, #tpu.memory_space<vmem>>
      %dma_start3A_301 = arith.constant 0 : i32
      %dma_start3A_302 = arith.constant 0 : i32
      %dma_start3A_303 = tpu.memref_slice %arg25[%dma_start3A_301, %dma_start3A_302] : memref<10240x16xf32, #tpu.memory_space<vmem_shared>> -> memref<10240x16xf32, #tpu.memory_space<vmem_shared>>
      tpu.enqueue_indirect_dma source(%arg13 : memref<128x16xf32, #tpu.memory_space<vmem>>) target(%dma_start3A_303 : memref<10240x16xf32, #tpu.memory_space<vmem_shared>>) offsets(%dma_start3A_300 : memref<128xi32, #tpu.memory_space<vmem>>) semaphore(%arg29 : memref<!tpu.dma_semaphore, #tpu.memory_space<semaphore_mem>>) {add = true}
      %mul3A_304 = arith.constant 8 : i32
      %mul3A_305 = arith.muli %add3A_164, %mul3A_304 : i32
      %add3A_306 = arith.constant 6 : i32
      %add3A_307 = arith.addi %mul3A_305, %add3A_306 : i32
      %dma_start3A_308 = arith.constant 0 : i32
      %dma_start3A_309 = tpu.memref_slice %arg7[%add3A_307, %dma_start3A_308] : memref<80x128xi32, #tpu.memory_space<vmem>> -> memref<1x128xi32, #tpu.memory_space<vmem>>
      %dma_start3A_310 = tpu.memref_squeeze %dma_start3A_309 : memref<1x128xi32, #tpu.memory_space<vmem>> -> memref<128xi32, #tpu.memory_space<vmem>>
      %dma_start3A_311 = arith.constant 0 : i32
      %dma_start3A_312 = arith.constant 0 : i32
      %dma_start3A_313 = tpu.memref_slice %arg25[%dma_start3A_311, %dma_start3A_312] : memref<10240x16xf32, #tpu.memory_space<vmem_shared>> -> memref<10240x16xf32, #tpu.memory_space<vmem_shared>>
      tpu.enqueue_indirect_dma source(%arg14 : memref<128x16xf32, #tpu.memory_space<vmem>>) target(%dma_start3A_313 : memref<10240x16xf32, #tpu.memory_space<vmem_shared>>) offsets(%dma_start3A_310 : memref<128xi32, #tpu.memory_space<vmem>>) semaphore(%arg29 : memref<!tpu.dma_semaphore, #tpu.memory_space<semaphore_mem>>) {add = true}
      %mul3A_314 = arith.constant 8 : i32
      %mul3A_315 = arith.muli %add3A_164, %mul3A_314 : i32
      %add3A_316 = arith.constant 7 : i32
      %add3A_317 = arith.addi %mul3A_315, %add3A_316 : i32
      %dma_start3A_318 = arith.constant 0 : i32
      %dma_start3A_319 = tpu.memref_slice %arg7[%add3A_317, %dma_start3A_318] : memref<80x128xi32, #tpu.memory_space<vmem>> -> memref<1x128xi32, #tpu.memory_space<vmem>>
      %dma_start3A_320 = tpu.memref_squeeze %dma_start3A_319 : memref<1x128xi32, #tpu.memory_space<vmem>> -> memref<128xi32, #tpu.memory_space<vmem>>
      %dma_start3A_321 = arith.constant 0 : i32
      %dma_start3A_322 = arith.constant 0 : i32
      %dma_start3A_323 = tpu.memref_slice %arg25[%dma_start3A_321, %dma_start3A_322] : memref<10240x16xf32, #tpu.memory_space<vmem_shared>> -> memref<10240x16xf32, #tpu.memory_space<vmem_shared>>
      tpu.enqueue_indirect_dma source(%arg15 : memref<128x16xf32, #tpu.memory_space<vmem>>) target(%dma_start3A_323 : memref<10240x16xf32, #tpu.memory_space<vmem_shared>>) offsets(%dma_start3A_320 : memref<128xi32, #tpu.memory_space<vmem>>) semaphore(%arg29 : memref<!tpu.dma_semaphore, #tpu.memory_space<semaphore_mem>>) {add = true}
      %mul3A_324 = arith.constant 8 : i32
      %mul3A_325 = arith.muli %add3A_164, %mul3A_324 : i32
      %add3A_326 = arith.constant 0 : i32
      %add3A_327 = arith.addi %mul3A_325, %add3A_326 : i32
      %dma_wait3A_328 = arith.constant 0 : i32
      %dma_wait3A_329 = tpu.memref_slice %arg7[%add3A_327, %dma_wait3A_328] : memref<80x128xi32, #tpu.memory_space<vmem>> -> memref<1x128xi32, #tpu.memory_space<vmem>>
      %dma_wait3A_330 = tpu.memref_squeeze %dma_wait3A_329 : memref<1x128xi32, #tpu.memory_space<vmem>> -> memref<128xi32, #tpu.memory_space<vmem>>
      %dma_wait3A_331 = arith.constant 0 : i32
      %dma_wait3A_332 = arith.constant 0 : i32
      %dma_wait3A_333 = tpu.memref_slice %arg25[%dma_wait3A_331, %dma_wait3A_332] : memref<10240x16xf32, #tpu.memory_space<vmem_shared>> -> memref<10240x16xf32, #tpu.memory_space<vmem_shared>>
      tpu.wait_indirect_dma semaphore(%arg29 : memref<!tpu.dma_semaphore, #tpu.memory_space<semaphore_mem>>) src(%arg8 : memref<128x16xf32, #tpu.memory_space<vmem>>) dst(%dma_wait3A_333 : memref<10240x16xf32, #tpu.memory_space<vmem_shared>>)
      %mul3A_334 = arith.constant 8 : i32
      %mul3A_335 = arith.muli %add3A_164, %mul3A_334 : i32
      %add3A_336 = arith.constant 1 : i32
      %add3A_337 = arith.addi %mul3A_335, %add3A_336 : i32
      %dma_wait3A_338 = arith.constant 0 : i32
      %dma_wait3A_339 = tpu.memref_slice %arg7[%add3A_337, %dma_wait3A_338] : memref<80x128xi32, #tpu.memory_space<vmem>> -> memref<1x128xi32, #tpu.memory_space<vmem>>
      %dma_wait3A_340 = tpu.memref_squeeze %dma_wait3A_339 : memref<1x128xi32, #tpu.memory_space<vmem>> -> memref<128xi32, #tpu.memory_space<vmem>>
      %dma_wait3A_341 = arith.constant 0 : i32
      %dma_wait3A_342 = arith.constant 0 : i32
      %dma_wait3A_343 = tpu.memref_slice %arg25[%dma_wait3A_341, %dma_wait3A_342] : memref<10240x16xf32, #tpu.memory_space<vmem_shared>> -> memref<10240x16xf32, #tpu.memory_space<vmem_shared>>
      tpu.wait_indirect_dma semaphore(%arg29 : memref<!tpu.dma_semaphore, #tpu.memory_space<semaphore_mem>>) src(%arg9 : memref<128x16xf32, #tpu.memory_space<vmem>>) dst(%dma_wait3A_343 : memref<10240x16xf32, #tpu.memory_space<vmem_shared>>)
      %mul3A_344 = arith.constant 8 : i32
      %mul3A_345 = arith.muli %add3A_164, %mul3A_344 : i32
      %add3A_346 = arith.constant 2 : i32
      %add3A_347 = arith.addi %mul3A_345, %add3A_346 : i32
      %dma_wait3A_348 = arith.constant 0 : i32
      %dma_wait3A_349 = tpu.memref_slice %arg7[%add3A_347, %dma_wait3A_348] : memref<80x128xi32, #tpu.memory_space<vmem>> -> memref<1x128xi32, #tpu.memory_space<vmem>>
      %dma_wait3A_350 = tpu.memref_squeeze %dma_wait3A_349 : memref<1x128xi32, #tpu.memory_space<vmem>> -> memref<128xi32, #tpu.memory_space<vmem>>
      %dma_wait3A_351 = arith.constant 0 : i32
      %dma_wait3A_352 = arith.constant 0 : i32
      %dma_wait3A_353 = tpu.memref_slice %arg25[%dma_wait3A_351, %dma_wait3A_352] : memref<10240x16xf32, #tpu.memory_space<vmem_shared>> -> memref<10240x16xf32, #tpu.memory_space<vmem_shared>>
      tpu.wait_indirect_dma semaphore(%arg29 : memref<!tpu.dma_semaphore, #tpu.memory_space<semaphore_mem>>) src(%arg10 : memref<128x16xf32, #tpu.memory_space<vmem>>) dst(%dma_wait3A_353 : memref<10240x16xf32, #tpu.memory_space<vmem_shared>>)
      %mul3A_354 = arith.constant 8 : i32
      %mul3A_355 = arith.muli %add3A_164, %mul3A_354 : i32
      %add3A_356 = arith.constant 3 : i32
      %add3A_357 = arith.addi %mul3A_355, %add3A_356 : i32
      %dma_wait3A_358 = arith.constant 0 : i32
      %dma_wait3A_359 = tpu.memref_slice %arg7[%add3A_357, %dma_wait3A_358] : memref<80x128xi32, #tpu.memory_space<vmem>> -> memref<1x128xi32, #tpu.memory_space<vmem>>
      %dma_wait3A_360 = tpu.memref_squeeze %dma_wait3A_359 : memref<1x128xi32, #tpu.memory_space<vmem>> -> memref<128xi32, #tpu.memory_space<vmem>>
      %dma_wait3A_361 = arith.constant 0 : i32
      %dma_wait3A_362 = arith.constant 0 : i32
      %dma_wait3A_363 = tpu.memref_slice %arg25[%dma_wait3A_361, %dma_wait3A_362] : memref<10240x16xf32, #tpu.memory_space<vmem_shared>> -> memref<10240x16xf32, #tpu.memory_space<vmem_shared>>
      tpu.wait_indirect_dma semaphore(%arg29 : memref<!tpu.dma_semaphore, #tpu.memory_space<semaphore_mem>>) src(%arg11 : memref<128x16xf32, #tpu.memory_space<vmem>>) dst(%dma_wait3A_363 : memref<10240x16xf32, #tpu.memory_space<vmem_shared>>)
      %mul3A_364 = arith.constant 8 : i32
      %mul3A_365 = arith.muli %add3A_164, %mul3A_364 : i32
      %add3A_366 = arith.constant 4 : i32
      %add3A_367 = arith.addi %mul3A_365, %add3A_366 : i32
      %dma_wait3A_368 = arith.constant 0 : i32
      %dma_wait3A_369 = tpu.memref_slice %arg7[%add3A_367, %dma_wait3A_368] : memref<80x128xi32, #tpu.memory_space<vmem>> -> memref<1x128xi32, #tpu.memory_space<vmem>>
      %dma_wait3A_370 = tpu.memref_squeeze %dma_wait3A_369 : memref<1x128xi32, #tpu.memory_space<vmem>> -> memref<128xi32, #tpu.memory_space<vmem>>
      %dma_wait3A_371 = arith.constant 0 : i32
      %dma_wait3A_372 = arith.constant 0 : i32
      %dma_wait3A_373 = tpu.memref_slice %arg25[%dma_wait3A_371, %dma_wait3A_372] : memref<10240x16xf32, #tpu.memory_space<vmem_shared>> -> memref<10240x16xf32, #tpu.memory_space<vmem_shared>>
      tpu.wait_indirect_dma semaphore(%arg29 : memref<!tpu.dma_semaphore, #tpu.memory_space<semaphore_mem>>) src(%arg12 : memref<128x16xf32, #tpu.memory_space<vmem>>) dst(%dma_wait3A_373 : memref<10240x16xf32, #tpu.memory_space<vmem_shared>>)
      %mul3A_374 = arith.constant 8 : i32
      %mul3A_375 = arith.muli %add3A_164, %mul3A_374 : i32
      %add3A_376 = arith.constant 5 : i32
      %add3A_377 = arith.addi %mul3A_375, %add3A_376 : i32
      %dma_wait3A_378 = arith.constant 0 : i32
      %dma_wait3A_379 = tpu.memref_slice %arg7[%add3A_377, %dma_wait3A_378] : memref<80x128xi32, #tpu.memory_space<vmem>> -> memref<1x128xi32, #tpu.memory_space<vmem>>
      %dma_wait3A_380 = tpu.memref_squeeze %dma_wait3A_379 : memref<1x128xi32, #tpu.memory_space<vmem>> -> memref<128xi32, #tpu.memory_space<vmem>>
      %dma_wait3A_381 = arith.constant 0 : i32
      %dma_wait3A_382 = arith.constant 0 : i32
      %dma_wait3A_383 = tpu.memref_slice %arg25[%dma_wait3A_381, %dma_wait3A_382] : memref<10240x16xf32, #tpu.memory_space<vmem_shared>> -> memref<10240x16xf32, #tpu.memory_space<vmem_shared>>
      tpu.wait_indirect_dma semaphore(%arg29 : memref<!tpu.dma_semaphore, #tpu.memory_space<semaphore_mem>>) src(%arg13 : memref<128x16xf32, #tpu.memory_space<vmem>>) dst(%dma_wait3A_383 : memref<10240x16xf32, #tpu.memory_space<vmem_shared>>)
      %mul3A_384 = arith.constant 8 : i32
      %mul3A_385 = arith.muli %add3A_164, %mul3A_384 : i32
      %add3A_386 = arith.constant 6 : i32
      %add3A_387 = arith.addi %mul3A_385, %add3A_386 : i32
      %dma_wait3A_388 = arith.constant 0 : i32
      %dma_wait3A_389 = tpu.memref_slice %arg7[%add3A_387, %dma_wait3A_388] : memref<80x128xi32, #tpu.memory_space<vmem>> -> memref<1x128xi32, #tpu.memory_space<vmem>>
      %dma_wait3A_390 = tpu.memref_squeeze %dma_wait3A_389 : memref<1x128xi32, #tpu.memory_space<vmem>> -> memref<128xi32, #tpu.memory_space<vmem>>
      %dma_wait3A_391 = arith.constant 0 : i32
      %dma_wait3A_392 = arith.constant 0 : i32
      %dma_wait3A_393 = tpu.memref_slice %arg25[%dma_wait3A_391, %dma_wait3A_392] : memref<10240x16xf32, #tpu.memory_space<vmem_shared>> -> memref<10240x16xf32, #tpu.memory_space<vmem_shared>>
      tpu.wait_indirect_dma semaphore(%arg29 : memref<!tpu.dma_semaphore, #tpu.memory_space<semaphore_mem>>) src(%arg14 : memref<128x16xf32, #tpu.memory_space<vmem>>) dst(%dma_wait3A_393 : memref<10240x16xf32, #tpu.memory_space<vmem_shared>>)
      %mul3A_394 = arith.constant 8 : i32
      %mul3A_395 = arith.muli %add3A_164, %mul3A_394 : i32
      %add3A_396 = arith.constant 7 : i32
      %add3A_397 = arith.addi %mul3A_395, %add3A_396 : i32
      %dma_wait3A_398 = arith.constant 0 : i32
      %dma_wait3A_399 = tpu.memref_slice %arg7[%add3A_397, %dma_wait3A_398] : memref<80x128xi32, #tpu.memory_space<vmem>> -> memref<1x128xi32, #tpu.memory_space<vmem>>
      %dma_wait3A_400 = tpu.memref_squeeze %dma_wait3A_399 : memref<1x128xi32, #tpu.memory_space<vmem>> -> memref<128xi32, #tpu.memory_space<vmem>>
      %dma_wait3A_401 = arith.constant 0 : i32
      %dma_wait3A_402 = arith.constant 0 : i32
      %dma_wait3A_403 = tpu.memref_slice %arg25[%dma_wait3A_401, %dma_wait3A_402] : memref<10240x16xf32, #tpu.memory_space<vmem_shared>> -> memref<10240x16xf32, #tpu.memory_space<vmem_shared>>
      tpu.wait_indirect_dma semaphore(%arg29 : memref<!tpu.dma_semaphore, #tpu.memory_space<semaphore_mem>>) src(%arg15 : memref<128x16xf32, #tpu.memory_space<vmem>>) dst(%dma_wait3A_403 : memref<10240x16xf32, #tpu.memory_space<vmem_shared>>)
      %add3A_404 = arith.constant 2 : i32
      %add3A_405 = arith.addi %add3A_164, %add3A_404 : i32
      %lt3A_406 = arith.constant 10 : i32
      %lt3A_407 = arith.cmpi slt, %add3A_405, %lt3A_406 : i32
      %convert_element_type3A_408 = arith.extui %lt3A_407 : i1 to i32
      %cond3A_409 = arith.constant 0 : i32
      %cond3A_410 = arith.cmpi ne, %convert_element_type3A_408, %cond3A_409 : i32
      scf.if %cond3A_410 {
        %add3A_663 = arith.constant 2 : i32
        %add3A_664 = arith.addi %add3A_164, %add3A_663 : i32
        %mul3A_665 = arith.constant 8 : i32
        %mul3A_666 = arith.muli %add3A_664, %mul3A_665 : i32
        %add3A_667 = arith.constant 0 : i32
        %add3A_668 = arith.addi %mul3A_666, %add3A_667 : i32
        %dma_start3A_669 = arith.constant 0 : i32
        %dma_start3A_670 = tpu.memref_slice %arg6[%add3A_668, %dma_start3A_669] : memref<80x128xi32, #tpu.memory_space<vmem>> -> memref<1x128xi32, #tpu.memory_space<vmem>>
        %dma_start3A_671 = tpu.memref_squeeze %dma_start3A_670 : memref<1x128xi32, #tpu.memory_space<vmem>> -> memref<128xi32, #tpu.memory_space<vmem>>
        %dma_start3A_672 = arith.constant 0 : i32
        %dma_start3A_673 = arith.constant 0 : i32
        %dma_start3A_674 = tpu.memref_slice %arg26[%dma_start3A_672, %dma_start3A_673] : memref<10240x16xf32, #tpu.memory_space<vmem_shared>> -> memref<10240x16xf32, #tpu.memory_space<vmem_shared>>
        tpu.enqueue_indirect_dma source(%dma_start3A_674 : memref<10240x16xf32, #tpu.memory_space<vmem_shared>>) target(%arg8 : memref<128x16xf32, #tpu.memory_space<vmem>>) offsets(%dma_start3A_671 : memref<128xi32, #tpu.memory_space<vmem>>) semaphore(%arg27 : memref<!tpu.dma_semaphore, #tpu.memory_space<semaphore_mem>>)
        %add3A_675 = arith.constant 2 : i32
        %add3A_676 = arith.addi %add3A_164, %add3A_675 : i32
        %mul3A_677 = arith.constant 8 : i32
        %mul3A_678 = arith.muli %add3A_676, %mul3A_677 : i32
        %add3A_679 = arith.constant 1 : i32
        %add3A_680 = arith.addi %mul3A_678, %add3A_679 : i32
        %dma_start3A_681 = arith.constant 0 : i32
        %dma_start3A_682 = tpu.memref_slice %arg6[%add3A_680, %dma_start3A_681] : memref<80x128xi32, #tpu.memory_space<vmem>> -> memref<1x128xi32, #tpu.memory_space<vmem>>
        %dma_start3A_683 = tpu.memref_squeeze %dma_start3A_682 : memref<1x128xi32, #tpu.memory_space<vmem>> -> memref<128xi32, #tpu.memory_space<vmem>>
        %dma_start3A_684 = arith.constant 0 : i32
        %dma_start3A_685 = arith.constant 0 : i32
        %dma_start3A_686 = tpu.memref_slice %arg26[%dma_start3A_684, %dma_start3A_685] : memref<10240x16xf32, #tpu.memory_space<vmem_shared>> -> memref<10240x16xf32, #tpu.memory_space<vmem_shared>>
        tpu.enqueue_indirect_dma source(%dma_start3A_686 : memref<10240x16xf32, #tpu.memory_space<vmem_shared>>) target(%arg9 : memref<128x16xf32, #tpu.memory_space<vmem>>) offsets(%dma_start3A_683 : memref<128xi32, #tpu.memory_space<vmem>>) semaphore(%arg27 : memref<!tpu.dma_semaphore, #tpu.memory_space<semaphore_mem>>)
        %add3A_687 = arith.constant 2 : i32
        %add3A_688 = arith.addi %add3A_164, %add3A_687 : i32
        %mul3A_689 = arith.constant 8 : i32
        %mul3A_690 = arith.muli %add3A_688, %mul3A_689 : i32
        %add3A_691 = arith.constant 2 : i32
        %add3A_692 = arith.addi %mul3A_690, %add3A_691 : i32
        %dma_start3A_693 = arith.constant 0 : i32
        %dma_start3A_694 = tpu.memref_slice %arg6[%add3A_692, %dma_start3A_693] : memref<80x128xi32, #tpu.memory_space<vmem>> -> memref<1x128xi32, #tpu.memory_space<vmem>>
        %dma_start3A_695 = tpu.memref_squeeze %dma_start3A_694 : memref<1x128xi32, #tpu.memory_space<vmem>> -> memref<128xi32, #tpu.memory_space<vmem>>
        %dma_start3A_696 = arith.constant 0 : i32
        %dma_start3A_697 = arith.constant 0 : i32
        %dma_start3A_698 = tpu.memref_slice %arg26[%dma_start3A_696, %dma_start3A_697] : memref<10240x16xf32, #tpu.memory_space<vmem_shared>> -> memref<10240x16xf32, #tpu.memory_space<vmem_shared>>
        tpu.enqueue_indirect_dma source(%dma_start3A_698 : memref<10240x16xf32, #tpu.memory_space<vmem_shared>>) target(%arg10 : memref<128x16xf32, #tpu.memory_space<vmem>>) offsets(%dma_start3A_695 : memref<128xi32, #tpu.memory_space<vmem>>) semaphore(%arg27 : memref<!tpu.dma_semaphore, #tpu.memory_space<semaphore_mem>>)
        %add3A_699 = arith.constant 2 : i32
        %add3A_700 = arith.addi %add3A_164, %add3A_699 : i32
        %mul3A_701 = arith.constant 8 : i32
        %mul3A_702 = arith.muli %add3A_700, %mul3A_701 : i32
        %add3A_703 = arith.constant 3 : i32
        %add3A_704 = arith.addi %mul3A_702, %add3A_703 : i32
        %dma_start3A_705 = arith.constant 0 : i32
        %dma_start3A_706 = tpu.memref_slice %arg6[%add3A_704, %dma_start3A_705] : memref<80x128xi32, #tpu.memory_space<vmem>> -> memref<1x128xi32, #tpu.memory_space<vmem>>
        %dma_start3A_707 = tpu.memref_squeeze %dma_start3A_706 : memref<1x128xi32, #tpu.memory_space<vmem>> -> memref<128xi32, #tpu.memory_space<vmem>>
        %dma_start3A_708 = arith.constant 0 : i32
        %dma_start3A_709 = arith.constant 0 : i32
        %dma_start3A_710 = tpu.memref_slice %arg26[%dma_start3A_708, %dma_start3A_709] : memref<10240x16xf32, #tpu.memory_space<vmem_shared>> -> memref<10240x16xf32, #tpu.memory_space<vmem_shared>>
        tpu.enqueue_indirect_dma source(%dma_start3A_710 : memref<10240x16xf32, #tpu.memory_space<vmem_shared>>) target(%arg11 : memref<128x16xf32, #tpu.memory_space<vmem>>) offsets(%dma_start3A_707 : memref<128xi32, #tpu.memory_space<vmem>>) semaphore(%arg27 : memref<!tpu.dma_semaphore, #tpu.memory_space<semaphore_mem>>)
        %add3A_711 = arith.constant 2 : i32
        %add3A_712 = arith.addi %add3A_164, %add3A_711 : i32
        %mul3A_713 = arith.constant 8 : i32
        %mul3A_714 = arith.muli %add3A_712, %mul3A_713 : i32
        %add3A_715 = arith.constant 4 : i32
        %add3A_716 = arith.addi %mul3A_714, %add3A_715 : i32
        %dma_start3A_717 = arith.constant 0 : i32
        %dma_start3A_718 = tpu.memref_slice %arg6[%add3A_716, %dma_start3A_717] : memref<80x128xi32, #tpu.memory_space<vmem>> -> memref<1x128xi32, #tpu.memory_space<vmem>>
        %dma_start3A_719 = tpu.memref_squeeze %dma_start3A_718 : memref<1x128xi32, #tpu.memory_space<vmem>> -> memref<128xi32, #tpu.memory_space<vmem>>
        %dma_start3A_720 = arith.constant 0 : i32
        %dma_start3A_721 = arith.constant 0 : i32
        %dma_start3A_722 = tpu.memref_slice %arg26[%dma_start3A_720, %dma_start3A_721] : memref<10240x16xf32, #tpu.memory_space<vmem_shared>> -> memref<10240x16xf32, #tpu.memory_space<vmem_shared>>
        tpu.enqueue_indirect_dma source(%dma_start3A_722 : memref<10240x16xf32, #tpu.memory_space<vmem_shared>>) target(%arg12 : memref<128x16xf32, #tpu.memory_space<vmem>>) offsets(%dma_start3A_719 : memref<128xi32, #tpu.memory_space<vmem>>) semaphore(%arg27 : memref<!tpu.dma_semaphore, #tpu.memory_space<semaphore_mem>>)
        %add3A_723 = arith.constant 2 : i32
        %add3A_724 = arith.addi %add3A_164, %add3A_723 : i32
        %mul3A_725 = arith.constant 8 : i32
        %mul3A_726 = arith.muli %add3A_724, %mul3A_725 : i32
        %add3A_727 = arith.constant 5 : i32
        %add3A_728 = arith.addi %mul3A_726, %add3A_727 : i32
        %dma_start3A_729 = arith.constant 0 : i32
        %dma_start3A_730 = tpu.memref_slice %arg6[%add3A_728, %dma_start3A_729] : memref<80x128xi32, #tpu.memory_space<vmem>> -> memref<1x128xi32, #tpu.memory_space<vmem>>
        %dma_start3A_731 = tpu.memref_squeeze %dma_start3A_730 : memref<1x128xi32, #tpu.memory_space<vmem>> -> memref<128xi32, #tpu.memory_space<vmem>>
        %dma_start3A_732 = arith.constant 0 : i32
        %dma_start3A_733 = arith.constant 0 : i32
        %dma_start3A_734 = tpu.memref_slice %arg26[%dma_start3A_732, %dma_start3A_733] : memref<10240x16xf32, #tpu.memory_space<vmem_shared>> -> memref<10240x16xf32, #tpu.memory_space<vmem_shared>>
        tpu.enqueue_indirect_dma source(%dma_start3A_734 : memref<10240x16xf32, #tpu.memory_space<vmem_shared>>) target(%arg13 : memref<128x16xf32, #tpu.memory_space<vmem>>) offsets(%dma_start3A_731 : memref<128xi32, #tpu.memory_space<vmem>>) semaphore(%arg27 : memref<!tpu.dma_semaphore, #tpu.memory_space<semaphore_mem>>)
        %add3A_735 = arith.constant 2 : i32
        %add3A_736 = arith.addi %add3A_164, %add3A_735 : i32
        %mul3A_737 = arith.constant 8 : i32
        %mul3A_738 = arith.muli %add3A_736, %mul3A_737 : i32
        %add3A_739 = arith.constant 6 : i32
        %add3A_740 = arith.addi %mul3A_738, %add3A_739 : i32
        %dma_start3A_741 = arith.constant 0 : i32
        %dma_start3A_742 = tpu.memref_slice %arg6[%add3A_740, %dma_start3A_741] : memref<80x128xi32, #tpu.memory_space<vmem>> -> memref<1x128xi32, #tpu.memory_space<vmem>>
        %dma_start3A_743 = tpu.memref_squeeze %dma_start3A_742 : memref<1x128xi32, #tpu.memory_space<vmem>> -> memref<128xi32, #tpu.memory_space<vmem>>
        %dma_start3A_744 = arith.constant 0 : i32
        %dma_start3A_745 = arith.constant 0 : i32
        %dma_start3A_746 = tpu.memref_slice %arg26[%dma_start3A_744, %dma_start3A_745] : memref<10240x16xf32, #tpu.memory_space<vmem_shared>> -> memref<10240x16xf32, #tpu.memory_space<vmem_shared>>
        tpu.enqueue_indirect_dma source(%dma_start3A_746 : memref<10240x16xf32, #tpu.memory_space<vmem_shared>>) target(%arg14 : memref<128x16xf32, #tpu.memory_space<vmem>>) offsets(%dma_start3A_743 : memref<128xi32, #tpu.memory_space<vmem>>) semaphore(%arg27 : memref<!tpu.dma_semaphore, #tpu.memory_space<semaphore_mem>>)
        %add3A_747 = arith.constant 2 : i32
        %add3A_748 = arith.addi %add3A_164, %add3A_747 : i32
        %mul3A_749 = arith.constant 8 : i32
        %mul3A_750 = arith.muli %add3A_748, %mul3A_749 : i32
        %add3A_751 = arith.constant 7 : i32
        %add3A_752 = arith.addi %mul3A_750, %add3A_751 : i32
        %dma_start3A_753 = arith.constant 0 : i32
        %dma_start3A_754 = tpu.memref_slice %arg6[%add3A_752, %dma_start3A_753] : memref<80x128xi32, #tpu.memory_space<vmem>> -> memref<1x128xi32, #tpu.memory_space<vmem>>
        %dma_start3A_755 = tpu.memref_squeeze %dma_start3A_754 : memref<1x128xi32, #tpu.memory_space<vmem>> -> memref<128xi32, #tpu.memory_space<vmem>>
        %dma_start3A_756 = arith.constant 0 : i32
        %dma_start3A_757 = arith.constant 0 : i32
        %dma_start3A_758 = tpu.memref_slice %arg26[%dma_start3A_756, %dma_start3A_757] : memref<10240x16xf32, #tpu.memory_space<vmem_shared>> -> memref<10240x16xf32, #tpu.memory_space<vmem_shared>>
        tpu.enqueue_indirect_dma source(%dma_start3A_758 : memref<10240x16xf32, #tpu.memory_space<vmem_shared>>) target(%arg15 : memref<128x16xf32, #tpu.memory_space<vmem>>) offsets(%dma_start3A_755 : memref<128xi32, #tpu.memory_space<vmem>>) semaphore(%arg27 : memref<!tpu.dma_semaphore, #tpu.memory_space<semaphore_mem>>)
      } else {
      }
      %mul3A_411 = arith.constant 2 : i32
      %mul3A_412 = arith.muli %mul3A_411, %scan3A_159 : i32
      %add3A_413 = arith.constant 1 : i32
      %add3A_414 = arith.addi %mul3A_412, %add3A_413 : i32
      %mul3A_415 = arith.constant 8 : i32
      %mul3A_416 = arith.muli %add3A_414, %mul3A_415 : i32
      %add3A_417 = arith.constant 0 : i32
      %add3A_418 = arith.addi %mul3A_416, %add3A_417 : i32
      %dma_wait3A_419 = arith.constant 0 : i32
      %dma_wait3A_420 = tpu.memref_slice %arg6[%add3A_418, %dma_wait3A_419] : memref<80x128xi32, #tpu.memory_space<vmem>> -> memref<1x128xi32, #tpu.memory_space<vmem>>
      %dma_wait3A_421 = tpu.memref_squeeze %dma_wait3A_420 : memref<1x128xi32, #tpu.memory_space<vmem>> -> memref<128xi32, #tpu.memory_space<vmem>>
      %dma_wait3A_422 = arith.constant 0 : i32
      %dma_wait3A_423 = arith.constant 0 : i32
      %dma_wait3A_424 = tpu.memref_slice %arg26[%dma_wait3A_422, %dma_wait3A_423] : memref<10240x16xf32, #tpu.memory_space<vmem_shared>> -> memref<10240x16xf32, #tpu.memory_space<vmem_shared>>
      tpu.wait_indirect_dma semaphore(%arg28 : memref<!tpu.dma_semaphore, #tpu.memory_space<semaphore_mem>>) src(%dma_wait3A_424 : memref<10240x16xf32, #tpu.memory_space<vmem_shared>>) dst(%arg16 : memref<128x16xf32, #tpu.memory_space<vmem>>)
      %mul3A_425 = arith.constant 8 : i32
      %mul3A_426 = arith.muli %add3A_414, %mul3A_425 : i32
      %add3A_427 = arith.constant 1 : i32
      %add3A_428 = arith.addi %mul3A_426, %add3A_427 : i32
      %dma_wait3A_429 = arith.constant 0 : i32
      %dma_wait3A_430 = tpu.memref_slice %arg6[%add3A_428, %dma_wait3A_429] : memref<80x128xi32, #tpu.memory_space<vmem>> -> memref<1x128xi32, #tpu.memory_space<vmem>>
      %dma_wait3A_431 = tpu.memref_squeeze %dma_wait3A_430 : memref<1x128xi32, #tpu.memory_space<vmem>> -> memref<128xi32, #tpu.memory_space<vmem>>
      %dma_wait3A_432 = arith.constant 0 : i32
      %dma_wait3A_433 = arith.constant 0 : i32
      %dma_wait3A_434 = tpu.memref_slice %arg26[%dma_wait3A_432, %dma_wait3A_433] : memref<10240x16xf32, #tpu.memory_space<vmem_shared>> -> memref<10240x16xf32, #tpu.memory_space<vmem_shared>>
      tpu.wait_indirect_dma semaphore(%arg28 : memref<!tpu.dma_semaphore, #tpu.memory_space<semaphore_mem>>) src(%dma_wait3A_434 : memref<10240x16xf32, #tpu.memory_space<vmem_shared>>) dst(%arg17 : memref<128x16xf32, #tpu.memory_space<vmem>>)
      %mul3A_435 = arith.constant 8 : i32
      %mul3A_436 = arith.muli %add3A_414, %mul3A_435 : i32
      %add3A_437 = arith.constant 2 : i32
      %add3A_438 = arith.addi %mul3A_436, %add3A_437 : i32
      %dma_wait3A_439 = arith.constant 0 : i32
      %dma_wait3A_440 = tpu.memref_slice %arg6[%add3A_438, %dma_wait3A_439] : memref<80x128xi32, #tpu.memory_space<vmem>> -> memref<1x128xi32, #tpu.memory_space<vmem>>
      %dma_wait3A_441 = tpu.memref_squeeze %dma_wait3A_440 : memref<1x128xi32, #tpu.memory_space<vmem>> -> memref<128xi32, #tpu.memory_space<vmem>>
      %dma_wait3A_442 = arith.constant 0 : i32
      %dma_wait3A_443 = arith.constant 0 : i32
      %dma_wait3A_444 = tpu.memref_slice %arg26[%dma_wait3A_442, %dma_wait3A_443] : memref<10240x16xf32, #tpu.memory_space<vmem_shared>> -> memref<10240x16xf32, #tpu.memory_space<vmem_shared>>
      tpu.wait_indirect_dma semaphore(%arg28 : memref<!tpu.dma_semaphore, #tpu.memory_space<semaphore_mem>>) src(%dma_wait3A_444 : memref<10240x16xf32, #tpu.memory_space<vmem_shared>>) dst(%arg18 : memref<128x16xf32, #tpu.memory_space<vmem>>)
      %mul3A_445 = arith.constant 8 : i32
      %mul3A_446 = arith.muli %add3A_414, %mul3A_445 : i32
      %add3A_447 = arith.constant 3 : i32
      %add3A_448 = arith.addi %mul3A_446, %add3A_447 : i32
      %dma_wait3A_449 = arith.constant 0 : i32
      %dma_wait3A_450 = tpu.memref_slice %arg6[%add3A_448, %dma_wait3A_449] : memref<80x128xi32, #tpu.memory_space<vmem>> -> memref<1x128xi32, #tpu.memory_space<vmem>>
      %dma_wait3A_451 = tpu.memref_squeeze %dma_wait3A_450 : memref<1x128xi32, #tpu.memory_space<vmem>> -> memref<128xi32, #tpu.memory_space<vmem>>
      %dma_wait3A_452 = arith.constant 0 : i32
      %dma_wait3A_453 = arith.constant 0 : i32
      %dma_wait3A_454 = tpu.memref_slice %arg26[%dma_wait3A_452, %dma_wait3A_453] : memref<10240x16xf32, #tpu.memory_space<vmem_shared>> -> memref<10240x16xf32, #tpu.memory_space<vmem_shared>>
      tpu.wait_indirect_dma semaphore(%arg28 : memref<!tpu.dma_semaphore, #tpu.memory_space<semaphore_mem>>) src(%dma_wait3A_454 : memref<10240x16xf32, #tpu.memory_space<vmem_shared>>) dst(%arg19 : memref<128x16xf32, #tpu.memory_space<vmem>>)
      %mul3A_455 = arith.constant 8 : i32
      %mul3A_456 = arith.muli %add3A_414, %mul3A_455 : i32
      %add3A_457 = arith.constant 4 : i32
      %add3A_458 = arith.addi %mul3A_456, %add3A_457 : i32
      %dma_wait3A_459 = arith.constant 0 : i32
      %dma_wait3A_460 = tpu.memref_slice %arg6[%add3A_458, %dma_wait3A_459] : memref<80x128xi32, #tpu.memory_space<vmem>> -> memref<1x128xi32, #tpu.memory_space<vmem>>
      %dma_wait3A_461 = tpu.memref_squeeze %dma_wait3A_460 : memref<1x128xi32, #tpu.memory_space<vmem>> -> memref<128xi32, #tpu.memory_space<vmem>>
      %dma_wait3A_462 = arith.constant 0 : i32
      %dma_wait3A_463 = arith.constant 0 : i32
      %dma_wait3A_464 = tpu.memref_slice %arg26[%dma_wait3A_462, %dma_wait3A_463] : memref<10240x16xf32, #tpu.memory_space<vmem_shared>> -> memref<10240x16xf32, #tpu.memory_space<vmem_shared>>
      tpu.wait_indirect_dma semaphore(%arg28 : memref<!tpu.dma_semaphore, #tpu.memory_space<semaphore_mem>>) src(%dma_wait3A_464 : memref<10240x16xf32, #tpu.memory_space<vmem_shared>>) dst(%arg20 : memref<128x16xf32, #tpu.memory_space<vmem>>)
      %mul3A_465 = arith.constant 8 : i32
      %mul3A_466 = arith.muli %add3A_414, %mul3A_465 : i32
      %add3A_467 = arith.constant 5 : i32
      %add3A_468 = arith.addi %mul3A_466, %add3A_467 : i32
      %dma_wait3A_469 = arith.constant 0 : i32
      %dma_wait3A_470 = tpu.memref_slice %arg6[%add3A_468, %dma_wait3A_469] : memref<80x128xi32, #tpu.memory_space<vmem>> -> memref<1x128xi32, #tpu.memory_space<vmem>>
      %dma_wait3A_471 = tpu.memref_squeeze %dma_wait3A_470 : memref<1x128xi32, #tpu.memory_space<vmem>> -> memref<128xi32, #tpu.memory_space<vmem>>
      %dma_wait3A_472 = arith.constant 0 : i32
      %dma_wait3A_473 = arith.constant 0 : i32
      %dma_wait3A_474 = tpu.memref_slice %arg26[%dma_wait3A_472, %dma_wait3A_473] : memref<10240x16xf32, #tpu.memory_space<vmem_shared>> -> memref<10240x16xf32, #tpu.memory_space<vmem_shared>>
      tpu.wait_indirect_dma semaphore(%arg28 : memref<!tpu.dma_semaphore, #tpu.memory_space<semaphore_mem>>) src(%dma_wait3A_474 : memref<10240x16xf32, #tpu.memory_space<vmem_shared>>) dst(%arg21 : memref<128x16xf32, #tpu.memory_space<vmem>>)
      %mul3A_475 = arith.constant 8 : i32
      %mul3A_476 = arith.muli %add3A_414, %mul3A_475 : i32
      %add3A_477 = arith.constant 6 : i32
      %add3A_478 = arith.addi %mul3A_476, %add3A_477 : i32
      %dma_wait3A_479 = arith.constant 0 : i32
      %dma_wait3A_480 = tpu.memref_slice %arg6[%add3A_478, %dma_wait3A_479] : memref<80x128xi32, #tpu.memory_space<vmem>> -> memref<1x128xi32, #tpu.memory_space<vmem>>
      %dma_wait3A_481 = tpu.memref_squeeze %dma_wait3A_480 : memref<1x128xi32, #tpu.memory_space<vmem>> -> memref<128xi32, #tpu.memory_space<vmem>>
      %dma_wait3A_482 = arith.constant 0 : i32
      %dma_wait3A_483 = arith.constant 0 : i32
      %dma_wait3A_484 = tpu.memref_slice %arg26[%dma_wait3A_482, %dma_wait3A_483] : memref<10240x16xf32, #tpu.memory_space<vmem_shared>> -> memref<10240x16xf32, #tpu.memory_space<vmem_shared>>
      tpu.wait_indirect_dma semaphore(%arg28 : memref<!tpu.dma_semaphore, #tpu.memory_space<semaphore_mem>>) src(%dma_wait3A_484 : memref<10240x16xf32, #tpu.memory_space<vmem_shared>>) dst(%arg22 : memref<128x16xf32, #tpu.memory_space<vmem>>)
      %mul3A_485 = arith.constant 8 : i32
      %mul3A_486 = arith.muli %add3A_414, %mul3A_485 : i32
      %add3A_487 = arith.constant 7 : i32
      %add3A_488 = arith.addi %mul3A_486, %add3A_487 : i32
      %dma_wait3A_489 = arith.constant 0 : i32
      %dma_wait3A_490 = tpu.memref_slice %arg6[%add3A_488, %dma_wait3A_489] : memref<80x128xi32, #tpu.memory_space<vmem>> -> memref<1x128xi32, #tpu.memory_space<vmem>>
      %dma_wait3A_491 = tpu.memref_squeeze %dma_wait3A_490 : memref<1x128xi32, #tpu.memory_space<vmem>> -> memref<128xi32, #tpu.memory_space<vmem>>
      %dma_wait3A_492 = arith.constant 0 : i32
      %dma_wait3A_493 = arith.constant 0 : i32
      %dma_wait3A_494 = tpu.memref_slice %arg26[%dma_wait3A_492, %dma_wait3A_493] : memref<10240x16xf32, #tpu.memory_space<vmem_shared>> -> memref<10240x16xf32, #tpu.memory_space<vmem_shared>>
      tpu.wait_indirect_dma semaphore(%arg28 : memref<!tpu.dma_semaphore, #tpu.memory_space<semaphore_mem>>) src(%dma_wait3A_494 : memref<10240x16xf32, #tpu.memory_space<vmem_shared>>) dst(%arg23 : memref<128x16xf32, #tpu.memory_space<vmem>>)
      %mul3A_495 = arith.constant 8 : i32
      %mul3A_496 = arith.muli %add3A_414, %mul3A_495 : i32
      %add3A_497 = arith.constant 0 : i32
      %add3A_498 = arith.addi %mul3A_496, %add3A_497 : i32
      %dma_start3A_499 = arith.constant 0 : i32
      %dma_start3A_500 = tpu.memref_slice %arg7[%add3A_498, %dma_start3A_499] : memref<80x128xi32, #tpu.memory_space<vmem>> -> memref<1x128xi32, #tpu.memory_space<vmem>>
      %dma_start3A_501 = tpu.memref_squeeze %dma_start3A_500 : memref<1x128xi32, #tpu.memory_space<vmem>> -> memref<128xi32, #tpu.memory_space<vmem>>
      %dma_start3A_502 = arith.constant 0 : i32
      %dma_start3A_503 = arith.constant 0 : i32
      %dma_start3A_504 = tpu.memref_slice %arg25[%dma_start3A_502, %dma_start3A_503] : memref<10240x16xf32, #tpu.memory_space<vmem_shared>> -> memref<10240x16xf32, #tpu.memory_space<vmem_shared>>
      tpu.enqueue_indirect_dma source(%arg16 : memref<128x16xf32, #tpu.memory_space<vmem>>) target(%dma_start3A_504 : memref<10240x16xf32, #tpu.memory_space<vmem_shared>>) offsets(%dma_start3A_501 : memref<128xi32, #tpu.memory_space<vmem>>) semaphore(%arg30 : memref<!tpu.dma_semaphore, #tpu.memory_space<semaphore_mem>>) {add = true}
      %mul3A_505 = arith.constant 8 : i32
      %mul3A_506 = arith.muli %add3A_414, %mul3A_505 : i32
      %add3A_507 = arith.constant 1 : i32
      %add3A_508 = arith.addi %mul3A_506, %add3A_507 : i32
      %dma_start3A_509 = arith.constant 0 : i32
      %dma_start3A_510 = tpu.memref_slice %arg7[%add3A_508, %dma_start3A_509] : memref<80x128xi32, #tpu.memory_space<vmem>> -> memref<1x128xi32, #tpu.memory_space<vmem>>
      %dma_start3A_511 = tpu.memref_squeeze %dma_start3A_510 : memref<1x128xi32, #tpu.memory_space<vmem>> -> memref<128xi32, #tpu.memory_space<vmem>>
      %dma_start3A_512 = arith.constant 0 : i32
      %dma_start3A_513 = arith.constant 0 : i32
      %dma_start3A_514 = tpu.memref_slice %arg25[%dma_start3A_512, %dma_start3A_513] : memref<10240x16xf32, #tpu.memory_space<vmem_shared>> -> memref<10240x16xf32, #tpu.memory_space<vmem_shared>>
      tpu.enqueue_indirect_dma source(%arg17 : memref<128x16xf32, #tpu.memory_space<vmem>>) target(%dma_start3A_514 : memref<10240x16xf32, #tpu.memory_space<vmem_shared>>) offsets(%dma_start3A_511 : memref<128xi32, #tpu.memory_space<vmem>>) semaphore(%arg30 : memref<!tpu.dma_semaphore, #tpu.memory_space<semaphore_mem>>) {add = true}
      %mul3A_515 = arith.constant 8 : i32
      %mul3A_516 = arith.muli %add3A_414, %mul3A_515 : i32
      %add3A_517 = arith.constant 2 : i32
      %add3A_518 = arith.addi %mul3A_516, %add3A_517 : i32
      %dma_start3A_519 = arith.constant 0 : i32
      %dma_start3A_520 = tpu.memref_slice %arg7[%add3A_518, %dma_start3A_519] : memref<80x128xi32, #tpu.memory_space<vmem>> -> memref<1x128xi32, #tpu.memory_space<vmem>>
      %dma_start3A_521 = tpu.memref_squeeze %dma_start3A_520 : memref<1x128xi32, #tpu.memory_space<vmem>> -> memref<128xi32, #tpu.memory_space<vmem>>
      %dma_start3A_522 = arith.constant 0 : i32
      %dma_start3A_523 = arith.constant 0 : i32
      %dma_start3A_524 = tpu.memref_slice %arg25[%dma_start3A_522, %dma_start3A_523] : memref<10240x16xf32, #tpu.memory_space<vmem_shared>> -> memref<10240x16xf32, #tpu.memory_space<vmem_shared>>
      tpu.enqueue_indirect_dma source(%arg18 : memref<128x16xf32, #tpu.memory_space<vmem>>) target(%dma_start3A_524 : memref<10240x16xf32, #tpu.memory_space<vmem_shared>>) offsets(%dma_start3A_521 : memref<128xi32, #tpu.memory_space<vmem>>) semaphore(%arg30 : memref<!tpu.dma_semaphore, #tpu.memory_space<semaphore_mem>>) {add = true}
      %mul3A_525 = arith.constant 8 : i32
      %mul3A_526 = arith.muli %add3A_414, %mul3A_525 : i32
      %add3A_527 = arith.constant 3 : i32
      %add3A_528 = arith.addi %mul3A_526, %add3A_527 : i32
      %dma_start3A_529 = arith.constant 0 : i32
      %dma_start3A_530 = tpu.memref_slice %arg7[%add3A_528, %dma_start3A_529] : memref<80x128xi32, #tpu.memory_space<vmem>> -> memref<1x128xi32, #tpu.memory_space<vmem>>
      %dma_start3A_531 = tpu.memref_squeeze %dma_start3A_530 : memref<1x128xi32, #tpu.memory_space<vmem>> -> memref<128xi32, #tpu.memory_space<vmem>>
      %dma_start3A_532 = arith.constant 0 : i32
      %dma_start3A_533 = arith.constant 0 : i32
      %dma_start3A_534 = tpu.memref_slice %arg25[%dma_start3A_532, %dma_start3A_533] : memref<10240x16xf32, #tpu.memory_space<vmem_shared>> -> memref<10240x16xf32, #tpu.memory_space<vmem_shared>>
      tpu.enqueue_indirect_dma source(%arg19 : memref<128x16xf32, #tpu.memory_space<vmem>>) target(%dma_start3A_534 : memref<10240x16xf32, #tpu.memory_space<vmem_shared>>) offsets(%dma_start3A_531 : memref<128xi32, #tpu.memory_space<vmem>>) semaphore(%arg30 : memref<!tpu.dma_semaphore, #tpu.memory_space<semaphore_mem>>) {add = true}
      %mul3A_535 = arith.constant 8 : i32
      %mul3A_536 = arith.muli %add3A_414, %mul3A_535 : i32
      %add3A_537 = arith.constant 4 : i32
      %add3A_538 = arith.addi %mul3A_536, %add3A_537 : i32
      %dma_start3A_539 = arith.constant 0 : i32
      %dma_start3A_540 = tpu.memref_slice %arg7[%add3A_538, %dma_start3A_539] : memref<80x128xi32, #tpu.memory_space<vmem>> -> memref<1x128xi32, #tpu.memory_space<vmem>>
      %dma_start3A_541 = tpu.memref_squeeze %dma_start3A_540 : memref<1x128xi32, #tpu.memory_space<vmem>> -> memref<128xi32, #tpu.memory_space<vmem>>
      %dma_start3A_542 = arith.constant 0 : i32
      %dma_start3A_543 = arith.constant 0 : i32
      %dma_start3A_544 = tpu.memref_slice %arg25[%dma_start3A_542, %dma_start3A_543] : memref<10240x16xf32, #tpu.memory_space<vmem_shared>> -> memref<10240x16xf32, #tpu.memory_space<vmem_shared>>
      tpu.enqueue_indirect_dma source(%arg20 : memref<128x16xf32, #tpu.memory_space<vmem>>) target(%dma_start3A_544 : memref<10240x16xf32, #tpu.memory_space<vmem_shared>>) offsets(%dma_start3A_541 : memref<128xi32, #tpu.memory_space<vmem>>) semaphore(%arg30 : memref<!tpu.dma_semaphore, #tpu.memory_space<semaphore_mem>>) {add = true}
      %mul3A_545 = arith.constant 8 : i32
      %mul3A_546 = arith.muli %add3A_414, %mul3A_545 : i32
      %add3A_547 = arith.constant 5 : i32
      %add3A_548 = arith.addi %mul3A_546, %add3A_547 : i32
      %dma_start3A_549 = arith.constant 0 : i32
      %dma_start3A_550 = tpu.memref_slice %arg7[%add3A_548, %dma_start3A_549] : memref<80x128xi32, #tpu.memory_space<vmem>> -> memref<1x128xi32, #tpu.memory_space<vmem>>
      %dma_start3A_551 = tpu.memref_squeeze %dma_start3A_550 : memref<1x128xi32, #tpu.memory_space<vmem>> -> memref<128xi32, #tpu.memory_space<vmem>>
      %dma_start3A_552 = arith.constant 0 : i32
      %dma_start3A_553 = arith.constant 0 : i32
      %dma_start3A_554 = tpu.memref_slice %arg25[%dma_start3A_552, %dma_start3A_553] : memref<10240x16xf32, #tpu.memory_space<vmem_shared>> -> memref<10240x16xf32, #tpu.memory_space<vmem_shared>>
      tpu.enqueue_indirect_dma source(%arg21 : memref<128x16xf32, #tpu.memory_space<vmem>>) target(%dma_start3A_554 : memref<10240x16xf32, #tpu.memory_space<vmem_shared>>) offsets(%dma_start3A_551 : memref<128xi32, #tpu.memory_space<vmem>>) semaphore(%arg30 : memref<!tpu.dma_semaphore, #tpu.memory_space<semaphore_mem>>) {add = true}
      %mul3A_555 = arith.constant 8 : i32
      %mul3A_556 = arith.muli %add3A_414, %mul3A_555 : i32
      %add3A_557 = arith.constant 6 : i32
      %add3A_558 = arith.addi %mul3A_556, %add3A_557 : i32
      %dma_start3A_559 = arith.constant 0 : i32
      %dma_start3A_560 = tpu.memref_slice %arg7[%add3A_558, %dma_start3A_559] : memref<80x128xi32, #tpu.memory_space<vmem>> -> memref<1x128xi32, #tpu.memory_space<vmem>>
      %dma_start3A_561 = tpu.memref_squeeze %dma_start3A_560 : memref<1x128xi32, #tpu.memory_space<vmem>> -> memref<128xi32, #tpu.memory_space<vmem>>
      %dma_start3A_562 = arith.constant 0 : i32
      %dma_start3A_563 = arith.constant 0 : i32
      %dma_start3A_564 = tpu.memref_slice %arg25[%dma_start3A_562, %dma_start3A_563] : memref<10240x16xf32, #tpu.memory_space<vmem_shared>> -> memref<10240x16xf32, #tpu.memory_space<vmem_shared>>
      tpu.enqueue_indirect_dma source(%arg22 : memref<128x16xf32, #tpu.memory_space<vmem>>) target(%dma_start3A_564 : memref<10240x16xf32, #tpu.memory_space<vmem_shared>>) offsets(%dma_start3A_561 : memref<128xi32, #tpu.memory_space<vmem>>) semaphore(%arg30 : memref<!tpu.dma_semaphore, #tpu.memory_space<semaphore_mem>>) {add = true}
      %mul3A_565 = arith.constant 8 : i32
      %mul3A_566 = arith.muli %add3A_414, %mul3A_565 : i32
      %add3A_567 = arith.constant 7 : i32
      %add3A_568 = arith.addi %mul3A_566, %add3A_567 : i32
      %dma_start3A_569 = arith.constant 0 : i32
      %dma_start3A_570 = tpu.memref_slice %arg7[%add3A_568, %dma_start3A_569] : memref<80x128xi32, #tpu.memory_space<vmem>> -> memref<1x128xi32, #tpu.memory_space<vmem>>
      %dma_start3A_571 = tpu.memref_squeeze %dma_start3A_570 : memref<1x128xi32, #tpu.memory_space<vmem>> -> memref<128xi32, #tpu.memory_space<vmem>>
      %dma_start3A_572 = arith.constant 0 : i32
      %dma_start3A_573 = arith.constant 0 : i32
      %dma_start3A_574 = tpu.memref_slice %arg25[%dma_start3A_572, %dma_start3A_573] : memref<10240x16xf32, #tpu.memory_space<vmem_shared>> -> memref<10240x16xf32, #tpu.memory_space<vmem_shared>>
      tpu.enqueue_indirect_dma source(%arg23 : memref<128x16xf32, #tpu.memory_space<vmem>>) target(%dma_start3A_574 : memref<10240x16xf32, #tpu.memory_space<vmem_shared>>) offsets(%dma_start3A_571 : memref<128xi32, #tpu.memory_space<vmem>>) semaphore(%arg30 : memref<!tpu.dma_semaphore, #tpu.memory_space<semaphore_mem>>) {add = true}
      %mul3A_575 = arith.constant 8 : i32
      %mul3A_576 = arith.muli %add3A_414, %mul3A_575 : i32
      %add3A_577 = arith.constant 0 : i32
      %add3A_578 = arith.addi %mul3A_576, %add3A_577 : i32
      %dma_wait3A_579 = arith.constant 0 : i32
      %dma_wait3A_580 = tpu.memref_slice %arg7[%add3A_578, %dma_wait3A_579] : memref<80x128xi32, #tpu.memory_space<vmem>> -> memref<1x128xi32, #tpu.memory_space<vmem>>
      %dma_wait3A_581 = tpu.memref_squeeze %dma_wait3A_580 : memref<1x128xi32, #tpu.memory_space<vmem>> -> memref<128xi32, #tpu.memory_space<vmem>>
      %dma_wait3A_582 = arith.constant 0 : i32
      %dma_wait3A_583 = arith.constant 0 : i32
      %dma_wait3A_584 = tpu.memref_slice %arg25[%dma_wait3A_582, %dma_wait3A_583] : memref<10240x16xf32, #tpu.memory_space<vmem_shared>> -> memref<10240x16xf32, #tpu.memory_space<vmem_shared>>
      tpu.wait_indirect_dma semaphore(%arg30 : memref<!tpu.dma_semaphore, #tpu.memory_space<semaphore_mem>>) src(%arg16 : memref<128x16xf32, #tpu.memory_space<vmem>>) dst(%dma_wait3A_584 : memref<10240x16xf32, #tpu.memory_space<vmem_shared>>)
      %mul3A_585 = arith.constant 8 : i32
      %mul3A_586 = arith.muli %add3A_414, %mul3A_585 : i32
      %add3A_587 = arith.constant 1 : i32
      %add3A_588 = arith.addi %mul3A_586, %add3A_587 : i32
      %dma_wait3A_589 = arith.constant 0 : i32
      %dma_wait3A_590 = tpu.memref_slice %arg7[%add3A_588, %dma_wait3A_589] : memref<80x128xi32, #tpu.memory_space<vmem>> -> memref<1x128xi32, #tpu.memory_space<vmem>>
      %dma_wait3A_591 = tpu.memref_squeeze %dma_wait3A_590 : memref<1x128xi32, #tpu.memory_space<vmem>> -> memref<128xi32, #tpu.memory_space<vmem>>
      %dma_wait3A_592 = arith.constant 0 : i32
      %dma_wait3A_593 = arith.constant 0 : i32
      %dma_wait3A_594 = tpu.memref_slice %arg25[%dma_wait3A_592, %dma_wait3A_593] : memref<10240x16xf32, #tpu.memory_space<vmem_shared>> -> memref<10240x16xf32, #tpu.memory_space<vmem_shared>>
      tpu.wait_indirect_dma semaphore(%arg30 : memref<!tpu.dma_semaphore, #tpu.memory_space<semaphore_mem>>) src(%arg17 : memref<128x16xf32, #tpu.memory_space<vmem>>) dst(%dma_wait3A_594 : memref<10240x16xf32, #tpu.memory_space<vmem_shared>>)
      %mul3A_595 = arith.constant 8 : i32
      %mul3A_596 = arith.muli %add3A_414, %mul3A_595 : i32
      %add3A_597 = arith.constant 2 : i32
      %add3A_598 = arith.addi %mul3A_596, %add3A_597 : i32
      %dma_wait3A_599 = arith.constant 0 : i32
      %dma_wait3A_600 = tpu.memref_slice %arg7[%add3A_598, %dma_wait3A_599] : memref<80x128xi32, #tpu.memory_space<vmem>> -> memref<1x128xi32, #tpu.memory_space<vmem>>
      %dma_wait3A_601 = tpu.memref_squeeze %dma_wait3A_600 : memref<1x128xi32, #tpu.memory_space<vmem>> -> memref<128xi32, #tpu.memory_space<vmem>>
      %dma_wait3A_602 = arith.constant 0 : i32
      %dma_wait3A_603 = arith.constant 0 : i32
      %dma_wait3A_604 = tpu.memref_slice %arg25[%dma_wait3A_602, %dma_wait3A_603] : memref<10240x16xf32, #tpu.memory_space<vmem_shared>> -> memref<10240x16xf32, #tpu.memory_space<vmem_shared>>
      tpu.wait_indirect_dma semaphore(%arg30 : memref<!tpu.dma_semaphore, #tpu.memory_space<semaphore_mem>>) src(%arg18 : memref<128x16xf32, #tpu.memory_space<vmem>>) dst(%dma_wait3A_604 : memref<10240x16xf32, #tpu.memory_space<vmem_shared>>)
      %mul3A_605 = arith.constant 8 : i32
      %mul3A_606 = arith.muli %add3A_414, %mul3A_605 : i32
      %add3A_607 = arith.constant 3 : i32
      %add3A_608 = arith.addi %mul3A_606, %add3A_607 : i32
      %dma_wait3A_609 = arith.constant 0 : i32
      %dma_wait3A_610 = tpu.memref_slice %arg7[%add3A_608, %dma_wait3A_609] : memref<80x128xi32, #tpu.memory_space<vmem>> -> memref<1x128xi32, #tpu.memory_space<vmem>>
      %dma_wait3A_611 = tpu.memref_squeeze %dma_wait3A_610 : memref<1x128xi32, #tpu.memory_space<vmem>> -> memref<128xi32, #tpu.memory_space<vmem>>
      %dma_wait3A_612 = arith.constant 0 : i32
      %dma_wait3A_613 = arith.constant 0 : i32
      %dma_wait3A_614 = tpu.memref_slice %arg25[%dma_wait3A_612, %dma_wait3A_613] : memref<10240x16xf32, #tpu.memory_space<vmem_shared>> -> memref<10240x16xf32, #tpu.memory_space<vmem_shared>>
      tpu.wait_indirect_dma semaphore(%arg30 : memref<!tpu.dma_semaphore, #tpu.memory_space<semaphore_mem>>) src(%arg19 : memref<128x16xf32, #tpu.memory_space<vmem>>) dst(%dma_wait3A_614 : memref<10240x16xf32, #tpu.memory_space<vmem_shared>>)
      %mul3A_615 = arith.constant 8 : i32
      %mul3A_616 = arith.muli %add3A_414, %mul3A_615 : i32
      %add3A_617 = arith.constant 4 : i32
      %add3A_618 = arith.addi %mul3A_616, %add3A_617 : i32
      %dma_wait3A_619 = arith.constant 0 : i32
      %dma_wait3A_620 = tpu.memref_slice %arg7[%add3A_618, %dma_wait3A_619] : memref<80x128xi32, #tpu.memory_space<vmem>> -> memref<1x128xi32, #tpu.memory_space<vmem>>
      %dma_wait3A_621 = tpu.memref_squeeze %dma_wait3A_620 : memref<1x128xi32, #tpu.memory_space<vmem>> -> memref<128xi32, #tpu.memory_space<vmem>>
      %dma_wait3A_622 = arith.constant 0 : i32
      %dma_wait3A_623 = arith.constant 0 : i32
      %dma_wait3A_624 = tpu.memref_slice %arg25[%dma_wait3A_622, %dma_wait3A_623] : memref<10240x16xf32, #tpu.memory_space<vmem_shared>> -> memref<10240x16xf32, #tpu.memory_space<vmem_shared>>
      tpu.wait_indirect_dma semaphore(%arg30 : memref<!tpu.dma_semaphore, #tpu.memory_space<semaphore_mem>>) src(%arg20 : memref<128x16xf32, #tpu.memory_space<vmem>>) dst(%dma_wait3A_624 : memref<10240x16xf32, #tpu.memory_space<vmem_shared>>)
      %mul3A_625 = arith.constant 8 : i32
      %mul3A_626 = arith.muli %add3A_414, %mul3A_625 : i32
      %add3A_627 = arith.constant 5 : i32
      %add3A_628 = arith.addi %mul3A_626, %add3A_627 : i32
      %dma_wait3A_629 = arith.constant 0 : i32
      %dma_wait3A_630 = tpu.memref_slice %arg7[%add3A_628, %dma_wait3A_629] : memref<80x128xi32, #tpu.memory_space<vmem>> -> memref<1x128xi32, #tpu.memory_space<vmem>>
      %dma_wait3A_631 = tpu.memref_squeeze %dma_wait3A_630 : memref<1x128xi32, #tpu.memory_space<vmem>> -> memref<128xi32, #tpu.memory_space<vmem>>
      %dma_wait3A_632 = arith.constant 0 : i32
      %dma_wait3A_633 = arith.constant 0 : i32
      %dma_wait3A_634 = tpu.memref_slice %arg25[%dma_wait3A_632, %dma_wait3A_633] : memref<10240x16xf32, #tpu.memory_space<vmem_shared>> -> memref<10240x16xf32, #tpu.memory_space<vmem_shared>>
      tpu.wait_indirect_dma semaphore(%arg30 : memref<!tpu.dma_semaphore, #tpu.memory_space<semaphore_mem>>) src(%arg21 : memref<128x16xf32, #tpu.memory_space<vmem>>) dst(%dma_wait3A_634 : memref<10240x16xf32, #tpu.memory_space<vmem_shared>>)
      %mul3A_635 = arith.constant 8 : i32
      %mul3A_636 = arith.muli %add3A_414, %mul3A_635 : i32
      %add3A_637 = arith.constant 6 : i32
      %add3A_638 = arith.addi %mul3A_636, %add3A_637 : i32
      %dma_wait3A_639 = arith.constant 0 : i32
      %dma_wait3A_640 = tpu.memref_slice %arg7[%add3A_638, %dma_wait3A_639] : memref<80x128xi32, #tpu.memory_space<vmem>> -> memref<1x128xi32, #tpu.memory_space<vmem>>
      %dma_wait3A_641 = tpu.memref_squeeze %dma_wait3A_640 : memref<1x128xi32, #tpu.memory_space<vmem>> -> memref<128xi32, #tpu.memory_space<vmem>>
      %dma_wait3A_642 = arith.constant 0 : i32
      %dma_wait3A_643 = arith.constant 0 : i32
      %dma_wait3A_644 = tpu.memref_slice %arg25[%dma_wait3A_642, %dma_wait3A_643] : memref<10240x16xf32, #tpu.memory_space<vmem_shared>> -> memref<10240x16xf32, #tpu.memory_space<vmem_shared>>
      tpu.wait_indirect_dma semaphore(%arg30 : memref<!tpu.dma_semaphore, #tpu.memory_space<semaphore_mem>>) src(%arg22 : memref<128x16xf32, #tpu.memory_space<vmem>>) dst(%dma_wait3A_644 : memref<10240x16xf32, #tpu.memory_space<vmem_shared>>)
      %mul3A_645 = arith.constant 8 : i32
      %mul3A_646 = arith.muli %add3A_414, %mul3A_645 : i32
      %add3A_647 = arith.constant 7 : i32
      %add3A_648 = arith.addi %mul3A_646, %add3A_647 : i32
      %dma_wait3A_649 = arith.constant 0 : i32
      %dma_wait3A_650 = tpu.memref_slice %arg7[%add3A_648, %dma_wait3A_649] : memref<80x128xi32, #tpu.memory_space<vmem>> -> memref<1x128xi32, #tpu.memory_space<vmem>>
      %dma_wait3A_651 = tpu.memref_squeeze %dma_wait3A_650 : memref<1x128xi32, #tpu.memory_space<vmem>> -> memref<128xi32, #tpu.memory_space<vmem>>
      %dma_wait3A_652 = arith.constant 0 : i32
      %dma_wait3A_653 = arith.constant 0 : i32
      %dma_wait3A_654 = tpu.memref_slice %arg25[%dma_wait3A_652, %dma_wait3A_653] : memref<10240x16xf32, #tpu.memory_space<vmem_shared>> -> memref<10240x16xf32, #tpu.memory_space<vmem_shared>>
      tpu.wait_indirect_dma semaphore(%arg30 : memref<!tpu.dma_semaphore, #tpu.memory_space<semaphore_mem>>) src(%arg23 : memref<128x16xf32, #tpu.memory_space<vmem>>) dst(%dma_wait3A_654 : memref<10240x16xf32, #tpu.memory_space<vmem_shared>>)
      %add3A_655 = arith.constant 2 : i32
      %add3A_656 = arith.addi %add3A_414, %add3A_655 : i32
      %lt3A_657 = arith.constant 10 : i32
      %lt3A_658 = arith.cmpi slt, %add3A_656, %lt3A_657 : i32
      %convert_element_type3A_659 = arith.extui %lt3A_658 : i1 to i32
      %cond3A_660 = arith.constant 0 : i32
      %cond3A_661 = arith.cmpi ne, %convert_element_type3A_659, %cond3A_660 : i32
      scf.if %cond3A_661 {
        %add3A_663 = arith.constant 2 : i32
        %add3A_664 = arith.addi %add3A_414, %add3A_663 : i32
        %mul3A_665 = arith.constant 8 : i32
        %mul3A_666 = arith.muli %add3A_664, %mul3A_665 : i32
        %add3A_667 = arith.constant 0 : i32
        %add3A_668 = arith.addi %mul3A_666, %add3A_667 : i32
        %dma_start3A_669 = arith.constant 0 : i32
        %dma_start3A_670 = tpu.memref_slice %arg6[%add3A_668, %dma_start3A_669] : memref<80x128xi32, #tpu.memory_space<vmem>> -> memref<1x128xi32, #tpu.memory_space<vmem>>
        %dma_start3A_671 = tpu.memref_squeeze %dma_start3A_670 : memref<1x128xi32, #tpu.memory_space<vmem>> -> memref<128xi32, #tpu.memory_space<vmem>>
        %dma_start3A_672 = arith.constant 0 : i32
        %dma_start3A_673 = arith.constant 0 : i32
        %dma_start3A_674 = tpu.memref_slice %arg26[%dma_start3A_672, %dma_start3A_673] : memref<10240x16xf32, #tpu.memory_space<vmem_shared>> -> memref<10240x16xf32, #tpu.memory_space<vmem_shared>>
        tpu.enqueue_indirect_dma source(%dma_start3A_674 : memref<10240x16xf32, #tpu.memory_space<vmem_shared>>) target(%arg16 : memref<128x16xf32, #tpu.memory_space<vmem>>) offsets(%dma_start3A_671 : memref<128xi32, #tpu.memory_space<vmem>>) semaphore(%arg28 : memref<!tpu.dma_semaphore, #tpu.memory_space<semaphore_mem>>)
        %add3A_675 = arith.constant 2 : i32
        %add3A_676 = arith.addi %add3A_414, %add3A_675 : i32
        %mul3A_677 = arith.constant 8 : i32
        %mul3A_678 = arith.muli %add3A_676, %mul3A_677 : i32
        %add3A_679 = arith.constant 1 : i32
        %add3A_680 = arith.addi %mul3A_678, %add3A_679 : i32
        %dma_start3A_681 = arith.constant 0 : i32
        %dma_start3A_682 = tpu.memref_slice %arg6[%add3A_680, %dma_start3A_681] : memref<80x128xi32, #tpu.memory_space<vmem>> -> memref<1x128xi32, #tpu.memory_space<vmem>>
        %dma_start3A_683 = tpu.memref_squeeze %dma_start3A_682 : memref<1x128xi32, #tpu.memory_space<vmem>> -> memref<128xi32, #tpu.memory_space<vmem>>
        %dma_start3A_684 = arith.constant 0 : i32
        %dma_start3A_685 = arith.constant 0 : i32
        %dma_start3A_686 = tpu.memref_slice %arg26[%dma_start3A_684, %dma_start3A_685] : memref<10240x16xf32, #tpu.memory_space<vmem_shared>> -> memref<10240x16xf32, #tpu.memory_space<vmem_shared>>
        tpu.enqueue_indirect_dma source(%dma_start3A_686 : memref<10240x16xf32, #tpu.memory_space<vmem_shared>>) target(%arg17 : memref<128x16xf32, #tpu.memory_space<vmem>>) offsets(%dma_start3A_683 : memref<128xi32, #tpu.memory_space<vmem>>) semaphore(%arg28 : memref<!tpu.dma_semaphore, #tpu.memory_space<semaphore_mem>>)
        %add3A_687 = arith.constant 2 : i32
        %add3A_688 = arith.addi %add3A_414, %add3A_687 : i32
        %mul3A_689 = arith.constant 8 : i32
        %mul3A_690 = arith.muli %add3A_688, %mul3A_689 : i32
        %add3A_691 = arith.constant 2 : i32
        %add3A_692 = arith.addi %mul3A_690, %add3A_691 : i32
        %dma_start3A_693 = arith.constant 0 : i32
        %dma_start3A_694 = tpu.memref_slice %arg6[%add3A_692, %dma_start3A_693] : memref<80x128xi32, #tpu.memory_space<vmem>> -> memref<1x128xi32, #tpu.memory_space<vmem>>
        %dma_start3A_695 = tpu.memref_squeeze %dma_start3A_694 : memref<1x128xi32, #tpu.memory_space<vmem>> -> memref<128xi32, #tpu.memory_space<vmem>>
        %dma_start3A_696 = arith.constant 0 : i32
        %dma_start3A_697 = arith.constant 0 : i32
        %dma_start3A_698 = tpu.memref_slice %arg26[%dma_start3A_696, %dma_start3A_697] : memref<10240x16xf32, #tpu.memory_space<vmem_shared>> -> memref<10240x16xf32, #tpu.memory_space<vmem_shared>>
        tpu.enqueue_indirect_dma source(%dma_start3A_698 : memref<10240x16xf32, #tpu.memory_space<vmem_shared>>) target(%arg18 : memref<128x16xf32, #tpu.memory_space<vmem>>) offsets(%dma_start3A_695 : memref<128xi32, #tpu.memory_space<vmem>>) semaphore(%arg28 : memref<!tpu.dma_semaphore, #tpu.memory_space<semaphore_mem>>)
        %add3A_699 = arith.constant 2 : i32
        %add3A_700 = arith.addi %add3A_414, %add3A_699 : i32
        %mul3A_701 = arith.constant 8 : i32
        %mul3A_702 = arith.muli %add3A_700, %mul3A_701 : i32
        %add3A_703 = arith.constant 3 : i32
        %add3A_704 = arith.addi %mul3A_702, %add3A_703 : i32
        %dma_start3A_705 = arith.constant 0 : i32
        %dma_start3A_706 = tpu.memref_slice %arg6[%add3A_704, %dma_start3A_705] : memref<80x128xi32, #tpu.memory_space<vmem>> -> memref<1x128xi32, #tpu.memory_space<vmem>>
        %dma_start3A_707 = tpu.memref_squeeze %dma_start3A_706 : memref<1x128xi32, #tpu.memory_space<vmem>> -> memref<128xi32, #tpu.memory_space<vmem>>
        %dma_start3A_708 = arith.constant 0 : i32
        %dma_start3A_709 = arith.constant 0 : i32
        %dma_start3A_710 = tpu.memref_slice %arg26[%dma_start3A_708, %dma_start3A_709] : memref<10240x16xf32, #tpu.memory_space<vmem_shared>> -> memref<10240x16xf32, #tpu.memory_space<vmem_shared>>
        tpu.enqueue_indirect_dma source(%dma_start3A_710 : memref<10240x16xf32, #tpu.memory_space<vmem_shared>>) target(%arg19 : memref<128x16xf32, #tpu.memory_space<vmem>>) offsets(%dma_start3A_707 : memref<128xi32, #tpu.memory_space<vmem>>) semaphore(%arg28 : memref<!tpu.dma_semaphore, #tpu.memory_space<semaphore_mem>>)
        %add3A_711 = arith.constant 2 : i32
        %add3A_712 = arith.addi %add3A_414, %add3A_711 : i32
        %mul3A_713 = arith.constant 8 : i32
        %mul3A_714 = arith.muli %add3A_712, %mul3A_713 : i32
        %add3A_715 = arith.constant 4 : i32
        %add3A_716 = arith.addi %mul3A_714, %add3A_715 : i32
        %dma_start3A_717 = arith.constant 0 : i32
        %dma_start3A_718 = tpu.memref_slice %arg6[%add3A_716, %dma_start3A_717] : memref<80x128xi32, #tpu.memory_space<vmem>> -> memref<1x128xi32, #tpu.memory_space<vmem>>
        %dma_start3A_719 = tpu.memref_squeeze %dma_start3A_718 : memref<1x128xi32, #tpu.memory_space<vmem>> -> memref<128xi32, #tpu.memory_space<vmem>>
        %dma_start3A_720 = arith.constant 0 : i32
        %dma_start3A_721 = arith.constant 0 : i32
        %dma_start3A_722 = tpu.memref_slice %arg26[%dma_start3A_720, %dma_start3A_721] : memref<10240x16xf32, #tpu.memory_space<vmem_shared>> -> memref<10240x16xf32, #tpu.memory_space<vmem_shared>>
        tpu.enqueue_indirect_dma source(%dma_start3A_722 : memref<10240x16xf32, #tpu.memory_space<vmem_shared>>) target(%arg20 : memref<128x16xf32, #tpu.memory_space<vmem>>) offsets(%dma_start3A_719 : memref<128xi32, #tpu.memory_space<vmem>>) semaphore(%arg28 : memref<!tpu.dma_semaphore, #tpu.memory_space<semaphore_mem>>)
        %add3A_723 = arith.constant 2 : i32
        %add3A_724 = arith.addi %add3A_414, %add3A_723 : i32
        %mul3A_725 = arith.constant 8 : i32
        %mul3A_726 = arith.muli %add3A_724, %mul3A_725 : i32
        %add3A_727 = arith.constant 5 : i32
        %add3A_728 = arith.addi %mul3A_726, %add3A_727 : i32
        %dma_start3A_729 = arith.constant 0 : i32
        %dma_start3A_730 = tpu.memref_slice %arg6[%add3A_728, %dma_start3A_729] : memref<80x128xi32, #tpu.memory_space<vmem>> -> memref<1x128xi32, #tpu.memory_space<vmem>>
        %dma_start3A_731 = tpu.memref_squeeze %dma_start3A_730 : memref<1x128xi32, #tpu.memory_space<vmem>> -> memref<128xi32, #tpu.memory_space<vmem>>
        %dma_start3A_732 = arith.constant 0 : i32
        %dma_start3A_733 = arith.constant 0 : i32
        %dma_start3A_734 = tpu.memref_slice %arg26[%dma_start3A_732, %dma_start3A_733] : memref<10240x16xf32, #tpu.memory_space<vmem_shared>> -> memref<10240x16xf32, #tpu.memory_space<vmem_shared>>
        tpu.enqueue_indirect_dma source(%dma_start3A_734 : memref<10240x16xf32, #tpu.memory_space<vmem_shared>>) target(%arg21 : memref<128x16xf32, #tpu.memory_space<vmem>>) offsets(%dma_start3A_731 : memref<128xi32, #tpu.memory_space<vmem>>) semaphore(%arg28 : memref<!tpu.dma_semaphore, #tpu.memory_space<semaphore_mem>>)
        %add3A_735 = arith.constant 2 : i32
        %add3A_736 = arith.addi %add3A_414, %add3A_735 : i32
        %mul3A_737 = arith.constant 8 : i32
        %mul3A_738 = arith.muli %add3A_736, %mul3A_737 : i32
        %add3A_739 = arith.constant 6 : i32
        %add3A_740 = arith.addi %mul3A_738, %add3A_739 : i32
        %dma_start3A_741 = arith.constant 0 : i32
        %dma_start3A_742 = tpu.memref_slice %arg6[%add3A_740, %dma_start3A_741] : memref<80x128xi32, #tpu.memory_space<vmem>> -> memref<1x128xi32, #tpu.memory_space<vmem>>
        %dma_start3A_743 = tpu.memref_squeeze %dma_start3A_742 : memref<1x128xi32, #tpu.memory_space<vmem>> -> memref<128xi32, #tpu.memory_space<vmem>>
        %dma_start3A_744 = arith.constant 0 : i32
        %dma_start3A_745 = arith.constant 0 : i32
        %dma_start3A_746 = tpu.memref_slice %arg26[%dma_start3A_744, %dma_start3A_745] : memref<10240x16xf32, #tpu.memory_space<vmem_shared>> -> memref<10240x16xf32, #tpu.memory_space<vmem_shared>>
        tpu.enqueue_indirect_dma source(%dma_start3A_746 : memref<10240x16xf32, #tpu.memory_space<vmem_shared>>) target(%arg22 : memref<128x16xf32, #tpu.memory_space<vmem>>) offsets(%dma_start3A_743 : memref<128xi32, #tpu.memory_space<vmem>>) semaphore(%arg28 : memref<!tpu.dma_semaphore, #tpu.memory_space<semaphore_mem>>)
        %add3A_747 = arith.constant 2 : i32
        %add3A_748 = arith.addi %add3A_414, %add3A_747 : i32
        %mul3A_749 = arith.constant 8 : i32
        %mul3A_750 = arith.muli %add3A_748, %mul3A_749 : i32
        %add3A_751 = arith.constant 7 : i32
        %add3A_752 = arith.addi %mul3A_750, %add3A_751 : i32
        %dma_start3A_753 = arith.constant 0 : i32
        %dma_start3A_754 = tpu.memref_slice %arg6[%add3A_752, %dma_start3A_753] : memref<80x128xi32, #tpu.memory_space<vmem>> -> memref<1x128xi32, #tpu.memory_space<vmem>>
        %dma_start3A_755 = tpu.memref_squeeze %dma_start3A_754 : memref<1x128xi32, #tpu.memory_space<vmem>> -> memref<128xi32, #tpu.memory_space<vmem>>
        %dma_start3A_756 = arith.constant 0 : i32
        %dma_start3A_757 = arith.constant 0 : i32
        %dma_start3A_758 = tpu.memref_slice %arg26[%dma_start3A_756, %dma_start3A_757] : memref<10240x16xf32, #tpu.memory_space<vmem_shared>> -> memref<10240x16xf32, #tpu.memory_space<vmem_shared>>
        tpu.enqueue_indirect_dma source(%dma_start3A_758 : memref<10240x16xf32, #tpu.memory_space<vmem_shared>>) target(%arg23 : memref<128x16xf32, #tpu.memory_space<vmem>>) offsets(%dma_start3A_755 : memref<128xi32, #tpu.memory_space<vmem>>) semaphore(%arg28 : memref<!tpu.dma_semaphore, #tpu.memory_space<semaphore_mem>>)
      } else {
      }
      %scan3A_662 = arith.constant 0 : i32
      scf.yield %scan3A_662 : i32
    }
    %scan3A_150 = arith.constant 5 : i32
    %barrier3A_151 = arith.constant 0 : index
    tpu.barrier barrier_id(%barrier3A_151)
    %mul3A_152 = arith.constant 640 : i32
    %mul3A_153 = arith.muli %arg1, %mul3A_152 : i32
    "tpu.region"() ({
      %run_scoped3A = tpu.sem_alloc : memref<!tpu.dma_semaphore, #tpu.memory_space<semaphore_mem>>
      %dma_start3A_159 = arith.constant 0 : i32
      %dma_start3A_160 = tpu.memref_slice %arg25[%mul3A_153, %dma_start3A_159] : memref<10240x16xf32, #tpu.memory_space<vmem_shared>> -> memref<640x16xf32, #tpu.memory_space<vmem_shared>>
      %dma_start3A_161 = arith.constant 0 : i32
      %dma_start3A_162 = tpu.memref_slice %arg25[%mul3A_153, %dma_start3A_161] : memref<10240x16xf32, #tpu.memory_space<vmem_shared>> -> memref<640x16xf32, #tpu.memory_space<vmem_shared>>
      tpu.enqueue_dma source(%dma_start3A_162 : memref<640x16xf32, #tpu.memory_space<vmem_shared>>) target(%arg24 : memref<640x16xf32, #tpu.memory_space<vmem>>) target_semaphore(%run_scoped3A : memref<!tpu.dma_semaphore, #tpu.memory_space<semaphore_mem>>)
      %dma_wait3A = arith.constant 0 : i32
      %dma_wait3A_163 = tpu.memref_slice %arg25[%mul3A_153, %dma_wait3A] : memref<10240x16xf32, #tpu.memory_space<vmem_shared>> -> memref<640x16xf32, #tpu.memory_space<vmem_shared>>
      %dma_wait3A_164 = arith.constant 0 : i32
      %dma_wait3A_165 = tpu.memref_slice %arg25[%mul3A_153, %dma_wait3A_164] : memref<10240x16xf32, #tpu.memory_space<vmem_shared>> -> memref<640x16xf32, #tpu.memory_space<vmem_shared>>
      tpu.wait_dma2 semaphore(%run_scoped3A : memref<!tpu.dma_semaphore, #tpu.memory_space<semaphore_mem>>) src(%dma_wait3A_165 : memref<640x16xf32, #tpu.memory_space<vmem_shared>>) dst(%arg24 : memref<640x16xf32, #tpu.memory_space<vmem>>)
      tpu.yield
    }) : () -> ()
    %mul3A_154 = arith.constant 10240 : i32
    %mul3A_155 = arith.muli %arg0, %mul3A_154 : i32
    %mul3A_156 = arith.constant 640 : i32
    %mul3A_157 = arith.muli %arg1, %mul3A_156 : i32
    %add3A_158 = arith.addi %mul3A_155, %mul3A_157 : i32
    "tpu.region"() ({
      %run_scoped3A = tpu.sem_alloc : memref<!tpu.dma_semaphore, #tpu.memory_space<semaphore_mem>>
      %dma_start3A_159 = arith.constant 0 : i32
      %dma_start3A_160 = tpu.memref_slice %arg5[%add3A_158, %dma_start3A_159] : memref<20480x16xf32, #tpu.memory_space<hbm>> -> memref<640x16xf32, #tpu.memory_space<hbm>>
      %dma_start3A_161 = arith.constant 0 : i32
      %dma_start3A_162 = tpu.memref_slice %arg5[%add3A_158, %dma_start3A_161] : memref<20480x16xf32, #tpu.memory_space<hbm>> -> memref<640x16xf32, #tpu.memory_space<hbm>>
      tpu.enqueue_dma source(%arg24 : memref<640x16xf32, #tpu.memory_space<vmem>>) target(%dma_start3A_162 : memref<640x16xf32, #tpu.memory_space<hbm>>) target_semaphore(%run_scoped3A : memref<!tpu.dma_semaphore, #tpu.memory_space<semaphore_mem>>)
      %dma_wait3A = arith.constant 0 : i32
      %dma_wait3A_163 = tpu.memref_slice %arg5[%add3A_158, %dma_wait3A] : memref<20480x16xf32, #tpu.memory_space<hbm>> -> memref<640x16xf32, #tpu.memory_space<hbm>>
      %dma_wait3A_164 = arith.constant 0 : i32
      %dma_wait3A_165 = tpu.memref_slice %arg5[%add3A_158, %dma_wait3A_164] : memref<20480x16xf32, #tpu.memory_space<hbm>> -> memref<640x16xf32, #tpu.memory_space<hbm>>
      tpu.wait_dma2 semaphore(%run_scoped3A : memref<!tpu.dma_semaphore, #tpu.memory_space<semaphore_mem>>) src(%arg24 : memref<640x16xf32, #tpu.memory_space<vmem>>) dst(%dma_wait3A_165 : memref<640x16xf32, #tpu.memory_space<hbm>>)
      tpu.yield
    }) : () -> ()
    return
  }
}

#map = affine_map<(d0, d1) -> (0, 0, 0)>
#map1 = affine_map<(d0, d1) -> (0, 0)>
#map2 = affine_map<(d0, d1) -> (0)>
module attributes {stable_mosaic.version = 14 : i64} {
  func.func @_sc_degree(%arg0: i32, %arg1: i32, %arg2: memref<2x2500x128xi32, #tpu.memory_space<hbm>>, %arg3: memref<60x128xi32, #tpu.memory_space<hbm>>, %arg4: memref<327680xf32, #tpu.memory_space<hbm>>, %arg5: memref<80x128xi32, #tpu.memory_space<vmem>>, %arg6: memref<128xf32, #tpu.memory_space<vmem>>, %arg7: memref<640xf32, #tpu.memory_space<vmem>>, %arg8: memref<10240xf32, #tpu.memory_space<vmem>>, %arg9: memref<10240xf32, #tpu.memory_space<vmem_shared>>, %arg10: memref<!tpu.dma_semaphore, #tpu.memory_space<semaphore_mem>>) attributes {dimension_semantics = [#tpu.dimension_semantics<core_parallel>, #tpu.dimension_semantics<subcore_parallel>], iteration_bounds = array<i64: 2, 16>, scalar_prefetch = 0 : i64, scratch_operands = 6 : i64, tpu.core_type = #tpu.core_type<sc_vector_subcore>, window_params = [{transform_indices = #map}, {transform_indices = #map1}, {transform_indices = #map2}]} {
    %mul3A = arith.constant 16 : i32
    %mul3A_0 = arith.muli %arg0, %mul3A : i32
    %add3A = arith.addi %mul3A_0, %arg1 : i32
    %mul3A_1 = arith.constant 80 : i32
    %mul3A_2 = arith.muli %add3A, %mul3A_1 : i32
    %lt3A = arith.constant 31 : i32
    %lt3A_3 = arith.cmpi slt, %add3A, %lt3A : i32
    %convert_element_type3A = arith.extui %lt3A_3 : i1 to i32
    %cond3A = arith.constant 0 : i32
    %cond3A_4 = arith.cmpi ne, %convert_element_type3A, %cond3A : i32
    scf.if %cond3A_4 {
      %run_scoped3A = arith.constant 1 : i32
      "tpu.region"() ({
        %run_scoped3A_48 = tpu.sem_alloc : memref<!tpu.dma_semaphore, #tpu.memory_space<semaphore_mem>>
        %dma_start3A = arith.constant 0 : i32
        %dma_start3A_49 = tpu.memref_slice %arg2[%run_scoped3A, %mul3A_2, %dma_start3A] : memref<2x2500x128xi32, #tpu.memory_space<hbm>> -> memref<1x80x128xi32, #tpu.memory_space<hbm>>
        %dma_start3A_50 = tpu.memref_squeeze %dma_start3A_49 : memref<1x80x128xi32, #tpu.memory_space<hbm>> -> memref<80x128xi32, #tpu.memory_space<hbm>>
        %dma_start3A_51 = arith.constant 0 : i32
        %dma_start3A_52 = tpu.memref_slice %arg2[%run_scoped3A, %mul3A_2, %dma_start3A_51] : memref<2x2500x128xi32, #tpu.memory_space<hbm>> -> memref<1x80x128xi32, #tpu.memory_space<hbm>>
        %dma_start3A_53 = tpu.memref_squeeze %dma_start3A_52 : memref<1x80x128xi32, #tpu.memory_space<hbm>> -> memref<80x128xi32, #tpu.memory_space<hbm>>
        tpu.enqueue_dma source(%dma_start3A_53 : memref<80x128xi32, #tpu.memory_space<hbm>>) target(%arg5 : memref<80x128xi32, #tpu.memory_space<vmem>>) target_semaphore(%run_scoped3A_48 : memref<!tpu.dma_semaphore, #tpu.memory_space<semaphore_mem>>)
        %dma_wait3A = arith.constant 0 : i32
        %dma_wait3A_54 = tpu.memref_slice %arg2[%run_scoped3A, %mul3A_2, %dma_wait3A] : memref<2x2500x128xi32, #tpu.memory_space<hbm>> -> memref<1x80x128xi32, #tpu.memory_space<hbm>>
        %dma_wait3A_55 = tpu.memref_squeeze %dma_wait3A_54 : memref<1x80x128xi32, #tpu.memory_space<hbm>> -> memref<80x128xi32, #tpu.memory_space<hbm>>
        %dma_wait3A_56 = arith.constant 0 : i32
        %dma_wait3A_57 = tpu.memref_slice %arg2[%run_scoped3A, %mul3A_2, %dma_wait3A_56] : memref<2x2500x128xi32, #tpu.memory_space<hbm>> -> memref<1x80x128xi32, #tpu.memory_space<hbm>>
        %dma_wait3A_58 = tpu.memref_squeeze %dma_wait3A_57 : memref<1x80x128xi32, #tpu.memory_space<hbm>> -> memref<80x128xi32, #tpu.memory_space<hbm>>
        tpu.wait_dma2 semaphore(%run_scoped3A_48 : memref<!tpu.dma_semaphore, #tpu.memory_space<semaphore_mem>>) src(%dma_wait3A_58 : memref<80x128xi32, #tpu.memory_space<hbm>>) dst(%arg5 : memref<80x128xi32, #tpu.memory_space<vmem>>)
        tpu.yield
      }) : () -> ()
    } else {
    }
    %eq3A = arith.constant 31 : i32
    %eq3A_5 = arith.cmpi eq, %add3A, %eq3A : i32
    %convert_element_type3A_6 = arith.extui %eq3A_5 : i1 to i32
    %cond3A_7 = arith.constant 0 : i32
    %cond3A_8 = arith.cmpi ne, %convert_element_type3A_6, %cond3A_7 : i32
    scf.if %cond3A_8 {
      %run_scoped3A = arith.constant 1 : i32
      "tpu.region"() ({
        %run_scoped3A_48 = tpu.sem_alloc : memref<!tpu.dma_semaphore, #tpu.memory_space<semaphore_mem>>
        %dma_start3A = arith.constant 0 : i32
        %dma_start3A_49 = arith.constant 0 : i32
        %dma_start3A_50 = tpu.memref_slice %arg5[%dma_start3A, %dma_start3A_49] : memref<80x128xi32, #tpu.memory_space<vmem>> -> memref<20x128xi32, #tpu.memory_space<vmem>>
        %dma_start3A_51 = arith.constant 2480 : i32
        %dma_start3A_52 = arith.constant 0 : i32
        %dma_start3A_53 = tpu.memref_slice %arg2[%run_scoped3A, %dma_start3A_51, %dma_start3A_52] : memref<2x2500x128xi32, #tpu.memory_space<hbm>> -> memref<1x20x128xi32, #tpu.memory_space<hbm>>
        %dma_start3A_54 = tpu.memref_squeeze %dma_start3A_53 : memref<1x20x128xi32, #tpu.memory_space<hbm>> -> memref<20x128xi32, #tpu.memory_space<hbm>>
        %dma_start3A_55 = arith.constant 0 : i32
        %dma_start3A_56 = arith.constant 0 : i32
        %dma_start3A_57 = tpu.memref_slice %arg5[%dma_start3A_55, %dma_start3A_56] : memref<80x128xi32, #tpu.memory_space<vmem>> -> memref<20x128xi32, #tpu.memory_space<vmem>>
        %dma_start3A_58 = arith.constant 2480 : i32
        %dma_start3A_59 = arith.constant 0 : i32
        %dma_start3A_60 = tpu.memref_slice %arg2[%run_scoped3A, %dma_start3A_58, %dma_start3A_59] : memref<2x2500x128xi32, #tpu.memory_space<hbm>> -> memref<1x20x128xi32, #tpu.memory_space<hbm>>
        %dma_start3A_61 = tpu.memref_squeeze %dma_start3A_60 : memref<1x20x128xi32, #tpu.memory_space<hbm>> -> memref<20x128xi32, #tpu.memory_space<hbm>>
        tpu.enqueue_dma source(%dma_start3A_61 : memref<20x128xi32, #tpu.memory_space<hbm>>) target(%dma_start3A_57 : memref<20x128xi32, #tpu.memory_space<vmem>>) target_semaphore(%run_scoped3A_48 : memref<!tpu.dma_semaphore, #tpu.memory_space<semaphore_mem>>)
        %dma_wait3A = arith.constant 0 : i32
        %dma_wait3A_62 = arith.constant 0 : i32
        %dma_wait3A_63 = tpu.memref_slice %arg5[%dma_wait3A, %dma_wait3A_62] : memref<80x128xi32, #tpu.memory_space<vmem>> -> memref<20x128xi32, #tpu.memory_space<vmem>>
        %dma_wait3A_64 = arith.constant 2480 : i32
        %dma_wait3A_65 = arith.constant 0 : i32
        %dma_wait3A_66 = tpu.memref_slice %arg2[%run_scoped3A, %dma_wait3A_64, %dma_wait3A_65] : memref<2x2500x128xi32, #tpu.memory_space<hbm>> -> memref<1x20x128xi32, #tpu.memory_space<hbm>>
        %dma_wait3A_67 = tpu.memref_squeeze %dma_wait3A_66 : memref<1x20x128xi32, #tpu.memory_space<hbm>> -> memref<20x128xi32, #tpu.memory_space<hbm>>
        %dma_wait3A_68 = arith.constant 0 : i32
        %dma_wait3A_69 = arith.constant 0 : i32
        %dma_wait3A_70 = tpu.memref_slice %arg5[%dma_wait3A_68, %dma_wait3A_69] : memref<80x128xi32, #tpu.memory_space<vmem>> -> memref<20x128xi32, #tpu.memory_space<vmem>>
        %dma_wait3A_71 = arith.constant 2480 : i32
        %dma_wait3A_72 = arith.constant 0 : i32
        %dma_wait3A_73 = tpu.memref_slice %arg2[%run_scoped3A, %dma_wait3A_71, %dma_wait3A_72] : memref<2x2500x128xi32, #tpu.memory_space<hbm>> -> memref<1x20x128xi32, #tpu.memory_space<hbm>>
        %dma_wait3A_74 = tpu.memref_squeeze %dma_wait3A_73 : memref<1x20x128xi32, #tpu.memory_space<hbm>> -> memref<20x128xi32, #tpu.memory_space<hbm>>
        tpu.wait_dma2 semaphore(%run_scoped3A_48 : memref<!tpu.dma_semaphore, #tpu.memory_space<semaphore_mem>>) src(%dma_wait3A_74 : memref<20x128xi32, #tpu.memory_space<hbm>>) dst(%dma_wait3A_70 : memref<20x128xi32, #tpu.memory_space<vmem>>)
        tpu.yield
      }) : () -> ()
      "tpu.region"() ({
        %run_scoped3A_48 = tpu.sem_alloc : memref<!tpu.dma_semaphore, #tpu.memory_space<semaphore_mem>>
        %dma_start3A = arith.constant 20 : i32
        %dma_start3A_49 = arith.constant 0 : i32
        %dma_start3A_50 = tpu.memref_slice %arg5[%dma_start3A, %dma_start3A_49] : memref<80x128xi32, #tpu.memory_space<vmem>> -> memref<60x128xi32, #tpu.memory_space<vmem>>
        %dma_start3A_51 = arith.constant 20 : i32
        %dma_start3A_52 = arith.constant 0 : i32
        %dma_start3A_53 = tpu.memref_slice %arg5[%dma_start3A_51, %dma_start3A_52] : memref<80x128xi32, #tpu.memory_space<vmem>> -> memref<60x128xi32, #tpu.memory_space<vmem>>
        tpu.enqueue_dma source(%arg3 : memref<60x128xi32, #tpu.memory_space<hbm>>) target(%dma_start3A_53 : memref<60x128xi32, #tpu.memory_space<vmem>>) target_semaphore(%run_scoped3A_48 : memref<!tpu.dma_semaphore, #tpu.memory_space<semaphore_mem>>)
        %dma_wait3A = arith.constant 20 : i32
        %dma_wait3A_54 = arith.constant 0 : i32
        %dma_wait3A_55 = tpu.memref_slice %arg5[%dma_wait3A, %dma_wait3A_54] : memref<80x128xi32, #tpu.memory_space<vmem>> -> memref<60x128xi32, #tpu.memory_space<vmem>>
        %dma_wait3A_56 = arith.constant 20 : i32
        %dma_wait3A_57 = arith.constant 0 : i32
        %dma_wait3A_58 = tpu.memref_slice %arg5[%dma_wait3A_56, %dma_wait3A_57] : memref<80x128xi32, #tpu.memory_space<vmem>> -> memref<60x128xi32, #tpu.memory_space<vmem>>
        tpu.wait_dma2 semaphore(%run_scoped3A_48 : memref<!tpu.dma_semaphore, #tpu.memory_space<semaphore_mem>>) src(%arg3 : memref<60x128xi32, #tpu.memory_space<hbm>>) dst(%dma_wait3A_58 : memref<60x128xi32, #tpu.memory_space<vmem>>)
        tpu.yield
      }) : () -> ()
    } else {
    }
    %scan3A = arith.constant 0 : i32
    %scan3A_9 = arith.constant 0 : i32
    %scan3A_10 = arith.constant 8 : i32
    %scan3A_11 = arith.addi %scan3A_9, %scan3A_10 : i32
    %scan3A_12 = arith.constant 1 : i32
    %scan3A_13 = scf.for %scan3A_48 = %scan3A_9 to %scan3A_11 step %scan3A_12 iter_args(%scan3A_49 = %scan3A) -> (i32)  : i32 {
      %broadcast_in_dim3A = arith.constant 1.000000e+00 : f32
      %broadcast_in_dim3A_50 = vector.broadcast %broadcast_in_dim3A : f32 to vector<16xf32>
      %mul3A_51 = arith.constant 16 : i32
      %mul3A_52 = arith.muli %scan3A_48, %mul3A_51 : i32
      %swap3A = arith.index_cast %mul3A_52 : i32 to index
      %swap3A_53 = tpu.vector_load %arg6[%swap3A] {strides = array<i32>} : memref<128xf32, #tpu.memory_space<vmem>>, vector<16xf32>,
      %swap3A_54 = vector.shape_cast %swap3A_53 : vector<16xf32> to vector<16xf32>
      %swap3A_55 = vector.shape_cast %broadcast_in_dim3A_50 : vector<16xf32> to vector<16xf32>
      tpu.vector_store %arg6[%swap3A], %swap3A_55 {strides = array<i32>} : memref<128xf32, #tpu.memory_space<vmem>>, vector<16xf32>,
      %scan3A_56 = arith.constant 0 : i32
      scf.yield %scan3A_56 : i32
    }
    %scan3A_14 = arith.constant 8 : i32
    %scan3A_15 = arith.constant 0 : i32
    %scan3A_16 = arith.constant 0 : i32
    %scan3A_17 = arith.constant 40 : i32
    %scan3A_18 = arith.addi %scan3A_16, %scan3A_17 : i32
    %scan3A_19 = arith.constant 1 : i32
    %scan3A_20 = scf.for %scan3A_48 = %scan3A_16 to %scan3A_18 step %scan3A_19 iter_args(%scan3A_49 = %scan3A_15) -> (i32)  : i32 {
      %broadcast_in_dim3A = arith.constant 0.000000e+00 : f32
      %broadcast_in_dim3A_50 = vector.broadcast %broadcast_in_dim3A : f32 to vector<16xf32>
      %mul3A_51 = arith.constant 16 : i32
      %mul3A_52 = arith.muli %scan3A_48, %mul3A_51 : i32
      %swap3A = arith.index_cast %mul3A_52 : i32 to index
      %swap3A_53 = tpu.vector_load %arg7[%swap3A] {strides = array<i32>} : memref<640xf32, #tpu.memory_space<vmem>>, vector<16xf32>,
      %swap3A_54 = vector.shape_cast %swap3A_53 : vector<16xf32> to vector<16xf32>
      %swap3A_55 = vector.shape_cast %broadcast_in_dim3A_50 : vector<16xf32> to vector<16xf32>
      tpu.vector_store %arg7[%swap3A], %swap3A_55 {strides = array<i32>} : memref<640xf32, #tpu.memory_space<vmem>>, vector<16xf32>,
      %scan3A_56 = arith.constant 0 : i32
      scf.yield %scan3A_56 : i32
    }
    %scan3A_21 = arith.constant 40 : i32
    %mul3A_22 = arith.constant 640 : i32
    %mul3A_23 = arith.muli %arg1, %mul3A_22 : i32
    "tpu.region"() ({
      %run_scoped3A = tpu.sem_alloc : memref<!tpu.dma_semaphore, #tpu.memory_space<semaphore_mem>>
      %dma_start3A = tpu.memref_slice %arg9[%mul3A_23] : memref<10240xf32, #tpu.memory_space<vmem_shared>> -> memref<640xf32, #tpu.memory_space<vmem_shared>>
      %dma_start3A_48 = tpu.memref_slice %arg9[%mul3A_23] : memref<10240xf32, #tpu.memory_space<vmem_shared>> -> memref<640xf32, #tpu.memory_space<vmem_shared>>
      tpu.enqueue_dma source(%arg7 : memref<640xf32, #tpu.memory_space<vmem>>) target(%dma_start3A_48 : memref<640xf32, #tpu.memory_space<vmem_shared>>) target_semaphore(%run_scoped3A : memref<!tpu.dma_semaphore, #tpu.memory_space<semaphore_mem>>)
      %dma_wait3A = tpu.memref_slice %arg9[%mul3A_23] : memref<10240xf32, #tpu.memory_space<vmem_shared>> -> memref<640xf32, #tpu.memory_space<vmem_shared>>
      %dma_wait3A_49 = tpu.memref_slice %arg9[%mul3A_23] : memref<10240xf32, #tpu.memory_space<vmem_shared>> -> memref<640xf32, #tpu.memory_space<vmem_shared>>
      tpu.wait_dma2 semaphore(%run_scoped3A : memref<!tpu.dma_semaphore, #tpu.memory_space<semaphore_mem>>) src(%arg7 : memref<640xf32, #tpu.memory_space<vmem>>) dst(%dma_wait3A_49 : memref<640xf32, #tpu.memory_space<vmem_shared>>)
      tpu.yield
    }) : () -> ()
    %barrier3A = arith.constant 0 : index
    tpu.barrier barrier_id(%barrier3A)
    %scan3A_24 = arith.constant 0 : i32
    %scan3A_25 = arith.constant 0 : i32
    %scan3A_26 = arith.constant 10 : i32
    %scan3A_27 = arith.addi %scan3A_25, %scan3A_26 : i32
    %scan3A_28 = arith.constant 1 : i32
    %scan3A_29 = scf.for %scan3A_48 = %scan3A_25 to %scan3A_27 step %scan3A_28 iter_args(%scan3A_49 = %scan3A_24) -> (i32)  : i32 {
      %mul3A_50 = arith.constant 8 : i32
      %mul3A_51 = arith.muli %scan3A_48, %mul3A_50 : i32
      %add3A_52 = arith.constant 0 : i32
      %add3A_53 = arith.addi %mul3A_51, %add3A_52 : i32
      %dma_start3A = arith.constant 0 : i32
      %dma_start3A_54 = tpu.memref_slice %arg5[%add3A_53, %dma_start3A] : memref<80x128xi32, #tpu.memory_space<vmem>> -> memref<1x128xi32, #tpu.memory_space<vmem>>
      %dma_start3A_55 = tpu.memref_squeeze %dma_start3A_54 : memref<1x128xi32, #tpu.memory_space<vmem>> -> memref<128xi32, #tpu.memory_space<vmem>>
      %dma_start3A_56 = arith.constant 0 : i32
      %dma_start3A_57 = tpu.memref_slice %arg9[%dma_start3A_56] : memref<10240xf32, #tpu.memory_space<vmem_shared>> -> memref<10240xf32, #tpu.memory_space<vmem_shared>>
      tpu.enqueue_indirect_dma source(%arg6 : memref<128xf32, #tpu.memory_space<vmem>>) target(%dma_start3A_57 : memref<10240xf32, #tpu.memory_space<vmem_shared>>) offsets(%dma_start3A_55 : memref<128xi32, #tpu.memory_space<vmem>>) semaphore(%arg10 : memref<!tpu.dma_semaphore, #tpu.memory_space<semaphore_mem>>) {add = true}
      %mul3A_58 = arith.constant 8 : i32
      %mul3A_59 = arith.muli %scan3A_48, %mul3A_58 : i32
      %add3A_60 = arith.constant 1 : i32
      %add3A_61 = arith.addi %mul3A_59, %add3A_60 : i32
      %dma_start3A_62 = arith.constant 0 : i32
      %dma_start3A_63 = tpu.memref_slice %arg5[%add3A_61, %dma_start3A_62] : memref<80x128xi32, #tpu.memory_space<vmem>> -> memref<1x128xi32, #tpu.memory_space<vmem>>
      %dma_start3A_64 = tpu.memref_squeeze %dma_start3A_63 : memref<1x128xi32, #tpu.memory_space<vmem>> -> memref<128xi32, #tpu.memory_space<vmem>>
      %dma_start3A_65 = arith.constant 0 : i32
      %dma_start3A_66 = tpu.memref_slice %arg9[%dma_start3A_65] : memref<10240xf32, #tpu.memory_space<vmem_shared>> -> memref<10240xf32, #tpu.memory_space<vmem_shared>>
      tpu.enqueue_indirect_dma source(%arg6 : memref<128xf32, #tpu.memory_space<vmem>>) target(%dma_start3A_66 : memref<10240xf32, #tpu.memory_space<vmem_shared>>) offsets(%dma_start3A_64 : memref<128xi32, #tpu.memory_space<vmem>>) semaphore(%arg10 : memref<!tpu.dma_semaphore, #tpu.memory_space<semaphore_mem>>) {add = true}
      %mul3A_67 = arith.constant 8 : i32
      %mul3A_68 = arith.muli %scan3A_48, %mul3A_67 : i32
      %add3A_69 = arith.constant 2 : i32
      %add3A_70 = arith.addi %mul3A_68, %add3A_69 : i32
      %dma_start3A_71 = arith.constant 0 : i32
      %dma_start3A_72 = tpu.memref_slice %arg5[%add3A_70, %dma_start3A_71] : memref<80x128xi32, #tpu.memory_space<vmem>> -> memref<1x128xi32, #tpu.memory_space<vmem>>
      %dma_start3A_73 = tpu.memref_squeeze %dma_start3A_72 : memref<1x128xi32, #tpu.memory_space<vmem>> -> memref<128xi32, #tpu.memory_space<vmem>>
      %dma_start3A_74 = arith.constant 0 : i32
      %dma_start3A_75 = tpu.memref_slice %arg9[%dma_start3A_74] : memref<10240xf32, #tpu.memory_space<vmem_shared>> -> memref<10240xf32, #tpu.memory_space<vmem_shared>>
      tpu.enqueue_indirect_dma source(%arg6 : memref<128xf32, #tpu.memory_space<vmem>>) target(%dma_start3A_75 : memref<10240xf32, #tpu.memory_space<vmem_shared>>) offsets(%dma_start3A_73 : memref<128xi32, #tpu.memory_space<vmem>>) semaphore(%arg10 : memref<!tpu.dma_semaphore, #tpu.memory_space<semaphore_mem>>) {add = true}
      %mul3A_76 = arith.constant 8 : i32
      %mul3A_77 = arith.muli %scan3A_48, %mul3A_76 : i32
      %add3A_78 = arith.constant 3 : i32
      %add3A_79 = arith.addi %mul3A_77, %add3A_78 : i32
      %dma_start3A_80 = arith.constant 0 : i32
      %dma_start3A_81 = tpu.memref_slice %arg5[%add3A_79, %dma_start3A_80] : memref<80x128xi32, #tpu.memory_space<vmem>> -> memref<1x128xi32, #tpu.memory_space<vmem>>
      %dma_start3A_82 = tpu.memref_squeeze %dma_start3A_81 : memref<1x128xi32, #tpu.memory_space<vmem>> -> memref<128xi32, #tpu.memory_space<vmem>>
      %dma_start3A_83 = arith.constant 0 : i32
      %dma_start3A_84 = tpu.memref_slice %arg9[%dma_start3A_83] : memref<10240xf32, #tpu.memory_space<vmem_shared>> -> memref<10240xf32, #tpu.memory_space<vmem_shared>>
      tpu.enqueue_indirect_dma source(%arg6 : memref<128xf32, #tpu.memory_space<vmem>>) target(%dma_start3A_84 : memref<10240xf32, #tpu.memory_space<vmem_shared>>) offsets(%dma_start3A_82 : memref<128xi32, #tpu.memory_space<vmem>>) semaphore(%arg10 : memref<!tpu.dma_semaphore, #tpu.memory_space<semaphore_mem>>) {add = true}
      %mul3A_85 = arith.constant 8 : i32
      %mul3A_86 = arith.muli %scan3A_48, %mul3A_85 : i32
      %add3A_87 = arith.constant 4 : i32
      %add3A_88 = arith.addi %mul3A_86, %add3A_87 : i32
      %dma_start3A_89 = arith.constant 0 : i32
      %dma_start3A_90 = tpu.memref_slice %arg5[%add3A_88, %dma_start3A_89] : memref<80x128xi32, #tpu.memory_space<vmem>> -> memref<1x128xi32, #tpu.memory_space<vmem>>
      %dma_start3A_91 = tpu.memref_squeeze %dma_start3A_90 : memref<1x128xi32, #tpu.memory_space<vmem>> -> memref<128xi32, #tpu.memory_space<vmem>>
      %dma_start3A_92 = arith.constant 0 : i32
      %dma_start3A_93 = tpu.memref_slice %arg9[%dma_start3A_92] : memref<10240xf32, #tpu.memory_space<vmem_shared>> -> memref<10240xf32, #tpu.memory_space<vmem_shared>>
      tpu.enqueue_indirect_dma source(%arg6 : memref<128xf32, #tpu.memory_space<vmem>>) target(%dma_start3A_93 : memref<10240xf32, #tpu.memory_space<vmem_shared>>) offsets(%dma_start3A_91 : memref<128xi32, #tpu.memory_space<vmem>>) semaphore(%arg10 : memref<!tpu.dma_semaphore, #tpu.memory_space<semaphore_mem>>) {add = true}
      %mul3A_94 = arith.constant 8 : i32
      %mul3A_95 = arith.muli %scan3A_48, %mul3A_94 : i32
      %add3A_96 = arith.constant 5 : i32
      %add3A_97 = arith.addi %mul3A_95, %add3A_96 : i32
      %dma_start3A_98 = arith.constant 0 : i32
      %dma_start3A_99 = tpu.memref_slice %arg5[%add3A_97, %dma_start3A_98] : memref<80x128xi32, #tpu.memory_space<vmem>> -> memref<1x128xi32, #tpu.memory_space<vmem>>
      %dma_start3A_100 = tpu.memref_squeeze %dma_start3A_99 : memref<1x128xi32, #tpu.memory_space<vmem>> -> memref<128xi32, #tpu.memory_space<vmem>>
      %dma_start3A_101 = arith.constant 0 : i32
      %dma_start3A_102 = tpu.memref_slice %arg9[%dma_start3A_101] : memref<10240xf32, #tpu.memory_space<vmem_shared>> -> memref<10240xf32, #tpu.memory_space<vmem_shared>>
      tpu.enqueue_indirect_dma source(%arg6 : memref<128xf32, #tpu.memory_space<vmem>>) target(%dma_start3A_102 : memref<10240xf32, #tpu.memory_space<vmem_shared>>) offsets(%dma_start3A_100 : memref<128xi32, #tpu.memory_space<vmem>>) semaphore(%arg10 : memref<!tpu.dma_semaphore, #tpu.memory_space<semaphore_mem>>) {add = true}
      %mul3A_103 = arith.constant 8 : i32
      %mul3A_104 = arith.muli %scan3A_48, %mul3A_103 : i32
      %add3A_105 = arith.constant 6 : i32
      %add3A_106 = arith.addi %mul3A_104, %add3A_105 : i32
      %dma_start3A_107 = arith.constant 0 : i32
      %dma_start3A_108 = tpu.memref_slice %arg5[%add3A_106, %dma_start3A_107] : memref<80x128xi32, #tpu.memory_space<vmem>> -> memref<1x128xi32, #tpu.memory_space<vmem>>
      %dma_start3A_109 = tpu.memref_squeeze %dma_start3A_108 : memref<1x128xi32, #tpu.memory_space<vmem>> -> memref<128xi32, #tpu.memory_space<vmem>>
      %dma_start3A_110 = arith.constant 0 : i32
      %dma_start3A_111 = tpu.memref_slice %arg9[%dma_start3A_110] : memref<10240xf32, #tpu.memory_space<vmem_shared>> -> memref<10240xf32, #tpu.memory_space<vmem_shared>>
      tpu.enqueue_indirect_dma source(%arg6 : memref<128xf32, #tpu.memory_space<vmem>>) target(%dma_start3A_111 : memref<10240xf32, #tpu.memory_space<vmem_shared>>) offsets(%dma_start3A_109 : memref<128xi32, #tpu.memory_space<vmem>>) semaphore(%arg10 : memref<!tpu.dma_semaphore, #tpu.memory_space<semaphore_mem>>) {add = true}
      %mul3A_112 = arith.constant 8 : i32
      %mul3A_113 = arith.muli %scan3A_48, %mul3A_112 : i32
      %add3A_114 = arith.constant 7 : i32
      %add3A_115 = arith.addi %mul3A_113, %add3A_114 : i32
      %dma_start3A_116 = arith.constant 0 : i32
      %dma_start3A_117 = tpu.memref_slice %arg5[%add3A_115, %dma_start3A_116] : memref<80x128xi32, #tpu.memory_space<vmem>> -> memref<1x128xi32, #tpu.memory_space<vmem>>
      %dma_start3A_118 = tpu.memref_squeeze %dma_start3A_117 : memref<1x128xi32, #tpu.memory_space<vmem>> -> memref<128xi32, #tpu.memory_space<vmem>>
      %dma_start3A_119 = arith.constant 0 : i32
      %dma_start3A_120 = tpu.memref_slice %arg9[%dma_start3A_119] : memref<10240xf32, #tpu.memory_space<vmem_shared>> -> memref<10240xf32, #tpu.memory_space<vmem_shared>>
      tpu.enqueue_indirect_dma source(%arg6 : memref<128xf32, #tpu.memory_space<vmem>>) target(%dma_start3A_120 : memref<10240xf32, #tpu.memory_space<vmem_shared>>) offsets(%dma_start3A_118 : memref<128xi32, #tpu.memory_space<vmem>>) semaphore(%arg10 : memref<!tpu.dma_semaphore, #tpu.memory_space<semaphore_mem>>) {add = true}
      %mul3A_121 = arith.constant 8 : i32
      %mul3A_122 = arith.muli %scan3A_48, %mul3A_121 : i32
      %add3A_123 = arith.constant 0 : i32
      %add3A_124 = arith.addi %mul3A_122, %add3A_123 : i32
      %dma_wait3A = arith.constant 0 : i32
      %dma_wait3A_125 = tpu.memref_slice %arg5[%add3A_124, %dma_wait3A] : memref<80x128xi32, #tpu.memory_space<vmem>> -> memref<1x128xi32, #tpu.memory_space<vmem>>
      %dma_wait3A_126 = tpu.memref_squeeze %dma_wait3A_125 : memref<1x128xi32, #tpu.memory_space<vmem>> -> memref<128xi32, #tpu.memory_space<vmem>>
      %dma_wait3A_127 = arith.constant 0 : i32
      %dma_wait3A_128 = tpu.memref_slice %arg9[%dma_wait3A_127] : memref<10240xf32, #tpu.memory_space<vmem_shared>> -> memref<10240xf32, #tpu.memory_space<vmem_shared>>
      tpu.wait_indirect_dma semaphore(%arg10 : memref<!tpu.dma_semaphore, #tpu.memory_space<semaphore_mem>>) src(%arg6 : memref<128xf32, #tpu.memory_space<vmem>>) dst(%dma_wait3A_128 : memref<10240xf32, #tpu.memory_space<vmem_shared>>)
      %mul3A_129 = arith.constant 8 : i32
      %mul3A_130 = arith.muli %scan3A_48, %mul3A_129 : i32
      %add3A_131 = arith.constant 1 : i32
      %add3A_132 = arith.addi %mul3A_130, %add3A_131 : i32
      %dma_wait3A_133 = arith.constant 0 : i32
      %dma_wait3A_134 = tpu.memref_slice %arg5[%add3A_132, %dma_wait3A_133] : memref<80x128xi32, #tpu.memory_space<vmem>> -> memref<1x128xi32, #tpu.memory_space<vmem>>
      %dma_wait3A_135 = tpu.memref_squeeze %dma_wait3A_134 : memref<1x128xi32, #tpu.memory_space<vmem>> -> memref<128xi32, #tpu.memory_space<vmem>>
      %dma_wait3A_136 = arith.constant 0 : i32
      %dma_wait3A_137 = tpu.memref_slice %arg9[%dma_wait3A_136] : memref<10240xf32, #tpu.memory_space<vmem_shared>> -> memref<10240xf32, #tpu.memory_space<vmem_shared>>
      tpu.wait_indirect_dma semaphore(%arg10 : memref<!tpu.dma_semaphore, #tpu.memory_space<semaphore_mem>>) src(%arg6 : memref<128xf32, #tpu.memory_space<vmem>>) dst(%dma_wait3A_137 : memref<10240xf32, #tpu.memory_space<vmem_shared>>)
      %mul3A_138 = arith.constant 8 : i32
      %mul3A_139 = arith.muli %scan3A_48, %mul3A_138 : i32
      %add3A_140 = arith.constant 2 : i32
      %add3A_141 = arith.addi %mul3A_139, %add3A_140 : i32
      %dma_wait3A_142 = arith.constant 0 : i32
      %dma_wait3A_143 = tpu.memref_slice %arg5[%add3A_141, %dma_wait3A_142] : memref<80x128xi32, #tpu.memory_space<vmem>> -> memref<1x128xi32, #tpu.memory_space<vmem>>
      %dma_wait3A_144 = tpu.memref_squeeze %dma_wait3A_143 : memref<1x128xi32, #tpu.memory_space<vmem>> -> memref<128xi32, #tpu.memory_space<vmem>>
      %dma_wait3A_145 = arith.constant 0 : i32
      %dma_wait3A_146 = tpu.memref_slice %arg9[%dma_wait3A_145] : memref<10240xf32, #tpu.memory_space<vmem_shared>> -> memref<10240xf32, #tpu.memory_space<vmem_shared>>
      tpu.wait_indirect_dma semaphore(%arg10 : memref<!tpu.dma_semaphore, #tpu.memory_space<semaphore_mem>>) src(%arg6 : memref<128xf32, #tpu.memory_space<vmem>>) dst(%dma_wait3A_146 : memref<10240xf32, #tpu.memory_space<vmem_shared>>)
      %mul3A_147 = arith.constant 8 : i32
      %mul3A_148 = arith.muli %scan3A_48, %mul3A_147 : i32
      %add3A_149 = arith.constant 3 : i32
      %add3A_150 = arith.addi %mul3A_148, %add3A_149 : i32
      %dma_wait3A_151 = arith.constant 0 : i32
      %dma_wait3A_152 = tpu.memref_slice %arg5[%add3A_150, %dma_wait3A_151] : memref<80x128xi32, #tpu.memory_space<vmem>> -> memref<1x128xi32, #tpu.memory_space<vmem>>
      %dma_wait3A_153 = tpu.memref_squeeze %dma_wait3A_152 : memref<1x128xi32, #tpu.memory_space<vmem>> -> memref<128xi32, #tpu.memory_space<vmem>>
      %dma_wait3A_154 = arith.constant 0 : i32
      %dma_wait3A_155 = tpu.memref_slice %arg9[%dma_wait3A_154] : memref<10240xf32, #tpu.memory_space<vmem_shared>> -> memref<10240xf32, #tpu.memory_space<vmem_shared>>
      tpu.wait_indirect_dma semaphore(%arg10 : memref<!tpu.dma_semaphore, #tpu.memory_space<semaphore_mem>>) src(%arg6 : memref<128xf32, #tpu.memory_space<vmem>>) dst(%dma_wait3A_155 : memref<10240xf32, #tpu.memory_space<vmem_shared>>)
      %mul3A_156 = arith.constant 8 : i32
      %mul3A_157 = arith.muli %scan3A_48, %mul3A_156 : i32
      %add3A_158 = arith.constant 4 : i32
      %add3A_159 = arith.addi %mul3A_157, %add3A_158 : i32
      %dma_wait3A_160 = arith.constant 0 : i32
      %dma_wait3A_161 = tpu.memref_slice %arg5[%add3A_159, %dma_wait3A_160] : memref<80x128xi32, #tpu.memory_space<vmem>> -> memref<1x128xi32, #tpu.memory_space<vmem>>
      %dma_wait3A_162 = tpu.memref_squeeze %dma_wait3A_161 : memref<1x128xi32, #tpu.memory_space<vmem>> -> memref<128xi32, #tpu.memory_space<vmem>>
      %dma_wait3A_163 = arith.constant 0 : i32
      %dma_wait3A_164 = tpu.memref_slice %arg9[%dma_wait3A_163] : memref<10240xf32, #tpu.memory_space<vmem_shared>> -> memref<10240xf32, #tpu.memory_space<vmem_shared>>
      tpu.wait_indirect_dma semaphore(%arg10 : memref<!tpu.dma_semaphore, #tpu.memory_space<semaphore_mem>>) src(%arg6 : memref<128xf32, #tpu.memory_space<vmem>>) dst(%dma_wait3A_164 : memref<10240xf32, #tpu.memory_space<vmem_shared>>)
      %mul3A_165 = arith.constant 8 : i32
      %mul3A_166 = arith.muli %scan3A_48, %mul3A_165 : i32
      %add3A_167 = arith.constant 5 : i32
      %add3A_168 = arith.addi %mul3A_166, %add3A_167 : i32
      %dma_wait3A_169 = arith.constant 0 : i32
      %dma_wait3A_170 = tpu.memref_slice %arg5[%add3A_168, %dma_wait3A_169] : memref<80x128xi32, #tpu.memory_space<vmem>> -> memref<1x128xi32, #tpu.memory_space<vmem>>
      %dma_wait3A_171 = tpu.memref_squeeze %dma_wait3A_170 : memref<1x128xi32, #tpu.memory_space<vmem>> -> memref<128xi32, #tpu.memory_space<vmem>>
      %dma_wait3A_172 = arith.constant 0 : i32
      %dma_wait3A_173 = tpu.memref_slice %arg9[%dma_wait3A_172] : memref<10240xf32, #tpu.memory_space<vmem_shared>> -> memref<10240xf32, #tpu.memory_space<vmem_shared>>
      tpu.wait_indirect_dma semaphore(%arg10 : memref<!tpu.dma_semaphore, #tpu.memory_space<semaphore_mem>>) src(%arg6 : memref<128xf32, #tpu.memory_space<vmem>>) dst(%dma_wait3A_173 : memref<10240xf32, #tpu.memory_space<vmem_shared>>)
      %mul3A_174 = arith.constant 8 : i32
      %mul3A_175 = arith.muli %scan3A_48, %mul3A_174 : i32
      %add3A_176 = arith.constant 6 : i32
      %add3A_177 = arith.addi %mul3A_175, %add3A_176 : i32
      %dma_wait3A_178 = arith.constant 0 : i32
      %dma_wait3A_179 = tpu.memref_slice %arg5[%add3A_177, %dma_wait3A_178] : memref<80x128xi32, #tpu.memory_space<vmem>> -> memref<1x128xi32, #tpu.memory_space<vmem>>
      %dma_wait3A_180 = tpu.memref_squeeze %dma_wait3A_179 : memref<1x128xi32, #tpu.memory_space<vmem>> -> memref<128xi32, #tpu.memory_space<vmem>>
      %dma_wait3A_181 = arith.constant 0 : i32
      %dma_wait3A_182 = tpu.memref_slice %arg9[%dma_wait3A_181] : memref<10240xf32, #tpu.memory_space<vmem_shared>> -> memref<10240xf32, #tpu.memory_space<vmem_shared>>
      tpu.wait_indirect_dma semaphore(%arg10 : memref<!tpu.dma_semaphore, #tpu.memory_space<semaphore_mem>>) src(%arg6 : memref<128xf32, #tpu.memory_space<vmem>>) dst(%dma_wait3A_182 : memref<10240xf32, #tpu.memory_space<vmem_shared>>)
      %mul3A_183 = arith.constant 8 : i32
      %mul3A_184 = arith.muli %scan3A_48, %mul3A_183 : i32
      %add3A_185 = arith.constant 7 : i32
      %add3A_186 = arith.addi %mul3A_184, %add3A_185 : i32
      %dma_wait3A_187 = arith.constant 0 : i32
      %dma_wait3A_188 = tpu.memref_slice %arg5[%add3A_186, %dma_wait3A_187] : memref<80x128xi32, #tpu.memory_space<vmem>> -> memref<1x128xi32, #tpu.memory_space<vmem>>
      %dma_wait3A_189 = tpu.memref_squeeze %dma_wait3A_188 : memref<1x128xi32, #tpu.memory_space<vmem>> -> memref<128xi32, #tpu.memory_space<vmem>>
      %dma_wait3A_190 = arith.constant 0 : i32
      %dma_wait3A_191 = tpu.memref_slice %arg9[%dma_wait3A_190] : memref<10240xf32, #tpu.memory_space<vmem_shared>> -> memref<10240xf32, #tpu.memory_space<vmem_shared>>
      tpu.wait_indirect_dma semaphore(%arg10 : memref<!tpu.dma_semaphore, #tpu.memory_space<semaphore_mem>>) src(%arg6 : memref<128xf32, #tpu.memory_space<vmem>>) dst(%dma_wait3A_191 : memref<10240xf32, #tpu.memory_space<vmem_shared>>)
      %scan3A_192 = arith.constant 0 : i32
      scf.yield %scan3A_192 : i32
    }
    %scan3A_30 = arith.constant 10 : i32
    %barrier3A_31 = arith.constant 0 : index
    tpu.barrier barrier_id(%barrier3A_31)
    %mul3A_32 = arith.constant 640 : i32
    %mul3A_33 = arith.muli %arg1, %mul3A_32 : i32
    "tpu.region"() ({
      %run_scoped3A = tpu.sem_alloc : memref<!tpu.dma_semaphore, #tpu.memory_space<semaphore_mem>>
      %dma_start3A = tpu.memref_slice %arg9[%mul3A_33] : memref<10240xf32, #tpu.memory_space<vmem_shared>> -> memref<640xf32, #tpu.memory_space<vmem_shared>>
      %dma_start3A_48 = tpu.memref_slice %arg9[%mul3A_33] : memref<10240xf32, #tpu.memory_space<vmem_shared>> -> memref<640xf32, #tpu.memory_space<vmem_shared>>
      tpu.enqueue_dma source(%dma_start3A_48 : memref<640xf32, #tpu.memory_space<vmem_shared>>) target(%arg7 : memref<640xf32, #tpu.memory_space<vmem>>) target_semaphore(%run_scoped3A : memref<!tpu.dma_semaphore, #tpu.memory_space<semaphore_mem>>)
      %dma_wait3A = tpu.memref_slice %arg9[%mul3A_33] : memref<10240xf32, #tpu.memory_space<vmem_shared>> -> memref<640xf32, #tpu.memory_space<vmem_shared>>
      %dma_wait3A_49 = tpu.memref_slice %arg9[%mul3A_33] : memref<10240xf32, #tpu.memory_space<vmem_shared>> -> memref<640xf32, #tpu.memory_space<vmem_shared>>
      tpu.wait_dma2 semaphore(%run_scoped3A : memref<!tpu.dma_semaphore, #tpu.memory_space<semaphore_mem>>) src(%dma_wait3A_49 : memref<640xf32, #tpu.memory_space<vmem_shared>>) dst(%arg7 : memref<640xf32, #tpu.memory_space<vmem>>)
      tpu.yield
    }) : () -> ()
    %scan3A_34 = arith.constant 0 : i32
    %scan3A_35 = arith.constant 0 : i32
    %scan3A_36 = arith.constant 40 : i32
    %scan3A_37 = arith.addi %scan3A_35, %scan3A_36 : i32
    %scan3A_38 = arith.constant 1 : i32
    %scan3A_39 = scf.for %scan3A_48 = %scan3A_35 to %scan3A_37 step %scan3A_38 iter_args(%scan3A_49 = %scan3A_34) -> (i32)  : i32 {
      %mul3A_50 = arith.constant 16 : i32
      %mul3A_51 = arith.muli %scan3A_48, %mul3A_50 : i32
      %get3A = arith.index_cast %mul3A_51 : i32 to index
      %get3A_52 = tpu.vector_load %arg7[%get3A] {strides = array<i32>} : memref<640xf32, #tpu.memory_space<vmem>>, vector<16xf32>,
      %get3A_53 = vector.shape_cast %get3A_52 : vector<16xf32> to vector<16xf32>
      %broadcast_in_dim3A = arith.constant 0 : i32
      %broadcast_in_dim3A_54 = vector.broadcast %broadcast_in_dim3A : i32 to vector<16xi32>
      %lt3A_55 = arith.constant 0 : i32
      %lt3A_56 = vector.broadcast %lt3A_55 : i32 to vector<16xi32>
      %lt3A_57 = arith.cmpi slt, %broadcast_in_dim3A_54, %lt3A_56 : vector<16xi32>
      %add3A_58 = arith.constant 16 : i32
      %add3A_59 = vector.broadcast %add3A_58 : i32 to vector<16xi32>
      %add3A_60 = arith.addi %broadcast_in_dim3A_54, %add3A_59 : vector<16xi32>
      %select_n3A = arith.select %lt3A_57, %add3A_60, %broadcast_in_dim3A_54 : vector<16xi1>, vector<16xi32>
      %broadcast_in_dim3A_61 = vector.shape_cast %select_n3A : vector<16xi32> to vector<16x1xi32>
      %gather3A = vector.shape_cast %broadcast_in_dim3A_61 : vector<16x1xi32> to vector<16xi32>
      %gather3A_62 = tpu.dynamic_gather %get3A_53[%gather3A] in [0] : vector<16xf32>, vector<16xi32> -> vector<16xf32>
      %mul3A_63 = arith.constant 16 : i32
      %mul3A_64 = arith.muli %scan3A_48, %mul3A_63 : i32
      %add3A_65 = arith.constant 0 : i32
      %add3A_66 = arith.addi %mul3A_64, %add3A_65 : i32
      %mul3A_67 = arith.constant 16 : i32
      %mul3A_68 = arith.muli %add3A_66, %mul3A_67 : i32
      %swap3A = arith.index_cast %mul3A_68 : i32 to index
      %swap3A_69 = tpu.vector_load %arg8[%swap3A] {strides = array<i32>} : memref<10240xf32, #tpu.memory_space<vmem>>, vector<16xf32>,
      %swap3A_70 = vector.shape_cast %swap3A_69 : vector<16xf32> to vector<16xf32>
      %swap3A_71 = vector.shape_cast %gather3A_62 : vector<16xf32> to vector<16xf32>
      tpu.vector_store %arg8[%swap3A], %swap3A_71 {strides = array<i32>} : memref<10240xf32, #tpu.memory_space<vmem>>, vector<16xf32>,
      %broadcast_in_dim3A_72 = arith.constant 1 : i32
      %broadcast_in_dim3A_73 = vector.broadcast %broadcast_in_dim3A_72 : i32 to vector<16xi32>
      %lt3A_74 = arith.constant 0 : i32
      %lt3A_75 = vector.broadcast %lt3A_74 : i32 to vector<16xi32>
      %lt3A_76 = arith.cmpi slt, %broadcast_in_dim3A_73, %lt3A_75 : vector<16xi32>
      %add3A_77 = arith.constant 16 : i32
      %add3A_78 = vector.broadcast %add3A_77 : i32 to vector<16xi32>
      %add3A_79 = arith.addi %broadcast_in_dim3A_73, %add3A_78 : vector<16xi32>
      %select_n3A_80 = arith.select %lt3A_76, %add3A_79, %broadcast_in_dim3A_73 : vector<16xi1>, vector<16xi32>
      %broadcast_in_dim3A_81 = vector.shape_cast %select_n3A_80 : vector<16xi32> to vector<16x1xi32>
      %gather3A_82 = vector.shape_cast %broadcast_in_dim3A_81 : vector<16x1xi32> to vector<16xi32>
      %gather3A_83 = tpu.dynamic_gather %get3A_53[%gather3A_82] in [0] : vector<16xf32>, vector<16xi32> -> vector<16xf32>
      %mul3A_84 = arith.constant 16 : i32
      %mul3A_85 = arith.muli %scan3A_48, %mul3A_84 : i32
      %add3A_86 = arith.constant 1 : i32
      %add3A_87 = arith.addi %mul3A_85, %add3A_86 : i32
      %mul3A_88 = arith.constant 16 : i32
      %mul3A_89 = arith.muli %add3A_87, %mul3A_88 : i32
      %swap3A_90 = arith.index_cast %mul3A_89 : i32 to index
      %swap3A_91 = tpu.vector_load %arg8[%swap3A_90] {strides = array<i32>} : memref<10240xf32, #tpu.memory_space<vmem>>, vector<16xf32>,
      %swap3A_92 = vector.shape_cast %swap3A_91 : vector<16xf32> to vector<16xf32>
      %swap3A_93 = vector.shape_cast %gather3A_83 : vector<16xf32> to vector<16xf32>
      tpu.vector_store %arg8[%swap3A_90], %swap3A_93 {strides = array<i32>} : memref<10240xf32, #tpu.memory_space<vmem>>, vector<16xf32>,
      %broadcast_in_dim3A_94 = arith.constant 2 : i32
      %broadcast_in_dim3A_95 = vector.broadcast %broadcast_in_dim3A_94 : i32 to vector<16xi32>
      %lt3A_96 = arith.constant 0 : i32
      %lt3A_97 = vector.broadcast %lt3A_96 : i32 to vector<16xi32>
      %lt3A_98 = arith.cmpi slt, %broadcast_in_dim3A_95, %lt3A_97 : vector<16xi32>
      %add3A_99 = arith.constant 16 : i32
      %add3A_100 = vector.broadcast %add3A_99 : i32 to vector<16xi32>
      %add3A_101 = arith.addi %broadcast_in_dim3A_95, %add3A_100 : vector<16xi32>
      %select_n3A_102 = arith.select %lt3A_98, %add3A_101, %broadcast_in_dim3A_95 : vector<16xi1>, vector<16xi32>
      %broadcast_in_dim3A_103 = vector.shape_cast %select_n3A_102 : vector<16xi32> to vector<16x1xi32>
      %gather3A_104 = vector.shape_cast %broadcast_in_dim3A_103 : vector<16x1xi32> to vector<16xi32>
      %gather3A_105 = tpu.dynamic_gather %get3A_53[%gather3A_104] in [0] : vector<16xf32>, vector<16xi32> -> vector<16xf32>
      %mul3A_106 = arith.constant 16 : i32
      %mul3A_107 = arith.muli %scan3A_48, %mul3A_106 : i32
      %add3A_108 = arith.constant 2 : i32
      %add3A_109 = arith.addi %mul3A_107, %add3A_108 : i32
      %mul3A_110 = arith.constant 16 : i32
      %mul3A_111 = arith.muli %add3A_109, %mul3A_110 : i32
      %swap3A_112 = arith.index_cast %mul3A_111 : i32 to index
      %swap3A_113 = tpu.vector_load %arg8[%swap3A_112] {strides = array<i32>} : memref<10240xf32, #tpu.memory_space<vmem>>, vector<16xf32>,
      %swap3A_114 = vector.shape_cast %swap3A_113 : vector<16xf32> to vector<16xf32>
      %swap3A_115 = vector.shape_cast %gather3A_105 : vector<16xf32> to vector<16xf32>
      tpu.vector_store %arg8[%swap3A_112], %swap3A_115 {strides = array<i32>} : memref<10240xf32, #tpu.memory_space<vmem>>, vector<16xf32>,
      %broadcast_in_dim3A_116 = arith.constant 3 : i32
      %broadcast_in_dim3A_117 = vector.broadcast %broadcast_in_dim3A_116 : i32 to vector<16xi32>
      %lt3A_118 = arith.constant 0 : i32
      %lt3A_119 = vector.broadcast %lt3A_118 : i32 to vector<16xi32>
      %lt3A_120 = arith.cmpi slt, %broadcast_in_dim3A_117, %lt3A_119 : vector<16xi32>
      %add3A_121 = arith.constant 16 : i32
      %add3A_122 = vector.broadcast %add3A_121 : i32 to vector<16xi32>
      %add3A_123 = arith.addi %broadcast_in_dim3A_117, %add3A_122 : vector<16xi32>
      %select_n3A_124 = arith.select %lt3A_120, %add3A_123, %broadcast_in_dim3A_117 : vector<16xi1>, vector<16xi32>
      %broadcast_in_dim3A_125 = vector.shape_cast %select_n3A_124 : vector<16xi32> to vector<16x1xi32>
      %gather3A_126 = vector.shape_cast %broadcast_in_dim3A_125 : vector<16x1xi32> to vector<16xi32>
      %gather3A_127 = tpu.dynamic_gather %get3A_53[%gather3A_126] in [0] : vector<16xf32>, vector<16xi32> -> vector<16xf32>
      %mul3A_128 = arith.constant 16 : i32
      %mul3A_129 = arith.muli %scan3A_48, %mul3A_128 : i32
      %add3A_130 = arith.constant 3 : i32
      %add3A_131 = arith.addi %mul3A_129, %add3A_130 : i32
      %mul3A_132 = arith.constant 16 : i32
      %mul3A_133 = arith.muli %add3A_131, %mul3A_132 : i32
      %swap3A_134 = arith.index_cast %mul3A_133 : i32 to index
      %swap3A_135 = tpu.vector_load %arg8[%swap3A_134] {strides = array<i32>} : memref<10240xf32, #tpu.memory_space<vmem>>, vector<16xf32>,
      %swap3A_136 = vector.shape_cast %swap3A_135 : vector<16xf32> to vector<16xf32>
      %swap3A_137 = vector.shape_cast %gather3A_127 : vector<16xf32> to vector<16xf32>
      tpu.vector_store %arg8[%swap3A_134], %swap3A_137 {strides = array<i32>} : memref<10240xf32, #tpu.memory_space<vmem>>, vector<16xf32>,
      %broadcast_in_dim3A_138 = arith.constant 4 : i32
      %broadcast_in_dim3A_139 = vector.broadcast %broadcast_in_dim3A_138 : i32 to vector<16xi32>
      %lt3A_140 = arith.constant 0 : i32
      %lt3A_141 = vector.broadcast %lt3A_140 : i32 to vector<16xi32>
      %lt3A_142 = arith.cmpi slt, %broadcast_in_dim3A_139, %lt3A_141 : vector<16xi32>
      %add3A_143 = arith.constant 16 : i32
      %add3A_144 = vector.broadcast %add3A_143 : i32 to vector<16xi32>
      %add3A_145 = arith.addi %broadcast_in_dim3A_139, %add3A_144 : vector<16xi32>
      %select_n3A_146 = arith.select %lt3A_142, %add3A_145, %broadcast_in_dim3A_139 : vector<16xi1>, vector<16xi32>
      %broadcast_in_dim3A_147 = vector.shape_cast %select_n3A_146 : vector<16xi32> to vector<16x1xi32>
      %gather3A_148 = vector.shape_cast %broadcast_in_dim3A_147 : vector<16x1xi32> to vector<16xi32>
      %gather3A_149 = tpu.dynamic_gather %get3A_53[%gather3A_148] in [0] : vector<16xf32>, vector<16xi32> -> vector<16xf32>
      %mul3A_150 = arith.constant 16 : i32
      %mul3A_151 = arith.muli %scan3A_48, %mul3A_150 : i32
      %add3A_152 = arith.constant 4 : i32
      %add3A_153 = arith.addi %mul3A_151, %add3A_152 : i32
      %mul3A_154 = arith.constant 16 : i32
      %mul3A_155 = arith.muli %add3A_153, %mul3A_154 : i32
      %swap3A_156 = arith.index_cast %mul3A_155 : i32 to index
      %swap3A_157 = tpu.vector_load %arg8[%swap3A_156] {strides = array<i32>} : memref<10240xf32, #tpu.memory_space<vmem>>, vector<16xf32>,
      %swap3A_158 = vector.shape_cast %swap3A_157 : vector<16xf32> to vector<16xf32>
      %swap3A_159 = vector.shape_cast %gather3A_149 : vector<16xf32> to vector<16xf32>
      tpu.vector_store %arg8[%swap3A_156], %swap3A_159 {strides = array<i32>} : memref<10240xf32, #tpu.memory_space<vmem>>, vector<16xf32>,
      %broadcast_in_dim3A_160 = arith.constant 5 : i32
      %broadcast_in_dim3A_161 = vector.broadcast %broadcast_in_dim3A_160 : i32 to vector<16xi32>
      %lt3A_162 = arith.constant 0 : i32
      %lt3A_163 = vector.broadcast %lt3A_162 : i32 to vector<16xi32>
      %lt3A_164 = arith.cmpi slt, %broadcast_in_dim3A_161, %lt3A_163 : vector<16xi32>
      %add3A_165 = arith.constant 16 : i32
      %add3A_166 = vector.broadcast %add3A_165 : i32 to vector<16xi32>
      %add3A_167 = arith.addi %broadcast_in_dim3A_161, %add3A_166 : vector<16xi32>
      %select_n3A_168 = arith.select %lt3A_164, %add3A_167, %broadcast_in_dim3A_161 : vector<16xi1>, vector<16xi32>
      %broadcast_in_dim3A_169 = vector.shape_cast %select_n3A_168 : vector<16xi32> to vector<16x1xi32>
      %gather3A_170 = vector.shape_cast %broadcast_in_dim3A_169 : vector<16x1xi32> to vector<16xi32>
      %gather3A_171 = tpu.dynamic_gather %get3A_53[%gather3A_170] in [0] : vector<16xf32>, vector<16xi32> -> vector<16xf32>
      %mul3A_172 = arith.constant 16 : i32
      %mul3A_173 = arith.muli %scan3A_48, %mul3A_172 : i32
      %add3A_174 = arith.constant 5 : i32
      %add3A_175 = arith.addi %mul3A_173, %add3A_174 : i32
      %mul3A_176 = arith.constant 16 : i32
      %mul3A_177 = arith.muli %add3A_175, %mul3A_176 : i32
      %swap3A_178 = arith.index_cast %mul3A_177 : i32 to index
      %swap3A_179 = tpu.vector_load %arg8[%swap3A_178] {strides = array<i32>} : memref<10240xf32, #tpu.memory_space<vmem>>, vector<16xf32>,
      %swap3A_180 = vector.shape_cast %swap3A_179 : vector<16xf32> to vector<16xf32>
      %swap3A_181 = vector.shape_cast %gather3A_171 : vector<16xf32> to vector<16xf32>
      tpu.vector_store %arg8[%swap3A_178], %swap3A_181 {strides = array<i32>} : memref<10240xf32, #tpu.memory_space<vmem>>, vector<16xf32>,
      %broadcast_in_dim3A_182 = arith.constant 6 : i32
      %broadcast_in_dim3A_183 = vector.broadcast %broadcast_in_dim3A_182 : i32 to vector<16xi32>
      %lt3A_184 = arith.constant 0 : i32
      %lt3A_185 = vector.broadcast %lt3A_184 : i32 to vector<16xi32>
      %lt3A_186 = arith.cmpi slt, %broadcast_in_dim3A_183, %lt3A_185 : vector<16xi32>
      %add3A_187 = arith.constant 16 : i32
      %add3A_188 = vector.broadcast %add3A_187 : i32 to vector<16xi32>
      %add3A_189 = arith.addi %broadcast_in_dim3A_183, %add3A_188 : vector<16xi32>
      %select_n3A_190 = arith.select %lt3A_186, %add3A_189, %broadcast_in_dim3A_183 : vector<16xi1>, vector<16xi32>
      %broadcast_in_dim3A_191 = vector.shape_cast %select_n3A_190 : vector<16xi32> to vector<16x1xi32>
      %gather3A_192 = vector.shape_cast %broadcast_in_dim3A_191 : vector<16x1xi32> to vector<16xi32>
      %gather3A_193 = tpu.dynamic_gather %get3A_53[%gather3A_192] in [0] : vector<16xf32>, vector<16xi32> -> vector<16xf32>
      %mul3A_194 = arith.constant 16 : i32
      %mul3A_195 = arith.muli %scan3A_48, %mul3A_194 : i32
      %add3A_196 = arith.constant 6 : i32
      %add3A_197 = arith.addi %mul3A_195, %add3A_196 : i32
      %mul3A_198 = arith.constant 16 : i32
      %mul3A_199 = arith.muli %add3A_197, %mul3A_198 : i32
      %swap3A_200 = arith.index_cast %mul3A_199 : i32 to index
      %swap3A_201 = tpu.vector_load %arg8[%swap3A_200] {strides = array<i32>} : memref<10240xf32, #tpu.memory_space<vmem>>, vector<16xf32>,
      %swap3A_202 = vector.shape_cast %swap3A_201 : vector<16xf32> to vector<16xf32>
      %swap3A_203 = vector.shape_cast %gather3A_193 : vector<16xf32> to vector<16xf32>
      tpu.vector_store %arg8[%swap3A_200], %swap3A_203 {strides = array<i32>} : memref<10240xf32, #tpu.memory_space<vmem>>, vector<16xf32>,
      %broadcast_in_dim3A_204 = arith.constant 7 : i32
      %broadcast_in_dim3A_205 = vector.broadcast %broadcast_in_dim3A_204 : i32 to vector<16xi32>
      %lt3A_206 = arith.constant 0 : i32
      %lt3A_207 = vector.broadcast %lt3A_206 : i32 to vector<16xi32>
      %lt3A_208 = arith.cmpi slt, %broadcast_in_dim3A_205, %lt3A_207 : vector<16xi32>
      %add3A_209 = arith.constant 16 : i32
      %add3A_210 = vector.broadcast %add3A_209 : i32 to vector<16xi32>
      %add3A_211 = arith.addi %broadcast_in_dim3A_205, %add3A_210 : vector<16xi32>
      %select_n3A_212 = arith.select %lt3A_208, %add3A_211, %broadcast_in_dim3A_205 : vector<16xi1>, vector<16xi32>
      %broadcast_in_dim3A_213 = vector.shape_cast %select_n3A_212 : vector<16xi32> to vector<16x1xi32>
      %gather3A_214 = vector.shape_cast %broadcast_in_dim3A_213 : vector<16x1xi32> to vector<16xi32>
      %gather3A_215 = tpu.dynamic_gather %get3A_53[%gather3A_214] in [0] : vector<16xf32>, vector<16xi32> -> vector<16xf32>
      %mul3A_216 = arith.constant 16 : i32
      %mul3A_217 = arith.muli %scan3A_48, %mul3A_216 : i32
      %add3A_218 = arith.constant 7 : i32
      %add3A_219 = arith.addi %mul3A_217, %add3A_218 : i32
      %mul3A_220 = arith.constant 16 : i32
      %mul3A_221 = arith.muli %add3A_219, %mul3A_220 : i32
      %swap3A_222 = arith.index_cast %mul3A_221 : i32 to index
      %swap3A_223 = tpu.vector_load %arg8[%swap3A_222] {strides = array<i32>} : memref<10240xf32, #tpu.memory_space<vmem>>, vector<16xf32>,
      %swap3A_224 = vector.shape_cast %swap3A_223 : vector<16xf32> to vector<16xf32>
      %swap3A_225 = vector.shape_cast %gather3A_215 : vector<16xf32> to vector<16xf32>
      tpu.vector_store %arg8[%swap3A_222], %swap3A_225 {strides = array<i32>} : memref<10240xf32, #tpu.memory_space<vmem>>, vector<16xf32>,
      %broadcast_in_dim3A_226 = arith.constant 8 : i32
      %broadcast_in_dim3A_227 = vector.broadcast %broadcast_in_dim3A_226 : i32 to vector<16xi32>
      %lt3A_228 = arith.constant 0 : i32
      %lt3A_229 = vector.broadcast %lt3A_228 : i32 to vector<16xi32>
      %lt3A_230 = arith.cmpi slt, %broadcast_in_dim3A_227, %lt3A_229 : vector<16xi32>
      %add3A_231 = arith.constant 16 : i32
      %add3A_232 = vector.broadcast %add3A_231 : i32 to vector<16xi32>
      %add3A_233 = arith.addi %broadcast_in_dim3A_227, %add3A_232 : vector<16xi32>
      %select_n3A_234 = arith.select %lt3A_230, %add3A_233, %broadcast_in_dim3A_227 : vector<16xi1>, vector<16xi32>
      %broadcast_in_dim3A_235 = vector.shape_cast %select_n3A_234 : vector<16xi32> to vector<16x1xi32>
      %gather3A_236 = vector.shape_cast %broadcast_in_dim3A_235 : vector<16x1xi32> to vector<16xi32>
      %gather3A_237 = tpu.dynamic_gather %get3A_53[%gather3A_236] in [0] : vector<16xf32>, vector<16xi32> -> vector<16xf32>
      %mul3A_238 = arith.constant 16 : i32
      %mul3A_239 = arith.muli %scan3A_48, %mul3A_238 : i32
      %add3A_240 = arith.constant 8 : i32
      %add3A_241 = arith.addi %mul3A_239, %add3A_240 : i32
      %mul3A_242 = arith.constant 16 : i32
      %mul3A_243 = arith.muli %add3A_241, %mul3A_242 : i32
      %swap3A_244 = arith.index_cast %mul3A_243 : i32 to index
      %swap3A_245 = tpu.vector_load %arg8[%swap3A_244] {strides = array<i32>} : memref<10240xf32, #tpu.memory_space<vmem>>, vector<16xf32>,
      %swap3A_246 = vector.shape_cast %swap3A_245 : vector<16xf32> to vector<16xf32>
      %swap3A_247 = vector.shape_cast %gather3A_237 : vector<16xf32> to vector<16xf32>
      tpu.vector_store %arg8[%swap3A_244], %swap3A_247 {strides = array<i32>} : memref<10240xf32, #tpu.memory_space<vmem>>, vector<16xf32>,
      %broadcast_in_dim3A_248 = arith.constant 9 : i32
      %broadcast_in_dim3A_249 = vector.broadcast %broadcast_in_dim3A_248 : i32 to vector<16xi32>
      %lt3A_250 = arith.constant 0 : i32
      %lt3A_251 = vector.broadcast %lt3A_250 : i32 to vector<16xi32>
      %lt3A_252 = arith.cmpi slt, %broadcast_in_dim3A_249, %lt3A_251 : vector<16xi32>
      %add3A_253 = arith.constant 16 : i32
      %add3A_254 = vector.broadcast %add3A_253 : i32 to vector<16xi32>
      %add3A_255 = arith.addi %broadcast_in_dim3A_249, %add3A_254 : vector<16xi32>
      %select_n3A_256 = arith.select %lt3A_252, %add3A_255, %broadcast_in_dim3A_249 : vector<16xi1>, vector<16xi32>
      %broadcast_in_dim3A_257 = vector.shape_cast %select_n3A_256 : vector<16xi32> to vector<16x1xi32>
      %gather3A_258 = vector.shape_cast %broadcast_in_dim3A_257 : vector<16x1xi32> to vector<16xi32>
      %gather3A_259 = tpu.dynamic_gather %get3A_53[%gather3A_258] in [0] : vector<16xf32>, vector<16xi32> -> vector<16xf32>
      %mul3A_260 = arith.constant 16 : i32
      %mul3A_261 = arith.muli %scan3A_48, %mul3A_260 : i32
      %add3A_262 = arith.constant 9 : i32
      %add3A_263 = arith.addi %mul3A_261, %add3A_262 : i32
      %mul3A_264 = arith.constant 16 : i32
      %mul3A_265 = arith.muli %add3A_263, %mul3A_264 : i32
      %swap3A_266 = arith.index_cast %mul3A_265 : i32 to index
      %swap3A_267 = tpu.vector_load %arg8[%swap3A_266] {strides = array<i32>} : memref<10240xf32, #tpu.memory_space<vmem>>, vector<16xf32>,
      %swap3A_268 = vector.shape_cast %swap3A_267 : vector<16xf32> to vector<16xf32>
      %swap3A_269 = vector.shape_cast %gather3A_259 : vector<16xf32> to vector<16xf32>
      tpu.vector_store %arg8[%swap3A_266], %swap3A_269 {strides = array<i32>} : memref<10240xf32, #tpu.memory_space<vmem>>, vector<16xf32>,
      %broadcast_in_dim3A_270 = arith.constant 10 : i32
      %broadcast_in_dim3A_271 = vector.broadcast %broadcast_in_dim3A_270 : i32 to vector<16xi32>
      %lt3A_272 = arith.constant 0 : i32
      %lt3A_273 = vector.broadcast %lt3A_272 : i32 to vector<16xi32>
      %lt3A_274 = arith.cmpi slt, %broadcast_in_dim3A_271, %lt3A_273 : vector<16xi32>
      %add3A_275 = arith.constant 16 : i32
      %add3A_276 = vector.broadcast %add3A_275 : i32 to vector<16xi32>
      %add3A_277 = arith.addi %broadcast_in_dim3A_271, %add3A_276 : vector<16xi32>
      %select_n3A_278 = arith.select %lt3A_274, %add3A_277, %broadcast_in_dim3A_271 : vector<16xi1>, vector<16xi32>
      %broadcast_in_dim3A_279 = vector.shape_cast %select_n3A_278 : vector<16xi32> to vector<16x1xi32>
      %gather3A_280 = vector.shape_cast %broadcast_in_dim3A_279 : vector<16x1xi32> to vector<16xi32>
      %gather3A_281 = tpu.dynamic_gather %get3A_53[%gather3A_280] in [0] : vector<16xf32>, vector<16xi32> -> vector<16xf32>
      %mul3A_282 = arith.constant 16 : i32
      %mul3A_283 = arith.muli %scan3A_48, %mul3A_282 : i32
      %add3A_284 = arith.constant 10 : i32
      %add3A_285 = arith.addi %mul3A_283, %add3A_284 : i32
      %mul3A_286 = arith.constant 16 : i32
      %mul3A_287 = arith.muli %add3A_285, %mul3A_286 : i32
      %swap3A_288 = arith.index_cast %mul3A_287 : i32 to index
      %swap3A_289 = tpu.vector_load %arg8[%swap3A_288] {strides = array<i32>} : memref<10240xf32, #tpu.memory_space<vmem>>, vector<16xf32>,
      %swap3A_290 = vector.shape_cast %swap3A_289 : vector<16xf32> to vector<16xf32>
      %swap3A_291 = vector.shape_cast %gather3A_281 : vector<16xf32> to vector<16xf32>
      tpu.vector_store %arg8[%swap3A_288], %swap3A_291 {strides = array<i32>} : memref<10240xf32, #tpu.memory_space<vmem>>, vector<16xf32>,
      %broadcast_in_dim3A_292 = arith.constant 11 : i32
      %broadcast_in_dim3A_293 = vector.broadcast %broadcast_in_dim3A_292 : i32 to vector<16xi32>
      %lt3A_294 = arith.constant 0 : i32
      %lt3A_295 = vector.broadcast %lt3A_294 : i32 to vector<16xi32>
      %lt3A_296 = arith.cmpi slt, %broadcast_in_dim3A_293, %lt3A_295 : vector<16xi32>
      %add3A_297 = arith.constant 16 : i32
      %add3A_298 = vector.broadcast %add3A_297 : i32 to vector<16xi32>
      %add3A_299 = arith.addi %broadcast_in_dim3A_293, %add3A_298 : vector<16xi32>
      %select_n3A_300 = arith.select %lt3A_296, %add3A_299, %broadcast_in_dim3A_293 : vector<16xi1>, vector<16xi32>
      %broadcast_in_dim3A_301 = vector.shape_cast %select_n3A_300 : vector<16xi32> to vector<16x1xi32>
      %gather3A_302 = vector.shape_cast %broadcast_in_dim3A_301 : vector<16x1xi32> to vector<16xi32>
      %gather3A_303 = tpu.dynamic_gather %get3A_53[%gather3A_302] in [0] : vector<16xf32>, vector<16xi32> -> vector<16xf32>
      %mul3A_304 = arith.constant 16 : i32
      %mul3A_305 = arith.muli %scan3A_48, %mul3A_304 : i32
      %add3A_306 = arith.constant 11 : i32
      %add3A_307 = arith.addi %mul3A_305, %add3A_306 : i32
      %mul3A_308 = arith.constant 16 : i32
      %mul3A_309 = arith.muli %add3A_307, %mul3A_308 : i32
      %swap3A_310 = arith.index_cast %mul3A_309 : i32 to index
      %swap3A_311 = tpu.vector_load %arg8[%swap3A_310] {strides = array<i32>} : memref<10240xf32, #tpu.memory_space<vmem>>, vector<16xf32>,
      %swap3A_312 = vector.shape_cast %swap3A_311 : vector<16xf32> to vector<16xf32>
      %swap3A_313 = vector.shape_cast %gather3A_303 : vector<16xf32> to vector<16xf32>
      tpu.vector_store %arg8[%swap3A_310], %swap3A_313 {strides = array<i32>} : memref<10240xf32, #tpu.memory_space<vmem>>, vector<16xf32>,
      %broadcast_in_dim3A_314 = arith.constant 12 : i32
      %broadcast_in_dim3A_315 = vector.broadcast %broadcast_in_dim3A_314 : i32 to vector<16xi32>
      %lt3A_316 = arith.constant 0 : i32
      %lt3A_317 = vector.broadcast %lt3A_316 : i32 to vector<16xi32>
      %lt3A_318 = arith.cmpi slt, %broadcast_in_dim3A_315, %lt3A_317 : vector<16xi32>
      %add3A_319 = arith.constant 16 : i32
      %add3A_320 = vector.broadcast %add3A_319 : i32 to vector<16xi32>
      %add3A_321 = arith.addi %broadcast_in_dim3A_315, %add3A_320 : vector<16xi32>
      %select_n3A_322 = arith.select %lt3A_318, %add3A_321, %broadcast_in_dim3A_315 : vector<16xi1>, vector<16xi32>
      %broadcast_in_dim3A_323 = vector.shape_cast %select_n3A_322 : vector<16xi32> to vector<16x1xi32>
      %gather3A_324 = vector.shape_cast %broadcast_in_dim3A_323 : vector<16x1xi32> to vector<16xi32>
      %gather3A_325 = tpu.dynamic_gather %get3A_53[%gather3A_324] in [0] : vector<16xf32>, vector<16xi32> -> vector<16xf32>
      %mul3A_326 = arith.constant 16 : i32
      %mul3A_327 = arith.muli %scan3A_48, %mul3A_326 : i32
      %add3A_328 = arith.constant 12 : i32
      %add3A_329 = arith.addi %mul3A_327, %add3A_328 : i32
      %mul3A_330 = arith.constant 16 : i32
      %mul3A_331 = arith.muli %add3A_329, %mul3A_330 : i32
      %swap3A_332 = arith.index_cast %mul3A_331 : i32 to index
      %swap3A_333 = tpu.vector_load %arg8[%swap3A_332] {strides = array<i32>} : memref<10240xf32, #tpu.memory_space<vmem>>, vector<16xf32>,
      %swap3A_334 = vector.shape_cast %swap3A_333 : vector<16xf32> to vector<16xf32>
      %swap3A_335 = vector.shape_cast %gather3A_325 : vector<16xf32> to vector<16xf32>
      tpu.vector_store %arg8[%swap3A_332], %swap3A_335 {strides = array<i32>} : memref<10240xf32, #tpu.memory_space<vmem>>, vector<16xf32>,
      %broadcast_in_dim3A_336 = arith.constant 13 : i32
      %broadcast_in_dim3A_337 = vector.broadcast %broadcast_in_dim3A_336 : i32 to vector<16xi32>
      %lt3A_338 = arith.constant 0 : i32
      %lt3A_339 = vector.broadcast %lt3A_338 : i32 to vector<16xi32>
      %lt3A_340 = arith.cmpi slt, %broadcast_in_dim3A_337, %lt3A_339 : vector<16xi32>
      %add3A_341 = arith.constant 16 : i32
      %add3A_342 = vector.broadcast %add3A_341 : i32 to vector<16xi32>
      %add3A_343 = arith.addi %broadcast_in_dim3A_337, %add3A_342 : vector<16xi32>
      %select_n3A_344 = arith.select %lt3A_340, %add3A_343, %broadcast_in_dim3A_337 : vector<16xi1>, vector<16xi32>
      %broadcast_in_dim3A_345 = vector.shape_cast %select_n3A_344 : vector<16xi32> to vector<16x1xi32>
      %gather3A_346 = vector.shape_cast %broadcast_in_dim3A_345 : vector<16x1xi32> to vector<16xi32>
      %gather3A_347 = tpu.dynamic_gather %get3A_53[%gather3A_346] in [0] : vector<16xf32>, vector<16xi32> -> vector<16xf32>
      %mul3A_348 = arith.constant 16 : i32
      %mul3A_349 = arith.muli %scan3A_48, %mul3A_348 : i32
      %add3A_350 = arith.constant 13 : i32
      %add3A_351 = arith.addi %mul3A_349, %add3A_350 : i32
      %mul3A_352 = arith.constant 16 : i32
      %mul3A_353 = arith.muli %add3A_351, %mul3A_352 : i32
      %swap3A_354 = arith.index_cast %mul3A_353 : i32 to index
      %swap3A_355 = tpu.vector_load %arg8[%swap3A_354] {strides = array<i32>} : memref<10240xf32, #tpu.memory_space<vmem>>, vector<16xf32>,
      %swap3A_356 = vector.shape_cast %swap3A_355 : vector<16xf32> to vector<16xf32>
      %swap3A_357 = vector.shape_cast %gather3A_347 : vector<16xf32> to vector<16xf32>
      tpu.vector_store %arg8[%swap3A_354], %swap3A_357 {strides = array<i32>} : memref<10240xf32, #tpu.memory_space<vmem>>, vector<16xf32>,
      %broadcast_in_dim3A_358 = arith.constant 14 : i32
      %broadcast_in_dim3A_359 = vector.broadcast %broadcast_in_dim3A_358 : i32 to vector<16xi32>
      %lt3A_360 = arith.constant 0 : i32
      %lt3A_361 = vector.broadcast %lt3A_360 : i32 to vector<16xi32>
      %lt3A_362 = arith.cmpi slt, %broadcast_in_dim3A_359, %lt3A_361 : vector<16xi32>
      %add3A_363 = arith.constant 16 : i32
      %add3A_364 = vector.broadcast %add3A_363 : i32 to vector<16xi32>
      %add3A_365 = arith.addi %broadcast_in_dim3A_359, %add3A_364 : vector<16xi32>
      %select_n3A_366 = arith.select %lt3A_362, %add3A_365, %broadcast_in_dim3A_359 : vector<16xi1>, vector<16xi32>
      %broadcast_in_dim3A_367 = vector.shape_cast %select_n3A_366 : vector<16xi32> to vector<16x1xi32>
      %gather3A_368 = vector.shape_cast %broadcast_in_dim3A_367 : vector<16x1xi32> to vector<16xi32>
      %gather3A_369 = tpu.dynamic_gather %get3A_53[%gather3A_368] in [0] : vector<16xf32>, vector<16xi32> -> vector<16xf32>
      %mul3A_370 = arith.constant 16 : i32
      %mul3A_371 = arith.muli %scan3A_48, %mul3A_370 : i32
      %add3A_372 = arith.constant 14 : i32
      %add3A_373 = arith.addi %mul3A_371, %add3A_372 : i32
      %mul3A_374 = arith.constant 16 : i32
      %mul3A_375 = arith.muli %add3A_373, %mul3A_374 : i32
      %swap3A_376 = arith.index_cast %mul3A_375 : i32 to index
      %swap3A_377 = tpu.vector_load %arg8[%swap3A_376] {strides = array<i32>} : memref<10240xf32, #tpu.memory_space<vmem>>, vector<16xf32>,
      %swap3A_378 = vector.shape_cast %swap3A_377 : vector<16xf32> to vector<16xf32>
      %swap3A_379 = vector.shape_cast %gather3A_369 : vector<16xf32> to vector<16xf32>
      tpu.vector_store %arg8[%swap3A_376], %swap3A_379 {strides = array<i32>} : memref<10240xf32, #tpu.memory_space<vmem>>, vector<16xf32>,
      %broadcast_in_dim3A_380 = arith.constant 15 : i32
      %broadcast_in_dim3A_381 = vector.broadcast %broadcast_in_dim3A_380 : i32 to vector<16xi32>
      %lt3A_382 = arith.constant 0 : i32
      %lt3A_383 = vector.broadcast %lt3A_382 : i32 to vector<16xi32>
      %lt3A_384 = arith.cmpi slt, %broadcast_in_dim3A_381, %lt3A_383 : vector<16xi32>
      %add3A_385 = arith.constant 16 : i32
      %add3A_386 = vector.broadcast %add3A_385 : i32 to vector<16xi32>
      %add3A_387 = arith.addi %broadcast_in_dim3A_381, %add3A_386 : vector<16xi32>
      %select_n3A_388 = arith.select %lt3A_384, %add3A_387, %broadcast_in_dim3A_381 : vector<16xi1>, vector<16xi32>
      %broadcast_in_dim3A_389 = vector.shape_cast %select_n3A_388 : vector<16xi32> to vector<16x1xi32>
      %gather3A_390 = vector.shape_cast %broadcast_in_dim3A_389 : vector<16x1xi32> to vector<16xi32>
      %gather3A_391 = tpu.dynamic_gather %get3A_53[%gather3A_390] in [0] : vector<16xf32>, vector<16xi32> -> vector<16xf32>
      %mul3A_392 = arith.constant 16 : i32
      %mul3A_393 = arith.muli %scan3A_48, %mul3A_392 : i32
      %add3A_394 = arith.constant 15 : i32
      %add3A_395 = arith.addi %mul3A_393, %add3A_394 : i32
      %mul3A_396 = arith.constant 16 : i32
      %mul3A_397 = arith.muli %add3A_395, %mul3A_396 : i32
      %swap3A_398 = arith.index_cast %mul3A_397 : i32 to index
      %swap3A_399 = tpu.vector_load %arg8[%swap3A_398] {strides = array<i32>} : memref<10240xf32, #tpu.memory_space<vmem>>, vector<16xf32>,
      %swap3A_400 = vector.shape_cast %swap3A_399 : vector<16xf32> to vector<16xf32>
      %swap3A_401 = vector.shape_cast %gather3A_391 : vector<16xf32> to vector<16xf32>
      tpu.vector_store %arg8[%swap3A_398], %swap3A_401 {strides = array<i32>} : memref<10240xf32, #tpu.memory_space<vmem>>, vector<16xf32>,
      %scan3A_402 = arith.constant 0 : i32
      scf.yield %scan3A_402 : i32
    }
    %scan3A_40 = arith.constant 40 : i32
    %mul3A_41 = arith.constant 10240 : i32
    %mul3A_42 = arith.muli %arg0, %mul3A_41 : i32
    %mul3A_43 = arith.constant 640 : i32
    %mul3A_44 = arith.muli %arg1, %mul3A_43 : i32
    %add3A_45 = arith.addi %mul3A_42, %mul3A_44 : i32
    %mul3A_46 = arith.constant 16 : i32
    %mul3A_47 = arith.muli %add3A_45, %mul3A_46 : i32
    "tpu.region"() ({
      %run_scoped3A = tpu.sem_alloc : memref<!tpu.dma_semaphore, #tpu.memory_space<semaphore_mem>>
      %dma_start3A = tpu.memref_slice %arg4[%mul3A_47] : memref<327680xf32, #tpu.memory_space<hbm>> -> memref<10240xf32, #tpu.memory_space<hbm>>
      %dma_start3A_48 = tpu.memref_slice %arg4[%mul3A_47] : memref<327680xf32, #tpu.memory_space<hbm>> -> memref<10240xf32, #tpu.memory_space<hbm>>
      tpu.enqueue_dma source(%arg8 : memref<10240xf32, #tpu.memory_space<vmem>>) target(%dma_start3A_48 : memref<10240xf32, #tpu.memory_space<hbm>>) target_semaphore(%run_scoped3A : memref<!tpu.dma_semaphore, #tpu.memory_space<semaphore_mem>>)
      %dma_wait3A = tpu.memref_slice %arg4[%mul3A_47] : memref<327680xf32, #tpu.memory_space<hbm>> -> memref<10240xf32, #tpu.memory_space<hbm>>
      %dma_wait3A_49 = tpu.memref_slice %arg4[%mul3A_47] : memref<327680xf32, #tpu.memory_space<hbm>> -> memref<10240xf32, #tpu.memory_space<hbm>>
      tpu.wait_dma2 semaphore(%run_scoped3A : memref<!tpu.dma_semaphore, #tpu.memory_space<semaphore_mem>>) src(%arg8 : memref<10240xf32, #tpu.memory_space<vmem>>) dst(%dma_wait3A_49 : memref<10240xf32, #tpu.memory_space<hbm>>)
      tpu.yield
    }) : () -> ()
    return
  }
}

module attributes {stable_mosaic.version = 14 : i64} {
  func.func @body(%arg0: i32, %arg1: memref<2048x128xf32, #tpu.memory_space<vmem>>, %arg2: memref<2x256x128xf32, #tpu.memory_space<vmem>>, %arg3: memref<128x128xf32, #tpu.memory_space<vmem>>, %arg4: memref<2048x128xf32, #tpu.memory_space<vmem>>, %arg5: memref<256x2048xf32, #tpu.memory_space<vmem>>, %arg6: memref<1x128xf32, #tpu.memory_space<vmem>>, %arg7: memref<256x128xf32, #tpu.memory_space<vmem>>, %arg8: memref<256x128xf32, #tpu.memory_space<vmem>>) attributes {dimension_semantics = [#tpu.dimension_semantics<arbitrary>], iteration_bounds = array<i64: 5>, scalar_prefetch = 0 : i64, scratch_operands = 0 : i64, tpu.core_type = #tpu.core_type<tc>, window_params = [{transform_indices = @transform_0, window_bounds = array<i64: 2048, 128>}, {transform_indices = @transform_1, window_bounds = array<i64: 2, 256, 128>}, {pipeline_mode = #tpu.pipeline_mode<synchronous>, transform_indices = @transform_2, window_bounds = array<i64: 128, 128>}, {pipeline_mode = #tpu.pipeline_mode<synchronous>, transform_indices = @transform_3, window_bounds = array<i64: 2048, 128>}, {pipeline_mode = #tpu.pipeline_mode<synchronous>, transform_indices = @transform_4, window_bounds = array<i64: 256, 2048>}, {pipeline_mode = #tpu.pipeline_mode<synchronous>, transform_indices = @transform_5, window_bounds = array<i64: 1, 128>}, {transform_indices = @transform_6, window_bounds = array<i64: 256, 128>}, {transform_indices = @transform_7, window_bounds = array<i64: 256, 128>}]} {
    %get3A = arith.constant 0 : index
    %get3A_0 = arith.constant 0 : index
    %get3A_1 = arith.constant 0 : index
    %get3A_2 = vector.load %arg2[%get3A, %get3A_0, %get3A_1] : memref<2x256x128xf32, #tpu.memory_space<vmem>>, vector<1x256x128xf32>
    %get3A_3 = vector.shape_cast %get3A_2 : vector<1x256x128xf32> to vector<256x128xf32>
    %get3A_4 = arith.constant 1 : index
    %get3A_5 = arith.constant 0 : index
    %get3A_6 = arith.constant 0 : index
    %get3A_7 = vector.load %arg2[%get3A_4, %get3A_5, %get3A_6] : memref<2x256x128xf32, #tpu.memory_space<vmem>>, vector<1x256x128xf32>
    %get3A_8 = vector.shape_cast %get3A_7 : vector<1x256x128xf32> to vector<256x128xf32>
    %add3A = arith.addf %get3A_3, %get3A_8 : vector<256x128xf32>
    %gt3A = arith.constant 0.000000e+00 : f32
    %gt3A_9 = vector.broadcast %gt3A : f32 to vector<256x128xf32>
    %gt3A_10 = arith.cmpf ogt, %add3A, %gt3A_9 : vector<256x128xf32>
    %rsqrt3A = math.rsqrt %add3A : vector<256x128xf32>
    %jit3A = arith.constant 0.000000e+00 : f32
    %broadcast_in_dim3A = vector.broadcast %jit3A : f32 to vector<256x128xf32>
    %select_n3A = arith.select %gt3A_10, %rsqrt3A, %broadcast_in_dim3A : vector<256x128xi1>, vector<256x128xf32>
    %get3A_11 = arith.constant 0 : index
    %get3A_12 = arith.constant 0 : index
    %get3A_13 = vector.load %arg1[%get3A_11, %get3A_12] : memref<2048x128xf32, #tpu.memory_space<vmem>>, vector<2048x128xf32>
    %get3A_14 = arith.constant 0 : index
    %get3A_15 = arith.constant 0 : index
    %get3A_16 = vector.load %arg3[%get3A_14, %get3A_15] : memref<128x128xf32, #tpu.memory_space<vmem>>, vector<128x128xf32>
    %dot_general3A = arith.constant dense<0.000000e+00> : vector<2048x128xf32>
    %dot_general3A_17 = tpu.matmul %get3A_13, %get3A_16, %dot_general3A {dimension_numbers = #tpu.dot_dimension_numbers<[1], [0], [0], [1], [0, 0, 1, 1], [], []>, transpose_lhs_hint = false} : vector<2048x128xf32>, vector<128x128xf32>, vector<2048x128xf32> -> vector<2048x128xf32>
    %get3A_18 = arith.constant 0 : index
    %get3A_19 = arith.constant 0 : index
    %get3A_20 = vector.load %arg5[%get3A_18, %get3A_19] : memref<256x2048xf32, #tpu.memory_space<vmem>>, vector<256x2048xf32>
    %get3A_21 = arith.constant 0 : index
    %get3A_22 = arith.constant 0 : index
    %get3A_23 = vector.load %arg4[%get3A_21, %get3A_22] : memref<2048x128xf32, #tpu.memory_space<vmem>>, vector<2048x128xf32>
    %mul3A = arith.mulf %dot_general3A_17, %get3A_23 : vector<2048x128xf32>
    %dot_general3A_24 = arith.constant dense<0.000000e+00> : vector<256x128xf32>
    %dot_general3A_25 = tpu.matmul %get3A_20, %mul3A, %dot_general3A_24 {dimension_numbers = #tpu.dot_dimension_numbers<[1], [0], [0], [1], [0, 0, 1, 1], [], []>, transpose_lhs_hint = false} : vector<256x2048xf32>, vector<2048x128xf32>, vector<256x128xf32> -> vector<256x128xf32>
    %get3A_26 = arith.constant 0 : index
    %get3A_27 = arith.constant 0 : index
    %get3A_28 = vector.load %arg6[%get3A_26, %get3A_27] : memref<1x128xf32, #tpu.memory_space<vmem>>, vector<1x128xf32>
    %add3A_29 = vector.broadcast %get3A_28 : vector<1x128xf32> to vector<256x128xf32>
    %add3A_30 = arith.addf %dot_general3A_25, %add3A_29 : vector<256x128xf32>
    %mul3A_31 = arith.mulf %select_n3A, %add3A_30 : vector<256x128xf32>
    %swap3A = arith.constant 0 : index
    %swap3A_32 = arith.constant 0 : index
    %swap3A_33 = vector.load %arg7[%swap3A, %swap3A_32] : memref<256x128xf32, #tpu.memory_space<vmem>>, vector<256x128xf32>
    tpu.vector_store %arg7[%swap3A, %swap3A_32], %mul3A_31 {strides = array<i32>} : memref<256x128xf32, #tpu.memory_space<vmem>>, vector<256x128xf32>,
    %swap3A_34 = arith.constant 0 : index
    %swap3A_35 = arith.constant 0 : index
    %swap3A_36 = vector.load %arg8[%swap3A_34, %swap3A_35] : memref<256x128xf32, #tpu.memory_space<vmem>>, vector<256x128xf32>
    tpu.vector_store %arg8[%swap3A_34, %swap3A_35], %select_n3A {strides = array<i32>} : memref<256x128xf32, #tpu.memory_space<vmem>>, vector<256x128xf32>,
    return
  }
  func.func @transform_0(%arg0: i32) -> (i32, i32) {
    %c0_i32 = arith.constant 0 : i32
    %c0_i32_0 = arith.constant 0 : i32
    return %arg0, %c0_i32 : i32, i32
  }
  func.func @transform_1(%arg0: i32) -> (i32, i32, i32) {
    %c0_i32 = arith.constant 0 : i32
    %c0_i32_0 = arith.constant 0 : i32
    %c0_i32_1 = arith.constant 0 : i32
    return %c0_i32, %arg0, %c0_i32_0 : i32, i32, i32
  }
  func.func @transform_2(%arg0: i32) -> (i32, i32) {
    %c0_i32 = arith.constant 0 : i32
    %c0_i32_0 = arith.constant 0 : i32
    %c0_i32_1 = arith.constant 0 : i32
    return %c0_i32, %c0_i32_0 : i32, i32
  }
  func.func @transform_3(%arg0: i32) -> (i32, i32) {
    %c0_i32 = arith.constant 0 : i32
    %c0_i32_0 = arith.constant 0 : i32
    %c0_i32_1 = arith.constant 0 : i32
    return %c0_i32, %c0_i32_0 : i32, i32
  }
  func.func @transform_4(%arg0: i32) -> (i32, i32) {
    %c0_i32 = arith.constant 0 : i32
    %c0_i32_0 = arith.constant 0 : i32
    %c0_i32_1 = arith.constant 0 : i32
    return %c0_i32, %c0_i32_0 : i32, i32
  }
  func.func @transform_5(%arg0: i32) -> (i32, i32) {
    %c0_i32 = arith.constant 0 : i32
    %c0_i32_0 = arith.constant 0 : i32
    %c0_i32_1 = arith.constant 0 : i32
    return %c0_i32, %c0_i32_0 : i32, i32
  }
  func.func @transform_6(%arg0: i32) -> (i32, i32) {
    %c0_i32 = arith.constant 0 : i32
    %c0_i32_0 = arith.constant 0 : i32
    return %arg0, %c0_i32 : i32, i32
  }
  func.func @transform_7(%arg0: i32) -> (i32, i32) {
    %c0_i32 = arith.constant 0 : i32
    %c0_i32_0 = arith.constant 0 : i32
    return %arg0, %c0_i32 : i32, i32
  }
}

module attributes {stable_mosaic.version = 14 : i64} {
  func.func @body(%arg0: i32, %arg1: memref<2x256x128xf32, #tpu.memory_space<vmem>>, %arg2: memref<256x128xf32, #tpu.memory_space<vmem>>, %arg3: memref<256x128xf32, #tpu.memory_space<vmem>>) attributes {dimension_semantics = [#tpu.dimension_semantics<arbitrary>], iteration_bounds = array<i64: 5>, scalar_prefetch = 0 : i64, scratch_operands = 0 : i64, tpu.core_type = #tpu.core_type<tc>, window_params = [{transform_indices = @transform_0, window_bounds = array<i64: 2, 256, 128>}, {transform_indices = @transform_1, window_bounds = array<i64: 256, 128>}, {transform_indices = @transform_2, window_bounds = array<i64: 256, 128>}]} {
    %get3A = arith.constant 0 : index
    %get3A_0 = arith.constant 0 : index
    %get3A_1 = vector.load %arg2[%get3A, %get3A_0] : memref<256x128xf32, #tpu.memory_space<vmem>>, vector<256x128xf32>
    %get3A_2 = arith.constant 0 : index
    %get3A_3 = arith.constant 0 : index
    %get3A_4 = arith.constant 0 : index
    %get3A_5 = vector.load %arg1[%get3A_2, %get3A_3, %get3A_4] : memref<2x256x128xf32, #tpu.memory_space<vmem>>, vector<1x256x128xf32>
    %get3A_6 = vector.shape_cast %get3A_5 : vector<1x256x128xf32> to vector<256x128xf32>
    %get3A_7 = arith.constant 1 : index
    %get3A_8 = arith.constant 0 : index
    %get3A_9 = arith.constant 0 : index
    %get3A_10 = vector.load %arg1[%get3A_7, %get3A_8, %get3A_9] : memref<2x256x128xf32, #tpu.memory_space<vmem>>, vector<1x256x128xf32>
    %get3A_11 = vector.shape_cast %get3A_10 : vector<1x256x128xf32> to vector<256x128xf32>
    %add3A = arith.addf %get3A_6, %get3A_11 : vector<256x128xf32>
    %mul3A = arith.mulf %get3A_1, %add3A : vector<256x128xf32>
    %logistic3A = arith.negf %mul3A : vector<256x128xf32>
    %logistic3A_12 = math.exp %logistic3A : vector<256x128xf32>
    %logistic3A_13 = arith.constant 1.000000e+00 : f32
    %logistic3A_14 = vector.broadcast %logistic3A_13 : f32 to vector<256x128xf32>
    %logistic3A_15 = arith.addf %logistic3A_14, %logistic3A_12 : vector<256x128xf32>
    %logistic3A_16 = arith.divf %logistic3A_14, %logistic3A_15 : vector<256x128xf32>
    %swap3A = arith.constant 0 : index
    %swap3A_17 = arith.constant 0 : index
    %swap3A_18 = vector.load %arg3[%swap3A, %swap3A_17] : memref<256x128xf32, #tpu.memory_space<vmem>>, vector<256x128xf32>
    tpu.vector_store %arg3[%swap3A, %swap3A_17], %logistic3A_16 {strides = array<i32>} : memref<256x128xf32, #tpu.memory_space<vmem>>, vector<256x128xf32>,
    return
  }
  func.func @transform_0(%arg0: i32) -> (i32, i32, i32) {
    %c0_i32 = arith.constant 0 : i32
    %c0_i32_0 = arith.constant 0 : i32
    %c0_i32_1 = arith.constant 0 : i32
    return %c0_i32, %arg0, %c0_i32_0 : i32, i32, i32
  }
  func.func @transform_1(%arg0: i32) -> (i32, i32) {
    %c0_i32 = arith.constant 0 : i32
    %c0_i32_0 = arith.constant 0 : i32
    return %arg0, %c0_i32 : i32, i32
  }
  func.func @transform_2(%arg0: i32) -> (i32, i32) {
    %c0_i32 = arith.constant 0 : i32
    %c0_i32_0 = arith.constant 0 : i32
    return %arg0, %c0_i32 : i32, i32
  }
}

module attributes {stable_mosaic.version = 14 : i64} {
  func.func @body(%arg0: i32, %arg1: memref<2x256x128xf32, #tpu.memory_space<vmem>>, %arg2: memref<256x128xf32, #tpu.memory_space<vmem>>, %arg3: memref<128x128xf32, #tpu.memory_space<vmem>>, %arg4: memref<1x128xf32, #tpu.memory_space<vmem>>, %arg5: memref<256x128xf32, #tpu.memory_space<vmem>>) attributes {dimension_semantics = [#tpu.dimension_semantics<arbitrary>], iteration_bounds = array<i64: 5>, scalar_prefetch = 0 : i64, scratch_operands = 0 : i64, tpu.core_type = #tpu.core_type<tc>, window_params = [{transform_indices = @transform_0, window_bounds = array<i64: 2, 256, 128>}, {transform_indices = @transform_1, window_bounds = array<i64: 256, 128>}, {pipeline_mode = #tpu.pipeline_mode<synchronous>, transform_indices = @transform_2, window_bounds = array<i64: 128, 128>}, {pipeline_mode = #tpu.pipeline_mode<synchronous>, transform_indices = @transform_3, window_bounds = array<i64: 1, 128>}, {transform_indices = @transform_4, window_bounds = array<i64: 256, 128>}]} {
    %get3A = arith.constant 0 : index
    %get3A_0 = arith.constant 0 : index
    %get3A_1 = vector.load %arg2[%get3A, %get3A_0] : memref<256x128xf32, #tpu.memory_space<vmem>>, vector<256x128xf32>
    %get3A_2 = arith.constant 0 : index
    %get3A_3 = arith.constant 0 : index
    %get3A_4 = arith.constant 0 : index
    %get3A_5 = vector.load %arg1[%get3A_2, %get3A_3, %get3A_4] : memref<2x256x128xf32, #tpu.memory_space<vmem>>, vector<1x256x128xf32>
    %get3A_6 = vector.shape_cast %get3A_5 : vector<1x256x128xf32> to vector<256x128xf32>
    %get3A_7 = arith.constant 1 : index
    %get3A_8 = arith.constant 0 : index
    %get3A_9 = arith.constant 0 : index
    %get3A_10 = vector.load %arg1[%get3A_7, %get3A_8, %get3A_9] : memref<2x256x128xf32, #tpu.memory_space<vmem>>, vector<1x256x128xf32>
    %get3A_11 = vector.shape_cast %get3A_10 : vector<1x256x128xf32> to vector<256x128xf32>
    %add3A = arith.addf %get3A_6, %get3A_11 : vector<256x128xf32>
    %mul3A = arith.mulf %get3A_1, %add3A : vector<256x128xf32>
    %logistic3A = arith.negf %mul3A : vector<256x128xf32>
    %logistic3A_12 = math.exp %logistic3A : vector<256x128xf32>
    %logistic3A_13 = arith.constant 1.000000e+00 : f32
    %logistic3A_14 = vector.broadcast %logistic3A_13 : f32 to vector<256x128xf32>
    %logistic3A_15 = arith.addf %logistic3A_14, %logistic3A_12 : vector<256x128xf32>
    %logistic3A_16 = arith.divf %logistic3A_14, %logistic3A_15 : vector<256x128xf32>
    %get3A_17 = arith.constant 0 : index
    %get3A_18 = arith.constant 0 : index
    %get3A_19 = vector.load %arg3[%get3A_17, %get3A_18] : memref<128x128xf32, #tpu.memory_space<vmem>>, vector<128x128xf32>
    %dot_general3A = arith.constant dense<0.000000e+00> : vector<256x128xf32>
    %dot_general3A_20 = tpu.matmul %logistic3A_16, %get3A_19, %dot_general3A {dimension_numbers = #tpu.dot_dimension_numbers<[1], [0], [0], [1], [0, 0, 1, 1], [], []>, transpose_lhs_hint = false} : vector<256x128xf32>, vector<128x128xf32>, vector<256x128xf32> -> vector<256x128xf32>
    %get3A_21 = arith.constant 0 : index
    %get3A_22 = arith.constant 0 : index
    %get3A_23 = vector.load %arg2[%get3A_21, %get3A_22] : memref<256x128xf32, #tpu.memory_space<vmem>>, vector<256x128xf32>
    %get3A_24 = arith.constant 0 : index
    %get3A_25 = arith.constant 0 : index
    %get3A_26 = vector.load %arg4[%get3A_24, %get3A_25] : memref<1x128xf32, #tpu.memory_space<vmem>>, vector<1x128xf32>
    %add3A_27 = vector.broadcast %get3A_26 : vector<1x128xf32> to vector<256x128xf32>
    %add3A_28 = arith.addf %dot_general3A_20, %add3A_27 : vector<256x128xf32>
    %mul3A_29 = arith.mulf %get3A_23, %add3A_28 : vector<256x128xf32>
    %swap3A = arith.constant 0 : index
    %swap3A_30 = arith.constant 0 : index
    %swap3A_31 = vector.load %arg5[%swap3A, %swap3A_30] : memref<256x128xf32, #tpu.memory_space<vmem>>, vector<256x128xf32>
    tpu.vector_store %arg5[%swap3A, %swap3A_30], %mul3A_29 {strides = array<i32>} : memref<256x128xf32, #tpu.memory_space<vmem>>, vector<256x128xf32>,
    return
  }
  func.func @transform_0(%arg0: i32) -> (i32, i32, i32) {
    %c0_i32 = arith.constant 0 : i32
    %c0_i32_0 = arith.constant 0 : i32
    %c0_i32_1 = arith.constant 0 : i32
    return %c0_i32, %arg0, %c0_i32_0 : i32, i32, i32
  }
  func.func @transform_1(%arg0: i32) -> (i32, i32) {
    %c0_i32 = arith.constant 0 : i32
    %c0_i32_0 = arith.constant 0 : i32
    return %arg0, %c0_i32 : i32, i32
  }
  func.func @transform_2(%arg0: i32) -> (i32, i32) {
    %c0_i32 = arith.constant 0 : i32
    %c0_i32_0 = arith.constant 0 : i32
    %c0_i32_1 = arith.constant 0 : i32
    return %c0_i32, %c0_i32_0 : i32, i32
  }
  func.func @transform_3(%arg0: i32) -> (i32, i32) {
    %c0_i32 = arith.constant 0 : i32
    %c0_i32_0 = arith.constant 0 : i32
    %c0_i32_1 = arith.constant 0 : i32
    return %c0_i32, %c0_i32_0 : i32, i32
  }
  func.func @transform_4(%arg0: i32) -> (i32, i32) {
    %c0_i32 = arith.constant 0 : i32
    %c0_i32_0 = arith.constant 0 : i32
    return %arg0, %c0_i32 : i32, i32
  }
}

</mosaic_0001>

<sc_bundles>
// kernel: kernel.11.cloned.1.call-start
scs
__scs_entry_jumppad:
0x0: {  	(pc) =	sbr.rel $0x88, $3  }
0x1: {  	(tag) =	ssettag $0x0;
	lr =	simm.s32 $0x1  }
0x2: {  	[smem:$0x3F9B] =	sst lr;
	_ =	strace $0xD0000000  }
0x3: {  	_ = 	snop  }
0x4: {  	_ = 	snop  }
0x5: {  	_ = 	snop  }
0x6: {  	_ = 	snop  }
0x7: {  	_ = 	snop  }
__scs_overlays_trampoline_lowered:
0x8: {  	[smem:$0x3FAA] =	sst s0  }
0x9: {  	[smem:$0x3FAB] =	sst s1  }
0xa: {  	[smem:$0x3FAC] =	sst s2  }
0xb: {  	[smem:$0x3FAD] =	sst s3  }
0xc: {  	[smem:$0x3FAE] =	sst s4  }
0xd: {  	[smem:$0x3FAF] =	sst s5  }
0xe: {  	[smem:$0x3FB0] =	sst s6  }
0xf: {  	[smem:$0x3FB1] =	sst s7  }
0x10: {  	[smem:$0x3FB2] =	sst s8  }
0x11: {  	[smem:$0x3FB3] =	sst s9;
	s0 =	simm.s32 @!p0 $0x0  }
0x12: {  	s1 =	sld [smem:$0x3F99];
	s0 =	simm.s32 @p0 $0x1  }
0x13: {  	[smem:$0x3FB4] =	sst s0;
	s0 =	simm.s32 @!p1 $0x0  }
0x14: {  	s2 =	sld [smem:$0x3F98];
	s0 =	simm.s32 @p1 $0x1  }
0x15: {  	[smem:$0x3FB5] =	sst s0;
	s0 =	simm.s32 @!p2 $0x0  }
0x16: {  	s3 =	sld [smem:$0x3FDB];
	s0 =	simm.s32 @p2 $0x1  }
0x17: {  	s4 =	simm.s32 $0x1BF5;
	[smem:$0x3FB7] =	sst s0  }
0x18: {  	s0 =	sld [smem:$0x3F9A];
	_ =	swait.ge [sflag:s4], $0x0  }
0x19: {  	s7 =	sld [smem:$0x3F9B]  }
0x1a: {  	s8 =	sadd.s32 $0xFFFFE003, lr  }
0x1b: {  	s9 =	sadd.s32 $0xFFFFFEF7, lr;
	s5 =	simm.s32 $0xFFFFFFFF;
	p2 =	slt.u32 s8, $0xFFFFF086  }
0x1c: {  	p1 =	slt.u32 s9, $0xF7A;
	s5 =	simm.s32 @!p2 $0x0  }
0x1d: {  	s5 =	simm.s32 @p1 $0x1;
	p0 =	seq.s32 s7, s2  }
0x1e: {  	s7 =	smul.u32 @!p0 $0xF7A, s2;
	p2 =	seq.s32 @!p0 s5, $0x0  }
0x1f: {  	s9 =	smul.u32 $0xF7A, s1;
	s8 =	simm.s32 @!p0 $0x1BF5;
	p2 =	por !p2, p0  }
0x20: {  	[sflag:s8] =	ssyncset.s32 @!p0 $0xFFFFF086;
	s6 =	sadd.s32 @!p0 s3, s7;
	s7 =	simm.s32 @!p0 $0x108  }
0x21: {  	s3 =	sadd.s32 s3, s9;
	s6 =	sadd.s32 @!p0 $0x88, s6;
	s7 =	simm.s32 @p2 $0x1082  }
0x22: {  	[simem:s7], [sflag:s8] =	dma.local @!p0 [hbm:s6], $0xF7A  }
0x23: {  	s9 =	sor.u32 $0xD0000000, s2;
	s6 =	simm.s32 $0x108;
	_ =	swait.ge @!p0 [sflag:s8], $0x0  }
0x24: {  	s3 =	sadd.s32 $0x88, s3;
	s6 =	simm.s32 @!p1 $0x1082;
	[sflag:s4] =	ssyncset.s32 $0xFFFFF086  }
0x25: {  	[simem:s6], [sflag:s4] =	dma.local [hbm:s3], $0xF7A  }
0x26: {  	[smem:$0x3F9B] =	sst s1;
	(tag) =	ssettag s2;
	_ =	strace s9  }
0x27: {  	s1 =	sld [smem:$0x3FAB]  }
0x28: {  	s2 =	sld [smem:$0x3FAC]  }
0x29: {  	s4 =	sld [smem:$0x3FAE]  }
0x2a: {  	p0 =	seq.s32 s5, $0x0;
	s5 =	sld [smem:$0x3FAF]  }
0x2b: {  	s6 =	sld [smem:$0x3FB0]  }
0x2c: {  	s7 =	sld [smem:$0x3FB1]  }
0x2d: {  	s3 =	simm.s32 $0x108;
	s8 =	sld [smem:$0x3FB2]  }
0x2e: {  	s3 =	simm.s32 @!p0 $0x1082;
	s9 =	sld [smem:$0x3FB3]  }
0x2f: {  	lr =	sadd.s32 s0, s3;
	s0 =	sld [smem:$0x3FAA]  }
0x30: {  	s3 =	sld [smem:$0x3FAD]  }
0x31: {  	[smem:$0x3FB6] =	sst s10  }
0x32: {  	s10 =	sld [smem:$0x3FB4];
	_ =	sdelay $0x3  }
0x33: {  	p0 =	seq.s32 s10, $0x1;
	s10 =	sld [smem:$0x3FB6];
	_ =	sdelay $0x3  }
0x34: {  	[smem:$0x3FB6] =	sst s10  }
0x35: {  	s10 =	sld [smem:$0x3FB5];
	_ =	sdelay $0x3  }
0x36: {  	p1 =	seq.s32 s10, $0x1;
	s10 =	sld [smem:$0x3FB6];
	_ =	sdelay $0x3  }
0x37: {  	[smem:$0x3FB6] =	sst s10  }
0x38: {  	s10 =	sld [smem:$0x3FB7]  }
0x39: {  	_ = 	snop;
	(pc) =	sbr.ind lr, $3  }
0x3a: {  	_ = 	snop  }
0x3b: {  	_ = 	snop  }
0x3c: {  	p2 =	seq.s32 s10, $0x1;
	s10 =	sld [smem:$0x3FB6]  }
0x3d: {  	_ =	shalt  }
0x3e: {  	_ =	shalt  }
0x3f: {  	_ =	shalt  }
0x40: {  	_ =	shalt  }
0x41: {  	_ =	shalt  }
0x42: {  	_ =	shalt  }
0x43: {  	_ =	shalt  }
0x44: {  	_ =	shalt  }
0x45: {  	_ =	shalt  }
0x46: {  	_ =	shalt  }
0x47: {  	_ =	shalt  }
0x48: {  	_ =	shalt  }
0x49: {  	_ =	shalt  }
0x4a: {  	_ =	shalt  }
0x4b: {  	_ =	shalt  }
0x4c: {  	_ =	shalt  }
0x4d: {  	_ =	shalt  }
0x4e: {  	_ =	shalt  }
0x4f: {  	_ =	shalt  }
0x50: {  	_ =	shalt  }
0x51: {  	_ =	shalt  }
0x52: {  	_ =	shalt  }
0x53: {  	_ =	shalt  }
0x54: {  	_ =	shalt  }
0x55: {  	_ =	shalt  }
0x56: {  	_ =	shalt  }
0x57: {  	_ =	shalt  }
0x58: {  	_ =	shalt  }
0x59: {  	_ =	shalt  }
0x5a: {  	_ =	shalt  }
0x5b: {  	_ =	shalt  }
0x5c: {  	_ =	shalt  }
0x5d: {  	_ =	shalt  }
0x5e: {  	_ =	shalt  }
0x5f: {  	_ =	shalt  }
0x60: {  	_ =	shalt  }
0x61: {  	_ =	shalt  }
0x62: {  	_ =	shalt  }
0x63: {  	_ =	shalt  }
0x64: {  	_ =	shalt  }
0x65: {  	_ =	shalt  }
0x66: {  	_ =	shalt  }
0x67: {  	_ =	shalt  }
0x68: {  	_ =	shalt  }
0x69: {  	_ =	shalt  }
0x6a: {  	_ =	shalt  }
0x6b: {  	_ =	shalt  }
0x6c: {  	_ =	shalt  }
0x6d: {  	_ =	shalt  }
0x6e: {  	_ =	shalt  }
0x6f: {  	_ =	shalt  }
0x70: {  	_ =	shalt  }
0x71: {  	_ =	shalt  }
0x72: {  	_ =	shalt  }
0x73: {  	_ =	shalt  }
0x74: {  	_ =	shalt  }
0x75: {  	_ =	shalt  }
0x76: {  	_ =	shalt  }
0x77: {  	_ =	shalt  }
0x78: {  	_ =	shalt  }
0x79: {  	_ =	shalt  }
0x7a: {  	_ =	shalt  }
0x7b: {  	_ =	shalt  }
0x7c: {  	_ =	shalt  }
0x7d: {  	_ =	shalt  }
0x7e: {  	_ =	shalt  }
0x7f: {  	_ =	shalt  }
0x80: {  	_ =	shalt  }
0x81: {  	_ =	shalt  }
0x82: {  	_ =	shalt  }
0x83: {  	_ =	shalt  }
0x84: {  	_ =	shalt  }
0x85: {  	_ =	shalt  }
0x86: {  	_ =	shalt  }
0x87: {  	_ =	shalt  }
.Lfunc_end0:
.L_simem_size_0:
called_computation.1_lowered:
.L_overlay_start_0:
0x88: {  	s2 =	sld [smem:$0x3FD9]  }
0x89: {  	s3 =	sld [smem:$0x3FFE];
	_ =	sdelay $0x1  }
0x8a: {  	s1 =	srdreg.scid  }
0x8b: {  	s0 =	sand.u32 $0x1, s1  }
0x8c: {  	s17 =	sshll.u32 s0, $0xA;
	s2 =	sadd.s32 s3, s2  }
0x8d: {  	s2 =	sadd.s32 s2, s17  }
0x8e: {  	[smem:$0x3FC2] =	sst s2  }
0x8f: {  	_ = 	snop  }
0x90: {  	s2 =	sld [smem:$0x3FD0];
	(tm) =	ssettm $0x1  }
0x91: {  	s18 =	sld [smem:$0x3FFB];
	_ =	sdelay $0x3  }
0x92: {  	_ =	strace s18  }
0x93: {  	s3 =	sld [smem:$0x3FFC];
	_ =	sdelay $0x3  }
0x94: {  	_ =	strace s3  }
0x95: {  	s3 =	sld [smem:$0x3FFD];
	_ =	sdelay $0x3  }
0x96: {  	_ =	strace s3  }
0x97: {  	_ =	strace $0x8FFFFFFF  }
0x98: {  	s19 =	sld [smem:$0x3FDB];
	_ =	sdelay $0x1  }
0x99: {  	s4 =	simm.s32 $_scs_section_size  }
0x9a: {  	s5 =	simm.s32 $_size__tile_overlayer_lowered;
	s6 =	simm.s32 $_tile_overlayer_lowered  }
0x9b: {  	s22 =	simm.s32 $0x1BFF;
	s21 =	sshll.u32 s6, $0x1;
	s3 =	sadd.s32 s4, s19  }
0x9c: {  	s7 =	simm.s32 $0x0;
	s20 =	sshll.u32 s5, $0x1;
	s5 =	sadd.s32 s21, s3  }
0x9d: {  	[timem:s7], [sflag:s22] =	dma.local [hbm:s5], s20  }
0x9e: {  	_ =	swait.ge [sflag:s22], s20  }
0x9f: {  	s4 =	ssub.s32 $0x0, s20;
	[sflag:s22] =	ssyncset.done $0x0  }
0xa0: {  	[sflag:s22] =	ssyncadd.s32 s4;
	_ =	sdelay $0x1  }
0xa1: {  	s23 =	simm.s32 $0x1B8B  }
0xa2: {  	_ =	swait.ge [sflag:s23], $0x1  }
0xa3: {  	[sflag:s23] =	ssyncset.done $0x0  }
0xa4: {  	s25 =	simm.s32 $0x1B8E;
	s24 =	sld [smem:$0x3FFE];
	[sflag:s23] =	ssyncadd.s32 $0xFFFFFFFF  }
0xa5: {  	s26 =	simm.s32 $execute0_lowered;
	[smem:$0x3FD2] =	sst s25  }
0xa6: {  	s5 =	sshll.u32 s26, $0x1;
	_ =	strace $0x80000049;
	[dreg:$0x1] =	wrdreg $0xFFFFFFFF  }
0xa7: {  	s28 =	simm.s32 $_size_execute0_lowered;
	s3 =	sadd.s32 s3, s5;
	[dreg:$0x0] =	wrdreg $0x0  }
0xa8: {  	s5 =	sshll.u32 s28, $0x1;
	[dreg:$0x2] =	wrdreg s3  }
0xa9: {  	[dreg:$0x3] =	wrdreg s5  }
0xaa: {  	[dreg:$0x4] =	wrdreg $0xC0  }
0xab: {  	_ =	task [dreg:s7], $0x5FFFF  }
0xac: {  	[dreg:$0x1] =	wrdreg $0xFFFFFFFF  }
0xad: {  	[dreg:$0x0] =	wrdreg $0x60  }
0xae: {  	[dreg:$0x2] =	wrdreg s24  }
0xaf: {  	[dreg:$0x3] =	wrdreg s2  }
0xb0: {  	[dreg:$0x4] =	wrdreg $0x120000  }
0xb1: {  	[dreg:$0x5] =	wrdreg $0xF8000  }
0xb2: {  	[dreg:$0x6] =	wrdreg $0x9  }
0xb3: {  	_ =	task.clear_ibuf [dreg:s7], $0x7FFFF;
	_ =	strace $0x90000049  }
0xb4: {  	s29 =	simm.s32 $0x9;
	_ =	strace $0x8000004B  }
0xb5: {  	_ =	swait.ge [sflag:s29], $0x1  }
0xb6: {  	[sflag:s29] =	ssyncadd.s32 $0xFFFFFFFF  }
0xb7: {  	_ =	strace $0x9000004B  }
0xb8: {  	_ =	sfence  }
0xb9: {  	s30 =	sld [smem:$0x0];
	_ =	sdelay $0x2  }
0xba: {  	s31 =	sshll.u32 s1, $0xD;
	s1 =	sshrl.u32 s1, $0x2  }
0xbb: {  	s3 =	sand.u32 $0x4000, s31;
	s1 =	sadd.s32 s1, s30  }
0xbc: {  	s0 =	sor.u32 s3, s0;
	s1 =	sshll.u32 s1, $0x11  }
0xbd: {  	s0 =	sor.u32 s1, s0  }
0xbe: {  	s0 =	sadd.s32 $0x8F2B, s0  }
0xbf: {  	[sflag:s0] =	ssyncadd.remote.s32 $0x1  }
0xc0: {  	_ =	sfence.sel $0xFFFF  }
0xc1: {  	[dreg:$0x0] =	wrdreg $0xFFFFFFFF;
	(pc) =	sbr.abs _section_cstart, $3  }
0xc2: {  	[dreg:$0x1] =	wrdreg $0xFFFFFFFF  }
0xc3: {  	_ =	task.clear_ibuf [dreg:s7], $0x2FFFF;
	_ =	strace $0x9FFFFFFF  }
0xc4: {  	(tm) =	ssettm $0x7FFFFFFF  }
0xc5: {  	_ =	shalt  }
tec
execute0_lowered:
.L_overlay_start_1:
0x0: {  	(tag) =	ssettag $0x1  }
0x1: {  	s0 =	rddreg [dreg:$0x0]  }
0x2: {  	s3 =	rddreg [dreg:$0x2]  }
0x3: {  	s4 =	rddreg [dreg:$0x3];
	s12 =	stileid.u32  }
0x4: {  	s1 =	srdreg.scid;
	s5 =	simm.s32 $0x0;
	s16 =	simm.s32 $0xD000  }
0x5: {  	s29 =	simm.s32 $0xA000;
	s31 =	simm.s32 $0x6800;
	s30 =	simm.s32 $0x7800  }
0x6: {  	s28 =	simm.s32 $0x8000;
	s2 =	smul.u32 $0x2800, s12;
	s1 =	sand.u32 $0x1, s1  }
0x7: {  	[smem:$0x7FF] =	sst s5;
	s18 =	smul.u32 $0x500, s12;
	s10 =	sadd.s32 $0x2E00, s0  }
0x8: {  	s22 =	sadd.s32 $0xC900, s0;
	s25 =	sshll.u32 s12, $0x6;
	s6 =	sshll.u32 s1, $0x4  }
0x9: {  	s8 =	smul.u32 $0x5000, s1;
	_ =	strace $0x8000004A;
	s1 =	ssub.s32 $0x2, s1  }
0xa: {  	[dreg:$0x7] =	wrdreg s22;
	s26 =	sor.u32 $0x1C05, s25;
	s22 =	simm.s32 $0x5800  }
0xb: {  	s25 =	simm.s32 $0xB000;
	s7 =	sshrl.u32 s2, $0x3;
	s6 =	sor.u32 s12, s6  }
0xc: {  	s19 =	sshrl.u32 s1, $0x1;
	s23 =	sadd.s32 s2, s3;
	s17 =	sadd.s32 s2, s4  }
0xd: {  	[dreg:$0xd] =	wrdreg s26;
	s26 =	simm.s32 $0x6000;
	s2 =	simm.s32 $0xC800  }
0xe: {  	s7 =	sadd.s32 s7, s0;
	s9 =	smul.u32 $0x2800, s6;
	s5 =	sadd.s32 s18, s8  }
0xf: {  	s11 =	smul.u32 $0x500, s6;
	s1 =	ssub.s32 s1, s19;
	p0 =	seq.s32 s6, $0x1F  }
0x10: {  	s18 =	simm.s32 $0x80;
	s19 =	simm.s32 $0x5000;
	s6 =	simm.s32 $0x1  }
0x11: {  	[dreg:$0xa] =	wrdreg s17;
	s5 =	sadd.s32 s5, s0;
	s0 =	sadd.s32 $0x16540, s0  }
0x12: {  	s7 =	sadd.s32 $0x16800, s7;
	s1 =	smax.u32 s1, $0x1;
	[dreg:$0x8] =	wrdreg s0  }
0x13: {  	s9 =	sshrl.u32 s9, $0x3;
	s21 =	sadd.s32 s10, s11;
	[dreg:$0x9] =	wrdreg s7  }
0x14: {  	s24 =	sadd.s32 $0x1B800, s5;
	[dreg:$0xc] =	wrdreg s1;
	s0 =	sshrl.u32 s23, $0x3  }
0x15: {  	s1 =	simm.s32 $0xA800;
	s5 =	simm.s32 $0xB800;
	[dreg:$0x5] =	wrdreg s21  }
.Ltmp0:
0x16: {  	s23 =	simm.s32 $0xC000;
	[dreg:$0xb] =	wrdreg s24;
	(pc) =	sbr.rel .LBB2_1-.Ltmp0, $4  }
0x17: {  	s7 =	simm.s32 $0x3;
	s20 =	sadd.s32 s10, s9;
	[dreg:$0xe] =	wrdreg s0  }
0x18: {  	s21 =	simm.s32 $0x9000;
	s24 =	simm.s32 $0x9800;
	s0 =	simm.s32 $0x8800  }
0x19: {  	s9 =	simm.s32 $0x4;
	s10 =	simm.s32 $0x0;
	s8 =	sadd.s32 $0x9C40, s20  }
0x1a: {  	v0 =	vimm.f32 $0.0e+00;
	s20 =	simm.s32 $0x7000;
	[dreg:$0x6] =	wrdreg s8;
	s8 =	simm.s32 $0x2  }
.LBB2_6:
0x1b: {  	[bflag:$0x0] =	sbarrier.arrive $0xFFFF  }
0x1c: {  	s13 =	simm.s32 $0xD000;
	s14 =	simm.s32 $0x5;
	s17 =	rddreg [dreg:$0xa]  }
0x1d: {  	[tilespmem:s13], [sflag:$0x5] =	stream.linear.gather [spmem:s17], $0x2800, $0x38;
	[tilespmem:$0x14800] =	vst v63  }
0x1e: {  	_ =	swait.ge [sflag:s14], $0x2800  }
0x1f: {  	[sflag:s14] =	ssyncset.done $0x0  }
0x20: {  	s11 =	simm.s32 $0x0;
	s12 =	rddreg [dreg:$0xb];
	[sflag:s14] =	ssyncadd.s32 $0xFFFFD800  }
0x21: {  	[hbm4b:s12+s11] =	stream.linear.scatter [tilespmem:s13], [sflag:$0x5], $0x2800, $0x38;
	[tilespmem:$0x14800] =	vst v63  }
0x22: {  	_ =	swait.ge [sflag:s14], $0x2800  }
0x23: {  	s10 =	sadd.s32 $0x1, s10;
	s15 =	rddreg [dreg:$0xc]  }
0x24: {  	p1 =	sne.s32 s10, s15  }
.Ltmp1:
0x25: {  	_ = 	snop;
	(pc) =	sbr.rel @!p1 .LBB2_7-.Ltmp1, $3  }
0x26: {  	_ =	sdelay $0x1  }
0x27: {  	[sflag:s14] =	ssyncset.done $0x0  }
0x28: {  	s16 =	simm.s32 $0xD000;
	[sflag:s14] =	ssyncadd.s32 $0xFFFFD800  }
.LBB2_1:
0x29: {  	s12 =	simm.s32 @p0 $0x0;
	s11 =	rddreg [dreg:$0x7];
	s13 =	simm.s32 @p0 $0x5  }
0x2a: {  	[tilespmem:s12], [sflag:$0x5] =	stream.linear.gather @p0 [hbm4b:s11+s12], $0xA00, $0x38;
	[tilespmem:$0x14800] =	vst v63  }
0x2b: {  	_ =	swait.ge @p0 [sflag:s13], $0xA00  }
0x2c: {  	[sflag:s13] =	ssyncset.done @p0 $0x0  }
0x2d: {  	[sflag:s13] =	ssyncadd.s32 @p0 $0xFFFFF600  }
0x2e: {  	s14 =	simm.s32 @p0 $0xA00;
	s11 =	rddreg [dreg:$0x1]  }
0x2f: {  	[tilespmem:s14], [sflag:$0x5] =	stream.linear.gather @p0 [hbm4b:s11+s12], $0x1E00, $0x38;
	[tilespmem:$0x14800] =	vst v63  }
0x30: {  	_ =	swait.ge @p0 [sflag:s13], $0x1E00  }
0x31: {  	[sflag:s13] =	ssyncset.done @p0 $0x0  }
0x32: {  	s14 =	simm.s32 @p0 $0x2800;
	s15 =	rddreg [dreg:$0x8];
	[sflag:s13] =	ssyncadd.s32 @p0 $0xFFFFE200  }
0x33: {  	[tilespmem:s14], [sflag:$0x5] =	stream.linear.gather @p0 [hbm4b:s15+s12], $0xA00, $0x38;
	[tilespmem:$0x14800] =	vst v63  }
0x34: {  	_ =	swait.ge @p0 [sflag:s13], $0xA00  }
0x35: {  	[sflag:s13] =	ssyncset.done @p0 $0x0  }
0x36: {  	s14 =	simm.s32 @p0 $0x3200;
	[sflag:s13] =	ssyncadd.s32 @p0 $0xFFFFF600  }
0x37: {  	[tilespmem:s14], [sflag:$0x5] =	stream.linear.gather @p0 [hbm4b:s11+s12], $0x1E00, $0x38;
	[tilespmem:$0x14800] =	vst v63  }
0x38: {  	_ =	swait.ge @p0 [sflag:s13], $0x1E00  }
0x39: {  	s12 =	simm.s32 @!p0 $0x0;
	[sflag:s13] =	ssyncset.done @p0 $0x0  }
0x3a: {  	s11 =	rddreg [dreg:$0x5];
	[sflag:s13] =	ssyncadd.s32 @p0 $0xFFFFE200;
	s13 =	simm.s32 @!p0 $0x5  }
0x3b: {  	[tilespmem:s12], [sflag:$0x5] =	stream.linear.gather @!p0 [hbm4b:s11+s12], $0x2800, $0x38;
	[tilespmem:$0x14800] =	vst v63  }
0x3c: {  	_ =	swait.ge @!p0 [sflag:s13], $0x2800  }
0x3d: {  	[sflag:s13] =	ssyncset.done @!p0 $0x0  }
0x3e: {  	s14 =	simm.s32 @!p0 $0x2800;
	s11 =	rddreg [dreg:$0x6];
	[sflag:s13] =	ssyncadd.s32 @!p0 $0xFFFFD800  }
0x3f: {  	[tilespmem:s14], [sflag:$0x5] =	stream.linear.gather @!p0 [hbm4b:s11+s12], $0x2800, $0x38;
	[tilespmem:$0x14800] =	vst v63  }
0x40: {  	_ =	swait.ge @!p0 [sflag:s13], $0x2800  }
0x41: {  	s12 =	rddreg [dreg:$0x9]  }
0x42: {  	[sflag:s13] =	ssyncset.done @!p0 $0x0;
	s15 =	rddreg [dreg:$0xe]  }
0x43: {  	s14 =	simm.s32 $0x5;
	[sflag:s13] =	ssyncadd.s32 @!p0 $0xFFFFD800;
	s13 =	rddreg [dreg:$0xd]  }
0x44: {  	[spmem:s15], [sflag:s13] =	dma.local [hbm:s12], $0x500  }
0x45: {  	_ =	swait.ge [sflag:s14], $0x500  }
0x46: {  	[sflag:s14] =	ssyncset.done $0x0  }
0x47: {  	s12 =	simm.s32 $0x40;
	s13 =	simm.s32 $0x0;
	[sflag:s14] =	ssyncadd.s32 $0xFFFFFB00  }
.LBB2_2:
0x48: {  	p1 =	sne.s32 s12, $0x9FC0;
	[tilespmem:s13+$0xD000] =	vst v0;
	s13 =	smov.u32 s12;
	s12 =	sadd.s32 $0x40, s12  }
.Ltmp2:
0x49: {  	(pc) =	sbr.rel @p1 .LBB2_2-.Ltmp2, $2  }
0x4a: {  	_ =	sdelay $0x2  }
0x4b: {  	s13 =	sshra.s32 s13, $0x2  }
0x4c: {  	[tilespmem:s13+$0xD000] =	vst v0  }
0x4d: {  	[spmem:s17] =	stream.linear.scatter [tilespmem:s16], [sflag:$0x5], $0x2800, $0x38;
	[tilespmem:$0x14800] =	vst v63  }
0x4e: {  	_ =	swait.ge [sflag:s14], $0x2800  }
0x4f: {  	[sflag:s14] =	ssyncset.done $0x0  }
0x50: {  	[sflag:s14] =	ssyncadd.s32 $0xFFFFD800  }
0x51: {  	s12 =	simm.s32 $0x0;
	[bflag:$0x0] =	sbarrier.arrive $0xFFFF  }
0x52: {  	[tilespmem:s19], [sflag:$0x1] =	stream.indirect.gather [spmem:s3], $0x10, s12, s18, $0xb8;
	[tilespmem:$0x14800] =	vst v63  }
0x53: {  	s11 =	simm.s32 $0x400  }
0x54: {  	[tilespmem:s21], [sflag:$0x2] =	stream.indirect.gather [spmem:s3], $0x10, s11, s18, $0xb8;
	[tilespmem:$0x14800] =	vst v63  }
0x55: {  	_ = 	snop  }
0x56: {  	[tilespmem:s22], [sflag:$0x1] =	stream.indirect.gather [spmem:s3], $0x10, s18, s18, $0xb8;
	[tilespmem:$0x14800] =	vst v63  }
0x57: {  	s15 =	simm.s32 $0x480  }
0x58: {  	[tilespmem:s24], [sflag:$0x2] =	stream.indirect.gather [spmem:s3], $0x10, s15, s18, $0xb8;
	[tilespmem:$0x14800] =	vst v63  }
0x59: {  	s16 =	simm.s32 $0x100  }
0x5a: {  	[tilespmem:s26], [sflag:$0x1] =	stream.indirect.gather [spmem:s3], $0x10, s16, s18, $0xb8;
	[tilespmem:$0x14800] =	vst v63  }
0x5b: {  	s17 =	simm.s32 $0x500  }
0x5c: {  	[tilespmem:s29], [sflag:$0x2] =	stream.indirect.gather [spmem:s3], $0x10, s17, s18, $0xb8;
	[tilespmem:$0x14800] =	vst v63  }
0x5d: {  	s13 =	simm.s32 $0x180  }
0x5e: {  	[tilespmem:s31], [sflag:$0x1] =	stream.indirect.gather [spmem:s3], $0x10, s13, s18, $0xb8;
	[tilespmem:$0x14800] =	vst v63  }
0x5f: {  	s14 =	simm.s32 $0x580  }
0x60: {  	[tilespmem:s1], [sflag:$0x2] =	stream.indirect.gather [spmem:s3], $0x10, s14, s18, $0xb8;
	[tilespmem:$0x14800] =	vst v63  }
0x61: {  	s15 =	simm.s32 $0x200  }
0x62: {  	[tilespmem:s20], [sflag:$0x1] =	stream.indirect.gather [spmem:s3], $0x10, s15, s18, $0xb8;
	[tilespmem:$0x14800] =	vst v63  }
0x63: {  	s16 =	simm.s32 $0x600  }
0x64: {  	[tilespmem:s25], [sflag:$0x2] =	stream.indirect.gather [spmem:s3], $0x10, s16, s18, $0xb8;
	[tilespmem:$0x14800] =	vst v63  }
0x65: {  	s17 =	simm.s32 $0x280  }
0x66: {  	[tilespmem:s30], [sflag:$0x1] =	stream.indirect.gather [spmem:s3], $0x10, s17, s18, $0xb8;
	[tilespmem:$0x14800] =	vst v63  }
0x67: {  	s13 =	simm.s32 $0x680  }
0x68: {  	[tilespmem:s5], [sflag:$0x2] =	stream.indirect.gather [spmem:s3], $0x10, s13, s18, $0xb8;
	[tilespmem:$0x14800] =	vst v63  }
0x69: {  	s14 =	simm.s32 $0x300  }
0x6a: {  	[tilespmem:s28], [sflag:$0x1] =	stream.indirect.gather [spmem:s3], $0x10, s14, s18, $0xb8;
	[tilespmem:$0x14800] =	vst v63  }
0x6b: {  	s15 =	simm.s32 $0x700  }
0x6c: {  	[tilespmem:s23], [sflag:$0x2] =	stream.indirect.gather [spmem:s3], $0x10, s15, s18, $0xb8;
	[tilespmem:$0x14800] =	vst v63  }
0x6d: {  	s16 =	simm.s32 $0x380  }
0x6e: {  	[tilespmem:s0], [sflag:$0x1] =	stream.indirect.gather [spmem:s3], $0x10, s16, s18, $0xb8;
	[tilespmem:$0x14800] =	vst v63  }
0x6f: {  	s17 =	simm.s32 $0x780  }
0x70: {  	[tilespmem:s2], [sflag:$0x2] =	stream.indirect.gather [spmem:s3], $0x10, s17, s18, $0xb8;
	[tilespmem:$0x14800] =	vst v63  }
.LBB2_4:
0x71: {  	_ =	swait.ge [sflag:s6], $0x800  }
0x72: {  	[sflag:s6] =	ssyncset.done $0x0  }
0x73: {  	[sflag:s6] =	ssyncadd.s32 $0xFFFFF800  }
0x74: {  	_ =	swait.ge [sflag:s6], $0x800  }
0x75: {  	[sflag:s6] =	ssyncset.done $0x0  }
0x76: {  	[sflag:s6] =	ssyncadd.s32 $0xFFFFF800  }
0x77: {  	_ =	swait.ge [sflag:s6], $0x800  }
0x78: {  	[sflag:s6] =	ssyncset.done $0x0  }
0x79: {  	[sflag:s6] =	ssyncadd.s32 $0xFFFFF800  }
0x7a: {  	_ =	swait.ge [sflag:s6], $0x800  }
0x7b: {  	[sflag:s6] =	ssyncset.done $0x0  }
0x7c: {  	[sflag:s6] =	ssyncadd.s32 $0xFFFFF800  }
0x7d: {  	_ =	swait.ge [sflag:s6], $0x800  }
0x7e: {  	[sflag:s6] =	ssyncset.done $0x0  }
0x7f: {  	[sflag:s6] =	ssyncadd.s32 $0xFFFFF800  }
0x80: {  	_ =	swait.ge [sflag:s6], $0x800  }
0x81: {  	[sflag:s6] =	ssyncset.done $0x0  }
0x82: {  	[sflag:s6] =	ssyncadd.s32 $0xFFFFF800  }
0x83: {  	_ =	swait.ge [sflag:s6], $0x800  }
0x84: {  	[sflag:s6] =	ssyncset.done $0x0  }
0x85: {  	[sflag:s6] =	ssyncadd.s32 $0xFFFFF800  }
0x86: {  	_ =	swait.ge [sflag:s6], $0x800  }
0x87: {  	s13 =	sshra.s32 s12, $0x2;
	[sflag:s6] =	ssyncset.done $0x0  }
0x88: {  	s14 =	sadd.s32 $0x2800, s13;
	[sflag:s6] =	ssyncadd.s32 $0xFFFFF800  }
0x89: {  	[spmem:s4] =	stream.indirect.scatter.add.f32 [tilespmem:s19], [sflag:$0x3], $0x10, s14, s18, $0xb8;
	[tilespmem:$0x14800] =	vst v63  }
0x8a: {  	s16 =	sadd.s32 $0x2880, s13  }
0x8b: {  	[spmem:s4] =	stream.indirect.scatter.add.f32 [tilespmem:s22], [sflag:$0x3], $0x10, s16, s18, $0xb8;
	[tilespmem:$0x14800] =	vst v63  }
0x8c: {  	s17 =	sadd.s32 $0x2900, s13  }
0x8d: {  	[spmem:s4] =	stream.indirect.scatter.add.f32 [tilespmem:s26], [sflag:$0x3], $0x10, s17, s18, $0xb8;
	[tilespmem:$0x14800] =	vst v63  }
0x8e: {  	s11 =	sadd.s32 $0x2980, s13  }
0x8f: {  	[spmem:s4] =	stream.indirect.scatter.add.f32 [tilespmem:s31], [sflag:$0x3], $0x10, s11, s18, $0xb8;
	[tilespmem:$0x14800] =	vst v63  }
0x90: {  	s15 =	sadd.s32 $0x2A00, s13  }
0x91: {  	[spmem:s4] =	stream.indirect.scatter.add.f32 [tilespmem:s20], [sflag:$0x3], $0x10, s15, s18, $0xb8;
	[tilespmem:$0x14800] =	vst v63  }
0x92: {  	s16 =	sadd.s32 $0x2A80, s13  }
0x93: {  	[spmem:s4] =	stream.indirect.scatter.add.f32 [tilespmem:s30], [sflag:$0x3], $0x10, s16, s18, $0xb8;
	[tilespmem:$0x14800] =	vst v63  }
0x94: {  	s17 =	sadd.s32 $0x2B00, s13  }
0x95: {  	[spmem:s4] =	stream.indirect.scatter.add.f32 [tilespmem:s28], [sflag:$0x3], $0x10, s17, s18, $0xb8;
	[tilespmem:$0x14800] =	vst v63  }
0x96: {  	s11 =	sadd.s32 $0x2B80, s13  }
0x97: {  	[spmem:s4] =	stream.indirect.scatter.add.f32 [tilespmem:s0], [sflag:$0x3], $0x10, s11, s18, $0xb8;
	[tilespmem:$0x14800] =	vst v63  }
0x98: {  	_ =	swait.ge [sflag:s7], $0x800  }
0x99: {  	[sflag:s7] =	ssyncset.done $0x0  }
0x9a: {  	[sflag:s7] =	ssyncadd.s32 $0xFFFFF800  }
0x9b: {  	_ =	swait.ge [sflag:s7], $0x800  }
0x9c: {  	[sflag:s7] =	ssyncset.done $0x0  }
0x9d: {  	[sflag:s7] =	ssyncadd.s32 $0xFFFFF800  }
0x9e: {  	_ =	swait.ge [sflag:s7], $0x800  }
0x9f: {  	[sflag:s7] =	ssyncset.done $0x0  }
0xa0: {  	[sflag:s7] =	ssyncadd.s32 $0xFFFFF800  }
0xa1: {  	_ =	swait.ge [sflag:s7], $0x800  }
0xa2: {  	[sflag:s7] =	ssyncset.done $0x0  }
0xa3: {  	[sflag:s7] =	ssyncadd.s32 $0xFFFFF800  }
0xa4: {  	_ =	swait.ge [sflag:s7], $0x800  }
0xa5: {  	[sflag:s7] =	ssyncset.done $0x0  }
0xa6: {  	[sflag:s7] =	ssyncadd.s32 $0xFFFFF800  }
0xa7: {  	_ =	swait.ge [sflag:s7], $0x800  }
0xa8: {  	[sflag:s7] =	ssyncset.done $0x0  }
0xa9: {  	[sflag:s7] =	ssyncadd.s32 $0xFFFFF800  }
0xaa: {  	_ =	swait.ge [sflag:s7], $0x800  }
0xab: {  	[sflag:s7] =	ssyncset.done $0x0  }
0xac: {  	p1 =	seq.s32 s12, $0x8000;
	[sflag:s7] =	ssyncadd.s32 $0xFFFFF800  }
0xad: {  	s14 =	sshra.s32 @!p1 s12, $0x2;
	_ =	swait.ge [sflag:s7], $0x800  }
0xae: {  	s15 =	sadd.s32 @!p1 $0x800, s14;
	[sflag:s7] =	ssyncset.done $0x0  }
0xaf: {  	s17 =	simm.s32 @!p1 $0x80;
	s11 =	simm.s32 @!p1 $0x5000;
	[sflag:s7] =	ssyncadd.s32 $0xFFFFF800  }
0xb0: {  	[tilespmem:s11], [sflag:$0x1] =	stream.indirect.gather @!p1 [spmem:s3], $0x10, s15, s17, $0xb8;
	[tilespmem:$0x14800] =	vst v63  }
0xb1: {  	s11 =	sadd.s32 @!p1 $0x880, s14;
	s15 =	simm.s32 @!p1 $0x5800  }
0xb2: {  	[tilespmem:s15], [sflag:$0x1] =	stream.indirect.gather @!p1 [spmem:s3], $0x10, s11, s17, $0xb8;
	[tilespmem:$0x14800] =	vst v63  }
0xb3: {  	s11 =	sadd.s32 @!p1 $0x900, s14;
	s15 =	simm.s32 @!p1 $0x6000  }
0xb4: {  	[tilespmem:s15], [sflag:$0x1] =	stream.indirect.gather @!p1 [spmem:s3], $0x10, s11, s17, $0xb8;
	[tilespmem:$0x14800] =	vst v63  }
0xb5: {  	s11 =	sadd.s32 @!p1 $0x980, s14;
	s15 =	simm.s32 @!p1 $0x6800  }
0xb6: {  	[tilespmem:s15], [sflag:$0x1] =	stream.indirect.gather @!p1 [spmem:s3], $0x10, s11, s17, $0xb8;
	[tilespmem:$0x14800] =	vst v63  }
0xb7: {  	s11 =	sadd.s32 @!p1 $0xA00, s14;
	s15 =	simm.s32 @!p1 $0x7000  }
0xb8: {  	[tilespmem:s15], [sflag:$0x1] =	stream.indirect.gather @!p1 [spmem:s3], $0x10, s11, s17, $0xb8;
	[tilespmem:$0x14800] =	vst v63  }
0xb9: {  	s11 =	sadd.s32 @!p1 $0xA80, s14;
	s15 =	simm.s32 @!p1 $0x7800  }
0xba: {  	[tilespmem:s15], [sflag:$0x1] =	stream.indirect.gather @!p1 [spmem:s3], $0x10, s11, s17, $0xb8;
	[tilespmem:$0x14800] =	vst v63  }
0xbb: {  	s11 =	sadd.s32 @!p1 $0xB00, s14;
	s15 =	simm.s32 @!p1 $0x8000  }
0xbc: {  	[tilespmem:s15], [sflag:$0x1] =	stream.indirect.gather @!p1 [spmem:s3], $0x10, s11, s17, $0xb8;
	[tilespmem:$0x14800] =	vst v63  }
0xbd: {  	s11 =	sadd.s32 @!p1 $0xB80, s14;
	s14 =	simm.s32 @!p1 $0x8800  }
0xbe: {  	[tilespmem:s14], [sflag:$0x1] =	stream.indirect.gather @!p1 [spmem:s3], $0x10, s11, s17, $0xb8;
	[tilespmem:$0x14800] =	vst v63  }
0xbf: {  	_ =	swait.ge [sflag:s8], $0x800  }
0xc0: {  	[sflag:s8] =	ssyncset.done $0x0  }
0xc1: {  	[sflag:s8] =	ssyncadd.s32 $0xFFFFF800  }
0xc2: {  	_ =	swait.ge [sflag:s8], $0x800  }
0xc3: {  	[sflag:s8] =	ssyncset.done $0x0  }
0xc4: {  	[sflag:s8] =	ssyncadd.s32 $0xFFFFF800  }
0xc5: {  	_ =	swait.ge [sflag:s8], $0x800  }
0xc6: {  	[sflag:s8] =	ssyncset.done $0x0  }
0xc7: {  	[sflag:s8] =	ssyncadd.s32 $0xFFFFF800  }
0xc8: {  	_ =	swait.ge [sflag:s8], $0x800  }
0xc9: {  	[sflag:s8] =	ssyncset.done $0x0  }
0xca: {  	[sflag:s8] =	ssyncadd.s32 $0xFFFFF800  }
0xcb: {  	_ =	swait.ge [sflag:s8], $0x800  }
0xcc: {  	[sflag:s8] =	ssyncset.done $0x0  }
0xcd: {  	[sflag:s8] =	ssyncadd.s32 $0xFFFFF800  }
0xce: {  	_ =	swait.ge [sflag:s8], $0x800  }
0xcf: {  	[sflag:s8] =	ssyncset.done $0x0  }
0xd0: {  	[sflag:s8] =	ssyncadd.s32 $0xFFFFF800  }
0xd1: {  	_ =	swait.ge [sflag:s8], $0x800  }
0xd2: {  	[sflag:s8] =	ssyncset.done $0x0  }
0xd3: {  	[sflag:s8] =	ssyncadd.s32 $0xFFFFF800  }
0xd4: {  	_ =	swait.ge [sflag:s8], $0x800  }
0xd5: {  	[sflag:s8] =	ssyncset.done $0x0  }
0xd6: {  	s14 =	sadd.s32 $0x2C00, s13;
	[sflag:s8] =	ssyncadd.s32 $0xFFFFF800  }
0xd7: {  	[spmem:s4] =	stream.indirect.scatter.add.f32 [tilespmem:s21], [sflag:$0x4], $0x10, s14, s18, $0xb8;
	[tilespmem:$0x14800] =	vst v63  }
0xd8: {  	s15 =	sadd.s32 $0x2C80, s13  }
0xd9: {  	[spmem:s4] =	stream.indirect.scatter.add.f32 [tilespmem:s24], [sflag:$0x4], $0x10, s15, s18, $0xb8;
	[tilespmem:$0x14800] =	vst v63  }
0xda: {  	s16 =	sadd.s32 $0x2D00, s13  }
0xdb: {  	[spmem:s4] =	stream.indirect.scatter.add.f32 [tilespmem:s29], [sflag:$0x4], $0x10, s16, s18, $0xb8;
	[tilespmem:$0x14800] =	vst v63  }
0xdc: {  	s17 =	sadd.s32 $0x2D80, s13  }
0xdd: {  	[spmem:s4] =	stream.indirect.scatter.add.f32 [tilespmem:s1], [sflag:$0x4], $0x10, s17, s18, $0xb8;
	[tilespmem:$0x14800] =	vst v63  }
0xde: {  	s14 =	sadd.s32 $0x2E00, s13  }
0xdf: {  	[spmem:s4] =	stream.indirect.scatter.add.f32 [tilespmem:s25], [sflag:$0x4], $0x10, s14, s18, $0xb8;
	[tilespmem:$0x14800] =	vst v63  }
0xe0: {  	s15 =	sadd.s32 $0x2E80, s13  }
0xe1: {  	[spmem:s4] =	stream.indirect.scatter.add.f32 [tilespmem:s5], [sflag:$0x4], $0x10, s15, s18, $0xb8;
	[tilespmem:$0x14800] =	vst v63  }
0xe2: {  	s16 =	sadd.s32 $0x2F00, s13  }
0xe3: {  	[spmem:s4] =	stream.indirect.scatter.add.f32 [tilespmem:s23], [sflag:$0x4], $0x10, s16, s18, $0xb8;
	[tilespmem:$0x14800] =	vst v63  }
0xe4: {  	s17 =	sadd.s32 $0x2F80, s13  }
0xe5: {  	[spmem:s4] =	stream.indirect.scatter.add.f32 [tilespmem:s2], [sflag:$0x4], $0x10, s17, s18, $0xb8;
	[tilespmem:$0x14800] =	vst v63  }
0xe6: {  	_ =	swait.ge [sflag:s9], $0x800  }
0xe7: {  	[sflag:s9] =	ssyncset.done $0x0  }
0xe8: {  	[sflag:s9] =	ssyncadd.s32 $0xFFFFF800  }
0xe9: {  	_ =	swait.ge [sflag:s9], $0x800  }
0xea: {  	[sflag:s9] =	ssyncset.done $0x0  }
0xeb: {  	[sflag:s9] =	ssyncadd.s32 $0xFFFFF800  }
0xec: {  	_ =	swait.ge [sflag:s9], $0x800  }
0xed: {  	[sflag:s9] =	ssyncset.done $0x0  }
0xee: {  	[sflag:s9] =	ssyncadd.s32 $0xFFFFF800  }
0xef: {  	_ =	swait.ge [sflag:s9], $0x800  }
0xf0: {  	[sflag:s9] =	ssyncset.done $0x0  }
0xf1: {  	[sflag:s9] =	ssyncadd.s32 $0xFFFFF800  }
0xf2: {  	_ =	swait.ge [sflag:s9], $0x800  }
0xf3: {  	[sflag:s9] =	ssyncset.done $0x0  }
0xf4: {  	[sflag:s9] =	ssyncadd.s32 $0xFFFFF800  }
0xf5: {  	_ =	swait.ge [sflag:s9], $0x800  }
0xf6: {  	[sflag:s9] =	ssyncset.done $0x0  }
0xf7: {  	[sflag:s9] =	ssyncadd.s32 $0xFFFFF800  }
0xf8: {  	_ =	swait.ge [sflag:s9], $0x800  }
.Ltmp3:
0xf9: {  	[sflag:s9] =	ssyncset.done $0x0;
	(pc) =	sbr.rel @p1 .LBB2_6-.Ltmp3, $4  }
0xfa: {  	[sflag:s9] =	ssyncadd.s32 $0xFFFFF800  }
0xfb: {  	_ =	swait.ge [sflag:s9], $0x800  }
0xfc: {  	[sflag:s9] =	ssyncset.done $0x0  }
0xfd: {  	[sflag:s9] =	ssyncadd.s32 $0xFFFFF800  }
0xfe: {  	s11 =	sadd.s32 $0xC00, s13  }
0xff: {  	[tilespmem:s21], [sflag:$0x2] =	stream.indirect.gather [spmem:s3], $0x10, s11, s18, $0xb8;
	[tilespmem:$0x14800] =	vst v63  }
0x100: {  	s15 =	sadd.s32 $0xC80, s13  }
0x101: {  	[tilespmem:s24], [sflag:$0x2] =	stream.indirect.gather [spmem:s3], $0x10, s15, s18, $0xb8;
	[tilespmem:$0x14800] =	vst v63  }
0x102: {  	s16 =	sadd.s32 $0xD00, s13  }
0x103: {  	[tilespmem:s29], [sflag:$0x2] =	stream.indirect.gather [spmem:s3], $0x10, s16, s18, $0xb8;
	[tilespmem:$0x14800] =	vst v63  }
0x104: {  	s17 =	sadd.s32 $0xD80, s13  }
0x105: {  	[tilespmem:s1], [sflag:$0x2] =	stream.indirect.gather [spmem:s3], $0x10, s17, s18, $0xb8;
	[tilespmem:$0x14800] =	vst v63  }
0x106: {  	s14 =	sadd.s32 $0xE00, s13  }
0x107: {  	[tilespmem:s25], [sflag:$0x2] =	stream.indirect.gather [spmem:s3], $0x10, s14, s18, $0xb8;
	[tilespmem:$0x14800] =	vst v63  }
0x108: {  	s15 =	sadd.s32 $0xE80, s13  }
0x109: {  	[tilespmem:s5], [sflag:$0x2] =	stream.indirect.gather [spmem:s3], $0x10, s15, s18, $0xb8;
	[tilespmem:$0x14800] =	vst v63  }
.Ltmp4:
0x10a: {  	_ = 	snop;
	(pc) =	sbr.rel .LBB2_4-.Ltmp4, $4  }
0x10b: {  	s16 =	sadd.s32 $0xF00, s13  }
0x10c: {  	[tilespmem:s23], [sflag:$0x2] =	stream.indirect.gather [spmem:s3], $0x10, s16, s18, $0xb8;
	[tilespmem:$0x14800] =	vst v63  }
0x10d: {  	s12 =	sadd.s32 $0x2000, s12;
	s17 =	sadd.s32 $0xF80, s13  }
0x10e: {  	[tilespmem:s2], [sflag:$0x2] =	stream.indirect.gather [spmem:s3], $0x10, s17, s18, $0xb8;
	[tilespmem:$0x14800] =	vst v63  }
.LBB2_7:
0x10f: {  	_ =	sfence.sel $0x180000  }
0x110: {  	[bflag:$0x0] =	sbarrier.arrive $0xFFFF  }
0x111: {  	_ =	strace $0x9000004A  }
0x112: {  	s0 =	stileid.u32;
	[bflag:$0x2] =	sbarrier.arrive $0xFFFF  }
0x113: {  	p0 =	sne.s32 s0, $0x0;
	s0 =	rddreg [dreg:$0x4]  }
0x114: {  	s0 =	sadd.s32 @!p0 $0x100000, s0  }
0x115: {  	[sflag:s0] =	ssyncadd.tile.s32 @!p0 $0x1;
	_ =	shalt  }
.Lfunc_end2:
_tile_overlayer_lowered:
.L_overlay_start_2:
0x116: {  	(tag) =	ssettag $0x2  }
0x117: {  	s0 =	rddreg [dreg:$0x0];
	s2 =	stileid.u32  }
0x118: {  	s1 =	rddreg [dreg:$0x1];
	p0 =	sne.s32 s2, $0x0  }
0x119: {  	s3 =	rddreg [dreg:$0x2];
	[bflag:$0x3] =	sbarrier.arrive $0xFFFF;
	s2 =	simm.s32 @!p0 $0x1C05  }
0x11a: {  	[timem:s3], [sflag:s2] =	dma.local @!p0 [hbm:s0], s1  }
0x11b: {  	s0 =	simm.s32 @!p0 $0x5  }
0x11c: {  	_ =	swait.ge @!p0 [sflag:s0], s1  }
0x11d: {  	s1 =	ssub.s32 @!p0 $0x0, s1;
	[sflag:s0] =	ssyncset.done @!p0 $0x0  }
0x11e: {  	[sflag:s0] =	ssyncadd.s32 @!p0 s1  }
0x11f: {  	[bflag:$0x3] =	sbarrier.arrive $0xFFFF  }
0x120: {  	_ =	shalt  }

// kernel: kernel.14.cloned.1.call-start
scs
__scs_entry_jumppad:
0x0: {  	(pc) =	sbr.rel $0x88, $3  }
0x1: {  	(tag) =	ssettag $0x0;
	lr =	simm.s32 $0x1  }
0x2: {  	[smem:$0x3F9B] =	sst lr;
	_ =	strace $0xD0000000  }
0x3: {  	_ = 	snop  }
0x4: {  	_ = 	snop  }
0x5: {  	_ = 	snop  }
0x6: {  	_ = 	snop  }
0x7: {  	_ = 	snop  }
__scs_overlays_trampoline_lowered:
0x8: {  	[smem:$0x3FAA] =	sst s0  }
0x9: {  	[smem:$0x3FAB] =	sst s1  }
0xa: {  	[smem:$0x3FAC] =	sst s2  }
0xb: {  	[smem:$0x3FAD] =	sst s3  }
0xc: {  	[smem:$0x3FAE] =	sst s4  }
0xd: {  	[smem:$0x3FAF] =	sst s5  }
0xe: {  	[smem:$0x3FB0] =	sst s6  }
0xf: {  	[smem:$0x3FB1] =	sst s7  }
0x10: {  	[smem:$0x3FB2] =	sst s8  }
0x11: {  	[smem:$0x3FB3] =	sst s9;
	s0 =	simm.s32 @!p0 $0x0  }
0x12: {  	s1 =	sld [smem:$0x3F99];
	s0 =	simm.s32 @p0 $0x1  }
0x13: {  	[smem:$0x3FB4] =	sst s0;
	s0 =	simm.s32 @!p1 $0x0  }
0x14: {  	s2 =	sld [smem:$0x3F98];
	s0 =	simm.s32 @p1 $0x1  }
0x15: {  	[smem:$0x3FB5] =	sst s0;
	s0 =	simm.s32 @!p2 $0x0  }
0x16: {  	s3 =	sld [smem:$0x3FDB];
	s0 =	simm.s32 @p2 $0x1  }
0x17: {  	s4 =	simm.s32 $0x1BF5;
	[smem:$0x3FB7] =	sst s0  }
0x18: {  	s0 =	sld [smem:$0x3F9A];
	_ =	swait.ge [sflag:s4], $0x0  }
0x19: {  	s7 =	sld [smem:$0x3F9B]  }
0x1a: {  	s8 =	sadd.s32 $0xFFFFE003, lr  }
0x1b: {  	s9 =	sadd.s32 $0xFFFFFEF7, lr;
	s5 =	simm.s32 $0xFFFFFFFF;
	p2 =	slt.u32 s8, $0xFFFFF086  }
0x1c: {  	p1 =	slt.u32 s9, $0xF7A;
	s5 =	simm.s32 @!p2 $0x0  }
0x1d: {  	s5 =	simm.s32 @p1 $0x1;
	p0 =	seq.s32 s7, s2  }
0x1e: {  	s7 =	smul.u32 @!p0 $0xF7A, s2;
	p2 =	seq.s32 @!p0 s5, $0x0  }
0x1f: {  	s9 =	smul.u32 $0xF7A, s1;
	s8 =	simm.s32 @!p0 $0x1BF5;
	p2 =	por !p2, p0  }
0x20: {  	[sflag:s8] =	ssyncset.s32 @!p0 $0xFFFFF086;
	s6 =	sadd.s32 @!p0 s3, s7;
	s7 =	simm.s32 @!p0 $0x108  }
0x21: {  	s3 =	sadd.s32 s3, s9;
	s6 =	sadd.s32 @!p0 $0x88, s6;
	s7 =	simm.s32 @p2 $0x1082  }
0x22: {  	[simem:s7], [sflag:s8] =	dma.local @!p0 [hbm:s6], $0xF7A  }
0x23: {  	s9 =	sor.u32 $0xD0000000, s2;
	s6 =	simm.s32 $0x108;
	_ =	swait.ge @!p0 [sflag:s8], $0x0  }
0x24: {  	s3 =	sadd.s32 $0x88, s3;
	s6 =	simm.s32 @!p1 $0x1082;
	[sflag:s4] =	ssyncset.s32 $0xFFFFF086  }
0x25: {  	[simem:s6], [sflag:s4] =	dma.local [hbm:s3], $0xF7A  }
0x26: {  	[smem:$0x3F9B] =	sst s1;
	(tag) =	ssettag s2;
	_ =	strace s9  }
0x27: {  	s1 =	sld [smem:$0x3FAB]  }
0x28: {  	s2 =	sld [smem:$0x3FAC]  }
0x29: {  	s4 =	sld [smem:$0x3FAE]  }
0x2a: {  	p0 =	seq.s32 s5, $0x0;
	s5 =	sld [smem:$0x3FAF]  }
0x2b: {  	s6 =	sld [smem:$0x3FB0]  }
0x2c: {  	s7 =	sld [smem:$0x3FB1]  }
0x2d: {  	s3 =	simm.s32 $0x108;
	s8 =	sld [smem:$0x3FB2]  }
0x2e: {  	s3 =	simm.s32 @!p0 $0x1082;
	s9 =	sld [smem:$0x3FB3]  }
0x2f: {  	lr =	sadd.s32 s0, s3;
	s0 =	sld [smem:$0x3FAA]  }
0x30: {  	s3 =	sld [smem:$0x3FAD]  }
0x31: {  	[smem:$0x3FB6] =	sst s10  }
0x32: {  	s10 =	sld [smem:$0x3FB4];
	_ =	sdelay $0x3  }
0x33: {  	p0 =	seq.s32 s10, $0x1;
	s10 =	sld [smem:$0x3FB6];
	_ =	sdelay $0x3  }
0x34: {  	[smem:$0x3FB6] =	sst s10  }
0x35: {  	s10 =	sld [smem:$0x3FB5];
	_ =	sdelay $0x3  }
0x36: {  	p1 =	seq.s32 s10, $0x1;
	s10 =	sld [smem:$0x3FB6];
	_ =	sdelay $0x3  }
0x37: {  	[smem:$0x3FB6] =	sst s10  }
0x38: {  	s10 =	sld [smem:$0x3FB7]  }
0x39: {  	_ = 	snop;
	(pc) =	sbr.ind lr, $3  }
0x3a: {  	_ = 	snop  }
0x3b: {  	_ = 	snop  }
0x3c: {  	p2 =	seq.s32 s10, $0x1;
	s10 =	sld [smem:$0x3FB6]  }
0x3d: {  	_ =	shalt  }
0x3e: {  	_ =	shalt  }
0x3f: {  	_ =	shalt  }
0x40: {  	_ =	shalt  }
0x41: {  	_ =	shalt  }
0x42: {  	_ =	shalt  }
0x43: {  	_ =	shalt  }
0x44: {  	_ =	shalt  }
0x45: {  	_ =	shalt  }
0x46: {  	_ =	shalt  }
0x47: {  	_ =	shalt  }
0x48: {  	_ =	shalt  }
0x49: {  	_ =	shalt  }
0x4a: {  	_ =	shalt  }
0x4b: {  	_ =	shalt  }
0x4c: {  	_ =	shalt  }
0x4d: {  	_ =	shalt  }
0x4e: {  	_ =	shalt  }
0x4f: {  	_ =	shalt  }
0x50: {  	_ =	shalt  }
0x51: {  	_ =	shalt  }
0x52: {  	_ =	shalt  }
0x53: {  	_ =	shalt  }
0x54: {  	_ =	shalt  }
0x55: {  	_ =	shalt  }
0x56: {  	_ =	shalt  }
0x57: {  	_ =	shalt  }
0x58: {  	_ =	shalt  }
0x59: {  	_ =	shalt  }
0x5a: {  	_ =	shalt  }
0x5b: {  	_ =	shalt  }
0x5c: {  	_ =	shalt  }
0x5d: {  	_ =	shalt  }
0x5e: {  	_ =	shalt  }
0x5f: {  	_ =	shalt  }
0x60: {  	_ =	shalt  }
0x61: {  	_ =	shalt  }
0x62: {  	_ =	shalt  }
0x63: {  	_ =	shalt  }
0x64: {  	_ =	shalt  }
0x65: {  	_ =	shalt  }
0x66: {  	_ =	shalt  }
0x67: {  	_ =	shalt  }
0x68: {  	_ =	shalt  }
0x69: {  	_ =	shalt  }
0x6a: {  	_ =	shalt  }
0x6b: {  	_ =	shalt  }
0x6c: {  	_ =	shalt  }
0x6d: {  	_ =	shalt  }
0x6e: {  	_ =	shalt  }
0x6f: {  	_ =	shalt  }
0x70: {  	_ =	shalt  }
0x71: {  	_ =	shalt  }
0x72: {  	_ =	shalt  }
0x73: {  	_ =	shalt  }
0x74: {  	_ =	shalt  }
0x75: {  	_ =	shalt  }
0x76: {  	_ =	shalt  }
0x77: {  	_ =	shalt  }
0x78: {  	_ =	shalt  }
0x79: {  	_ =	shalt  }
0x7a: {  	_ =	shalt  }
0x7b: {  	_ =	shalt  }
0x7c: {  	_ =	shalt  }
0x7d: {  	_ =	shalt  }
0x7e: {  	_ =	shalt  }
0x7f: {  	_ =	shalt  }
0x80: {  	_ =	shalt  }
0x81: {  	_ =	shalt  }
0x82: {  	_ =	shalt  }
0x83: {  	_ =	shalt  }
0x84: {  	_ =	shalt  }
0x85: {  	_ =	shalt  }
0x86: {  	_ =	shalt  }
0x87: {  	_ =	shalt  }
.Lfunc_end0:
.L_simem_size_0:
called_computation.2_lowered:
.L_overlay_start_0:
0x88: {  	s2 =	sld [smem:$0x3FD9]  }
0x89: {  	s3 =	sld [smem:$0x3FFE];
	_ =	sdelay $0x1  }
0x8a: {  	s1 =	srdreg.scid  }
0x8b: {  	s0 =	sand.u32 $0x1, s1  }
0x8c: {  	s17 =	sshll.u32 s0, $0xA;
	s2 =	sadd.s32 s3, s2  }
0x8d: {  	s2 =	sadd.s32 s2, s17  }
0x8e: {  	[smem:$0x3FC2] =	sst s2  }
0x8f: {  	_ = 	snop  }
0x90: {  	s2 =	sld [smem:$0x3FD0];
	(tm) =	ssettm $0x1  }
0x91: {  	s18 =	sld [smem:$0x3FFB];
	_ =	sdelay $0x3  }
0x92: {  	_ =	strace s18  }
0x93: {  	s3 =	sld [smem:$0x3FFC];
	_ =	sdelay $0x3  }
0x94: {  	_ =	strace s3  }
0x95: {  	s3 =	sld [smem:$0x3FFD];
	_ =	sdelay $0x3  }
0x96: {  	_ =	strace s3  }
0x97: {  	_ =	strace $0x8FFFFFFF  }
0x98: {  	s19 =	sld [smem:$0x3FDB];
	_ =	sdelay $0x1  }
0x99: {  	s4 =	simm.s32 $_scs_section_size  }
0x9a: {  	s5 =	simm.s32 $_size__tile_overlayer_lowered;
	s6 =	simm.s32 $_tile_overlayer_lowered  }
0x9b: {  	s22 =	simm.s32 $0x1BFF;
	s21 =	sshll.u32 s6, $0x1;
	s3 =	sadd.s32 s4, s19  }
0x9c: {  	s7 =	simm.s32 $0x0;
	s20 =	sshll.u32 s5, $0x1;
	s5 =	sadd.s32 s21, s3  }
0x9d: {  	[timem:s7], [sflag:s22] =	dma.local [hbm:s5], s20  }
0x9e: {  	_ =	swait.ge [sflag:s22], s20  }
0x9f: {  	s4 =	ssub.s32 $0x0, s20;
	[sflag:s22] =	ssyncset.done $0x0  }
0xa0: {  	[sflag:s22] =	ssyncadd.s32 s4;
	_ =	sdelay $0x1  }
0xa1: {  	s23 =	simm.s32 $0x1B8B  }
0xa2: {  	_ =	swait.ge [sflag:s23], $0x1  }
0xa3: {  	[sflag:s23] =	ssyncset.done $0x0  }
0xa4: {  	s25 =	simm.s32 $0x1B8E;
	s24 =	sld [smem:$0x3FFE];
	[sflag:s23] =	ssyncadd.s32 $0xFFFFFFFF  }
0xa5: {  	s26 =	simm.s32 $execute0_lowered;
	[smem:$0x3FD2] =	sst s25  }
0xa6: {  	s5 =	sshll.u32 s26, $0x1;
	_ =	strace $0x8000004C;
	[dreg:$0x1] =	wrdreg $0xFFFFFFFF  }
0xa7: {  	s28 =	simm.s32 $_size_execute0_lowered;
	s3 =	sadd.s32 s3, s5;
	[dreg:$0x0] =	wrdreg $0x0  }
0xa8: {  	s5 =	sshll.u32 s28, $0x1;
	[dreg:$0x2] =	wrdreg s3  }
0xa9: {  	[dreg:$0x3] =	wrdreg s5  }
0xaa: {  	[dreg:$0x4] =	wrdreg $0xC0  }
0xab: {  	_ =	task [dreg:s7], $0x5FFFF  }
0xac: {  	[dreg:$0x1] =	wrdreg $0xFFFFFFFF  }
0xad: {  	[dreg:$0x0] =	wrdreg $0x60  }
0xae: {  	[dreg:$0x2] =	wrdreg s24  }
0xaf: {  	[dreg:$0x3] =	wrdreg s2  }
0xb0: {  	[dreg:$0x4] =	wrdreg $0x120000  }
0xb1: {  	[dreg:$0x5] =	wrdreg $0xF8000  }
0xb2: {  	[dreg:$0x6] =	wrdreg $0x9  }
0xb3: {  	_ =	task.clear_ibuf [dreg:s7], $0x7FFFF;
	_ =	strace $0x9000004C  }
0xb4: {  	s29 =	simm.s32 $0x9;
	_ =	strace $0x8000004E  }
0xb5: {  	_ =	swait.ge [sflag:s29], $0x1  }
0xb6: {  	[sflag:s29] =	ssyncadd.s32 $0xFFFFFFFF  }
0xb7: {  	_ =	strace $0x9000004E  }
0xb8: {  	_ =	sfence  }
0xb9: {  	s30 =	sld [smem:$0x0];
	_ =	sdelay $0x2  }
0xba: {  	s31 =	sshll.u32 s1, $0xD;
	s1 =	sshrl.u32 s1, $0x2  }
0xbb: {  	s3 =	sand.u32 $0x4000, s31;
	s1 =	sadd.s32 s1, s30  }
0xbc: {  	s0 =	sor.u32 s3, s0;
	s1 =	sshll.u32 s1, $0x11  }
0xbd: {  	s0 =	sor.u32 s1, s0  }
0xbe: {  	s0 =	sadd.s32 $0x8F2B, s0  }
0xbf: {  	[sflag:s0] =	ssyncadd.remote.s32 $0x1  }
0xc0: {  	_ =	sfence.sel $0xFFFF  }
0xc1: {  	[dreg:$0x0] =	wrdreg $0xFFFFFFFF;
	(pc) =	sbr.abs _section_cstart, $3  }
0xc2: {  	[dreg:$0x1] =	wrdreg $0xFFFFFFFF  }
0xc3: {  	_ =	task.clear_ibuf [dreg:s7], $0x2FFFF;
	_ =	strace $0x9FFFFFFF  }
0xc4: {  	(tm) =	ssettm $0x7FFFFFFF  }
0xc5: {  	_ =	shalt  }
tec
execute0_lowered:
.L_overlay_start_1:
0x0: {  	(tag) =	ssettag $0x1  }
0x1: {  	s0 =	rddreg [dreg:$0x0]  }
0x2: {  	s3 =	rddreg [dreg:$0x2]  }
0x3: {  	s4 =	rddreg [dreg:$0x3];
	s12 =	stileid.u32  }
0x4: {  	s1 =	srdreg.scid;
	s5 =	simm.s32 $0x0;
	s16 =	simm.s32 $0xD000  }
0x5: {  	s29 =	simm.s32 $0xA000;
	s31 =	simm.s32 $0x6800;
	s30 =	simm.s32 $0x7800  }
0x6: {  	s28 =	simm.s32 $0x8000;
	s2 =	smul.u32 $0x2800, s12;
	s1 =	sand.u32 $0x1, s1  }
0x7: {  	[smem:$0x7FF] =	sst s5;
	s18 =	smul.u32 $0x500, s12;
	s10 =	sadd.s32 $0x2E00, s0  }
0x8: {  	s22 =	sadd.s32 $0xC900, s0;
	s25 =	sshll.u32 s12, $0x6;
	s6 =	sshll.u32 s1, $0x4  }
0x9: {  	s8 =	smul.u32 $0x5000, s1;
	_ =	strace $0x8000004D;
	s1 =	ssub.s32 $0x2, s1  }
0xa: {  	[dreg:$0x7] =	wrdreg s22;
	s26 =	sor.u32 $0x1C05, s25;
	s22 =	simm.s32 $0x5800  }
0xb: {  	s25 =	simm.s32 $0xB000;
	s7 =	sshrl.u32 s2, $0x3;
	s6 =	sor.u32 s12, s6  }
0xc: {  	s19 =	sshrl.u32 s1, $0x1;
	s23 =	sadd.s32 s2, s3;
	s17 =	sadd.s32 s2, s4  }
0xd: {  	[dreg:$0xd] =	wrdreg s26;
	s26 =	simm.s32 $0x6000;
	s2 =	simm.s32 $0xC800  }
0xe: {  	s7 =	sadd.s32 s7, s0;
	s9 =	smul.u32 $0x2800, s6;
	s5 =	sadd.s32 s18, s8  }
0xf: {  	s11 =	smul.u32 $0x500, s6;
	s1 =	ssub.s32 s1, s19;
	p0 =	seq.s32 s6, $0x1F  }
0x10: {  	s18 =	simm.s32 $0x80;
	s19 =	simm.s32 $0x5000;
	s6 =	simm.s32 $0x1  }
0x11: {  	[dreg:$0xa] =	wrdreg s17;
	s5 =	sadd.s32 s5, s0;
	s0 =	sadd.s32 $0x16540, s0  }
0x12: {  	s7 =	sadd.s32 $0x16800, s7;
	s1 =	smax.u32 s1, $0x1;
	[dreg:$0x8] =	wrdreg s0  }
0x13: {  	s9 =	sshrl.u32 s9, $0x3;
	s21 =	sadd.s32 s10, s11;
	[dreg:$0x9] =	wrdreg s7  }
0x14: {  	s24 =	sadd.s32 $0x1B800, s5;
	[dreg:$0xc] =	wrdreg s1;
	s0 =	sshrl.u32 s23, $0x3  }
0x15: {  	s1 =	simm.s32 $0xA800;
	s5 =	simm.s32 $0xB800;
	[dreg:$0x5] =	wrdreg s21  }
.Ltmp0:
0x16: {  	s23 =	simm.s32 $0xC000;
	[dreg:$0xb] =	wrdreg s24;
	(pc) =	sbr.rel .LBB2_1-.Ltmp0, $4  }
0x17: {  	s7 =	simm.s32 $0x3;
	s20 =	sadd.s32 s10, s9;
	[dreg:$0xe] =	wrdreg s0  }
0x18: {  	s21 =	simm.s32 $0x9000;
	s24 =	simm.s32 $0x9800;
	s0 =	simm.s32 $0x8800  }
0x19: {  	s9 =	simm.s32 $0x4;
	s10 =	simm.s32 $0x0;
	s8 =	sadd.s32 $0x9C40, s20  }
0x1a: {  	v0 =	vimm.f32 $0.0e+00;
	s20 =	simm.s32 $0x7000;
	[dreg:$0x6] =	wrdreg s8;
	s8 =	simm.s32 $0x2  }
.LBB2_6:
0x1b: {  	[bflag:$0x0] =	sbarrier.arrive $0xFFFF  }
0x1c: {  	s13 =	simm.s32 $0xD000;
	s14 =	simm.s32 $0x5;
	s17 =	rddreg [dreg:$0xa]  }
0x1d: {  	[tilespmem:s13], [sflag:$0x5] =	stream.linear.gather [spmem:s17], $0x2800, $0x38;
	[tilespmem:$0x14800] =	vst v63  }
0x1e: {  	_ =	swait.ge [sflag:s14], $0x2800  }
0x1f: {  	[sflag:s14] =	ssyncset.done $0x0  }
0x20: {  	s11 =	simm.s32 $0x0;
	s12 =	rddreg [dreg:$0xb];
	[sflag:s14] =	ssyncadd.s32 $0xFFFFD800  }
0x21: {  	[hbm4b:s12+s11] =	stream.linear.scatter [tilespmem:s13], [sflag:$0x5], $0x2800, $0x38;
	[tilespmem:$0x14800] =	vst v63  }
0x22: {  	_ =	swait.ge [sflag:s14], $0x2800  }
0x23: {  	s10 =	sadd.s32 $0x1, s10;
	s15 =	rddreg [dreg:$0xc]  }
0x24: {  	p1 =	sne.s32 s10, s15  }
.Ltmp1:
0x25: {  	_ = 	snop;
	(pc) =	sbr.rel @!p1 .LBB2_7-.Ltmp1, $3  }
0x26: {  	_ =	sdelay $0x1  }
0x27: {  	[sflag:s14] =	ssyncset.done $0x0  }
0x28: {  	s16 =	simm.s32 $0xD000;
	[sflag:s14] =	ssyncadd.s32 $0xFFFFD800  }
.LBB2_1:
0x29: {  	s12 =	simm.s32 @p0 $0x0;
	s11 =	rddreg [dreg:$0x7];
	s13 =	simm.s32 @p0 $0x5  }
0x2a: {  	[tilespmem:s12], [sflag:$0x5] =	stream.linear.gather @p0 [hbm4b:s11+s12], $0xA00, $0x38;
	[tilespmem:$0x14800] =	vst v63  }
0x2b: {  	_ =	swait.ge @p0 [sflag:s13], $0xA00  }
0x2c: {  	[sflag:s13] =	ssyncset.done @p0 $0x0  }
0x2d: {  	[sflag:s13] =	ssyncadd.s32 @p0 $0xFFFFF600  }
0x2e: {  	s14 =	simm.s32 @p0 $0xA00;
	s11 =	rddreg [dreg:$0x1]  }
0x2f: {  	[tilespmem:s14], [sflag:$0x5] =	stream.linear.gather @p0 [hbm4b:s11+s12], $0x1E00, $0x38;
	[tilespmem:$0x14800] =	vst v63  }
0x30: {  	_ =	swait.ge @p0 [sflag:s13], $0x1E00  }
0x31: {  	[sflag:s13] =	ssyncset.done @p0 $0x0  }
0x32: {  	s14 =	simm.s32 @p0 $0x2800;
	s15 =	rddreg [dreg:$0x8];
	[sflag:s13] =	ssyncadd.s32 @p0 $0xFFFFE200  }
0x33: {  	[tilespmem:s14], [sflag:$0x5] =	stream.linear.gather @p0 [hbm4b:s15+s12], $0xA00, $0x38;
	[tilespmem:$0x14800] =	vst v63  }
0x34: {  	_ =	swait.ge @p0 [sflag:s13], $0xA00  }
0x35: {  	[sflag:s13] =	ssyncset.done @p0 $0x0  }
0x36: {  	s14 =	simm.s32 @p0 $0x3200;
	[sflag:s13] =	ssyncadd.s32 @p0 $0xFFFFF600  }
0x37: {  	[tilespmem:s14], [sflag:$0x5] =	stream.linear.gather @p0 [hbm4b:s11+s12], $0x1E00, $0x38;
	[tilespmem:$0x14800] =	vst v63  }
0x38: {  	_ =	swait.ge @p0 [sflag:s13], $0x1E00  }
0x39: {  	s12 =	simm.s32 @!p0 $0x0;
	[sflag:s13] =	ssyncset.done @p0 $0x0  }
0x3a: {  	s11 =	rddreg [dreg:$0x5];
	[sflag:s13] =	ssyncadd.s32 @p0 $0xFFFFE200;
	s13 =	simm.s32 @!p0 $0x5  }
0x3b: {  	[tilespmem:s12], [sflag:$0x5] =	stream.linear.gather @!p0 [hbm4b:s11+s12], $0x2800, $0x38;
	[tilespmem:$0x14800] =	vst v63  }
0x3c: {  	_ =	swait.ge @!p0 [sflag:s13], $0x2800  }
0x3d: {  	[sflag:s13] =	ssyncset.done @!p0 $0x0  }
0x3e: {  	s14 =	simm.s32 @!p0 $0x2800;
	s11 =	rddreg [dreg:$0x6];
	[sflag:s13] =	ssyncadd.s32 @!p0 $0xFFFFD800  }
0x3f: {  	[tilespmem:s14], [sflag:$0x5] =	stream.linear.gather @!p0 [hbm4b:s11+s12], $0x2800, $0x38;
	[tilespmem:$0x14800] =	vst v63  }
0x40: {  	_ =	swait.ge @!p0 [sflag:s13], $0x2800  }
0x41: {  	s12 =	rddreg [dreg:$0x9]  }
0x42: {  	[sflag:s13] =	ssyncset.done @!p0 $0x0;
	s15 =	rddreg [dreg:$0xe]  }
0x43: {  	s14 =	simm.s32 $0x5;
	[sflag:s13] =	ssyncadd.s32 @!p0 $0xFFFFD800;
	s13 =	rddreg [dreg:$0xd]  }
0x44: {  	[spmem:s15], [sflag:s13] =	dma.local [hbm:s12], $0x500  }
0x45: {  	_ =	swait.ge [sflag:s14], $0x500  }
0x46: {  	[sflag:s14] =	ssyncset.done $0x0  }
0x47: {  	s12 =	simm.s32 $0x40;
	s13 =	simm.s32 $0x0;
	[sflag:s14] =	ssyncadd.s32 $0xFFFFFB00  }
.LBB2_2:
0x48: {  	p1 =	sne.s32 s12, $0x9FC0;
	[tilespmem:s13+$0xD000] =	vst v0;
	s13 =	smov.u32 s12;
	s12 =	sadd.s32 $0x40, s12  }
.Ltmp2:
0x49: {  	(pc) =	sbr.rel @p1 .LBB2_2-.Ltmp2, $2  }
0x4a: {  	_ =	sdelay $0x2  }
0x4b: {  	s13 =	sshra.s32 s13, $0x2  }
0x4c: {  	[tilespmem:s13+$0xD000] =	vst v0  }
0x4d: {  	[spmem:s17] =	stream.linear.scatter [tilespmem:s16], [sflag:$0x5], $0x2800, $0x38;
	[tilespmem:$0x14800] =	vst v63  }
0x4e: {  	_ =	swait.ge [sflag:s14], $0x2800  }
0x4f: {  	[sflag:s14] =	ssyncset.done $0x0  }
0x50: {  	[sflag:s14] =	ssyncadd.s32 $0xFFFFD800  }
0x51: {  	s12 =	simm.s32 $0x0;
	[bflag:$0x0] =	sbarrier.arrive $0xFFFF  }
0x52: {  	[tilespmem:s19], [sflag:$0x1] =	stream.indirect.gather [spmem:s3], $0x10, s12, s18, $0xb8;
	[tilespmem:$0x14800] =	vst v63  }
0x53: {  	s11 =	simm.s32 $0x400  }
0x54: {  	[tilespmem:s21], [sflag:$0x2] =	stream.indirect.gather [spmem:s3], $0x10, s11, s18, $0xb8;
	[tilespmem:$0x14800] =	vst v63  }
0x55: {  	_ = 	snop  }
0x56: {  	[tilespmem:s22], [sflag:$0x1] =	stream.indirect.gather [spmem:s3], $0x10, s18, s18, $0xb8;
	[tilespmem:$0x14800] =	vst v63  }
0x57: {  	s15 =	simm.s32 $0x480  }
0x58: {  	[tilespmem:s24], [sflag:$0x2] =	stream.indirect.gather [spmem:s3], $0x10, s15, s18, $0xb8;
	[tilespmem:$0x14800] =	vst v63  }
0x59: {  	s16 =	simm.s32 $0x100  }
0x5a: {  	[tilespmem:s26], [sflag:$0x1] =	stream.indirect.gather [spmem:s3], $0x10, s16, s18, $0xb8;
	[tilespmem:$0x14800] =	vst v63  }
0x5b: {  	s17 =	simm.s32 $0x500  }
0x5c: {  	[tilespmem:s29], [sflag:$0x2] =	stream.indirect.gather [spmem:s3], $0x10, s17, s18, $0xb8;
	[tilespmem:$0x14800] =	vst v63  }
0x5d: {  	s13 =	simm.s32 $0x180  }
0x5e: {  	[tilespmem:s31], [sflag:$0x1] =	stream.indirect.gather [spmem:s3], $0x10, s13, s18, $0xb8;
	[tilespmem:$0x14800] =	vst v63  }
0x5f: {  	s14 =	simm.s32 $0x580  }
0x60: {  	[tilespmem:s1], [sflag:$0x2] =	stream.indirect.gather [spmem:s3], $0x10, s14, s18, $0xb8;
	[tilespmem:$0x14800] =	vst v63  }
0x61: {  	s15 =	simm.s32 $0x200  }
0x62: {  	[tilespmem:s20], [sflag:$0x1] =	stream.indirect.gather [spmem:s3], $0x10, s15, s18, $0xb8;
	[tilespmem:$0x14800] =	vst v63  }
0x63: {  	s16 =	simm.s32 $0x600  }
0x64: {  	[tilespmem:s25], [sflag:$0x2] =	stream.indirect.gather [spmem:s3], $0x10, s16, s18, $0xb8;
	[tilespmem:$0x14800] =	vst v63  }
0x65: {  	s17 =	simm.s32 $0x280  }
0x66: {  	[tilespmem:s30], [sflag:$0x1] =	stream.indirect.gather [spmem:s3], $0x10, s17, s18, $0xb8;
	[tilespmem:$0x14800] =	vst v63  }
0x67: {  	s13 =	simm.s32 $0x680  }
0x68: {  	[tilespmem:s5], [sflag:$0x2] =	stream.indirect.gather [spmem:s3], $0x10, s13, s18, $0xb8;
	[tilespmem:$0x14800] =	vst v63  }
0x69: {  	s14 =	simm.s32 $0x300  }
0x6a: {  	[tilespmem:s28], [sflag:$0x1] =	stream.indirect.gather [spmem:s3], $0x10, s14, s18, $0xb8;
	[tilespmem:$0x14800] =	vst v63  }
0x6b: {  	s15 =	simm.s32 $0x700  }
0x6c: {  	[tilespmem:s23], [sflag:$0x2] =	stream.indirect.gather [spmem:s3], $0x10, s15, s18, $0xb8;
	[tilespmem:$0x14800] =	vst v63  }
0x6d: {  	s16 =	simm.s32 $0x380  }
0x6e: {  	[tilespmem:s0], [sflag:$0x1] =	stream.indirect.gather [spmem:s3], $0x10, s16, s18, $0xb8;
	[tilespmem:$0x14800] =	vst v63  }
0x6f: {  	s17 =	simm.s32 $0x780  }
0x70: {  	[tilespmem:s2], [sflag:$0x2] =	stream.indirect.gather [spmem:s3], $0x10, s17, s18, $0xb8;
	[tilespmem:$0x14800] =	vst v63  }
.LBB2_4:
0x71: {  	_ =	swait.ge [sflag:s6], $0x800  }
0x72: {  	[sflag:s6] =	ssyncset.done $0x0  }
0x73: {  	[sflag:s6] =	ssyncadd.s32 $0xFFFFF800  }
0x74: {  	_ =	swait.ge [sflag:s6], $0x800  }
0x75: {  	[sflag:s6] =	ssyncset.done $0x0  }
0x76: {  	[sflag:s6] =	ssyncadd.s32 $0xFFFFF800  }
0x77: {  	_ =	swait.ge [sflag:s6], $0x800  }
0x78: {  	[sflag:s6] =	ssyncset.done $0x0  }
0x79: {  	[sflag:s6] =	ssyncadd.s32 $0xFFFFF800  }
0x7a: {  	_ =	swait.ge [sflag:s6], $0x800  }
0x7b: {  	[sflag:s6] =	ssyncset.done $0x0  }
0x7c: {  	[sflag:s6] =	ssyncadd.s32 $0xFFFFF800  }
0x7d: {  	_ =	swait.ge [sflag:s6], $0x800  }
0x7e: {  	[sflag:s6] =	ssyncset.done $0x0  }
0x7f: {  	[sflag:s6] =	ssyncadd.s32 $0xFFFFF800  }
0x80: {  	_ =	swait.ge [sflag:s6], $0x800  }
0x81: {  	[sflag:s6] =	ssyncset.done $0x0  }
0x82: {  	[sflag:s6] =	ssyncadd.s32 $0xFFFFF800  }
0x83: {  	_ =	swait.ge [sflag:s6], $0x800  }
0x84: {  	[sflag:s6] =	ssyncset.done $0x0  }
0x85: {  	[sflag:s6] =	ssyncadd.s32 $0xFFFFF800  }
0x86: {  	_ =	swait.ge [sflag:s6], $0x800  }
0x87: {  	s13 =	sshra.s32 s12, $0x2;
	[sflag:s6] =	ssyncset.done $0x0  }
0x88: {  	s14 =	sadd.s32 $0x2800, s13;
	[sflag:s6] =	ssyncadd.s32 $0xFFFFF800  }
0x89: {  	[spmem:s4] =	stream.indirect.scatter.add.f32 [tilespmem:s19], [sflag:$0x3], $0x10, s14, s18, $0xb8;
	[tilespmem:$0x14800] =	vst v63  }
0x8a: {  	s16 =	sadd.s32 $0x2880, s13  }
0x8b: {  	[spmem:s4] =	stream.indirect.scatter.add.f32 [tilespmem:s22], [sflag:$0x3], $0x10, s16, s18, $0xb8;
	[tilespmem:$0x14800] =	vst v63  }
0x8c: {  	s17 =	sadd.s32 $0x2900, s13  }
0x8d: {  	[spmem:s4] =	stream.indirect.scatter.add.f32 [tilespmem:s26], [sflag:$0x3], $0x10, s17, s18, $0xb8;
	[tilespmem:$0x14800] =	vst v63  }
0x8e: {  	s11 =	sadd.s32 $0x2980, s13  }
0x8f: {  	[spmem:s4] =	stream.indirect.scatter.add.f32 [tilespmem:s31], [sflag:$0x3], $0x10, s11, s18, $0xb8;
	[tilespmem:$0x14800] =	vst v63  }
0x90: {  	s15 =	sadd.s32 $0x2A00, s13  }
0x91: {  	[spmem:s4] =	stream.indirect.scatter.add.f32 [tilespmem:s20], [sflag:$0x3], $0x10, s15, s18, $0xb8;
	[tilespmem:$0x14800] =	vst v63  }
0x92: {  	s16 =	sadd.s32 $0x2A80, s13  }
0x93: {  	[spmem:s4] =	stream.indirect.scatter.add.f32 [tilespmem:s30], [sflag:$0x3], $0x10, s16, s18, $0xb8;
	[tilespmem:$0x14800] =	vst v63  }
0x94: {  	s17 =	sadd.s32 $0x2B00, s13  }
0x95: {  	[spmem:s4] =	stream.indirect.scatter.add.f32 [tilespmem:s28], [sflag:$0x3], $0x10, s17, s18, $0xb8;
	[tilespmem:$0x14800] =	vst v63  }
0x96: {  	s11 =	sadd.s32 $0x2B80, s13  }
0x97: {  	[spmem:s4] =	stream.indirect.scatter.add.f32 [tilespmem:s0], [sflag:$0x3], $0x10, s11, s18, $0xb8;
	[tilespmem:$0x14800] =	vst v63  }
0x98: {  	_ =	swait.ge [sflag:s7], $0x800  }
0x99: {  	[sflag:s7] =	ssyncset.done $0x0  }
0x9a: {  	[sflag:s7] =	ssyncadd.s32 $0xFFFFF800  }
0x9b: {  	_ =	swait.ge [sflag:s7], $0x800  }
0x9c: {  	[sflag:s7] =	ssyncset.done $0x0  }
0x9d: {  	[sflag:s7] =	ssyncadd.s32 $0xFFFFF800  }
0x9e: {  	_ =	swait.ge [sflag:s7], $0x800  }
0x9f: {  	[sflag:s7] =	ssyncset.done $0x0  }
0xa0: {  	[sflag:s7] =	ssyncadd.s32 $0xFFFFF800  }
0xa1: {  	_ =	swait.ge [sflag:s7], $0x800  }
0xa2: {  	[sflag:s7] =	ssyncset.done $0x0  }
0xa3: {  	[sflag:s7] =	ssyncadd.s32 $0xFFFFF800  }
0xa4: {  	_ =	swait.ge [sflag:s7], $0x800  }
0xa5: {  	[sflag:s7] =	ssyncset.done $0x0  }
0xa6: {  	[sflag:s7] =	ssyncadd.s32 $0xFFFFF800  }
0xa7: {  	_ =	swait.ge [sflag:s7], $0x800  }
0xa8: {  	[sflag:s7] =	ssyncset.done $0x0  }
0xa9: {  	[sflag:s7] =	ssyncadd.s32 $0xFFFFF800  }
0xaa: {  	_ =	swait.ge [sflag:s7], $0x800  }
0xab: {  	[sflag:s7] =	ssyncset.done $0x0  }
0xac: {  	p1 =	seq.s32 s12, $0x8000;
	[sflag:s7] =	ssyncadd.s32 $0xFFFFF800  }
0xad: {  	s14 =	sshra.s32 @!p1 s12, $0x2;
	_ =	swait.ge [sflag:s7], $0x800  }
0xae: {  	s15 =	sadd.s32 @!p1 $0x800, s14;
	[sflag:s7] =	ssyncset.done $0x0  }
0xaf: {  	s17 =	simm.s32 @!p1 $0x80;
	s11 =	simm.s32 @!p1 $0x5000;
	[sflag:s7] =	ssyncadd.s32 $0xFFFFF800  }
0xb0: {  	[tilespmem:s11], [sflag:$0x1] =	stream.indirect.gather @!p1 [spmem:s3], $0x10, s15, s17, $0xb8;
	[tilespmem:$0x14800] =	vst v63  }
0xb1: {  	s11 =	sadd.s32 @!p1 $0x880, s14;
	s15 =	simm.s32 @!p1 $0x5800  }
0xb2: {  	[tilespmem:s15], [sflag:$0x1] =	stream.indirect.gather @!p1 [spmem:s3], $0x10, s11, s17, $0xb8;
	[tilespmem:$0x14800] =	vst v63  }
0xb3: {  	s11 =	sadd.s32 @!p1 $0x900, s14;
	s15 =	simm.s32 @!p1 $0x6000  }
0xb4: {  	[tilespmem:s15], [sflag:$0x1] =	stream.indirect.gather @!p1 [spmem:s3], $0x10, s11, s17, $0xb8;
	[tilespmem:$0x14800] =	vst v63  }
0xb5: {  	s11 =	sadd.s32 @!p1 $0x980, s14;
	s15 =	simm.s32 @!p1 $0x6800  }
0xb6: {  	[tilespmem:s15], [sflag:$0x1] =	stream.indirect.gather @!p1 [spmem:s3], $0x10, s11, s17, $0xb8;
	[tilespmem:$0x14800] =	vst v63  }
0xb7: {  	s11 =	sadd.s32 @!p1 $0xA00, s14;
	s15 =	simm.s32 @!p1 $0x7000  }
0xb8: {  	[tilespmem:s15], [sflag:$0x1] =	stream.indirect.gather @!p1 [spmem:s3], $0x10, s11, s17, $0xb8;
	[tilespmem:$0x14800] =	vst v63  }
0xb9: {  	s11 =	sadd.s32 @!p1 $0xA80, s14;
	s15 =	simm.s32 @!p1 $0x7800  }
0xba: {  	[tilespmem:s15], [sflag:$0x1] =	stream.indirect.gather @!p1 [spmem:s3], $0x10, s11, s17, $0xb8;
	[tilespmem:$0x14800] =	vst v63  }
0xbb: {  	s11 =	sadd.s32 @!p1 $0xB00, s14;
	s15 =	simm.s32 @!p1 $0x8000  }
0xbc: {  	[tilespmem:s15], [sflag:$0x1] =	stream.indirect.gather @!p1 [spmem:s3], $0x10, s11, s17, $0xb8;
	[tilespmem:$0x14800] =	vst v63  }
0xbd: {  	s11 =	sadd.s32 @!p1 $0xB80, s14;
	s14 =	simm.s32 @!p1 $0x8800  }
0xbe: {  	[tilespmem:s14], [sflag:$0x1] =	stream.indirect.gather @!p1 [spmem:s3], $0x10, s11, s17, $0xb8;
	[tilespmem:$0x14800] =	vst v63  }
0xbf: {  	_ =	swait.ge [sflag:s8], $0x800  }
0xc0: {  	[sflag:s8] =	ssyncset.done $0x0  }
0xc1: {  	[sflag:s8] =	ssyncadd.s32 $0xFFFFF800  }
0xc2: {  	_ =	swait.ge [sflag:s8], $0x800  }
0xc3: {  	[sflag:s8] =	ssyncset.done $0x0  }
0xc4: {  	[sflag:s8] =	ssyncadd.s32 $0xFFFFF800  }
0xc5: {  	_ =	swait.ge [sflag:s8], $0x800  }
0xc6: {  	[sflag:s8] =	ssyncset.done $0x0  }
0xc7: {  	[sflag:s8] =	ssyncadd.s32 $0xFFFFF800  }
0xc8: {  	_ =	swait.ge [sflag:s8], $0x800  }
0xc9: {  	[sflag:s8] =	ssyncset.done $0x0  }
0xca: {  	[sflag:s8] =	ssyncadd.s32 $0xFFFFF800  }
0xcb: {  	_ =	swait.ge [sflag:s8], $0x800  }
0xcc: {  	[sflag:s8] =	ssyncset.done $0x0  }
0xcd: {  	[sflag:s8] =	ssyncadd.s32 $0xFFFFF800  }
0xce: {  	_ =	swait.ge [sflag:s8], $0x800  }
0xcf: {  	[sflag:s8] =	ssyncset.done $0x0  }
0xd0: {  	[sflag:s8] =	ssyncadd.s32 $0xFFFFF800  }
0xd1: {  	_ =	swait.ge [sflag:s8], $0x800  }
0xd2: {  	[sflag:s8] =	ssyncset.done $0x0  }
0xd3: {  	[sflag:s8] =	ssyncadd.s32 $0xFFFFF800  }
0xd4: {  	_ =	swait.ge [sflag:s8], $0x800  }
0xd5: {  	[sflag:s8] =	ssyncset.done $0x0  }
0xd6: {  	s14 =	sadd.s32 $0x2C00, s13;
	[sflag:s8] =	ssyncadd.s32 $0xFFFFF800  }
0xd7: {  	[spmem:s4] =	stream.indirect.scatter.add.f32 [tilespmem:s21], [sflag:$0x4], $0x10, s14, s18, $0xb8;
	[tilespmem:$0x14800] =	vst v63  }
0xd8: {  	s15 =	sadd.s32 $0x2C80, s13  }
0xd9: {  	[spmem:s4] =	stream.indirect.scatter.add.f32 [tilespmem:s24], [sflag:$0x4], $0x10, s15, s18, $0xb8;
	[tilespmem:$0x14800] =	vst v63  }
0xda: {  	s16 =	sadd.s32 $0x2D00, s13  }
0xdb: {  	[spmem:s4] =	stream.indirect.scatter.add.f32 [tilespmem:s29], [sflag:$0x4], $0x10, s16, s18, $0xb8;
	[tilespmem:$0x14800] =	vst v63  }
0xdc: {  	s17 =	sadd.s32 $0x2D80, s13  }
0xdd: {  	[spmem:s4] =	stream.indirect.scatter.add.f32 [tilespmem:s1], [sflag:$0x4], $0x10, s17, s18, $0xb8;
	[tilespmem:$0x14800] =	vst v63  }
0xde: {  	s14 =	sadd.s32 $0x2E00, s13  }
0xdf: {  	[spmem:s4] =	stream.indirect.scatter.add.f32 [tilespmem:s25], [sflag:$0x4], $0x10, s14, s18, $0xb8;
	[tilespmem:$0x14800] =	vst v63  }
0xe0: {  	s15 =	sadd.s32 $0x2E80, s13  }
0xe1: {  	[spmem:s4] =	stream.indirect.scatter.add.f32 [tilespmem:s5], [sflag:$0x4], $0x10, s15, s18, $0xb8;
	[tilespmem:$0x14800] =	vst v63  }
0xe2: {  	s16 =	sadd.s32 $0x2F00, s13  }
0xe3: {  	[spmem:s4] =	stream.indirect.scatter.add.f32 [tilespmem:s23], [sflag:$0x4], $0x10, s16, s18, $0xb8;
	[tilespmem:$0x14800] =	vst v63  }
0xe4: {  	s17 =	sadd.s32 $0x2F80, s13  }
0xe5: {  	[spmem:s4] =	stream.indirect.scatter.add.f32 [tilespmem:s2], [sflag:$0x4], $0x10, s17, s18, $0xb8;
	[tilespmem:$0x14800] =	vst v63  }
0xe6: {  	_ =	swait.ge [sflag:s9], $0x800  }
0xe7: {  	[sflag:s9] =	ssyncset.done $0x0  }
0xe8: {  	[sflag:s9] =	ssyncadd.s32 $0xFFFFF800  }
0xe9: {  	_ =	swait.ge [sflag:s9], $0x800  }
0xea: {  	[sflag:s9] =	ssyncset.done $0x0  }
0xeb: {  	[sflag:s9] =	ssyncadd.s32 $0xFFFFF800  }
0xec: {  	_ =	swait.ge [sflag:s9], $0x800  }
0xed: {  	[sflag:s9] =	ssyncset.done $0x0  }
0xee: {  	[sflag:s9] =	ssyncadd.s32 $0xFFFFF800  }
0xef: {  	_ =	swait.ge [sflag:s9], $0x800  }
0xf0: {  	[sflag:s9] =	ssyncset.done $0x0  }
0xf1: {  	[sflag:s9] =	ssyncadd.s32 $0xFFFFF800  }
0xf2: {  	_ =	swait.ge [sflag:s9], $0x800  }
0xf3: {  	[sflag:s9] =	ssyncset.done $0x0  }
0xf4: {  	[sflag:s9] =	ssyncadd.s32 $0xFFFFF800  }
0xf5: {  	_ =	swait.ge [sflag:s9], $0x800  }
0xf6: {  	[sflag:s9] =	ssyncset.done $0x0  }
0xf7: {  	[sflag:s9] =	ssyncadd.s32 $0xFFFFF800  }
0xf8: {  	_ =	swait.ge [sflag:s9], $0x800  }
.Ltmp3:
0xf9: {  	[sflag:s9] =	ssyncset.done $0x0;
	(pc) =	sbr.rel @p1 .LBB2_6-.Ltmp3, $4  }
0xfa: {  	[sflag:s9] =	ssyncadd.s32 $0xFFFFF800  }
0xfb: {  	_ =	swait.ge [sflag:s9], $0x800  }
0xfc: {  	[sflag:s9] =	ssyncset.done $0x0  }
0xfd: {  	[sflag:s9] =	ssyncadd.s32 $0xFFFFF800  }
0xfe: {  	s11 =	sadd.s32 $0xC00, s13  }
0xff: {  	[tilespmem:s21], [sflag:$0x2] =	stream.indirect.gather [spmem:s3], $0x10, s11, s18, $0xb8;
	[tilespmem:$0x14800] =	vst v63  }
0x100: {  	s15 =	sadd.s32 $0xC80, s13  }
0x101: {  	[tilespmem:s24], [sflag:$0x2] =	stream.indirect.gather [spmem:s3], $0x10, s15, s18, $0xb8;
	[tilespmem:$0x14800] =	vst v63  }
0x102: {  	s16 =	sadd.s32 $0xD00, s13  }
0x103: {  	[tilespmem:s29], [sflag:$0x2] =	stream.indirect.gather [spmem:s3], $0x10, s16, s18, $0xb8;
	[tilespmem:$0x14800] =	vst v63  }
0x104: {  	s17 =	sadd.s32 $0xD80, s13  }
0x105: {  	[tilespmem:s1], [sflag:$0x2] =	stream.indirect.gather [spmem:s3], $0x10, s17, s18, $0xb8;
	[tilespmem:$0x14800] =	vst v63  }
0x106: {  	s14 =	sadd.s32 $0xE00, s13  }
0x107: {  	[tilespmem:s25], [sflag:$0x2] =	stream.indirect.gather [spmem:s3], $0x10, s14, s18, $0xb8;
	[tilespmem:$0x14800] =	vst v63  }
0x108: {  	s15 =	sadd.s32 $0xE80, s13  }
0x109: {  	[tilespmem:s5], [sflag:$0x2] =	stream.indirect.gather [spmem:s3], $0x10, s15, s18, $0xb8;
	[tilespmem:$0x14800] =	vst v63  }
.Ltmp4:
0x10a: {  	_ = 	snop;
	(pc) =	sbr.rel .LBB2_4-.Ltmp4, $4  }
0x10b: {  	s16 =	sadd.s32 $0xF00, s13  }
0x10c: {  	[tilespmem:s23], [sflag:$0x2] =	stream.indirect.gather [spmem:s3], $0x10, s16, s18, $0xb8;
	[tilespmem:$0x14800] =	vst v63  }
0x10d: {  	s12 =	sadd.s32 $0x2000, s12;
	s17 =	sadd.s32 $0xF80, s13  }
0x10e: {  	[tilespmem:s2], [sflag:$0x2] =	stream.indirect.gather [spmem:s3], $0x10, s17, s18, $0xb8;
	[tilespmem:$0x14800] =	vst v63  }
.LBB2_7:
0x10f: {  	_ =	sfence.sel $0x180000  }
0x110: {  	[bflag:$0x0] =	sbarrier.arrive $0xFFFF  }
0x111: {  	_ =	strace $0x9000004D  }
0x112: {  	s0 =	stileid.u32;
	[bflag:$0x2] =	sbarrier.arrive $0xFFFF  }
0x113: {  	p0 =	sne.s32 s0, $0x0;
	s0 =	rddreg [dreg:$0x4]  }
0x114: {  	s0 =	sadd.s32 @!p0 $0x100000, s0  }
0x115: {  	[sflag:s0] =	ssyncadd.tile.s32 @!p0 $0x1;
	_ =	shalt  }
.Lfunc_end2:
_tile_overlayer_lowered:
.L_overlay_start_2:
0x116: {  	(tag) =	ssettag $0x2  }
0x117: {  	s0 =	rddreg [dreg:$0x0];
	s2 =	stileid.u32  }
0x118: {  	s1 =	rddreg [dreg:$0x1];
	p0 =	sne.s32 s2, $0x0  }
0x119: {  	s3 =	rddreg [dreg:$0x2];
	[bflag:$0x3] =	sbarrier.arrive $0xFFFF;
	s2 =	simm.s32 @!p0 $0x1C05  }
0x11a: {  	[timem:s3], [sflag:s2] =	dma.local @!p0 [hbm:s0], s1  }
0x11b: {  	s0 =	simm.s32 @!p0 $0x5  }
0x11c: {  	_ =	swait.ge @!p0 [sflag:s0], s1  }
0x11d: {  	s1 =	ssub.s32 @!p0 $0x0, s1;
	[sflag:s0] =	ssyncset.done @!p0 $0x0  }
0x11e: {  	[sflag:s0] =	ssyncadd.s32 @!p0 s1  }
0x11f: {  	[bflag:$0x3] =	sbarrier.arrive $0xFFFF  }
0x120: {  	_ =	shalt  }

// kernel: kernel.8.cloned.1.call-start
scs
__scs_entry_jumppad:
0x0: {  	(pc) =	sbr.rel $0x88, $3  }
0x1: {  	(tag) =	ssettag $0x0;
	lr =	simm.s32 $0x1  }
0x2: {  	[smem:$0x3F9B] =	sst lr;
	_ =	strace $0xD0000000  }
0x3: {  	_ = 	snop  }
0x4: {  	_ = 	snop  }
0x5: {  	_ = 	snop  }
0x6: {  	_ = 	snop  }
0x7: {  	_ = 	snop  }
__scs_overlays_trampoline_lowered:
0x8: {  	[smem:$0x3FAA] =	sst s0  }
0x9: {  	[smem:$0x3FAB] =	sst s1  }
0xa: {  	[smem:$0x3FAC] =	sst s2  }
0xb: {  	[smem:$0x3FAD] =	sst s3  }
0xc: {  	[smem:$0x3FAE] =	sst s4  }
0xd: {  	[smem:$0x3FAF] =	sst s5  }
0xe: {  	[smem:$0x3FB0] =	sst s6  }
0xf: {  	[smem:$0x3FB1] =	sst s7  }
0x10: {  	[smem:$0x3FB2] =	sst s8  }
0x11: {  	[smem:$0x3FB3] =	sst s9;
	s0 =	simm.s32 @!p0 $0x0  }
0x12: {  	s1 =	sld [smem:$0x3F99];
	s0 =	simm.s32 @p0 $0x1  }
0x13: {  	[smem:$0x3FB4] =	sst s0;
	s0 =	simm.s32 @!p1 $0x0  }
0x14: {  	s2 =	sld [smem:$0x3F98];
	s0 =	simm.s32 @p1 $0x1  }
0x15: {  	[smem:$0x3FB5] =	sst s0;
	s0 =	simm.s32 @!p2 $0x0  }
0x16: {  	s3 =	sld [smem:$0x3FDB];
	s0 =	simm.s32 @p2 $0x1  }
0x17: {  	s4 =	simm.s32 $0x1BF5;
	[smem:$0x3FB7] =	sst s0  }
0x18: {  	s0 =	sld [smem:$0x3F9A];
	_ =	swait.ge [sflag:s4], $0x0  }
0x19: {  	s7 =	sld [smem:$0x3F9B]  }
0x1a: {  	s8 =	sadd.s32 $0xFFFFE003, lr  }
0x1b: {  	s9 =	sadd.s32 $0xFFFFFEF7, lr;
	s5 =	simm.s32 $0xFFFFFFFF;
	p2 =	slt.u32 s8, $0xFFFFF086  }
0x1c: {  	p1 =	slt.u32 s9, $0xF7A;
	s5 =	simm.s32 @!p2 $0x0  }
0x1d: {  	s5 =	simm.s32 @p1 $0x1;
	p0 =	seq.s32 s7, s2  }
0x1e: {  	s7 =	smul.u32 @!p0 $0xF7A, s2;
	p2 =	seq.s32 @!p0 s5, $0x0  }
0x1f: {  	s9 =	smul.u32 $0xF7A, s1;
	s8 =	simm.s32 @!p0 $0x1BF5;
	p2 =	por !p2, p0  }
0x20: {  	[sflag:s8] =	ssyncset.s32 @!p0 $0xFFFFF086;
	s6 =	sadd.s32 @!p0 s3, s7;
	s7 =	simm.s32 @!p0 $0x108  }
0x21: {  	s3 =	sadd.s32 s3, s9;
	s6 =	sadd.s32 @!p0 $0x88, s6;
	s7 =	simm.s32 @p2 $0x1082  }
0x22: {  	[simem:s7], [sflag:s8] =	dma.local @!p0 [hbm:s6], $0xF7A  }
0x23: {  	s9 =	sor.u32 $0xD0000000, s2;
	s6 =	simm.s32 $0x108;
	_ =	swait.ge @!p0 [sflag:s8], $0x0  }
0x24: {  	s3 =	sadd.s32 $0x88, s3;
	s6 =	simm.s32 @!p1 $0x1082;
	[sflag:s4] =	ssyncset.s32 $0xFFFFF086  }
0x25: {  	[simem:s6], [sflag:s4] =	dma.local [hbm:s3], $0xF7A  }
0x26: {  	[smem:$0x3F9B] =	sst s1;
	(tag) =	ssettag s2;
	_ =	strace s9  }
0x27: {  	s1 =	sld [smem:$0x3FAB]  }
0x28: {  	s2 =	sld [smem:$0x3FAC]  }
0x29: {  	s4 =	sld [smem:$0x3FAE]  }
0x2a: {  	p0 =	seq.s32 s5, $0x0;
	s5 =	sld [smem:$0x3FAF]  }
0x2b: {  	s6 =	sld [smem:$0x3FB0]  }
0x2c: {  	s7 =	sld [smem:$0x3FB1]  }
0x2d: {  	s3 =	simm.s32 $0x108;
	s8 =	sld [smem:$0x3FB2]  }
0x2e: {  	s3 =	simm.s32 @!p0 $0x1082;
	s9 =	sld [smem:$0x3FB3]  }
0x2f: {  	lr =	sadd.s32 s0, s3;
	s0 =	sld [smem:$0x3FAA]  }
0x30: {  	s3 =	sld [smem:$0x3FAD]  }
0x31: {  	[smem:$0x3FB6] =	sst s10  }
0x32: {  	s10 =	sld [smem:$0x3FB4];
	_ =	sdelay $0x3  }
0x33: {  	p0 =	seq.s32 s10, $0x1;
	s10 =	sld [smem:$0x3FB6];
	_ =	sdelay $0x3  }
0x34: {  	[smem:$0x3FB6] =	sst s10  }
0x35: {  	s10 =	sld [smem:$0x3FB5];
	_ =	sdelay $0x3  }
0x36: {  	p1 =	seq.s32 s10, $0x1;
	s10 =	sld [smem:$0x3FB6];
	_ =	sdelay $0x3  }
0x37: {  	[smem:$0x3FB6] =	sst s10  }
0x38: {  	s10 =	sld [smem:$0x3FB7]  }
0x39: {  	_ = 	snop;
	(pc) =	sbr.ind lr, $3  }
0x3a: {  	_ = 	snop  }
0x3b: {  	_ = 	snop  }
0x3c: {  	p2 =	seq.s32 s10, $0x1;
	s10 =	sld [smem:$0x3FB6]  }
0x3d: {  	_ =	shalt  }
0x3e: {  	_ =	shalt  }
0x3f: {  	_ =	shalt  }
0x40: {  	_ =	shalt  }
0x41: {  	_ =	shalt  }
0x42: {  	_ =	shalt  }
0x43: {  	_ =	shalt  }
0x44: {  	_ =	shalt  }
0x45: {  	_ =	shalt  }
0x46: {  	_ =	shalt  }
0x47: {  	_ =	shalt  }
0x48: {  	_ =	shalt  }
0x49: {  	_ =	shalt  }
0x4a: {  	_ =	shalt  }
0x4b: {  	_ =	shalt  }
0x4c: {  	_ =	shalt  }
0x4d: {  	_ =	shalt  }
0x4e: {  	_ =	shalt  }
0x4f: {  	_ =	shalt  }
0x50: {  	_ =	shalt  }
0x51: {  	_ =	shalt  }
0x52: {  	_ =	shalt  }
0x53: {  	_ =	shalt  }
0x54: {  	_ =	shalt  }
0x55: {  	_ =	shalt  }
0x56: {  	_ =	shalt  }
0x57: {  	_ =	shalt  }
0x58: {  	_ =	shalt  }
0x59: {  	_ =	shalt  }
0x5a: {  	_ =	shalt  }
0x5b: {  	_ =	shalt  }
0x5c: {  	_ =	shalt  }
0x5d: {  	_ =	shalt  }
0x5e: {  	_ =	shalt  }
0x5f: {  	_ =	shalt  }
0x60: {  	_ =	shalt  }
0x61: {  	_ =	shalt  }
0x62: {  	_ =	shalt  }
0x63: {  	_ =	shalt  }
0x64: {  	_ =	shalt  }
0x65: {  	_ =	shalt  }
0x66: {  	_ =	shalt  }
0x67: {  	_ =	shalt  }
0x68: {  	_ =	shalt  }
0x69: {  	_ =	shalt  }
0x6a: {  	_ =	shalt  }
0x6b: {  	_ =	shalt  }
0x6c: {  	_ =	shalt  }
0x6d: {  	_ =	shalt  }
0x6e: {  	_ =	shalt  }
0x6f: {  	_ =	shalt  }
0x70: {  	_ =	shalt  }
0x71: {  	_ =	shalt  }
0x72: {  	_ =	shalt  }
0x73: {  	_ =	shalt  }
0x74: {  	_ =	shalt  }
0x75: {  	_ =	shalt  }
0x76: {  	_ =	shalt  }
0x77: {  	_ =	shalt  }
0x78: {  	_ =	shalt  }
0x79: {  	_ =	shalt  }
0x7a: {  	_ =	shalt  }
0x7b: {  	_ =	shalt  }
0x7c: {  	_ =	shalt  }
0x7d: {  	_ =	shalt  }
0x7e: {  	_ =	shalt  }
0x7f: {  	_ =	shalt  }
0x80: {  	_ =	shalt  }
0x81: {  	_ =	shalt  }
0x82: {  	_ =	shalt  }
0x83: {  	_ =	shalt  }
0x84: {  	_ =	shalt  }
0x85: {  	_ =	shalt  }
0x86: {  	_ =	shalt  }
0x87: {  	_ =	shalt  }
.Lfunc_end0:
.L_simem_size_0:
called_computation_lowered:
.L_overlay_start_0:
0x88: {  	s2 =	sld [smem:$0x3FD9]  }
0x89: {  	s3 =	sld [smem:$0x3FFE];
	_ =	sdelay $0x1  }
0x8a: {  	s1 =	srdreg.scid  }
0x8b: {  	s0 =	sand.u32 $0x1, s1  }
0x8c: {  	s17 =	sshll.u32 s0, $0xA;
	s2 =	sadd.s32 s3, s2  }
0x8d: {  	s2 =	sadd.s32 s2, s17  }
0x8e: {  	[smem:$0x3FC2] =	sst s2  }
0x8f: {  	_ = 	snop  }
0x90: {  	s2 =	sld [smem:$0x3FD0];
	(tm) =	ssettm $0x1  }
0x91: {  	s18 =	sld [smem:$0x3FFB];
	_ =	sdelay $0x3  }
0x92: {  	_ =	strace s18  }
0x93: {  	s3 =	sld [smem:$0x3FFC];
	_ =	sdelay $0x3  }
0x94: {  	_ =	strace s3  }
0x95: {  	s3 =	sld [smem:$0x3FFD];
	_ =	sdelay $0x3  }
0x96: {  	_ =	strace s3  }
0x97: {  	_ =	strace $0x8FFFFFFF  }
0x98: {  	s19 =	sld [smem:$0x3FDB];
	_ =	sdelay $0x1  }
0x99: {  	s4 =	simm.s32 $_scs_section_size  }
0x9a: {  	s5 =	simm.s32 $_size__tile_overlayer_lowered;
	s6 =	simm.s32 $_tile_overlayer_lowered  }
0x9b: {  	s22 =	simm.s32 $0x1BFF;
	s21 =	sshll.u32 s6, $0x1;
	s3 =	sadd.s32 s4, s19  }
0x9c: {  	s7 =	simm.s32 $0x0;
	s20 =	sshll.u32 s5, $0x1;
	s5 =	sadd.s32 s21, s3  }
0x9d: {  	[timem:s7], [sflag:s22] =	dma.local [hbm:s5], s20  }
0x9e: {  	_ =	swait.ge [sflag:s22], s20  }
0x9f: {  	s4 =	ssub.s32 $0x0, s20;
	[sflag:s22] =	ssyncset.done $0x0  }
0xa0: {  	[sflag:s22] =	ssyncadd.s32 s4;
	_ =	sdelay $0x1  }
0xa1: {  	s23 =	simm.s32 $0x1B8B  }
0xa2: {  	_ =	swait.ge [sflag:s23], $0x1  }
0xa3: {  	[sflag:s23] =	ssyncset.done $0x0  }
0xa4: {  	s25 =	simm.s32 $0x1B8E;
	s24 =	sld [smem:$0x3FFE];
	[sflag:s23] =	ssyncadd.s32 $0xFFFFFFFF  }
0xa5: {  	s26 =	simm.s32 $execute0_lowered;
	[smem:$0x3FD2] =	sst s25  }
0xa6: {  	s5 =	sshll.u32 s26, $0x1;
	_ =	strace $0x80000046;
	[dreg:$0x1] =	wrdreg $0xFFFFFFFF  }
0xa7: {  	s28 =	simm.s32 $_size_execute0_lowered;
	s3 =	sadd.s32 s3, s5;
	[dreg:$0x0] =	wrdreg $0x0  }
0xa8: {  	s5 =	sshll.u32 s28, $0x1;
	[dreg:$0x2] =	wrdreg s3  }
0xa9: {  	[dreg:$0x3] =	wrdreg s5  }
0xaa: {  	[dreg:$0x4] =	wrdreg $0xC0  }
0xab: {  	_ =	task [dreg:s7], $0x5FFFF  }
0xac: {  	[dreg:$0x1] =	wrdreg $0xFFFFFFFF  }
0xad: {  	[dreg:$0x0] =	wrdreg $0x60  }
0xae: {  	[dreg:$0x2] =	wrdreg s24  }
0xaf: {  	[dreg:$0x3] =	wrdreg s2  }
0xb0: {  	[dreg:$0x4] =	wrdreg $0x53000  }
0xb1: {  	[dreg:$0x5] =	wrdreg $0x9  }
0xb2: {  	_ =	task.clear_ibuf [dreg:s7], $0x6FFFF;
	_ =	strace $0x90000046  }
0xb3: {  	s29 =	simm.s32 $0x9;
	_ =	strace $0x80000048  }
0xb4: {  	_ =	swait.ge [sflag:s29], $0x1  }
0xb5: {  	[sflag:s29] =	ssyncadd.s32 $0xFFFFFFFF  }
0xb6: {  	_ =	strace $0x90000048  }
0xb7: {  	_ =	sfence  }
0xb8: {  	s30 =	sld [smem:$0x0];
	_ =	sdelay $0x2  }
0xb9: {  	s31 =	sshll.u32 s1, $0xD;
	s1 =	sshrl.u32 s1, $0x2  }
0xba: {  	s3 =	sand.u32 $0x4000, s31;
	s1 =	sadd.s32 s1, s30  }
0xbb: {  	s0 =	sor.u32 s3, s0;
	s1 =	sshll.u32 s1, $0x11  }
0xbc: {  	s0 =	sor.u32 s1, s0  }
0xbd: {  	s0 =	sadd.s32 $0x8F2B, s0  }
0xbe: {  	[sflag:s0] =	ssyncadd.remote.s32 $0x1  }
0xbf: {  	_ =	sfence.sel $0xFFFF  }
0xc0: {  	[dreg:$0x0] =	wrdreg $0xFFFFFFFF;
	(pc) =	sbr.abs _section_cstart, $3  }
0xc1: {  	[dreg:$0x1] =	wrdreg $0xFFFFFFFF  }
0xc2: {  	_ =	task.clear_ibuf [dreg:s7], $0x2FFFF;
	_ =	strace $0x9FFFFFFF  }
0xc3: {  	(tm) =	ssettm $0x7FFFFFFF  }
tec
execute0_lowered:
.L_overlay_start_1:
0x0: {  	(tag) =	ssettag $0x1  }
0x1: {  	s6 =	rddreg [dreg:$0x0]  }
0x2: {  	s2 =	rddreg [dreg:$0x1];
	s0 =	srdreg.scid  }
0x3: {  	s3 =	rddreg [dreg:$0x2];
	s1 =	stileid.u32;
	s4 =	simm.s32 $0x0  }
0x4: {  	s12 =	simm.s32 $0x80;
	s13 =	simm.s32 $0x2800;
	s14 =	simm.s32 $0x1  }
0x5: {  	s15 =	simm.s32 $0x2B00;
	s16 =	simm.s32 $0x0;
	s5 =	sand.u32 $0x1, s0  }
0x6: {  	s0 =	rddreg [dreg:$0x3];
	s7 =	smul.u32 $0x280, s1;
	s8 =	sshll.u32 s5, $0x4  }
0x7: {  	s9 =	smul.u32 $0x2800, s5;
	s5 =	ssub.s32 $0x2, s5;
	s10 =	sor.u32 s1, s8  }
0x8: {  	v0 =	vimm.f32 $1.000000000e+00;
	v1 =	vimm.f32 $0.0e+00;
	v2 =	vimm.s32 $0x0;
	[smem:$0x7FF] =	sst s4;
	s11 =	sshrl.u32 s5, $0x1;
	s8 =	smul.u32 $0x2800, s10  }
0x9: {  	v3 =	vimm.s32 $0x1;
	v4 =	vimm.s32 $0x2;
	v5 =	vimm.s32 $0x3;
	_ =	strace $0x80000047;
	s9 =	sadd.s32 s7, s9;
	s11 =	ssub.s32 s5, s11  }
0xa: {  	v6 =	vimm.s32 $0x4;
	v7 =	vimm.s32 $0x5;
	v8 =	vimm.s32 $0x6;
	s7 =	sadd.s32 s7, s3;
	p0 =	seq.s32 s10, $0x1F;
	s8 =	sshrl.u32 s8, $0x3  }
0xb: {  	v9 =	vimm.s32 $0x7;
	v10 =	vimm.s32 $0x8;
	v11 =	vimm.s32 $0x9;
	s10 =	simm.s32 $0x2880;
	s9 =	sshll.u32 s9, $0x1;
	s8 =	sadd.s32 s6, s8  }
0xc: {  	v12 =	vimm.s32 $0xA;
	v13 =	vimm.s32 $0xB;
	v14 =	vimm.s32 $0xC;
	s9 =	sadd.s32 s9, s6;
	s6 =	sadd.s32 $0x16540, s6;
	s5 =	sadd.s32 $0xCA40, s8  }
0xd: {  	v15 =	vimm.s32 $0xD;
	v16 =	vimm.s32 $0xE;
	v17 =	vimm.s32 $0xF;
	s8 =	sadd.s32 $0x16800, s9;
	s9 =	smax.u32 s11, $0x1;
	s11 =	simm.s32 $0x2  }
.LBB2_1:
0xe: {  	s17 =	simm.s32 @p0 $0x0;
	s18 =	simm.s32 @p0 $0x2  }
0xf: {  	[tilespmem:s17], [sflag:$0x2] =	stream.linear.gather @p0 [hbm4b:s6+s17], $0xA00, $0x38;
	[tilespmem:$0x5580] =	vst v63  }
0x10: {  	_ =	swait.ge @p0 [sflag:s18], $0xA00  }
0x11: {  	[sflag:s18] =	ssyncset.done @p0 $0x0  }
0x12: {  	s19 =	simm.s32 @p0 $0xA00;
	[sflag:s18] =	ssyncadd.s32 @p0 $0xFFFFF600  }
0x13: {  	[tilespmem:s19], [sflag:$0x2] =	stream.linear.gather @p0 [hbm4b:s2+s17], $0x1E00, $0x38;
	[tilespmem:$0x5580] =	vst v63  }
0x14: {  	_ =	swait.ge @p0 [sflag:s18], $0x1E00  }
0x15: {  	[sflag:s18] =	ssyncset.done @p0 $0x0  }
0x16: {  	s17 =	simm.s32 @!p0 $0x0;
	[sflag:s18] =	ssyncadd.s32 @p0 $0xFFFFE200  }
0x17: {  	[tilespmem:s17], [sflag:$0x2] =	stream.linear.gather @!p0 [hbm4b:s5+s17], $0x2800, $0x38;
	[tilespmem:$0x5580] =	vst v63  }
0x18: {  	s17 =	simm.s32 @!p0 $0x2  }
0x19: {  	_ =	swait.ge @!p0 [sflag:s17], $0x2800  }
0x1a: {  	[sflag:s17] =	ssyncset.done @!p0 $0x0  }
0x1b: {  	[sflag:s17] =	ssyncadd.s32 @!p0 $0xFFFFD800  }
0x1c: {  	[tilespmem:$0x2800] =	vst v0  }
0x1d: {  	[tilespmem:$0x2810] =	vst v0  }
0x1e: {  	[tilespmem:$0x2820] =	vst v0  }
0x1f: {  	[tilespmem:$0x2830] =	vst v0  }
0x20: {  	[tilespmem:$0x2840] =	vst v0  }
0x21: {  	[tilespmem:$0x2850] =	vst v0  }
0x22: {  	[tilespmem:$0x2860] =	vst v0  }
0x23: {  	[tilespmem:$0x2870] =	vst v0  }
0x24: {  	[tilespmem:$0x2880] =	vst v1  }
0x25: {  	[tilespmem:$0x2890] =	vst v1  }
0x26: {  	[tilespmem:$0x28A0] =	vst v1  }
0x27: {  	[tilespmem:$0x28B0] =	vst v1  }
0x28: {  	[tilespmem:$0x28C0] =	vst v1  }
0x29: {  	[tilespmem:$0x28D0] =	vst v1  }
0x2a: {  	[tilespmem:$0x28E0] =	vst v1  }
0x2b: {  	[tilespmem:$0x28F0] =	vst v1  }
0x2c: {  	[tilespmem:$0x2900] =	vst v1  }
0x2d: {  	[tilespmem:$0x2910] =	vst v1  }
0x2e: {  	[tilespmem:$0x2920] =	vst v1  }
0x2f: {  	[tilespmem:$0x2930] =	vst v1  }
0x30: {  	[tilespmem:$0x2940] =	vst v1  }
0x31: {  	[tilespmem:$0x2950] =	vst v1  }
0x32: {  	[tilespmem:$0x2960] =	vst v1  }
0x33: {  	[tilespmem:$0x2970] =	vst v1  }
0x34: {  	[tilespmem:$0x2980] =	vst v1  }
0x35: {  	[tilespmem:$0x2990] =	vst v1  }
0x36: {  	[tilespmem:$0x29A0] =	vst v1  }
0x37: {  	[tilespmem:$0x29B0] =	vst v1  }
0x38: {  	[tilespmem:$0x29C0] =	vst v1  }
0x39: {  	[tilespmem:$0x29D0] =	vst v1  }
0x3a: {  	[tilespmem:$0x29E0] =	vst v1  }
0x3b: {  	[tilespmem:$0x29F0] =	vst v1  }
0x3c: {  	[tilespmem:$0x2A00] =	vst v1  }
0x3d: {  	[tilespmem:$0x2A10] =	vst v1  }
0x3e: {  	[tilespmem:$0x2A20] =	vst v1  }
0x3f: {  	[tilespmem:$0x2A30] =	vst v1  }
0x40: {  	[tilespmem:$0x2A40] =	vst v1  }
0x41: {  	[tilespmem:$0x2A50] =	vst v1  }
0x42: {  	[tilespmem:$0x2A60] =	vst v1  }
0x43: {  	[tilespmem:$0x2A70] =	vst v1  }
0x44: {  	[tilespmem:$0x2A80] =	vst v1  }
0x45: {  	[tilespmem:$0x2A90] =	vst v1  }
0x46: {  	[tilespmem:$0x2AA0] =	vst v1  }
0x47: {  	[tilespmem:$0x2AB0] =	vst v1  }
0x48: {  	[tilespmem:$0x2AC0] =	vst v1  }
0x49: {  	[tilespmem:$0x2AD0] =	vst v1  }
0x4a: {  	[tilespmem:$0x2AE0] =	vst v1  }
0x4b: {  	[tilespmem:$0x2AF0] =	vst v1  }
0x4c: {  	[spmem:s7] =	stream.linear.scatter [tilespmem:s10], [sflag:$0x2], $0x280, $0x38;
	[tilespmem:$0x5580] =	vst v63  }
0x4d: {  	_ =	swait.ge [sflag:s11], $0x280  }
0x4e: {  	[sflag:s11] =	ssyncset.done $0x0  }
0x4f: {  	[sflag:s11] =	ssyncadd.s32 $0xFFFFFD80  }
0x50: {  	s23 =	simm.s32 $0x0;
	[bflag:$0x0] =	sbarrier.arrive $0xFFFF  }
0x51: {  	[spmem:s3] =	stream.indirect.scatter.add.f32 [tilespmem:s13], [sflag:$0x1], $0x1, s23, s12, $0xb8;
	[tilespmem:$0x5580] =	vst v63  }
0x52: {  	s24 =	simm.s32 $0x80  }
0x53: {  	[spmem:s3] =	stream.indirect.scatter.add.f32 [tilespmem:s13], [sflag:$0x1], $0x1, s24, s12, $0xb8;
	[tilespmem:$0x5580] =	vst v63  }
0x54: {  	s25 =	simm.s32 $0x100  }
0x55: {  	[spmem:s3] =	stream.indirect.scatter.add.f32 [tilespmem:s13], [sflag:$0x1], $0x1, s25, s12, $0xb8;
	[tilespmem:$0x5580] =	vst v63  }
0x56: {  	s26 =	simm.s32 $0x180  }
0x57: {  	[spmem:s3] =	stream.indirect.scatter.add.f32 [tilespmem:s13], [sflag:$0x1], $0x1, s26, s12, $0xb8;
	[tilespmem:$0x5580] =	vst v63  }
0x58: {  	s28 =	simm.s32 $0x200  }
0x59: {  	[spmem:s3] =	stream.indirect.scatter.add.f32 [tilespmem:s13], [sflag:$0x1], $0x1, s28, s12, $0xb8;
	[tilespmem:$0x5580] =	vst v63  }
0x5a: {  	s29 =	simm.s32 $0x280  }
0x5b: {  	[spmem:s3] =	stream.indirect.scatter.add.f32 [tilespmem:s13], [sflag:$0x1], $0x1, s29, s12, $0xb8;
	[tilespmem:$0x5580] =	vst v63  }
0x5c: {  	s30 =	simm.s32 $0x300  }
0x5d: {  	[spmem:s3] =	stream.indirect.scatter.add.f32 [tilespmem:s13], [sflag:$0x1], $0x1, s30, s12, $0xb8;
	[tilespmem:$0x5580] =	vst v63  }
0x5e: {  	s31 =	simm.s32 $0x380  }
0x5f: {  	[spmem:s3] =	stream.indirect.scatter.add.f32 [tilespmem:s13], [sflag:$0x1], $0x1, s31, s12, $0xb8;
	[tilespmem:$0x5580] =	vst v63  }
0x60: {  	_ =	swait.ge [sflag:s14], $0x80  }
0x61: {  	[sflag:s14] =	ssyncset.done $0x0  }
0x62: {  	[sflag:s14] =	ssyncadd.s32 $0xFFFFFF80  }
0x63: {  	_ =	swait.ge [sflag:s14], $0x80  }
0x64: {  	[sflag:s14] =	ssyncset.done $0x0  }
0x65: {  	[sflag:s14] =	ssyncadd.s32 $0xFFFFFF80  }
0x66: {  	_ =	swait.ge [sflag:s14], $0x80  }
0x67: {  	[sflag:s14] =	ssyncset.done $0x0  }
0x68: {  	[sflag:s14] =	ssyncadd.s32 $0xFFFFFF80  }
0x69: {  	_ =	swait.ge [sflag:s14], $0x80  }
0x6a: {  	[sflag:s14] =	ssyncset.done $0x0  }
0x6b: {  	[sflag:s14] =	ssyncadd.s32 $0xFFFFFF80  }
0x6c: {  	_ =	swait.ge [sflag:s14], $0x80  }
0x6d: {  	[sflag:s14] =	ssyncset.done $0x0  }
0x6e: {  	[sflag:s14] =	ssyncadd.s32 $0xFFFFFF80  }
0x6f: {  	_ =	swait.ge [sflag:s14], $0x80  }
0x70: {  	[sflag:s14] =	ssyncset.done $0x0  }
0x71: {  	[sflag:s14] =	ssyncadd.s32 $0xFFFFFF80  }
0x72: {  	_ =	swait.ge [sflag:s14], $0x80  }
0x73: {  	[sflag:s14] =	ssyncset.done $0x0  }
0x74: {  	[sflag:s14] =	ssyncadd.s32 $0xFFFFFF80  }
0x75: {  	_ =	swait.ge [sflag:s14], $0x80  }
0x76: {  	s19 =	simm.s32 $0x2000;
	s17 =	simm.s32 $0x1000;
	[sflag:s14] =	ssyncset.done $0x0  }
.LBB2_2:
0x77: {  	s20 =	sshra.s32 s17, $0x2  }
0x78: {  	[sflag:s14] =	ssyncadd.s32 $0xFFFFFF80;
	s17 =	smov.u32 s19;
	s18 =	sadd.s32 $0x1000, s19  }
0x79: {  	[spmem:s3] =	stream.indirect.scatter.add.f32 [tilespmem:s13], [sflag:$0x1], $0x1, s20, s12, $0xb8;
	[tilespmem:$0x5580] =	vst v63  }
0x7a: {  	p1 =	sne.s32 s19, $0x9000;
	s19 =	sadd.s32 $0x80, s20  }
0x7b: {  	[spmem:s3] =	stream.indirect.scatter.add.f32 [tilespmem:s13], [sflag:$0x1], $0x1, s19, s12, $0xb8;
	[tilespmem:$0x5580] =	vst v63  }
0x7c: {  	s19 =	sadd.s32 $0x100, s20  }
0x7d: {  	[spmem:s3] =	stream.indirect.scatter.add.f32 [tilespmem:s13], [sflag:$0x1], $0x1, s19, s12, $0xb8;
	[tilespmem:$0x5580] =	vst v63  }
0x7e: {  	s19 =	sadd.s32 $0x180, s20  }
0x7f: {  	[spmem:s3] =	stream.indirect.scatter.add.f32 [tilespmem:s13], [sflag:$0x1], $0x1, s19, s12, $0xb8;
	[tilespmem:$0x5580] =	vst v63  }
0x80: {  	s19 =	sadd.s32 $0x200, s20  }
0x81: {  	[spmem:s3] =	stream.indirect.scatter.add.f32 [tilespmem:s13], [sflag:$0x1], $0x1, s19, s12, $0xb8;
	[tilespmem:$0x5580] =	vst v63  }
0x82: {  	s19 =	sadd.s32 $0x280, s20  }
0x83: {  	[spmem:s3] =	stream.indirect.scatter.add.f32 [tilespmem:s13], [sflag:$0x1], $0x1, s19, s12, $0xb8;
	[tilespmem:$0x5580] =	vst v63  }
0x84: {  	s19 =	sadd.s32 $0x300, s20  }
0x85: {  	[spmem:s3] =	stream.indirect.scatter.add.f32 [tilespmem:s13], [sflag:$0x1], $0x1, s19, s12, $0xb8;
	[tilespmem:$0x5580] =	vst v63  }
0x86: {  	s19 =	sadd.s32 $0x380, s20  }
0x87: {  	[spmem:s3] =	stream.indirect.scatter.add.f32 [tilespmem:s13], [sflag:$0x1], $0x1, s19, s12, $0xb8;
	[tilespmem:$0x5580] =	vst v63  }
0x88: {  	_ =	swait.ge [sflag:s14], $0x80  }
0x89: {  	[sflag:s14] =	ssyncset.done $0x0  }
0x8a: {  	[sflag:s14] =	ssyncadd.s32 $0xFFFFFF80  }
0x8b: {  	_ =	swait.ge [sflag:s14], $0x80  }
0x8c: {  	[sflag:s14] =	ssyncset.done $0x0  }
0x8d: {  	[sflag:s14] =	ssyncadd.s32 $0xFFFFFF80  }
0x8e: {  	_ =	swait.ge [sflag:s14], $0x80  }
0x8f: {  	[sflag:s14] =	ssyncset.done $0x0  }
0x90: {  	[sflag:s14] =	ssyncadd.s32 $0xFFFFFF80  }
0x91: {  	_ =	swait.ge [sflag:s14], $0x80  }
0x92: {  	[sflag:s14] =	ssyncset.done $0x0  }
0x93: {  	[sflag:s14] =	ssyncadd.s32 $0xFFFFFF80  }
0x94: {  	_ =	swait.ge [sflag:s14], $0x80  }
0x95: {  	[sflag:s14] =	ssyncset.done $0x0  }
0x96: {  	[sflag:s14] =	ssyncadd.s32 $0xFFFFFF80  }
0x97: {  	_ =	swait.ge [sflag:s14], $0x80  }
0x98: {  	[sflag:s14] =	ssyncset.done $0x0  }
0x99: {  	[sflag:s14] =	ssyncadd.s32 $0xFFFFFF80  }
.Ltmp0:
0x9a: {  	_ =	swait.ge [sflag:s14], $0x80;
	(pc) =	sbr.rel @p1 .LBB2_2-.Ltmp0, $4  }
0x9b: {  	[sflag:s14] =	ssyncset.done $0x0  }
0x9c: {  	[sflag:s14] =	ssyncadd.s32 $0xFFFFFF80  }
0x9d: {  	_ =	swait.ge [sflag:s14], $0x80  }
0x9e: {  	s19 =	smov.u32 s18;
	[sflag:s14] =	ssyncset.done $0x0  }
0x9f: {  	s17 =	sshra.s32 s17, $0x2;
	[sflag:s14] =	ssyncadd.s32 $0xFFFFFF80  }
0xa0: {  	[spmem:s3] =	stream.indirect.scatter.add.f32 [tilespmem:s13], [sflag:$0x1], $0x1, s17, s12, $0xb8;
	[tilespmem:$0x5580] =	vst v63  }
0xa1: {  	s18 =	sadd.s32 $0x80, s17  }
0xa2: {  	[spmem:s3] =	stream.indirect.scatter.add.f32 [tilespmem:s13], [sflag:$0x1], $0x1, s18, s12, $0xb8;
	[tilespmem:$0x5580] =	vst v63  }
0xa3: {  	s25 =	sadd.s32 $0x100, s17  }
0xa4: {  	[spmem:s3] =	stream.indirect.scatter.add.f32 [tilespmem:s13], [sflag:$0x1], $0x1, s25, s12, $0xb8;
	[tilespmem:$0x5580] =	vst v63  }
0xa5: {  	s26 =	sadd.s32 $0x180, s17  }
0xa6: {  	[spmem:s3] =	stream.indirect.scatter.add.f32 [tilespmem:s13], [sflag:$0x1], $0x1, s26, s12, $0xb8;
	[tilespmem:$0x5580] =	vst v63  }
0xa7: {  	s28 =	sadd.s32 $0x200, s17  }
0xa8: {  	[spmem:s3] =	stream.indirect.scatter.add.f32 [tilespmem:s13], [sflag:$0x1], $0x1, s28, s12, $0xb8;
	[tilespmem:$0x5580] =	vst v63  }
0xa9: {  	s29 =	sadd.s32 $0x280, s17  }
0xaa: {  	[spmem:s3] =	stream.indirect.scatter.add.f32 [tilespmem:s13], [sflag:$0x1], $0x1, s29, s12, $0xb8;
	[tilespmem:$0x5580] =	vst v63  }
0xab: {  	s30 =	sadd.s32 $0x300, s17  }
0xac: {  	[spmem:s3] =	stream.indirect.scatter.add.f32 [tilespmem:s13], [sflag:$0x1], $0x1, s30, s12, $0xb8;
	[tilespmem:$0x5580] =	vst v63  }
0xad: {  	s17 =	sadd.s32 $0x380, s17  }
0xae: {  	[spmem:s3] =	stream.indirect.scatter.add.f32 [tilespmem:s13], [sflag:$0x1], $0x1, s17, s12, $0xb8;
	[tilespmem:$0x5580] =	vst v63  }
0xaf: {  	_ =	swait.ge [sflag:s14], $0x80  }
0xb0: {  	[sflag:s14] =	ssyncset.done $0x0  }
0xb1: {  	[sflag:s14] =	ssyncadd.s32 $0xFFFFFF80  }
0xb2: {  	_ =	swait.ge [sflag:s14], $0x80  }
0xb3: {  	[sflag:s14] =	ssyncset.done $0x0  }
0xb4: {  	[sflag:s14] =	ssyncadd.s32 $0xFFFFFF80  }
0xb5: {  	_ =	swait.ge [sflag:s14], $0x80  }
0xb6: {  	[sflag:s14] =	ssyncset.done $0x0  }
0xb7: {  	[sflag:s14] =	ssyncadd.s32 $0xFFFFFF80  }
0xb8: {  	_ =	swait.ge [sflag:s14], $0x80  }
0xb9: {  	[sflag:s14] =	ssyncset.done $0x0  }
0xba: {  	[sflag:s14] =	ssyncadd.s32 $0xFFFFFF80  }
0xbb: {  	_ =	swait.ge [sflag:s14], $0x80  }
0xbc: {  	[sflag:s14] =	ssyncset.done $0x0  }
0xbd: {  	[sflag:s14] =	ssyncadd.s32 $0xFFFFFF80  }
0xbe: {  	_ =	swait.ge [sflag:s14], $0x80  }
0xbf: {  	[sflag:s14] =	ssyncset.done $0x0  }
0xc0: {  	[sflag:s14] =	ssyncadd.s32 $0xFFFFFF80  }
0xc1: {  	_ =	swait.ge [sflag:s14], $0x80  }
0xc2: {  	[sflag:s14] =	ssyncset.done $0x0  }
0xc3: {  	[sflag:s14] =	ssyncadd.s32 $0xFFFFFF80  }
0xc4: {  	_ =	swait.ge [sflag:s14], $0x80  }
0xc5: {  	[sflag:s14] =	ssyncset.done $0x0  }
0xc6: {  	[sflag:s14] =	ssyncadd.s32 $0xFFFFFF80  }
0xc7: {  	[bflag:$0x0] =	sbarrier.arrive $0xFFFF  }
0xc8: {  	[tilespmem:s10], [sflag:$0x2] =	stream.linear.gather [spmem:s7], $0x280, $0x38;
	[tilespmem:$0x5580] =	vst v63  }
0xc9: {  	_ =	swait.ge [sflag:s11], $0x280  }
0xca: {  	[sflag:s11] =	ssyncset.done $0x0  }
0xcb: {  	s31 =	simm.s32 $0x0;
	[sflag:s11] =	ssyncadd.s32 $0xFFFFFD80  }
0xcc: {  	v18 =	vld [tilespmem:s31+$0x2880];
	_ =	sdelay $0x4  }
0xcd: {  	v19 =	vperm.xlane v18, v2  }
0xce: {  	s17 =	simm.s32 $0x2B80;
	v20 =	vperm.xlane v18, v3  }
0xcf: {  	v21 =	vperm.xlane v18, v4;
	[tilespmem:s17+$0xFFFFFF80] =	vst v19  }
0xd0: {  	v56 =	vperm.xlane v18, v6;
	[tilespmem:s17+$0xFFFFFF90] =	vst v20  }
0xd1: {  	v57 =	vperm.xlane v18, v7;
	[tilespmem:s17+$0xFFFFFFA0] =	vst v21  }
0xd2: {  	v58 =	vperm.xlane v18, v9;
	[tilespmem:s17+$0xFFFFFFC0] =	vst v56  }
0xd3: {  	v59 =	vperm.xlane v18, v10;
	[tilespmem:s17+$0xFFFFFFD0] =	vst v57  }
0xd4: {  	v60 =	vperm.xlane v18, v12;
	[tilespmem:s17+$0xFFFFFFF0] =	vst v58  }
0xd5: {  	v19 =	vperm.xlane v18, v5;
	[tilespmem:s17+$0x0] =	vst v59  }
0xd6: {  	v61 =	vperm.xlane v18, v13;
	[tilespmem:s17+$0x20] =	vst v60  }
0xd7: {  	[tilespmem:s17+$0xFFFFFFB0] =	vst v19;
	v19 =	vperm.xlane v18, v8  }
0xd8: {  	v62 =	vperm.xlane v18, v15;
	[tilespmem:s17+$0x30] =	vst v61  }
0xd9: {  	[tilespmem:s17+$0xFFFFFFE0] =	vst v19;
	v19 =	vperm.xlane v18, v11  }
0xda: {  	v63 =	vperm.xlane v18, v16;
	[tilespmem:s17+$0x50] =	vst v62  }
0xdb: {  	[tilespmem:s17+$0x10] =	vst v19;
	v19 =	vperm.xlane v18, v14  }
0xdc: {  	[tilespmem:s17+$0x60] =	vst v63;
	v18 =	vperm.xlane v18, v17  }
0xdd: {  	[tilespmem:s17+$0x40] =	vst v19  }
0xde: {  	s19 =	simm.s32 $0x10;
	s18 =	simm.s32 $0x80;
	[tilespmem:s17+$0x70] =	vst v18  }
.LBB2_4:
0xdf: {  	p1 =	sne.s32 s18, $0x9C0;
	v18 =	vld [tilespmem:s19+$0x2880];
	_ =	sdelay $0x4  }
0xe0: {  	v19 =	vperm.xlane v18, v2;
	v20 =	vperm.xlane v18, v3  }
0xe1: {  	s17 =	sadd.s32 $0x100, s17;
	v21 =	vperm.xlane v18, v4;
	v22 =	vperm.xlane v18, v5  }
0xe2: {  	v23 =	vperm.xlane v18, v7;
	[tilespmem:s17+$0xFFFFFF80] =	vst v19;
	v19 =	vperm.xlane v18, v6  }
0xe3: {  	v24 =	vperm.xlane v18, v9;
	[tilespmem:s17+$0xFFFFFF90] =	vst v20;
	v20 =	vperm.xlane v18, v8  }
0xe4: {  	v25 =	vperm.xlane v18, v11;
	[tilespmem:s17+$0xFFFFFFA0] =	vst v21;
	v21 =	vperm.xlane v18, v10  }
0xe5: {  	v26 =	vperm.xlane v18, v13;
	[tilespmem:s17+$0xFFFFFFB0] =	vst v22;
	v22 =	vperm.xlane v18, v12  }
0xe6: {  	v27 =	vperm.xlane v18, v15;
	[tilespmem:s17+$0xFFFFFFC0] =	vst v19;
	v19 =	vperm.xlane v18, v14  }
0xe7: {  	[tilespmem:s17+$0xFFFFFFD0] =	vst v23;
	v23 =	vperm.xlane v18, v16;
	v18 =	vperm.xlane v18, v17  }
0xe8: {  	[tilespmem:s17+$0xFFFFFFE0] =	vst v20  }
0xe9: {  	[tilespmem:s17+$0xFFFFFFF0] =	vst v24  }
0xea: {  	[tilespmem:s17+$0x0] =	vst v21  }
0xeb: {  	[tilespmem:s17+$0x10] =	vst v25  }
0xec: {  	[tilespmem:s17+$0x20] =	vst v22  }
.Ltmp1:
0xed: {  	[tilespmem:s17+$0x30] =	vst v26;
	(pc) =	sbr.rel @p1 .LBB2_4-.Ltmp1, $4  }
0xee: {  	[tilespmem:s17+$0x40] =	vst v19  }
0xef: {  	[tilespmem:s17+$0x50] =	vst v27  }
0xf0: {  	[tilespmem:s17+$0x60] =	vst v23  }
0xf1: {  	s19 =	sshra.s32 s18, $0x2;
	s18 =	sadd.s32 $0x40, s18;
	[tilespmem:s17+$0x70] =	vst v18  }
0xf2: {  	v18 =	vld [tilespmem:s19+$0x2880];
	_ =	sdelay $0x4  }
0xf3: {  	v19 =	vperm.xlane v18, v2  }
0xf4: {  	s17 =	sadd.s32 $0x100, s17;
	v20 =	vperm.xlane v18, v3  }
0xf5: {  	v21 =	vperm.xlane v18, v4;
	[tilespmem:s17+$0xFFFFFF80] =	vst v19  }
0xf6: {  	v56 =	vperm.xlane v18, v6;
	[tilespmem:s17+$0xFFFFFF90] =	vst v20  }
0xf7: {  	v57 =	vperm.xlane v18, v7;
	[tilespmem:s17+$0xFFFFFFA0] =	vst v21  }
0xf8: {  	v58 =	vperm.xlane v18, v9;
	[tilespmem:s17+$0xFFFFFFC0] =	vst v56  }
0xf9: {  	v59 =	vperm.xlane v18, v10;
	[tilespmem:s17+$0xFFFFFFD0] =	vst v57  }
0xfa: {  	v60 =	vperm.xlane v18, v12;
	[tilespmem:s17+$0xFFFFFFF0] =	vst v58  }
0xfb: {  	v19 =	vperm.xlane v18, v5;
	[tilespmem:s17+$0x0] =	vst v59  }
0xfc: {  	v61 =	vperm.xlane v18, v13;
	[tilespmem:s17+$0x20] =	vst v60  }
0xfd: {  	[tilespmem:s17+$0xFFFFFFB0] =	vst v19;
	v19 =	vperm.xlane v18, v8  }
0xfe: {  	v62 =	vperm.xlane v18, v15;
	[tilespmem:s17+$0x30] =	vst v61  }
0xff: {  	[tilespmem:s17+$0xFFFFFFE0] =	vst v19;
	v19 =	vperm.xlane v18, v11  }
0x100: {  	v63 =	vperm.xlane v18, v16;
	[tilespmem:s17+$0x50] =	vst v62  }
0x101: {  	[tilespmem:s17+$0x10] =	vst v19;
	v19 =	vperm.xlane v18, v14  }
0x102: {  	s16 =	sadd.s32 $0x1, s16;
	[tilespmem:s17+$0x60] =	vst v63;
	v18 =	vperm.xlane v18, v17  }
0x103: {  	p1 =	sne.s32 s16, s9;
	[tilespmem:s17+$0x40] =	vst v19  }
.Ltmp2:
0x104: {  	[tilespmem:s17+$0x70] =	vst v18;
	(pc) =	sbr.rel @p1 .LBB2_1-.Ltmp2, $4  }
0x105: {  	[hbm4b:s8+s4] =	stream.linear.scatter [tilespmem:s15], [sflag:$0x2], $0x2800, $0x38;
	[tilespmem:$0x5580] =	vst v63  }
0x106: {  	_ =	swait.ge [sflag:s11], $0x2800  }
0x107: {  	[sflag:s11] =	ssyncset.done $0x0  }
0x108: {  	[sflag:s11] =	ssyncadd.s32 $0xFFFFD800  }
0x109: {  	_ =	sfence.sel $0x180000  }
0x10a: {  	[bflag:$0x0] =	sbarrier.arrive $0xFFFF  }
0x10b: {  	p0 =	sne.s32 s1, $0x0;
	_ =	strace $0x90000047  }
0x10c: {  	s0 =	sadd.s32 @!p0 $0x100000, s0;
	[bflag:$0x2] =	sbarrier.arrive $0xFFFF  }
0x10d: {  	[sflag:s0] =	ssyncadd.tile.s32 @!p0 $0x1;
	_ =	shalt  }
.Lfunc_end2:
_tile_overlayer_lowered:
.L_overlay_start_2:
0x10e: {  	(tag) =	ssettag $0x2  }
0x10f: {  	s0 =	rddreg [dreg:$0x0];
	s2 =	stileid.u32  }
0x110: {  	s1 =	rddreg [dreg:$0x1];
	p0 =	sne.s32 s2, $0x0  }
0x111: {  	s3 =	rddreg [dreg:$0x2];
	[bflag:$0x3] =	sbarrier.arrive $0xFFFF;
	s2 =	simm.s32 @!p0 $0x1C02  }
0x112: {  	[timem:s3], [sflag:s2] =	dma.local @!p0 [hbm:s0], s1  }
0x113: {  	s0 =	simm.s32 @!p0 $0x2  }
0x114: {  	_ =	swait.ge @!p0 [sflag:s0], s1  }
0x115: {  	s1 =	ssub.s32 @!p0 $0x0, s1;
	[sflag:s0] =	ssyncset.done @!p0 $0x0  }
0x116: {  	[sflag:s0] =	ssyncadd.s32 @!p0 s1  }
0x117: {  	[bflag:$0x3] =	sbarrier.arrive $0xFFFF  }
0x118: {  	_ =	shalt  }

</sc_bundles>
